<compile_context>
chip_gen: v7x
topology: tpu7x:2x2x1
jax: 0.10.2.dev20260603
libtpu: 0.0.44.dev20260713+nightly
codegen_flags: <defaults>
</compile_context>

<pallas_src>
import functools

import jax
import jax.numpy as jnp
from jax import lax
from jax.experimental import pallas as pl
from jax.experimental.pallas import tpu as pltpu
from jax.experimental.pallas import tpu_sc as plsc

NC = 2
NS = 16
NW = NC * NS
CH = 64


def _mesh():
    return plsc.VectorSubcoreMesh(core_axis_name="c", subcore_axis_name="s")


def _sc_gather(mem, idx3, nch):
    d = mem.shape[1]
    b = NW * nch * CH

    @functools.partial(
        pl.kernel,
        mesh=_mesh(),
        out_type=jax.ShapeDtypeStruct((b, d), jnp.float32),
        scratch_types=[
            pltpu.VMEM((nch, CH), jnp.int32),
            pltpu.VMEM((CH, d), jnp.float32),
            pltpu.VMEM((CH, d), jnp.float32),
            pltpu.SemaphoreType.DMA,
            pltpu.SemaphoreType.DMA,
            pltpu.SemaphoreType.DMA,
            pltpu.SemaphoreType.DMA,
        ],
    )
    def k(mem_hbm, idx_hbm, out_hbm, idx_v, rows0, rows1, g0, g1, w0, w1):
        wid = lax.axis_index("s") * NC + lax.axis_index("c")
        base = wid * nch * CH
        pltpu.sync_copy(idx_hbm.at[wid], idx_v)
        bufs = (rows0, rows1)
        gsem = (g0, g1)
        wsem = (w0, w1)

        def wb_slice(j):
            return out_hbm.at[pl.ds(base + j * CH, CH)]

        pltpu.async_copy(mem_hbm.at[idx_v.at[0]], bufs[0], gsem[0])
        for j in range(nch):
            s = j % 2
            if j + 1 < nch:
                ns = (j + 1) % 2
                if j >= 1:
                    pltpu.make_async_copy(
                        bufs[ns], wb_slice(j - 1), wsem[ns]).wait()
                pltpu.async_copy(
                    mem_hbm.at[idx_v.at[j + 1]], bufs[ns], gsem[ns])
            pltpu.make_async_copy(
                mem_hbm.at[idx_v.at[j]], bufs[s], gsem[s]).wait()
            pltpu.async_copy(bufs[s], wb_slice(j), wsem[s])
        pltpu.make_async_copy(
            bufs[(nch - 1) % 2], wb_slice(nch - 1), wsem[(nch - 1) % 2]).wait()
        if nch >= 2:
            pltpu.make_async_copy(
                bufs[(nch - 2) % 2], wb_slice(nch - 2),
                wsem[(nch - 2) % 2]).wait()

    return k(mem, idx3)


def _sc_scatter(mem_ref, last_ref, new_mem, ts, dst3, src3, dstf, srcf, nch):
    d = new_mem.shape[1]
    ntc = dstf.shape[1]

    @functools.partial(
        pl.kernel,
        mesh=_mesh(),
        out_type=(),
        scratch_types=[
            pltpu.VMEM((nch, CH), jnp.int32),
            pltpu.VMEM((nch, CH), jnp.int32),
            pltpu.VMEM((ntc, 128), jnp.int32),
            pltpu.VMEM((ntc, 128), jnp.int32),
            pltpu.VMEM((CH, d), jnp.float32),
            pltpu.VMEM((CH, d), jnp.float32),
            pltpu.VMEM((ntc, 128), jnp.float32),
            pltpu.SemaphoreType.DMA,
            pltpu.SemaphoreType.DMA,
            pltpu.SemaphoreType.DMA,
            pltpu.SemaphoreType.DMA,
            pltpu.SemaphoreType.DMA,
        ],
    )
    def k(new_hbm, ts_hbm, dst_hbm, src_hbm, dstf_hbm, srcf_hbm,
          mem_out, last_out,
          dst_v, src_v, dstf_v, srcf_v, rows0, rows1, ts_v,
          g0, g1, s0, s1, semt):
        wid = lax.axis_index("s") * NC + lax.axis_index("c")
        pltpu.sync_copy(dst_hbm.at[wid], dst_v)
        pltpu.sync_copy(src_hbm.at[wid], src_v)
        pltpu.sync_copy(dstf_hbm.at[wid], dstf_v)
        pltpu.sync_copy(srcf_hbm.at[wid], srcf_v)

        for j in range(ntc):
            pltpu.async_copy(ts_hbm.at[srcf_v.at[j]], ts_v.at[j], semt)

        bufs = (rows0, rows1)
        gsem = (g0, g1)
        ssem = (s0, s1)
        pltpu.async_copy(new_hbm.at[src_v.at[0]], bufs[0], gsem[0])
        for j in range(nch):
            s = j % 2
            if j + 1 < nch:
                ns = (j + 1) % 2
                if j >= 1:
                    pltpu.make_async_copy(
                        bufs[ns], mem_out.at[dst_v.at[j - 1]], ssem[ns]).wait()
                pltpu.async_copy(
                    new_hbm.at[src_v.at[j + 1]], bufs[ns], gsem[ns])
            pltpu.make_async_copy(
                new_hbm.at[src_v.at[j]], bufs[s], gsem[s]).wait()
            pltpu.async_copy(bufs[s], mem_out.at[dst_v.at[j]], ssem[s])

        for j in range(ntc):
            pltpu.make_async_copy(
                ts_hbm.at[srcf_v.at[j]], ts_v.at[j], semt).wait()
        for j in range(ntc):
            pltpu.async_copy(ts_v.at[j], last_out.at[dstf_v.at[j]], semt)
        for j in range(ntc):
            pltpu.make_async_copy(
                ts_v.at[j], last_out.at[dstf_v.at[j]], semt).wait()

        pltpu.make_async_copy(
            bufs[(nch - 1) % 2], mem_out.at[dst_v.at[nch - 1]],
            ssem[(nch - 1) % 2]).wait()
        if nch >= 2:
            pltpu.make_async_copy(
                bufs[(nch - 2) % 2], mem_out.at[dst_v.at[nch - 2]],
                ssem[(nch - 2) % 2]).wait()

    k(new_mem, ts, dst3, src3, dstf, srcf, mem_ref, last_ref)


def _dense(um, ie, ft, w1, b1, w2, b2, w_ih, w_hh, b_ih, b_hh):
    b, d = um.shape
    msg = w1.shape[0]
    tb = 1024
    grid = b // tb

    bf16 = jnp.bfloat16
    w1t = w1.T.astype(bf16)
    w1a, w1b, w1c = w1t[:d], w1t[d:2 * d], w1t[2 * d:]
    w2t = w2.T.astype(bf16)
    wih = w_ih.T.astype(bf16)
    whh = w_hh.T.astype(bf16)
    b1r = b1.reshape(1, -1)
    b2r = b2.reshape(1, -1)
    bihr = b_ih.reshape(1, -1)
    bhhr = b_hh.reshape(1, -1)

    def body(um_r, ie_r, ft_r, w1a_r, w1b_r, w1c_r, w2t_r, wih_r, whh_r,
             b1_r, b2_r, bih_r, bhh_r, out_r):
        umv = um_r[:]
        f32 = jnp.float32
        bf = jnp.bfloat16
        umb = umv.astype(bf)
        x = jnp.dot(umb, w1a_r[:], preferred_element_type=f32)
        x = x + jnp.dot(ie_r[:].astype(bf), w1b_r[:], preferred_element_type=f32)
        x = x + jnp.dot(ft_r[:].astype(bf), w1c_r[:], preferred_element_type=f32)
        h1 = jnp.maximum(x + b1_r[:], 0.0)
        m = jnp.dot(h1.astype(bf), w2t_r[:], preferred_element_type=f32) + b2_r[:]
        gi = jnp.dot(m.astype(bf), wih_r[:], preferred_element_type=f32) + bih_r[:]
        gh = jnp.dot(umb, whh_r[:], preferred_element_type=f32) + bhh_r[:]
        r = jax.nn.sigmoid(gi[:, :d] + gh[:, :d])
        z = jax.nn.sigmoid(gi[:, d:2 * d] + gh[:, d:2 * d])
        n = jnp.tanh(gi[:, 2 * d:] + r * gh[:, 2 * d:])
        out_r[:] = (1.0 - z) * n + z * umv

    const = lambda shape: pl.BlockSpec(shape, lambda i: (0, 0))
    batch = lambda shape: pl.BlockSpec(shape, lambda i: (i, 0))
    return pl.pallas_call(
        body,
        grid=(grid,),
        in_specs=[
            batch((tb, d)), batch((tb, d)), batch((tb, msg)),
            const((d, msg)), const((d, msg)), const((msg, msg)),
            const((msg, msg)), const((msg, 3 * d)), const((d, 3 * d)),
            const((1, msg)), const((1, msg)),
            const((1, 3 * d)), const((1, 3 * d)),
        ],
        out_specs=batch((tb, d)),
        out_shape=jax.ShapeDtypeStruct((b, d), jnp.float32),
        compiler_params=pltpu.CompilerParams(
            dimension_semantics=("arbitrary",)),
    )(um, ie, ft, w1a, w1b, w1c, w2t, wih, whh, b1r, b2r, bihr, bhhr)


def kernel(memory, last_update, user_indices, item_embedding,
           interaction_features, timestamps,
           w1, b1, w2, b2, w_ih, w_hh, b_ih, b_hh):
    u = memory.shape[0]
    b = user_indices.shape[0]
    nch = b // (NW * CH)

    ui = user_indices.astype(jnp.int32)
    iota = jnp.arange(b, dtype=jnp.int32)
    win = jnp.zeros((u,), jnp.int32).at[ui].set(iota)
    src = win[ui]

    idx3 = ui.reshape(NW, nch, CH)
    src3 = src.reshape(NW, nch, CH)
    ntc = b // (NW * 128)
    idxf = ui.reshape(NW, ntc, 128)
    srcf = src.reshape(NW, ntc, 128)

    user_memory = _sc_gather(memory, idx3, nch)
    new_memory = _dense(user_memory, item_embedding, interaction_features,
                        w1, b1, w2, b2, w_ih, w_hh, b_ih, b_hh)

    mem_ref = jax.new_ref(memory)
    last_ref = jax.new_ref(last_update)
    _sc_scatter(mem_ref, last_ref, new_memory, timestamps,
                idx3, src3, idxf, srcf, nch)
    return new_memory, mem_ref[...], last_ref[...]

# --- scband reference (transcript-rebuilt; emitter-appended) ---
"""Pipeline reference for scband-memory-module-25881472925716 (READ-ONLY COPY).

The authoritative reference and input builder live on the scoring server;
editing this copy changes nothing except your own understanding.
"""

import jax, jax.numpy as jnp
import numpy as np

NUM_USERS = 100000
MEM_DIM = 768
MSG_DIM = 256
BATCH = 16384


def _uniform(key, shape, fan_in):
    bound = 1.0 / np.sqrt(fan_in)
    return jax.random.uniform(key, shape, minval=-bound, maxval=bound, dtype=jnp.float32)


def setup_inputs(seed: int = 0) -> dict:
    key = jax.random.key(seed)
    ks = jax.random.split(key, 14)
    user_indices = jax.random.randint(ks[0], (BATCH,), 0, NUM_USERS, dtype=jnp.int64 if jax.config.jax_enable_x64 else jnp.int32)
    item_embedding = jax.random.normal(ks[1], (BATCH, MEM_DIM), dtype=jnp.float32)
    interaction_features = jax.random.normal(ks[2], (BATCH, MSG_DIM), dtype=jnp.float32)
    timestamps = jax.random.uniform(ks[3], (BATCH,), dtype=jnp.float32) * 1000.0
    # warmed-up memory buffer (torch inits to zeros; small randn makes math nontrivial)
    memory = jax.random.normal(ks[4], (NUM_USERS, MEM_DIM), dtype=jnp.float32) * 0.02
    last_update = jnp.zeros((NUM_USERS,), dtype=jnp.float32)
    in1 = 2 * MEM_DIM + MSG_DIM
    w1 = _uniform(ks[5], (MSG_DIM, in1), in1)
    b1 = _uniform(ks[6], (MSG_DIM,), in1)
    w2 = _uniform(ks[7], (MSG_DIM, MSG_DIM), MSG_DIM)
    b2 = _uniform(ks[8], (MSG_DIM,), MSG_DIM)
    w_ih = _uniform(ks[9], (3 * MEM_DIM, MSG_DIM), MEM_DIM)
    w_hh = _uniform(ks[10], (3 * MEM_DIM, MEM_DIM), MEM_DIM)
    b_ih = _uniform(ks[11], (3 * MEM_DIM,), MEM_DIM)
    b_hh = _uniform(ks[12], (3 * MEM_DIM,), MEM_DIM)
    return {
        'memory': memory, 'last_update': last_update,
        'user_indices': user_indices, 'item_embedding': item_embedding,
        'interaction_features': interaction_features, 'timestamps': timestamps,
        'w1': w1, 'b1': b1, 'w2': w2, 'b2': b2,
        'w_ih': w_ih, 'w_hh': w_hh, 'b_ih': b_ih, 'b_hh': b_hh,
    }


def _gru_cell(x, h, w_ih, w_hh, b_ih, b_hh):
    gi = x @ w_ih.T + b_ih
    gh = h @ w_hh.T + b_hh
    i_r, i_z, i_n = jnp.split(gi, 3, axis=-1)
    h_r, h_z, h_n = jnp.split(gh, 3, axis=-1)
    r = jax.nn.sigmoid(i_r + h_r)
    z = jax.nn.sigmoid(i_z + h_z)
    n = jnp.tanh(i_n + r * h_n)
    return (1.0 - z) * n + z * h


def reference(memory, last_update, user_indices, item_embedding, interaction_features, timestamps,
              w1, b1, w2, b2, w_ih, w_hh, b_ih, b_hh):
    # get_memory: gather user state vectors
    user_memory = jnp.take(memory, user_indices, axis=0)
    # compute_message
    combined = jnp.concatenate([user_memory, item_embedding, interaction_features], axis=-1)
    h1 = jax.nn.relu(combined @ w1.T + b1)
    messages = h1 @ w2.T + b2
    # update_memory: GRUCell then scatter-overwrite into the memory table
    new_memory = _gru_cell(messages, user_memory, w_ih, w_hh, b_ih, b_hh)
    updated_memory = memory.at[user_indices].set(jax.lax.stop_gradient(new_memory))
    updated_last = last_update.at[user_indices].set(jax.lax.stop_gradient(timestamps))
    return new_memory, updated_memory, updated_last


if False:  # reference __main__ guard neutralized (emitter)
    inp = setup_inputs()
    out = reference(**inp)
    print([o.shape for o in out])

if __name__ == "__main__":
    import jax
    _d = setup_inputs()
    print(jax.jit(kernel)(*tuple(_d.values())))

</pallas_src>

<mosaic_0001>
#map = affine_map<(d0, d1) -> (0, 0)>
#map1 = affine_map<(d0, d1) -> (0, 0, 0)>
module attributes {stable_mosaic.version = 14 : i64} {
  func.func @k(%arg0: i32, %arg1: i32, %arg2: memref<100000x768xf32, #tpu.memory_space<hbm>>, %arg3: memref<32x8x64xi32, #tpu.memory_space<hbm>>, %arg4: memref<16384x768xf32, #tpu.memory_space<hbm>>, %arg5: memref<8x64xi32, #tpu.memory_space<vmem>>, %arg6: memref<64x768xf32, #tpu.memory_space<vmem>>, %arg7: memref<64x768xf32, #tpu.memory_space<vmem>>, %arg8: memref<!tpu.dma_semaphore, #tpu.memory_space<semaphore_mem>>, %arg9: memref<!tpu.dma_semaphore, #tpu.memory_space<semaphore_mem>>, %arg10: memref<!tpu.dma_semaphore, #tpu.memory_space<semaphore_mem>>, %arg11: memref<!tpu.dma_semaphore, #tpu.memory_space<semaphore_mem>>) attributes {dimension_semantics = [#tpu.dimension_semantics<core_parallel>, #tpu.dimension_semantics<subcore_parallel>], iteration_bounds = array<i64: 2, 16>, scalar_prefetch = 0 : i64, scratch_operands = 7 : i64, tpu.core_type = #tpu.core_type<sc_vector_subcore>, window_params = [{transform_indices = #map}, {transform_indices = #map1}, {transform_indices = #map}]} {
    %mul3A = arith.constant 2 : i32
    %mul3A_0 = arith.muli %arg1, %mul3A : i32
    %add3A = arith.addi %mul3A_0, %arg0 : i32
    %mul3A_1 = arith.constant 8 : i32
    %mul3A_2 = arith.muli %add3A, %mul3A_1 : i32
    %mul3A_3 = arith.constant 64 : i32
    %mul3A_4 = arith.muli %mul3A_2, %mul3A_3 : i32
    "tpu.region"() ({
      %run_scoped3A = tpu.sem_alloc : memref<!tpu.dma_semaphore, #tpu.memory_space<semaphore_mem>>
      %dma_start3A_211 = arith.constant 0 : i32
      %dma_start3A_212 = arith.constant 0 : i32
      %dma_start3A_213 = tpu.memref_slice %arg3[%add3A, %dma_start3A_211, %dma_start3A_212] : memref<32x8x64xi32, #tpu.memory_space<hbm>> -> memref<1x8x64xi32, #tpu.memory_space<hbm>>
      %dma_start3A_214 = tpu.memref_squeeze %dma_start3A_213 : memref<1x8x64xi32, #tpu.memory_space<hbm>> -> memref<8x64xi32, #tpu.memory_space<hbm>>
      %dma_start3A_215 = arith.constant 0 : i32
      %dma_start3A_216 = arith.constant 0 : i32
      %dma_start3A_217 = tpu.memref_slice %arg3[%add3A, %dma_start3A_215, %dma_start3A_216] : memref<32x8x64xi32, #tpu.memory_space<hbm>> -> memref<1x8x64xi32, #tpu.memory_space<hbm>>
      %dma_start3A_218 = tpu.memref_squeeze %dma_start3A_217 : memref<1x8x64xi32, #tpu.memory_space<hbm>> -> memref<8x64xi32, #tpu.memory_space<hbm>>
      tpu.enqueue_dma source(%dma_start3A_218 : memref<8x64xi32, #tpu.memory_space<hbm>>) target(%arg5 : memref<8x64xi32, #tpu.memory_space<vmem>>) target_semaphore(%run_scoped3A : memref<!tpu.dma_semaphore, #tpu.memory_space<semaphore_mem>>)
      %dma_wait3A_219 = arith.constant 0 : i32
      %dma_wait3A_220 = arith.constant 0 : i32
      %dma_wait3A_221 = tpu.memref_slice %arg3[%add3A, %dma_wait3A_219, %dma_wait3A_220] : memref<32x8x64xi32, #tpu.memory_space<hbm>> -> memref<1x8x64xi32, #tpu.memory_space<hbm>>
      %dma_wait3A_222 = tpu.memref_squeeze %dma_wait3A_221 : memref<1x8x64xi32, #tpu.memory_space<hbm>> -> memref<8x64xi32, #tpu.memory_space<hbm>>
      %dma_wait3A_223 = arith.constant 0 : i32
      %dma_wait3A_224 = arith.constant 0 : i32
      %dma_wait3A_225 = tpu.memref_slice %arg3[%add3A, %dma_wait3A_223, %dma_wait3A_224] : memref<32x8x64xi32, #tpu.memory_space<hbm>> -> memref<1x8x64xi32, #tpu.memory_space<hbm>>
      %dma_wait3A_226 = tpu.memref_squeeze %dma_wait3A_225 : memref<1x8x64xi32, #tpu.memory_space<hbm>> -> memref<8x64xi32, #tpu.memory_space<hbm>>
      tpu.wait_dma2 semaphore(%run_scoped3A : memref<!tpu.dma_semaphore, #tpu.memory_space<semaphore_mem>>) src(%dma_wait3A_226 : memref<8x64xi32, #tpu.memory_space<hbm>>) dst(%arg5 : memref<8x64xi32, #tpu.memory_space<vmem>>)
      tpu.yield
    }) : () -> ()
    %dma_start3A = arith.constant 0 : i32
    %dma_start3A_5 = arith.constant 0 : i32
    %dma_start3A_6 = tpu.memref_slice %arg5[%dma_start3A, %dma_start3A_5] : memref<8x64xi32, #tpu.memory_space<vmem>> -> memref<1x64xi32, #tpu.memory_space<vmem>>
    %dma_start3A_7 = tpu.memref_squeeze %dma_start3A_6 : memref<1x64xi32, #tpu.memory_space<vmem>> -> memref<64xi32, #tpu.memory_space<vmem>>
    %dma_start3A_8 = arith.constant 0 : i32
    %dma_start3A_9 = arith.constant 0 : i32
    %dma_start3A_10 = tpu.memref_slice %arg2[%dma_start3A_8, %dma_start3A_9] : memref<100000x768xf32, #tpu.memory_space<hbm>> -> memref<100000x768xf32, #tpu.memory_space<hbm>>
    tpu.enqueue_indirect_dma source(%dma_start3A_10 : memref<100000x768xf32, #tpu.memory_space<hbm>>) target(%arg6 : memref<64x768xf32, #tpu.memory_space<vmem>>) offsets(%dma_start3A_7 : memref<64xi32, #tpu.memory_space<vmem>>) semaphore(%arg8 : memref<!tpu.dma_semaphore, #tpu.memory_space<semaphore_mem>>)
    %dma_start3A_11 = arith.constant 1 : i32
    %dma_start3A_12 = arith.constant 0 : i32
    %dma_start3A_13 = tpu.memref_slice %arg5[%dma_start3A_11, %dma_start3A_12] : memref<8x64xi32, #tpu.memory_space<vmem>> -> memref<1x64xi32, #tpu.memory_space<vmem>>
    %dma_start3A_14 = tpu.memref_squeeze %dma_start3A_13 : memref<1x64xi32, #tpu.memory_space<vmem>> -> memref<64xi32, #tpu.memory_space<vmem>>
    %dma_start3A_15 = arith.constant 0 : i32
    %dma_start3A_16 = arith.constant 0 : i32
    %dma_start3A_17 = tpu.memref_slice %arg2[%dma_start3A_15, %dma_start3A_16] : memref<100000x768xf32, #tpu.memory_space<hbm>> -> memref<100000x768xf32, #tpu.memory_space<hbm>>
    tpu.enqueue_indirect_dma source(%dma_start3A_17 : memref<100000x768xf32, #tpu.memory_space<hbm>>) target(%arg7 : memref<64x768xf32, #tpu.memory_space<vmem>>) offsets(%dma_start3A_14 : memref<64xi32, #tpu.memory_space<vmem>>) semaphore(%arg9 : memref<!tpu.dma_semaphore, #tpu.memory_space<semaphore_mem>>)
    %dma_wait3A = arith.constant 0 : i32
    %dma_wait3A_18 = arith.constant 0 : i32
    %dma_wait3A_19 = tpu.memref_slice %arg5[%dma_wait3A, %dma_wait3A_18] : memref<8x64xi32, #tpu.memory_space<vmem>> -> memref<1x64xi32, #tpu.memory_space<vmem>>
    %dma_wait3A_20 = tpu.memref_squeeze %dma_wait3A_19 : memref<1x64xi32, #tpu.memory_space<vmem>> -> memref<64xi32, #tpu.memory_space<vmem>>
    %dma_wait3A_21 = arith.constant 0 : i32
    %dma_wait3A_22 = arith.constant 0 : i32
    %dma_wait3A_23 = tpu.memref_slice %arg2[%dma_wait3A_21, %dma_wait3A_22] : memref<100000x768xf32, #tpu.memory_space<hbm>> -> memref<100000x768xf32, #tpu.memory_space<hbm>>
    tpu.wait_indirect_dma semaphore(%arg8 : memref<!tpu.dma_semaphore, #tpu.memory_space<semaphore_mem>>) src(%dma_wait3A_23 : memref<100000x768xf32, #tpu.memory_space<hbm>>) dst(%arg6 : memref<64x768xf32, #tpu.memory_space<vmem>>)
    %add3A_24 = arith.constant 0 : i32
    %add3A_25 = arith.addi %mul3A_4, %add3A_24 : i32
    %dma_start3A_26 = arith.constant 0 : i32
    %dma_start3A_27 = tpu.memref_slice %arg4[%add3A_25, %dma_start3A_26] : memref<16384x768xf32, #tpu.memory_space<hbm>> -> memref<64x768xf32, #tpu.memory_space<hbm>>
    %dma_start3A_28 = arith.constant 0 : i32
    %dma_start3A_29 = tpu.memref_slice %arg4[%add3A_25, %dma_start3A_28] : memref<16384x768xf32, #tpu.memory_space<hbm>> -> memref<64x768xf32, #tpu.memory_space<hbm>>
    tpu.enqueue_dma source(%arg6 : memref<64x768xf32, #tpu.memory_space<vmem>>) target(%dma_start3A_29 : memref<64x768xf32, #tpu.memory_space<hbm>>) target_semaphore(%arg10 : memref<!tpu.dma_semaphore, #tpu.memory_space<semaphore_mem>>)
    %add3A_30 = arith.constant 0 : i32
    %add3A_31 = arith.addi %mul3A_4, %add3A_30 : i32
    %dma_wait3A_32 = arith.constant 0 : i32
    %dma_wait3A_33 = tpu.memref_slice %arg4[%add3A_31, %dma_wait3A_32] : memref<16384x768xf32, #tpu.memory_space<hbm>> -> memref<64x768xf32, #tpu.memory_space<hbm>>
    %dma_wait3A_34 = arith.constant 0 : i32
    %dma_wait3A_35 = tpu.memref_slice %arg4[%add3A_31, %dma_wait3A_34] : memref<16384x768xf32, #tpu.memory_space<hbm>> -> memref<64x768xf32, #tpu.memory_space<hbm>>
    tpu.wait_dma2 semaphore(%arg10 : memref<!tpu.dma_semaphore, #tpu.memory_space<semaphore_mem>>) src(%arg6 : memref<64x768xf32, #tpu.memory_space<vmem>>) dst(%dma_wait3A_35 : memref<64x768xf32, #tpu.memory_space<hbm>>)
    %dma_start3A_36 = arith.constant 2 : i32
    %dma_start3A_37 = arith.constant 0 : i32
    %dma_start3A_38 = tpu.memref_slice %arg5[%dma_start3A_36, %dma_start3A_37] : memref<8x64xi32, #tpu.memory_space<vmem>> -> memref<1x64xi32, #tpu.memory_space<vmem>>
    %dma_start3A_39 = tpu.memref_squeeze %dma_start3A_38 : memref<1x64xi32, #tpu.memory_space<vmem>> -> memref<64xi32, #tpu.memory_space<vmem>>
    %dma_start3A_40 = arith.constant 0 : i32
    %dma_start3A_41 = arith.constant 0 : i32
    %dma_start3A_42 = tpu.memref_slice %arg2[%dma_start3A_40, %dma_start3A_41] : memref<100000x768xf32, #tpu.memory_space<hbm>> -> memref<100000x768xf32, #tpu.memory_space<hbm>>
    tpu.enqueue_indirect_dma source(%dma_start3A_42 : memref<100000x768xf32, #tpu.memory_space<hbm>>) target(%arg6 : memref<64x768xf32, #tpu.memory_space<vmem>>) offsets(%dma_start3A_39 : memref<64xi32, #tpu.memory_space<vmem>>) semaphore(%arg8 : memref<!tpu.dma_semaphore, #tpu.memory_space<semaphore_mem>>)
    %dma_wait3A_43 = arith.constant 1 : i32
    %dma_wait3A_44 = arith.constant 0 : i32
    %dma_wait3A_45 = tpu.memref_slice %arg5[%dma_wait3A_43, %dma_wait3A_44] : memref<8x64xi32, #tpu.memory_space<vmem>> -> memref<1x64xi32, #tpu.memory_space<vmem>>
    %dma_wait3A_46 = tpu.memref_squeeze %dma_wait3A_45 : memref<1x64xi32, #tpu.memory_space<vmem>> -> memref<64xi32, #tpu.memory_space<vmem>>
    %dma_wait3A_47 = arith.constant 0 : i32
    %dma_wait3A_48 = arith.constant 0 : i32
    %dma_wait3A_49 = tpu.memref_slice %arg2[%dma_wait3A_47, %dma_wait3A_48] : memref<100000x768xf32, #tpu.memory_space<hbm>> -> memref<100000x768xf32, #tpu.memory_space<hbm>>
    tpu.wait_indirect_dma semaphore(%arg9 : memref<!tpu.dma_semaphore, #tpu.memory_space<semaphore_mem>>) src(%dma_wait3A_49 : memref<100000x768xf32, #tpu.memory_space<hbm>>) dst(%arg7 : memref<64x768xf32, #tpu.memory_space<vmem>>)
    %add3A_50 = arith.constant 64 : i32
    %add3A_51 = arith.addi %mul3A_4, %add3A_50 : i32
    %dma_start3A_52 = arith.constant 0 : i32
    %dma_start3A_53 = tpu.memref_slice %arg4[%add3A_51, %dma_start3A_52] : memref<16384x768xf32, #tpu.memory_space<hbm>> -> memref<64x768xf32, #tpu.memory_space<hbm>>
    %dma_start3A_54 = arith.constant 0 : i32
    %dma_start3A_55 = tpu.memref_slice %arg4[%add3A_51, %dma_start3A_54] : memref<16384x768xf32, #tpu.memory_space<hbm>> -> memref<64x768xf32, #tpu.memory_space<hbm>>
    tpu.enqueue_dma source(%arg7 : memref<64x768xf32, #tpu.memory_space<vmem>>) target(%dma_start3A_55 : memref<64x768xf32, #tpu.memory_space<hbm>>) target_semaphore(%arg11 : memref<!tpu.dma_semaphore, #tpu.memory_space<semaphore_mem>>)
    %add3A_56 = arith.constant 64 : i32
    %add3A_57 = arith.addi %mul3A_4, %add3A_56 : i32
    %dma_wait3A_58 = arith.constant 0 : i32
    %dma_wait3A_59 = tpu.memref_slice %arg4[%add3A_57, %dma_wait3A_58] : memref<16384x768xf32, #tpu.memory_space<hbm>> -> memref<64x768xf32, #tpu.memory_space<hbm>>
    %dma_wait3A_60 = arith.constant 0 : i32
    %dma_wait3A_61 = tpu.memref_slice %arg4[%add3A_57, %dma_wait3A_60] : memref<16384x768xf32, #tpu.memory_space<hbm>> -> memref<64x768xf32, #tpu.memory_space<hbm>>
    tpu.wait_dma2 semaphore(%arg11 : memref<!tpu.dma_semaphore, #tpu.memory_space<semaphore_mem>>) src(%arg7 : memref<64x768xf32, #tpu.memory_space<vmem>>) dst(%dma_wait3A_61 : memref<64x768xf32, #tpu.memory_space<hbm>>)
    %dma_start3A_62 = arith.constant 3 : i32
    %dma_start3A_63 = arith.constant 0 : i32
    %dma_start3A_64 = tpu.memref_slice %arg5[%dma_start3A_62, %dma_start3A_63] : memref<8x64xi32, #tpu.memory_space<vmem>> -> memref<1x64xi32, #tpu.memory_space<vmem>>
    %dma_start3A_65 = tpu.memref_squeeze %dma_start3A_64 : memref<1x64xi32, #tpu.memory_space<vmem>> -> memref<64xi32, #tpu.memory_space<vmem>>
    %dma_start3A_66 = arith.constant 0 : i32
    %dma_start3A_67 = arith.constant 0 : i32
    %dma_start3A_68 = tpu.memref_slice %arg2[%dma_start3A_66, %dma_start3A_67] : memref<100000x768xf32, #tpu.memory_space<hbm>> -> memref<100000x768xf32, #tpu.memory_space<hbm>>
    tpu.enqueue_indirect_dma source(%dma_start3A_68 : memref<100000x768xf32, #tpu.memory_space<hbm>>) target(%arg7 : memref<64x768xf32, #tpu.memory_space<vmem>>) offsets(%dma_start3A_65 : memref<64xi32, #tpu.memory_space<vmem>>) semaphore(%arg9 : memref<!tpu.dma_semaphore, #tpu.memory_space<semaphore_mem>>)
    %dma_wait3A_69 = arith.constant 2 : i32
    %dma_wait3A_70 = arith.constant 0 : i32
    %dma_wait3A_71 = tpu.memref_slice %arg5[%dma_wait3A_69, %dma_wait3A_70] : memref<8x64xi32, #tpu.memory_space<vmem>> -> memref<1x64xi32, #tpu.memory_space<vmem>>
    %dma_wait3A_72 = tpu.memref_squeeze %dma_wait3A_71 : memref<1x64xi32, #tpu.memory_space<vmem>> -> memref<64xi32, #tpu.memory_space<vmem>>
    %dma_wait3A_73 = arith.constant 0 : i32
    %dma_wait3A_74 = arith.constant 0 : i32
    %dma_wait3A_75 = tpu.memref_slice %arg2[%dma_wait3A_73, %dma_wait3A_74] : memref<100000x768xf32, #tpu.memory_space<hbm>> -> memref<100000x768xf32, #tpu.memory_space<hbm>>
    tpu.wait_indirect_dma semaphore(%arg8 : memref<!tpu.dma_semaphore, #tpu.memory_space<semaphore_mem>>) src(%dma_wait3A_75 : memref<100000x768xf32, #tpu.memory_space<hbm>>) dst(%arg6 : memref<64x768xf32, #tpu.memory_space<vmem>>)
    %add3A_76 = arith.constant 128 : i32
    %add3A_77 = arith.addi %mul3A_4, %add3A_76 : i32
    %dma_start3A_78 = arith.constant 0 : i32
    %dma_start3A_79 = tpu.memref_slice %arg4[%add3A_77, %dma_start3A_78] : memref<16384x768xf32, #tpu.memory_space<hbm>> -> memref<64x768xf32, #tpu.memory_space<hbm>>
    %dma_start3A_80 = arith.constant 0 : i32
    %dma_start3A_81 = tpu.memref_slice %arg4[%add3A_77, %dma_start3A_80] : memref<16384x768xf32, #tpu.memory_space<hbm>> -> memref<64x768xf32, #tpu.memory_space<hbm>>
    tpu.enqueue_dma source(%arg6 : memref<64x768xf32, #tpu.memory_space<vmem>>) target(%dma_start3A_81 : memref<64x768xf32, #tpu.memory_space<hbm>>) target_semaphore(%arg10 : memref<!tpu.dma_semaphore, #tpu.memory_space<semaphore_mem>>)
    %add3A_82 = arith.constant 128 : i32
    %add3A_83 = arith.addi %mul3A_4, %add3A_82 : i32
    %dma_wait3A_84 = arith.constant 0 : i32
    %dma_wait3A_85 = tpu.memref_slice %arg4[%add3A_83, %dma_wait3A_84] : memref<16384x768xf32, #tpu.memory_space<hbm>> -> memref<64x768xf32, #tpu.memory_space<hbm>>
    %dma_wait3A_86 = arith.constant 0 : i32
    %dma_wait3A_87 = tpu.memref_slice %arg4[%add3A_83, %dma_wait3A_86] : memref<16384x768xf32, #tpu.memory_space<hbm>> -> memref<64x768xf32, #tpu.memory_space<hbm>>
    tpu.wait_dma2 semaphore(%arg10 : memref<!tpu.dma_semaphore, #tpu.memory_space<semaphore_mem>>) src(%arg6 : memref<64x768xf32, #tpu.memory_space<vmem>>) dst(%dma_wait3A_87 : memref<64x768xf32, #tpu.memory_space<hbm>>)
    %dma_start3A_88 = arith.constant 4 : i32
    %dma_start3A_89 = arith.constant 0 : i32
    %dma_start3A_90 = tpu.memref_slice %arg5[%dma_start3A_88, %dma_start3A_89] : memref<8x64xi32, #tpu.memory_space<vmem>> -> memref<1x64xi32, #tpu.memory_space<vmem>>
    %dma_start3A_91 = tpu.memref_squeeze %dma_start3A_90 : memref<1x64xi32, #tpu.memory_space<vmem>> -> memref<64xi32, #tpu.memory_space<vmem>>
    %dma_start3A_92 = arith.constant 0 : i32
    %dma_start3A_93 = arith.constant 0 : i32
    %dma_start3A_94 = tpu.memref_slice %arg2[%dma_start3A_92, %dma_start3A_93] : memref<100000x768xf32, #tpu.memory_space<hbm>> -> memref<100000x768xf32, #tpu.memory_space<hbm>>
    tpu.enqueue_indirect_dma source(%dma_start3A_94 : memref<100000x768xf32, #tpu.memory_space<hbm>>) target(%arg6 : memref<64x768xf32, #tpu.memory_space<vmem>>) offsets(%dma_start3A_91 : memref<64xi32, #tpu.memory_space<vmem>>) semaphore(%arg8 : memref<!tpu.dma_semaphore, #tpu.memory_space<semaphore_mem>>)
    %dma_wait3A_95 = arith.constant 3 : i32
    %dma_wait3A_96 = arith.constant 0 : i32
    %dma_wait3A_97 = tpu.memref_slice %arg5[%dma_wait3A_95, %dma_wait3A_96] : memref<8x64xi32, #tpu.memory_space<vmem>> -> memref<1x64xi32, #tpu.memory_space<vmem>>
    %dma_wait3A_98 = tpu.memref_squeeze %dma_wait3A_97 : memref<1x64xi32, #tpu.memory_space<vmem>> -> memref<64xi32, #tpu.memory_space<vmem>>
    %dma_wait3A_99 = arith.constant 0 : i32
    %dma_wait3A_100 = arith.constant 0 : i32
    %dma_wait3A_101 = tpu.memref_slice %arg2[%dma_wait3A_99, %dma_wait3A_100] : memref<100000x768xf32, #tpu.memory_space<hbm>> -> memref<100000x768xf32, #tpu.memory_space<hbm>>
    tpu.wait_indirect_dma semaphore(%arg9 : memref<!tpu.dma_semaphore, #tpu.memory_space<semaphore_mem>>) src(%dma_wait3A_101 : memref<100000x768xf32, #tpu.memory_space<hbm>>) dst(%arg7 : memref<64x768xf32, #tpu.memory_space<vmem>>)
    %add3A_102 = arith.constant 192 : i32
    %add3A_103 = arith.addi %mul3A_4, %add3A_102 : i32
    %dma_start3A_104 = arith.constant 0 : i32
    %dma_start3A_105 = tpu.memref_slice %arg4[%add3A_103, %dma_start3A_104] : memref<16384x768xf32, #tpu.memory_space<hbm>> -> memref<64x768xf32, #tpu.memory_space<hbm>>
    %dma_start3A_106 = arith.constant 0 : i32
    %dma_start3A_107 = tpu.memref_slice %arg4[%add3A_103, %dma_start3A_106] : memref<16384x768xf32, #tpu.memory_space<hbm>> -> memref<64x768xf32, #tpu.memory_space<hbm>>
    tpu.enqueue_dma source(%arg7 : memref<64x768xf32, #tpu.memory_space<vmem>>) target(%dma_start3A_107 : memref<64x768xf32, #tpu.memory_space<hbm>>) target_semaphore(%arg11 : memref<!tpu.dma_semaphore, #tpu.memory_space<semaphore_mem>>)
    %add3A_108 = arith.constant 192 : i32
    %add3A_109 = arith.addi %mul3A_4, %add3A_108 : i32
    %dma_wait3A_110 = arith.constant 0 : i32
    %dma_wait3A_111 = tpu.memref_slice %arg4[%add3A_109, %dma_wait3A_110] : memref<16384x768xf32, #tpu.memory_space<hbm>> -> memref<64x768xf32, #tpu.memory_space<hbm>>
    %dma_wait3A_112 = arith.constant 0 : i32
    %dma_wait3A_113 = tpu.memref_slice %arg4[%add3A_109, %dma_wait3A_112] : memref<16384x768xf32, #tpu.memory_space<hbm>> -> memref<64x768xf32, #tpu.memory_space<hbm>>
    tpu.wait_dma2 semaphore(%arg11 : memref<!tpu.dma_semaphore, #tpu.memory_space<semaphore_mem>>) src(%arg7 : memref<64x768xf32, #tpu.memory_space<vmem>>) dst(%dma_wait3A_113 : memref<64x768xf32, #tpu.memory_space<hbm>>)
    %dma_start3A_114 = arith.constant 5 : i32
    %dma_start3A_115 = arith.constant 0 : i32
    %dma_start3A_116 = tpu.memref_slice %arg5[%dma_start3A_114, %dma_start3A_115] : memref<8x64xi32, #tpu.memory_space<vmem>> -> memref<1x64xi32, #tpu.memory_space<vmem>>
    %dma_start3A_117 = tpu.memref_squeeze %dma_start3A_116 : memref<1x64xi32, #tpu.memory_space<vmem>> -> memref<64xi32, #tpu.memory_space<vmem>>
    %dma_start3A_118 = arith.constant 0 : i32
    %dma_start3A_119 = arith.constant 0 : i32
    %dma_start3A_120 = tpu.memref_slice %arg2[%dma_start3A_118, %dma_start3A_119] : memref<100000x768xf32, #tpu.memory_space<hbm>> -> memref<100000x768xf32, #tpu.memory_space<hbm>>
    tpu.enqueue_indirect_dma source(%dma_start3A_120 : memref<100000x768xf32, #tpu.memory_space<hbm>>) target(%arg7 : memref<64x768xf32, #tpu.memory_space<vmem>>) offsets(%dma_start3A_117 : memref<64xi32, #tpu.memory_space<vmem>>) semaphore(%arg9 : memref<!tpu.dma_semaphore, #tpu.memory_space<semaphore_mem>>)
    %dma_wait3A_121 = arith.constant 4 : i32
    %dma_wait3A_122 = arith.constant 0 : i32
    %dma_wait3A_123 = tpu.memref_slice %arg5[%dma_wait3A_121, %dma_wait3A_122] : memref<8x64xi32, #tpu.memory_space<vmem>> -> memref<1x64xi32, #tpu.memory_space<vmem>>
    %dma_wait3A_124 = tpu.memref_squeeze %dma_wait3A_123 : memref<1x64xi32, #tpu.memory_space<vmem>> -> memref<64xi32, #tpu.memory_space<vmem>>
    %dma_wait3A_125 = arith.constant 0 : i32
    %dma_wait3A_126 = arith.constant 0 : i32
    %dma_wait3A_127 = tpu.memref_slice %arg2[%dma_wait3A_125, %dma_wait3A_126] : memref<100000x768xf32, #tpu.memory_space<hbm>> -> memref<100000x768xf32, #tpu.memory_space<hbm>>
    tpu.wait_indirect_dma semaphore(%arg8 : memref<!tpu.dma_semaphore, #tpu.memory_space<semaphore_mem>>) src(%dma_wait3A_127 : memref<100000x768xf32, #tpu.memory_space<hbm>>) dst(%arg6 : memref<64x768xf32, #tpu.memory_space<vmem>>)
    %add3A_128 = arith.constant 256 : i32
    %add3A_129 = arith.addi %mul3A_4, %add3A_128 : i32
    %dma_start3A_130 = arith.constant 0 : i32
    %dma_start3A_131 = tpu.memref_slice %arg4[%add3A_129, %dma_start3A_130] : memref<16384x768xf32, #tpu.memory_space<hbm>> -> memref<64x768xf32, #tpu.memory_space<hbm>>
    %dma_start3A_132 = arith.constant 0 : i32
    %dma_start3A_133 = tpu.memref_slice %arg4[%add3A_129, %dma_start3A_132] : memref<16384x768xf32, #tpu.memory_space<hbm>> -> memref<64x768xf32, #tpu.memory_space<hbm>>
    tpu.enqueue_dma source(%arg6 : memref<64x768xf32, #tpu.memory_space<vmem>>) target(%dma_start3A_133 : memref<64x768xf32, #tpu.memory_space<hbm>>) target_semaphore(%arg10 : memref<!tpu.dma_semaphore, #tpu.memory_space<semaphore_mem>>)
    %add3A_134 = arith.constant 256 : i32
    %add3A_135 = arith.addi %mul3A_4, %add3A_134 : i32
    %dma_wait3A_136 = arith.constant 0 : i32
    %dma_wait3A_137 = tpu.memref_slice %arg4[%add3A_135, %dma_wait3A_136] : memref<16384x768xf32, #tpu.memory_space<hbm>> -> memref<64x768xf32, #tpu.memory_space<hbm>>
    %dma_wait3A_138 = arith.constant 0 : i32
    %dma_wait3A_139 = tpu.memref_slice %arg4[%add3A_135, %dma_wait3A_138] : memref<16384x768xf32, #tpu.memory_space<hbm>> -> memref<64x768xf32, #tpu.memory_space<hbm>>
    tpu.wait_dma2 semaphore(%arg10 : memref<!tpu.dma_semaphore, #tpu.memory_space<semaphore_mem>>) src(%arg6 : memref<64x768xf32, #tpu.memory_space<vmem>>) dst(%dma_wait3A_139 : memref<64x768xf32, #tpu.memory_space<hbm>>)
    %dma_start3A_140 = arith.constant 6 : i32
    %dma_start3A_141 = arith.constant 0 : i32
    %dma_start3A_142 = tpu.memref_slice %arg5[%dma_start3A_140, %dma_start3A_141] : memref<8x64xi32, #tpu.memory_space<vmem>> -> memref<1x64xi32, #tpu.memory_space<vmem>>
    %dma_start3A_143 = tpu.memref_squeeze %dma_start3A_142 : memref<1x64xi32, #tpu.memory_space<vmem>> -> memref<64xi32, #tpu.memory_space<vmem>>
    %dma_start3A_144 = arith.constant 0 : i32
    %dma_start3A_145 = arith.constant 0 : i32
    %dma_start3A_146 = tpu.memref_slice %arg2[%dma_start3A_144, %dma_start3A_145] : memref<100000x768xf32, #tpu.memory_space<hbm>> -> memref<100000x768xf32, #tpu.memory_space<hbm>>
    tpu.enqueue_indirect_dma source(%dma_start3A_146 : memref<100000x768xf32, #tpu.memory_space<hbm>>) target(%arg6 : memref<64x768xf32, #tpu.memory_space<vmem>>) offsets(%dma_start3A_143 : memref<64xi32, #tpu.memory_space<vmem>>) semaphore(%arg8 : memref<!tpu.dma_semaphore, #tpu.memory_space<semaphore_mem>>)
    %dma_wait3A_147 = arith.constant 5 : i32
    %dma_wait3A_148 = arith.constant 0 : i32
    %dma_wait3A_149 = tpu.memref_slice %arg5[%dma_wait3A_147, %dma_wait3A_148] : memref<8x64xi32, #tpu.memory_space<vmem>> -> memref<1x64xi32, #tpu.memory_space<vmem>>
    %dma_wait3A_150 = tpu.memref_squeeze %dma_wait3A_149 : memref<1x64xi32, #tpu.memory_space<vmem>> -> memref<64xi32, #tpu.memory_space<vmem>>
    %dma_wait3A_151 = arith.constant 0 : i32
    %dma_wait3A_152 = arith.constant 0 : i32
    %dma_wait3A_153 = tpu.memref_slice %arg2[%dma_wait3A_151, %dma_wait3A_152] : memref<100000x768xf32, #tpu.memory_space<hbm>> -> memref<100000x768xf32, #tpu.memory_space<hbm>>
    tpu.wait_indirect_dma semaphore(%arg9 : memref<!tpu.dma_semaphore, #tpu.memory_space<semaphore_mem>>) src(%dma_wait3A_153 : memref<100000x768xf32, #tpu.memory_space<hbm>>) dst(%arg7 : memref<64x768xf32, #tpu.memory_space<vmem>>)
    %add3A_154 = arith.constant 320 : i32
    %add3A_155 = arith.addi %mul3A_4, %add3A_154 : i32
    %dma_start3A_156 = arith.constant 0 : i32
    %dma_start3A_157 = tpu.memref_slice %arg4[%add3A_155, %dma_start3A_156] : memref<16384x768xf32, #tpu.memory_space<hbm>> -> memref<64x768xf32, #tpu.memory_space<hbm>>
    %dma_start3A_158 = arith.constant 0 : i32
    %dma_start3A_159 = tpu.memref_slice %arg4[%add3A_155, %dma_start3A_158] : memref<16384x768xf32, #tpu.memory_space<hbm>> -> memref<64x768xf32, #tpu.memory_space<hbm>>
    tpu.enqueue_dma source(%arg7 : memref<64x768xf32, #tpu.memory_space<vmem>>) target(%dma_start3A_159 : memref<64x768xf32, #tpu.memory_space<hbm>>) target_semaphore(%arg11 : memref<!tpu.dma_semaphore, #tpu.memory_space<semaphore_mem>>)
    %add3A_160 = arith.constant 320 : i32
    %add3A_161 = arith.addi %mul3A_4, %add3A_160 : i32
    %dma_wait3A_162 = arith.constant 0 : i32
    %dma_wait3A_163 = tpu.memref_slice %arg4[%add3A_161, %dma_wait3A_162] : memref<16384x768xf32, #tpu.memory_space<hbm>> -> memref<64x768xf32, #tpu.memory_space<hbm>>
    %dma_wait3A_164 = arith.constant 0 : i32
    %dma_wait3A_165 = tpu.memref_slice %arg4[%add3A_161, %dma_wait3A_164] : memref<16384x768xf32, #tpu.memory_space<hbm>> -> memref<64x768xf32, #tpu.memory_space<hbm>>
    tpu.wait_dma2 semaphore(%arg11 : memref<!tpu.dma_semaphore, #tpu.memory_space<semaphore_mem>>) src(%arg7 : memref<64x768xf32, #tpu.memory_space<vmem>>) dst(%dma_wait3A_165 : memref<64x768xf32, #tpu.memory_space<hbm>>)
    %dma_start3A_166 = arith.constant 7 : i32
    %dma_start3A_167 = arith.constant 0 : i32
    %dma_start3A_168 = tpu.memref_slice %arg5[%dma_start3A_166, %dma_start3A_167] : memref<8x64xi32, #tpu.memory_space<vmem>> -> memref<1x64xi32, #tpu.memory_space<vmem>>
    %dma_start3A_169 = tpu.memref_squeeze %dma_start3A_168 : memref<1x64xi32, #tpu.memory_space<vmem>> -> memref<64xi32, #tpu.memory_space<vmem>>
    %dma_start3A_170 = arith.constant 0 : i32
    %dma_start3A_171 = arith.constant 0 : i32
    %dma_start3A_172 = tpu.memref_slice %arg2[%dma_start3A_170, %dma_start3A_171] : memref<100000x768xf32, #tpu.memory_space<hbm>> -> memref<100000x768xf32, #tpu.memory_space<hbm>>
    tpu.enqueue_indirect_dma source(%dma_start3A_172 : memref<100000x768xf32, #tpu.memory_space<hbm>>) target(%arg7 : memref<64x768xf32, #tpu.memory_space<vmem>>) offsets(%dma_start3A_169 : memref<64xi32, #tpu.memory_space<vmem>>) semaphore(%arg9 : memref<!tpu.dma_semaphore, #tpu.memory_space<semaphore_mem>>)
    %dma_wait3A_173 = arith.constant 6 : i32
    %dma_wait3A_174 = arith.constant 0 : i32
    %dma_wait3A_175 = tpu.memref_slice %arg5[%dma_wait3A_173, %dma_wait3A_174] : memref<8x64xi32, #tpu.memory_space<vmem>> -> memref<1x64xi32, #tpu.memory_space<vmem>>
    %dma_wait3A_176 = tpu.memref_squeeze %dma_wait3A_175 : memref<1x64xi32, #tpu.memory_space<vmem>> -> memref<64xi32, #tpu.memory_space<vmem>>
    %dma_wait3A_177 = arith.constant 0 : i32
    %dma_wait3A_178 = arith.constant 0 : i32
    %dma_wait3A_179 = tpu.memref_slice %arg2[%dma_wait3A_177, %dma_wait3A_178] : memref<100000x768xf32, #tpu.memory_space<hbm>> -> memref<100000x768xf32, #tpu.memory_space<hbm>>
    tpu.wait_indirect_dma semaphore(%arg8 : memref<!tpu.dma_semaphore, #tpu.memory_space<semaphore_mem>>) src(%dma_wait3A_179 : memref<100000x768xf32, #tpu.memory_space<hbm>>) dst(%arg6 : memref<64x768xf32, #tpu.memory_space<vmem>>)
    %add3A_180 = arith.constant 384 : i32
    %add3A_181 = arith.addi %mul3A_4, %add3A_180 : i32
    %dma_start3A_182 = arith.constant 0 : i32
    %dma_start3A_183 = tpu.memref_slice %arg4[%add3A_181, %dma_start3A_182] : memref<16384x768xf32, #tpu.memory_space<hbm>> -> memref<64x768xf32, #tpu.memory_space<hbm>>
    %dma_start3A_184 = arith.constant 0 : i32
    %dma_start3A_185 = tpu.memref_slice %arg4[%add3A_181, %dma_start3A_184] : memref<16384x768xf32, #tpu.memory_space<hbm>> -> memref<64x768xf32, #tpu.memory_space<hbm>>
    tpu.enqueue_dma source(%arg6 : memref<64x768xf32, #tpu.memory_space<vmem>>) target(%dma_start3A_185 : memref<64x768xf32, #tpu.memory_space<hbm>>) target_semaphore(%arg10 : memref<!tpu.dma_semaphore, #tpu.memory_space<semaphore_mem>>)
    %dma_wait3A_186 = arith.constant 7 : i32
    %dma_wait3A_187 = arith.constant 0 : i32
    %dma_wait3A_188 = tpu.memref_slice %arg5[%dma_wait3A_186, %dma_wait3A_187] : memref<8x64xi32, #tpu.memory_space<vmem>> -> memref<1x64xi32, #tpu.memory_space<vmem>>
    %dma_wait3A_189 = tpu.memref_squeeze %dma_wait3A_188 : memref<1x64xi32, #tpu.memory_space<vmem>> -> memref<64xi32, #tpu.memory_space<vmem>>
    %dma_wait3A_190 = arith.constant 0 : i32
    %dma_wait3A_191 = arith.constant 0 : i32
    %dma_wait3A_192 = tpu.memref_slice %arg2[%dma_wait3A_190, %dma_wait3A_191] : memref<100000x768xf32, #tpu.memory_space<hbm>> -> memref<100000x768xf32, #tpu.memory_space<hbm>>
    tpu.wait_indirect_dma semaphore(%arg9 : memref<!tpu.dma_semaphore, #tpu.memory_space<semaphore_mem>>) src(%dma_wait3A_192 : memref<100000x768xf32, #tpu.memory_space<hbm>>) dst(%arg7 : memref<64x768xf32, #tpu.memory_space<vmem>>)
    %add3A_193 = arith.constant 448 : i32
    %add3A_194 = arith.addi %mul3A_4, %add3A_193 : i32
    %dma_start3A_195 = arith.constant 0 : i32
    %dma_start3A_196 = tpu.memref_slice %arg4[%add3A_194, %dma_start3A_195] : memref<16384x768xf32, #tpu.memory_space<hbm>> -> memref<64x768xf32, #tpu.memory_space<hbm>>
    %dma_start3A_197 = arith.constant 0 : i32
    %dma_start3A_198 = tpu.memref_slice %arg4[%add3A_194, %dma_start3A_197] : memref<16384x768xf32, #tpu.memory_space<hbm>> -> memref<64x768xf32, #tpu.memory_space<hbm>>
    tpu.enqueue_dma source(%arg7 : memref<64x768xf32, #tpu.memory_space<vmem>>) target(%dma_start3A_198 : memref<64x768xf32, #tpu.memory_space<hbm>>) target_semaphore(%arg11 : memref<!tpu.dma_semaphore, #tpu.memory_space<semaphore_mem>>)
    %add3A_199 = arith.constant 448 : i32
    %add3A_200 = arith.addi %mul3A_4, %add3A_199 : i32
    %dma_wait3A_201 = arith.constant 0 : i32
    %dma_wait3A_202 = tpu.memref_slice %arg4[%add3A_200, %dma_wait3A_201] : memref<16384x768xf32, #tpu.memory_space<hbm>> -> memref<64x768xf32, #tpu.memory_space<hbm>>
    %dma_wait3A_203 = arith.constant 0 : i32
    %dma_wait3A_204 = tpu.memref_slice %arg4[%add3A_200, %dma_wait3A_203] : memref<16384x768xf32, #tpu.memory_space<hbm>> -> memref<64x768xf32, #tpu.memory_space<hbm>>
    tpu.wait_dma2 semaphore(%arg11 : memref<!tpu.dma_semaphore, #tpu.memory_space<semaphore_mem>>) src(%arg7 : memref<64x768xf32, #tpu.memory_space<vmem>>) dst(%dma_wait3A_204 : memref<64x768xf32, #tpu.memory_space<hbm>>)
    %add3A_205 = arith.constant 384 : i32
    %add3A_206 = arith.addi %mul3A_4, %add3A_205 : i32
    %dma_wait3A_207 = arith.constant 0 : i32
    %dma_wait3A_208 = tpu.memref_slice %arg4[%add3A_206, %dma_wait3A_207] : memref<16384x768xf32, #tpu.memory_space<hbm>> -> memref<64x768xf32, #tpu.memory_space<hbm>>
    %dma_wait3A_209 = arith.constant 0 : i32
    %dma_wait3A_210 = tpu.memref_slice %arg4[%add3A_206, %dma_wait3A_209] : memref<16384x768xf32, #tpu.memory_space<hbm>> -> memref<64x768xf32, #tpu.memory_space<hbm>>
    tpu.wait_dma2 semaphore(%arg10 : memref<!tpu.dma_semaphore, #tpu.memory_space<semaphore_mem>>) src(%arg6 : memref<64x768xf32, #tpu.memory_space<vmem>>) dst(%dma_wait3A_210 : memref<64x768xf32, #tpu.memory_space<hbm>>)
    return
  }
}

#map = affine_map<(d0, d1) -> (0, 0)>
#map1 = affine_map<(d0, d1) -> (0)>
#map2 = affine_map<(d0, d1) -> (0, 0, 0)>
module attributes {stable_mosaic.version = 14 : i64} {
  func.func @new_body(%arg0: i32, %arg1: i32, %arg2: memref<16384x768xf32, #tpu.memory_space<hbm>>, %arg3: memref<16384xf32, #tpu.memory_space<hbm>>, %arg4: memref<32x8x64xi32, #tpu.memory_space<hbm>>, %arg5: memref<32x8x64xi32, #tpu.memory_space<hbm>>, %arg6: memref<32x4x128xi32, #tpu.memory_space<hbm>>, %arg7: memref<32x4x128xi32, #tpu.memory_space<hbm>>, %arg8: memref<100000x768xf32, #tpu.memory_space<hbm>>, %arg9: memref<100000xf32, #tpu.memory_space<hbm>>, %arg10: memref<100000x768xf32, #tpu.memory_space<hbm>>, %arg11: memref<100000xf32, #tpu.memory_space<hbm>>, %arg12: memref<8x64xi32, #tpu.memory_space<vmem>>, %arg13: memref<8x64xi32, #tpu.memory_space<vmem>>, %arg14: memref<4x128xi32, #tpu.memory_space<vmem>>, %arg15: memref<4x128xi32, #tpu.memory_space<vmem>>, %arg16: memref<64x768xf32, #tpu.memory_space<vmem>>, %arg17: memref<64x768xf32, #tpu.memory_space<vmem>>, %arg18: memref<4x128xf32, #tpu.memory_space<vmem>>, %arg19: memref<!tpu.dma_semaphore, #tpu.memory_space<semaphore_mem>>, %arg20: memref<!tpu.dma_semaphore, #tpu.memory_space<semaphore_mem>>, %arg21: memref<!tpu.dma_semaphore, #tpu.memory_space<semaphore_mem>>, %arg22: memref<!tpu.dma_semaphore, #tpu.memory_space<semaphore_mem>>, %arg23: memref<!tpu.dma_semaphore, #tpu.memory_space<semaphore_mem>>) attributes {dimension_semantics = [#tpu.dimension_semantics<core_parallel>, #tpu.dimension_semantics<subcore_parallel>], iteration_bounds = array<i64: 2, 16>, scalar_prefetch = 0 : i64, scratch_operands = 12 : i64, tpu.core_type = #tpu.core_type<sc_vector_subcore>, window_params = [{transform_indices = #map}, {transform_indices = #map1}, {transform_indices = #map2}, {transform_indices = #map2}, {transform_indices = #map2}, {transform_indices = #map2}, {transform_indices = #map}, {transform_indices = #map1}, {transform_indices = #map}, {transform_indices = #map1}]} {
    %mul3A = arith.constant 2 : i32
    %mul3A_0 = arith.muli %arg1, %mul3A : i32
    %add3A = arith.addi %mul3A_0, %arg0 : i32
    "tpu.region"() ({
      %run_scoped3A = tpu.sem_alloc : memref<!tpu.dma_semaphore, #tpu.memory_space<semaphore_mem>>
      %dma_start3A_383 = arith.constant 0 : i32
      %dma_start3A_384 = arith.constant 0 : i32
      %dma_start3A_385 = tpu.memref_slice %arg4[%add3A, %dma_start3A_383, %dma_start3A_384] : memref<32x8x64xi32, #tpu.memory_space<hbm>> -> memref<1x8x64xi32, #tpu.memory_space<hbm>>
      %dma_start3A_386 = tpu.memref_squeeze %dma_start3A_385 : memref<1x8x64xi32, #tpu.memory_space<hbm>> -> memref<8x64xi32, #tpu.memory_space<hbm>>
      %dma_start3A_387 = arith.constant 0 : i32
      %dma_start3A_388 = arith.constant 0 : i32
      %dma_start3A_389 = tpu.memref_slice %arg4[%add3A, %dma_start3A_387, %dma_start3A_388] : memref<32x8x64xi32, #tpu.memory_space<hbm>> -> memref<1x8x64xi32, #tpu.memory_space<hbm>>
      %dma_start3A_390 = tpu.memref_squeeze %dma_start3A_389 : memref<1x8x64xi32, #tpu.memory_space<hbm>> -> memref<8x64xi32, #tpu.memory_space<hbm>>
      tpu.enqueue_dma source(%dma_start3A_390 : memref<8x64xi32, #tpu.memory_space<hbm>>) target(%arg12 : memref<8x64xi32, #tpu.memory_space<vmem>>) target_semaphore(%run_scoped3A : memref<!tpu.dma_semaphore, #tpu.memory_space<semaphore_mem>>)
      %dma_wait3A_391 = arith.constant 0 : i32
      %dma_wait3A_392 = arith.constant 0 : i32
      %dma_wait3A_393 = tpu.memref_slice %arg4[%add3A, %dma_wait3A_391, %dma_wait3A_392] : memref<32x8x64xi32, #tpu.memory_space<hbm>> -> memref<1x8x64xi32, #tpu.memory_space<hbm>>
      %dma_wait3A_394 = tpu.memref_squeeze %dma_wait3A_393 : memref<1x8x64xi32, #tpu.memory_space<hbm>> -> memref<8x64xi32, #tpu.memory_space<hbm>>
      %dma_wait3A_395 = arith.constant 0 : i32
      %dma_wait3A_396 = arith.constant 0 : i32
      %dma_wait3A_397 = tpu.memref_slice %arg4[%add3A, %dma_wait3A_395, %dma_wait3A_396] : memref<32x8x64xi32, #tpu.memory_space<hbm>> -> memref<1x8x64xi32, #tpu.memory_space<hbm>>
      %dma_wait3A_398 = tpu.memref_squeeze %dma_wait3A_397 : memref<1x8x64xi32, #tpu.memory_space<hbm>> -> memref<8x64xi32, #tpu.memory_space<hbm>>
      tpu.wait_dma2 semaphore(%run_scoped3A : memref<!tpu.dma_semaphore, #tpu.memory_space<semaphore_mem>>) src(%dma_wait3A_398 : memref<8x64xi32, #tpu.memory_space<hbm>>) dst(%arg12 : memref<8x64xi32, #tpu.memory_space<vmem>>)
      tpu.yield
    }) : () -> ()
    "tpu.region"() ({
      %run_scoped3A = tpu.sem_alloc : memref<!tpu.dma_semaphore, #tpu.memory_space<semaphore_mem>>
      %dma_start3A_383 = arith.constant 0 : i32
      %dma_start3A_384 = arith.constant 0 : i32
      %dma_start3A_385 = tpu.memref_slice %arg5[%add3A, %dma_start3A_383, %dma_start3A_384] : memref<32x8x64xi32, #tpu.memory_space<hbm>> -> memref<1x8x64xi32, #tpu.memory_space<hbm>>
      %dma_start3A_386 = tpu.memref_squeeze %dma_start3A_385 : memref<1x8x64xi32, #tpu.memory_space<hbm>> -> memref<8x64xi32, #tpu.memory_space<hbm>>
      %dma_start3A_387 = arith.constant 0 : i32
      %dma_start3A_388 = arith.constant 0 : i32
      %dma_start3A_389 = tpu.memref_slice %arg5[%add3A, %dma_start3A_387, %dma_start3A_388] : memref<32x8x64xi32, #tpu.memory_space<hbm>> -> memref<1x8x64xi32, #tpu.memory_space<hbm>>
      %dma_start3A_390 = tpu.memref_squeeze %dma_start3A_389 : memref<1x8x64xi32, #tpu.memory_space<hbm>> -> memref<8x64xi32, #tpu.memory_space<hbm>>
      tpu.enqueue_dma source(%dma_start3A_390 : memref<8x64xi32, #tpu.memory_space<hbm>>) target(%arg13 : memref<8x64xi32, #tpu.memory_space<vmem>>) target_semaphore(%run_scoped3A : memref<!tpu.dma_semaphore, #tpu.memory_space<semaphore_mem>>)
      %dma_wait3A_391 = arith.constant 0 : i32
      %dma_wait3A_392 = arith.constant 0 : i32
      %dma_wait3A_393 = tpu.memref_slice %arg5[%add3A, %dma_wait3A_391, %dma_wait3A_392] : memref<32x8x64xi32, #tpu.memory_space<hbm>> -> memref<1x8x64xi32, #tpu.memory_space<hbm>>
      %dma_wait3A_394 = tpu.memref_squeeze %dma_wait3A_393 : memref<1x8x64xi32, #tpu.memory_space<hbm>> -> memref<8x64xi32, #tpu.memory_space<hbm>>
      %dma_wait3A_395 = arith.constant 0 : i32
      %dma_wait3A_396 = arith.constant 0 : i32
      %dma_wait3A_397 = tpu.memref_slice %arg5[%add3A, %dma_wait3A_395, %dma_wait3A_396] : memref<32x8x64xi32, #tpu.memory_space<hbm>> -> memref<1x8x64xi32, #tpu.memory_space<hbm>>
      %dma_wait3A_398 = tpu.memref_squeeze %dma_wait3A_397 : memref<1x8x64xi32, #tpu.memory_space<hbm>> -> memref<8x64xi32, #tpu.memory_space<hbm>>
      tpu.wait_dma2 semaphore(%run_scoped3A : memref<!tpu.dma_semaphore, #tpu.memory_space<semaphore_mem>>) src(%dma_wait3A_398 : memref<8x64xi32, #tpu.memory_space<hbm>>) dst(%arg13 : memref<8x64xi32, #tpu.memory_space<vmem>>)
      tpu.yield
    }) : () -> ()
    "tpu.region"() ({
      %run_scoped3A = tpu.sem_alloc : memref<!tpu.dma_semaphore, #tpu.memory_space<semaphore_mem>>
      %dma_start3A_383 = arith.constant 0 : i32
      %dma_start3A_384 = arith.constant 0 : i32
      %dma_start3A_385 = tpu.memref_slice %arg6[%add3A, %dma_start3A_383, %dma_start3A_384] : memref<32x4x128xi32, #tpu.memory_space<hbm>> -> memref<1x4x128xi32, #tpu.memory_space<hbm>>
      %dma_start3A_386 = tpu.memref_squeeze %dma_start3A_385 : memref<1x4x128xi32, #tpu.memory_space<hbm>> -> memref<4x128xi32, #tpu.memory_space<hbm>>
      %dma_start3A_387 = arith.constant 0 : i32
      %dma_start3A_388 = arith.constant 0 : i32
      %dma_start3A_389 = tpu.memref_slice %arg6[%add3A, %dma_start3A_387, %dma_start3A_388] : memref<32x4x128xi32, #tpu.memory_space<hbm>> -> memref<1x4x128xi32, #tpu.memory_space<hbm>>
      %dma_start3A_390 = tpu.memref_squeeze %dma_start3A_389 : memref<1x4x128xi32, #tpu.memory_space<hbm>> -> memref<4x128xi32, #tpu.memory_space<hbm>>
      tpu.enqueue_dma source(%dma_start3A_390 : memref<4x128xi32, #tpu.memory_space<hbm>>) target(%arg14 : memref<4x128xi32, #tpu.memory_space<vmem>>) target_semaphore(%run_scoped3A : memref<!tpu.dma_semaphore, #tpu.memory_space<semaphore_mem>>)
      %dma_wait3A_391 = arith.constant 0 : i32
      %dma_wait3A_392 = arith.constant 0 : i32
      %dma_wait3A_393 = tpu.memref_slice %arg6[%add3A, %dma_wait3A_391, %dma_wait3A_392] : memref<32x4x128xi32, #tpu.memory_space<hbm>> -> memref<1x4x128xi32, #tpu.memory_space<hbm>>
      %dma_wait3A_394 = tpu.memref_squeeze %dma_wait3A_393 : memref<1x4x128xi32, #tpu.memory_space<hbm>> -> memref<4x128xi32, #tpu.memory_space<hbm>>
      %dma_wait3A_395 = arith.constant 0 : i32
      %dma_wait3A_396 = arith.constant 0 : i32
      %dma_wait3A_397 = tpu.memref_slice %arg6[%add3A, %dma_wait3A_395, %dma_wait3A_396] : memref<32x4x128xi32, #tpu.memory_space<hbm>> -> memref<1x4x128xi32, #tpu.memory_space<hbm>>
      %dma_wait3A_398 = tpu.memref_squeeze %dma_wait3A_397 : memref<1x4x128xi32, #tpu.memory_space<hbm>> -> memref<4x128xi32, #tpu.memory_space<hbm>>
      tpu.wait_dma2 semaphore(%run_scoped3A : memref<!tpu.dma_semaphore, #tpu.memory_space<semaphore_mem>>) src(%dma_wait3A_398 : memref<4x128xi32, #tpu.memory_space<hbm>>) dst(%arg14 : memref<4x128xi32, #tpu.memory_space<vmem>>)
      tpu.yield
    }) : () -> ()
    "tpu.region"() ({
      %run_scoped3A = tpu.sem_alloc : memref<!tpu.dma_semaphore, #tpu.memory_space<semaphore_mem>>
      %dma_start3A_383 = arith.constant 0 : i32
      %dma_start3A_384 = arith.constant 0 : i32
      %dma_start3A_385 = tpu.memref_slice %arg7[%add3A, %dma_start3A_383, %dma_start3A_384] : memref<32x4x128xi32, #tpu.memory_space<hbm>> -> memref<1x4x128xi32, #tpu.memory_space<hbm>>
      %dma_start3A_386 = tpu.memref_squeeze %dma_start3A_385 : memref<1x4x128xi32, #tpu.memory_space<hbm>> -> memref<4x128xi32, #tpu.memory_space<hbm>>
      %dma_start3A_387 = arith.constant 0 : i32
      %dma_start3A_388 = arith.constant 0 : i32
      %dma_start3A_389 = tpu.memref_slice %arg7[%add3A, %dma_start3A_387, %dma_start3A_388] : memref<32x4x128xi32, #tpu.memory_space<hbm>> -> memref<1x4x128xi32, #tpu.memory_space<hbm>>
      %dma_start3A_390 = tpu.memref_squeeze %dma_start3A_389 : memref<1x4x128xi32, #tpu.memory_space<hbm>> -> memref<4x128xi32, #tpu.memory_space<hbm>>
      tpu.enqueue_dma source(%dma_start3A_390 : memref<4x128xi32, #tpu.memory_space<hbm>>) target(%arg15 : memref<4x128xi32, #tpu.memory_space<vmem>>) target_semaphore(%run_scoped3A : memref<!tpu.dma_semaphore, #tpu.memory_space<semaphore_mem>>)
      %dma_wait3A_391 = arith.constant 0 : i32
      %dma_wait3A_392 = arith.constant 0 : i32
      %dma_wait3A_393 = tpu.memref_slice %arg7[%add3A, %dma_wait3A_391, %dma_wait3A_392] : memref<32x4x128xi32, #tpu.memory_space<hbm>> -> memref<1x4x128xi32, #tpu.memory_space<hbm>>
      %dma_wait3A_394 = tpu.memref_squeeze %dma_wait3A_393 : memref<1x4x128xi32, #tpu.memory_space<hbm>> -> memref<4x128xi32, #tpu.memory_space<hbm>>
      %dma_wait3A_395 = arith.constant 0 : i32
      %dma_wait3A_396 = arith.constant 0 : i32
      %dma_wait3A_397 = tpu.memref_slice %arg7[%add3A, %dma_wait3A_395, %dma_wait3A_396] : memref<32x4x128xi32, #tpu.memory_space<hbm>> -> memref<1x4x128xi32, #tpu.memory_space<hbm>>
      %dma_wait3A_398 = tpu.memref_squeeze %dma_wait3A_397 : memref<1x4x128xi32, #tpu.memory_space<hbm>> -> memref<4x128xi32, #tpu.memory_space<hbm>>
      tpu.wait_dma2 semaphore(%run_scoped3A : memref<!tpu.dma_semaphore, #tpu.memory_space<semaphore_mem>>) src(%dma_wait3A_398 : memref<4x128xi32, #tpu.memory_space<hbm>>) dst(%arg15 : memref<4x128xi32, #tpu.memory_space<vmem>>)
      tpu.yield
    }) : () -> ()
    %dma_start3A = arith.constant 0 : i32
    %dma_start3A_1 = arith.constant 0 : i32
    %dma_start3A_2 = arith.constant 0 : i32
    %dma_start3A_3 = tpu.memref_slice %arg18[%dma_start3A_1, %dma_start3A_2] : memref<4x128xf32, #tpu.memory_space<vmem>> -> memref<1x128xf32, #tpu.memory_space<vmem>>
    %dma_start3A_4 = tpu.memref_squeeze %dma_start3A_3 : memref<1x128xf32, #tpu.memory_space<vmem>> -> memref<128xf32, #tpu.memory_space<vmem>>
    %dma_start3A_5 = arith.constant 0 : i32
    %dma_start3A_6 = tpu.memref_slice %arg15[%dma_start3A, %dma_start3A_5] : memref<4x128xi32, #tpu.memory_space<vmem>> -> memref<1x128xi32, #tpu.memory_space<vmem>>
    %dma_start3A_7 = tpu.memref_squeeze %dma_start3A_6 : memref<1x128xi32, #tpu.memory_space<vmem>> -> memref<128xi32, #tpu.memory_space<vmem>>
    %dma_start3A_8 = arith.constant 0 : i32
    %dma_start3A_9 = tpu.memref_slice %arg3[%dma_start3A_8] : memref<16384xf32, #tpu.memory_space<hbm>> -> memref<16384xf32, #tpu.memory_space<hbm>>
    tpu.enqueue_indirect_dma source(%dma_start3A_9 : memref<16384xf32, #tpu.memory_space<hbm>>) target(%dma_start3A_4 : memref<128xf32, #tpu.memory_space<vmem>>) offsets(%dma_start3A_7 : memref<128xi32, #tpu.memory_space<vmem>>) semaphore(%arg23 : memref<!tpu.dma_semaphore, #tpu.memory_space<semaphore_mem>>)
    %dma_start3A_10 = arith.constant 1 : i32
    %dma_start3A_11 = arith.constant 1 : i32
    %dma_start3A_12 = arith.constant 0 : i32
    %dma_start3A_13 = tpu.memref_slice %arg18[%dma_start3A_11, %dma_start3A_12] : memref<4x128xf32, #tpu.memory_space<vmem>> -> memref<1x128xf32, #tpu.memory_space<vmem>>
    %dma_start3A_14 = tpu.memref_squeeze %dma_start3A_13 : memref<1x128xf32, #tpu.memory_space<vmem>> -> memref<128xf32, #tpu.memory_space<vmem>>
    %dma_start3A_15 = arith.constant 0 : i32
    %dma_start3A_16 = tpu.memref_slice %arg15[%dma_start3A_10, %dma_start3A_15] : memref<4x128xi32, #tpu.memory_space<vmem>> -> memref<1x128xi32, #tpu.memory_space<vmem>>
    %dma_start3A_17 = tpu.memref_squeeze %dma_start3A_16 : memref<1x128xi32, #tpu.memory_space<vmem>> -> memref<128xi32, #tpu.memory_space<vmem>>
    %dma_start3A_18 = arith.constant 0 : i32
    %dma_start3A_19 = tpu.memref_slice %arg3[%dma_start3A_18] : memref<16384xf32, #tpu.memory_space<hbm>> -> memref<16384xf32, #tpu.memory_space<hbm>>
    tpu.enqueue_indirect_dma source(%dma_start3A_19 : memref<16384xf32, #tpu.memory_space<hbm>>) target(%dma_start3A_14 : memref<128xf32, #tpu.memory_space<vmem>>) offsets(%dma_start3A_17 : memref<128xi32, #tpu.memory_space<vmem>>) semaphore(%arg23 : memref<!tpu.dma_semaphore, #tpu.memory_space<semaphore_mem>>)
    %dma_start3A_20 = arith.constant 2 : i32
    %dma_start3A_21 = arith.constant 2 : i32
    %dma_start3A_22 = arith.constant 0 : i32
    %dma_start3A_23 = tpu.memref_slice %arg18[%dma_start3A_21, %dma_start3A_22] : memref<4x128xf32, #tpu.memory_space<vmem>> -> memref<1x128xf32, #tpu.memory_space<vmem>>
    %dma_start3A_24 = tpu.memref_squeeze %dma_start3A_23 : memref<1x128xf32, #tpu.memory_space<vmem>> -> memref<128xf32, #tpu.memory_space<vmem>>
    %dma_start3A_25 = arith.constant 0 : i32
    %dma_start3A_26 = tpu.memref_slice %arg15[%dma_start3A_20, %dma_start3A_25] : memref<4x128xi32, #tpu.memory_space<vmem>> -> memref<1x128xi32, #tpu.memory_space<vmem>>
    %dma_start3A_27 = tpu.memref_squeeze %dma_start3A_26 : memref<1x128xi32, #tpu.memory_space<vmem>> -> memref<128xi32, #tpu.memory_space<vmem>>
    %dma_start3A_28 = arith.constant 0 : i32
    %dma_start3A_29 = tpu.memref_slice %arg3[%dma_start3A_28] : memref<16384xf32, #tpu.memory_space<hbm>> -> memref<16384xf32, #tpu.memory_space<hbm>>
    tpu.enqueue_indirect_dma source(%dma_start3A_29 : memref<16384xf32, #tpu.memory_space<hbm>>) target(%dma_start3A_24 : memref<128xf32, #tpu.memory_space<vmem>>) offsets(%dma_start3A_27 : memref<128xi32, #tpu.memory_space<vmem>>) semaphore(%arg23 : memref<!tpu.dma_semaphore, #tpu.memory_space<semaphore_mem>>)
    %dma_start3A_30 = arith.constant 3 : i32
    %dma_start3A_31 = arith.constant 3 : i32
    %dma_start3A_32 = arith.constant 0 : i32
    %dma_start3A_33 = tpu.memref_slice %arg18[%dma_start3A_31, %dma_start3A_32] : memref<4x128xf32, #tpu.memory_space<vmem>> -> memref<1x128xf32, #tpu.memory_space<vmem>>
    %dma_start3A_34 = tpu.memref_squeeze %dma_start3A_33 : memref<1x128xf32, #tpu.memory_space<vmem>> -> memref<128xf32, #tpu.memory_space<vmem>>
    %dma_start3A_35 = arith.constant 0 : i32
    %dma_start3A_36 = tpu.memref_slice %arg15[%dma_start3A_30, %dma_start3A_35] : memref<4x128xi32, #tpu.memory_space<vmem>> -> memref<1x128xi32, #tpu.memory_space<vmem>>
    %dma_start3A_37 = tpu.memref_squeeze %dma_start3A_36 : memref<1x128xi32, #tpu.memory_space<vmem>> -> memref<128xi32, #tpu.memory_space<vmem>>
    %dma_start3A_38 = arith.constant 0 : i32
    %dma_start3A_39 = tpu.memref_slice %arg3[%dma_start3A_38] : memref<16384xf32, #tpu.memory_space<hbm>> -> memref<16384xf32, #tpu.memory_space<hbm>>
    tpu.enqueue_indirect_dma source(%dma_start3A_39 : memref<16384xf32, #tpu.memory_space<hbm>>) target(%dma_start3A_34 : memref<128xf32, #tpu.memory_space<vmem>>) offsets(%dma_start3A_37 : memref<128xi32, #tpu.memory_space<vmem>>) semaphore(%arg23 : memref<!tpu.dma_semaphore, #tpu.memory_space<semaphore_mem>>)
    %dma_start3A_40 = arith.constant 0 : i32
    %dma_start3A_41 = arith.constant 0 : i32
    %dma_start3A_42 = tpu.memref_slice %arg13[%dma_start3A_40, %dma_start3A_41] : memref<8x64xi32, #tpu.memory_space<vmem>> -> memref<1x64xi32, #tpu.memory_space<vmem>>
    %dma_start3A_43 = tpu.memref_squeeze %dma_start3A_42 : memref<1x64xi32, #tpu.memory_space<vmem>> -> memref<64xi32, #tpu.memory_space<vmem>>
    %dma_start3A_44 = arith.constant 0 : i32
    %dma_start3A_45 = arith.constant 0 : i32
    %dma_start3A_46 = tpu.memref_slice %arg2[%dma_start3A_44, %dma_start3A_45] : memref<16384x768xf32, #tpu.memory_space<hbm>> -> memref<16384x768xf32, #tpu.memory_space<hbm>>
    tpu.enqueue_indirect_dma source(%dma_start3A_46 : memref<16384x768xf32, #tpu.memory_space<hbm>>) target(%arg16 : memref<64x768xf32, #tpu.memory_space<vmem>>) offsets(%dma_start3A_43 : memref<64xi32, #tpu.memory_space<vmem>>) semaphore(%arg19 : memref<!tpu.dma_semaphore, #tpu.memory_space<semaphore_mem>>)
    %dma_start3A_47 = arith.constant 1 : i32
    %dma_start3A_48 = arith.constant 0 : i32
    %dma_start3A_49 = tpu.memref_slice %arg13[%dma_start3A_47, %dma_start3A_48] : memref<8x64xi32, #tpu.memory_space<vmem>> -> memref<1x64xi32, #tpu.memory_space<vmem>>
    %dma_start3A_50 = tpu.memref_squeeze %dma_start3A_49 : memref<1x64xi32, #tpu.memory_space<vmem>> -> memref<64xi32, #tpu.memory_space<vmem>>
    %dma_start3A_51 = arith.constant 0 : i32
    %dma_start3A_52 = arith.constant 0 : i32
    %dma_start3A_53 = tpu.memref_slice %arg2[%dma_start3A_51, %dma_start3A_52] : memref<16384x768xf32, #tpu.memory_space<hbm>> -> memref<16384x768xf32, #tpu.memory_space<hbm>>
    tpu.enqueue_indirect_dma source(%dma_start3A_53 : memref<16384x768xf32, #tpu.memory_space<hbm>>) target(%arg17 : memref<64x768xf32, #tpu.memory_space<vmem>>) offsets(%dma_start3A_50 : memref<64xi32, #tpu.memory_space<vmem>>) semaphore(%arg20 : memref<!tpu.dma_semaphore, #tpu.memory_space<semaphore_mem>>)
    %dma_wait3A = arith.constant 0 : i32
    %dma_wait3A_54 = arith.constant 0 : i32
    %dma_wait3A_55 = tpu.memref_slice %arg13[%dma_wait3A, %dma_wait3A_54] : memref<8x64xi32, #tpu.memory_space<vmem>> -> memref<1x64xi32, #tpu.memory_space<vmem>>
    %dma_wait3A_56 = tpu.memref_squeeze %dma_wait3A_55 : memref<1x64xi32, #tpu.memory_space<vmem>> -> memref<64xi32, #tpu.memory_space<vmem>>
    %dma_wait3A_57 = arith.constant 0 : i32
    %dma_wait3A_58 = arith.constant 0 : i32
    %dma_wait3A_59 = tpu.memref_slice %arg2[%dma_wait3A_57, %dma_wait3A_58] : memref<16384x768xf32, #tpu.memory_space<hbm>> -> memref<16384x768xf32, #tpu.memory_space<hbm>>
    tpu.wait_indirect_dma semaphore(%arg19 : memref<!tpu.dma_semaphore, #tpu.memory_space<semaphore_mem>>) src(%dma_wait3A_59 : memref<16384x768xf32, #tpu.memory_space<hbm>>) dst(%arg16 : memref<64x768xf32, #tpu.memory_space<vmem>>)
    %dma_start3A_60 = arith.constant 0 : i32
    %dma_start3A_61 = arith.constant 0 : i32
    %dma_start3A_62 = tpu.memref_slice %arg12[%dma_start3A_60, %dma_start3A_61] : memref<8x64xi32, #tpu.memory_space<vmem>> -> memref<1x64xi32, #tpu.memory_space<vmem>>
    %dma_start3A_63 = tpu.memref_squeeze %dma_start3A_62 : memref<1x64xi32, #tpu.memory_space<vmem>> -> memref<64xi32, #tpu.memory_space<vmem>>
    %dma_start3A_64 = arith.constant 0 : i32
    %dma_start3A_65 = arith.constant 0 : i32
    %dma_start3A_66 = tpu.memref_slice %arg8[%dma_start3A_64, %dma_start3A_65] : memref<100000x768xf32, #tpu.memory_space<hbm>> -> memref<100000x768xf32, #tpu.memory_space<hbm>>
    tpu.enqueue_indirect_dma source(%arg16 : memref<64x768xf32, #tpu.memory_space<vmem>>) target(%dma_start3A_66 : memref<100000x768xf32, #tpu.memory_space<hbm>>) offsets(%dma_start3A_63 : memref<64xi32, #tpu.memory_space<vmem>>) semaphore(%arg21 : memref<!tpu.dma_semaphore, #tpu.memory_space<semaphore_mem>>)
    %dma_wait3A_67 = arith.constant 0 : i32
    %dma_wait3A_68 = arith.constant 0 : i32
    %dma_wait3A_69 = tpu.memref_slice %arg12[%dma_wait3A_67, %dma_wait3A_68] : memref<8x64xi32, #tpu.memory_space<vmem>> -> memref<1x64xi32, #tpu.memory_space<vmem>>
    %dma_wait3A_70 = tpu.memref_squeeze %dma_wait3A_69 : memref<1x64xi32, #tpu.memory_space<vmem>> -> memref<64xi32, #tpu.memory_space<vmem>>
    %dma_wait3A_71 = arith.constant 0 : i32
    %dma_wait3A_72 = arith.constant 0 : i32
    %dma_wait3A_73 = tpu.memref_slice %arg8[%dma_wait3A_71, %dma_wait3A_72] : memref<100000x768xf32, #tpu.memory_space<hbm>> -> memref<100000x768xf32, #tpu.memory_space<hbm>>
    tpu.wait_indirect_dma semaphore(%arg21 : memref<!tpu.dma_semaphore, #tpu.memory_space<semaphore_mem>>) src(%arg16 : memref<64x768xf32, #tpu.memory_space<vmem>>) dst(%dma_wait3A_73 : memref<100000x768xf32, #tpu.memory_space<hbm>>)
    %dma_start3A_74 = arith.constant 2 : i32
    %dma_start3A_75 = arith.constant 0 : i32
    %dma_start3A_76 = tpu.memref_slice %arg13[%dma_start3A_74, %dma_start3A_75] : memref<8x64xi32, #tpu.memory_space<vmem>> -> memref<1x64xi32, #tpu.memory_space<vmem>>
    %dma_start3A_77 = tpu.memref_squeeze %dma_start3A_76 : memref<1x64xi32, #tpu.memory_space<vmem>> -> memref<64xi32, #tpu.memory_space<vmem>>
    %dma_start3A_78 = arith.constant 0 : i32
    %dma_start3A_79 = arith.constant 0 : i32
    %dma_start3A_80 = tpu.memref_slice %arg2[%dma_start3A_78, %dma_start3A_79] : memref<16384x768xf32, #tpu.memory_space<hbm>> -> memref<16384x768xf32, #tpu.memory_space<hbm>>
    tpu.enqueue_indirect_dma source(%dma_start3A_80 : memref<16384x768xf32, #tpu.memory_space<hbm>>) target(%arg16 : memref<64x768xf32, #tpu.memory_space<vmem>>) offsets(%dma_start3A_77 : memref<64xi32, #tpu.memory_space<vmem>>) semaphore(%arg19 : memref<!tpu.dma_semaphore, #tpu.memory_space<semaphore_mem>>)
    %dma_wait3A_81 = arith.constant 1 : i32
    %dma_wait3A_82 = arith.constant 0 : i32
    %dma_wait3A_83 = tpu.memref_slice %arg13[%dma_wait3A_81, %dma_wait3A_82] : memref<8x64xi32, #tpu.memory_space<vmem>> -> memref<1x64xi32, #tpu.memory_space<vmem>>
    %dma_wait3A_84 = tpu.memref_squeeze %dma_wait3A_83 : memref<1x64xi32, #tpu.memory_space<vmem>> -> memref<64xi32, #tpu.memory_space<vmem>>
    %dma_wait3A_85 = arith.constant 0 : i32
    %dma_wait3A_86 = arith.constant 0 : i32
    %dma_wait3A_87 = tpu.memref_slice %arg2[%dma_wait3A_85, %dma_wait3A_86] : memref<16384x768xf32, #tpu.memory_space<hbm>> -> memref<16384x768xf32, #tpu.memory_space<hbm>>
    tpu.wait_indirect_dma semaphore(%arg20 : memref<!tpu.dma_semaphore, #tpu.memory_space<semaphore_mem>>) src(%dma_wait3A_87 : memref<16384x768xf32, #tpu.memory_space<hbm>>) dst(%arg17 : memref<64x768xf32, #tpu.memory_space<vmem>>)
    %dma_start3A_88 = arith.constant 1 : i32
    %dma_start3A_89 = arith.constant 0 : i32
    %dma_start3A_90 = tpu.memref_slice %arg12[%dma_start3A_88, %dma_start3A_89] : memref<8x64xi32, #tpu.memory_space<vmem>> -> memref<1x64xi32, #tpu.memory_space<vmem>>
    %dma_start3A_91 = tpu.memref_squeeze %dma_start3A_90 : memref<1x64xi32, #tpu.memory_space<vmem>> -> memref<64xi32, #tpu.memory_space<vmem>>
    %dma_start3A_92 = arith.constant 0 : i32
    %dma_start3A_93 = arith.constant 0 : i32
    %dma_start3A_94 = tpu.memref_slice %arg8[%dma_start3A_92, %dma_start3A_93] : memref<100000x768xf32, #tpu.memory_space<hbm>> -> memref<100000x768xf32, #tpu.memory_space<hbm>>
    tpu.enqueue_indirect_dma source(%arg17 : memref<64x768xf32, #tpu.memory_space<vmem>>) target(%dma_start3A_94 : memref<100000x768xf32, #tpu.memory_space<hbm>>) offsets(%dma_start3A_91 : memref<64xi32, #tpu.memory_space<vmem>>) semaphore(%arg22 : memref<!tpu.dma_semaphore, #tpu.memory_space<semaphore_mem>>)
    %dma_wait3A_95 = arith.constant 1 : i32
    %dma_wait3A_96 = arith.constant 0 : i32
    %dma_wait3A_97 = tpu.memref_slice %arg12[%dma_wait3A_95, %dma_wait3A_96] : memref<8x64xi32, #tpu.memory_space<vmem>> -> memref<1x64xi32, #tpu.memory_space<vmem>>
    %dma_wait3A_98 = tpu.memref_squeeze %dma_wait3A_97 : memref<1x64xi32, #tpu.memory_space<vmem>> -> memref<64xi32, #tpu.memory_space<vmem>>
    %dma_wait3A_99 = arith.constant 0 : i32
    %dma_wait3A_100 = arith.constant 0 : i32
    %dma_wait3A_101 = tpu.memref_slice %arg8[%dma_wait3A_99, %dma_wait3A_100] : memref<100000x768xf32, #tpu.memory_space<hbm>> -> memref<100000x768xf32, #tpu.memory_space<hbm>>
    tpu.wait_indirect_dma semaphore(%arg22 : memref<!tpu.dma_semaphore, #tpu.memory_space<semaphore_mem>>) src(%arg17 : memref<64x768xf32, #tpu.memory_space<vmem>>) dst(%dma_wait3A_101 : memref<100000x768xf32, #tpu.memory_space<hbm>>)
    %dma_start3A_102 = arith.constant 3 : i32
    %dma_start3A_103 = arith.constant 0 : i32
    %dma_start3A_104 = tpu.memref_slice %arg13[%dma_start3A_102, %dma_start3A_103] : memref<8x64xi32, #tpu.memory_space<vmem>> -> memref<1x64xi32, #tpu.memory_space<vmem>>
    %dma_start3A_105 = tpu.memref_squeeze %dma_start3A_104 : memref<1x64xi32, #tpu.memory_space<vmem>> -> memref<64xi32, #tpu.memory_space<vmem>>
    %dma_start3A_106 = arith.constant 0 : i32
    %dma_start3A_107 = arith.constant 0 : i32
    %dma_start3A_108 = tpu.memref_slice %arg2[%dma_start3A_106, %dma_start3A_107] : memref<16384x768xf32, #tpu.memory_space<hbm>> -> memref<16384x768xf32, #tpu.memory_space<hbm>>
    tpu.enqueue_indirect_dma source(%dma_start3A_108 : memref<16384x768xf32, #tpu.memory_space<hbm>>) target(%arg17 : memref<64x768xf32, #tpu.memory_space<vmem>>) offsets(%dma_start3A_105 : memref<64xi32, #tpu.memory_space<vmem>>) semaphore(%arg20 : memref<!tpu.dma_semaphore, #tpu.memory_space<semaphore_mem>>)
    %dma_wait3A_109 = arith.constant 2 : i32
    %dma_wait3A_110 = arith.constant 0 : i32
    %dma_wait3A_111 = tpu.memref_slice %arg13[%dma_wait3A_109, %dma_wait3A_110] : memref<8x64xi32, #tpu.memory_space<vmem>> -> memref<1x64xi32, #tpu.memory_space<vmem>>
    %dma_wait3A_112 = tpu.memref_squeeze %dma_wait3A_111 : memref<1x64xi32, #tpu.memory_space<vmem>> -> memref<64xi32, #tpu.memory_space<vmem>>
    %dma_wait3A_113 = arith.constant 0 : i32
    %dma_wait3A_114 = arith.constant 0 : i32
    %dma_wait3A_115 = tpu.memref_slice %arg2[%dma_wait3A_113, %dma_wait3A_114] : memref<16384x768xf32, #tpu.memory_space<hbm>> -> memref<16384x768xf32, #tpu.memory_space<hbm>>
    tpu.wait_indirect_dma semaphore(%arg19 : memref<!tpu.dma_semaphore, #tpu.memory_space<semaphore_mem>>) src(%dma_wait3A_115 : memref<16384x768xf32, #tpu.memory_space<hbm>>) dst(%arg16 : memref<64x768xf32, #tpu.memory_space<vmem>>)
    %dma_start3A_116 = arith.constant 2 : i32
    %dma_start3A_117 = arith.constant 0 : i32
    %dma_start3A_118 = tpu.memref_slice %arg12[%dma_start3A_116, %dma_start3A_117] : memref<8x64xi32, #tpu.memory_space<vmem>> -> memref<1x64xi32, #tpu.memory_space<vmem>>
    %dma_start3A_119 = tpu.memref_squeeze %dma_start3A_118 : memref<1x64xi32, #tpu.memory_space<vmem>> -> memref<64xi32, #tpu.memory_space<vmem>>
    %dma_start3A_120 = arith.constant 0 : i32
    %dma_start3A_121 = arith.constant 0 : i32
    %dma_start3A_122 = tpu.memref_slice %arg8[%dma_start3A_120, %dma_start3A_121] : memref<100000x768xf32, #tpu.memory_space<hbm>> -> memref<100000x768xf32, #tpu.memory_space<hbm>>
    tpu.enqueue_indirect_dma source(%arg16 : memref<64x768xf32, #tpu.memory_space<vmem>>) target(%dma_start3A_122 : memref<100000x768xf32, #tpu.memory_space<hbm>>) offsets(%dma_start3A_119 : memref<64xi32, #tpu.memory_space<vmem>>) semaphore(%arg21 : memref<!tpu.dma_semaphore, #tpu.memory_space<semaphore_mem>>)
    %dma_wait3A_123 = arith.constant 2 : i32
    %dma_wait3A_124 = arith.constant 0 : i32
    %dma_wait3A_125 = tpu.memref_slice %arg12[%dma_wait3A_123, %dma_wait3A_124] : memref<8x64xi32, #tpu.memory_space<vmem>> -> memref<1x64xi32, #tpu.memory_space<vmem>>
    %dma_wait3A_126 = tpu.memref_squeeze %dma_wait3A_125 : memref<1x64xi32, #tpu.memory_space<vmem>> -> memref<64xi32, #tpu.memory_space<vmem>>
    %dma_wait3A_127 = arith.constant 0 : i32
    %dma_wait3A_128 = arith.constant 0 : i32
    %dma_wait3A_129 = tpu.memref_slice %arg8[%dma_wait3A_127, %dma_wait3A_128] : memref<100000x768xf32, #tpu.memory_space<hbm>> -> memref<100000x768xf32, #tpu.memory_space<hbm>>
    tpu.wait_indirect_dma semaphore(%arg21 : memref<!tpu.dma_semaphore, #tpu.memory_space<semaphore_mem>>) src(%arg16 : memref<64x768xf32, #tpu.memory_space<vmem>>) dst(%dma_wait3A_129 : memref<100000x768xf32, #tpu.memory_space<hbm>>)
    %dma_start3A_130 = arith.constant 4 : i32
    %dma_start3A_131 = arith.constant 0 : i32
    %dma_start3A_132 = tpu.memref_slice %arg13[%dma_start3A_130, %dma_start3A_131] : memref<8x64xi32, #tpu.memory_space<vmem>> -> memref<1x64xi32, #tpu.memory_space<vmem>>
    %dma_start3A_133 = tpu.memref_squeeze %dma_start3A_132 : memref<1x64xi32, #tpu.memory_space<vmem>> -> memref<64xi32, #tpu.memory_space<vmem>>
    %dma_start3A_134 = arith.constant 0 : i32
    %dma_start3A_135 = arith.constant 0 : i32
    %dma_start3A_136 = tpu.memref_slice %arg2[%dma_start3A_134, %dma_start3A_135] : memref<16384x768xf32, #tpu.memory_space<hbm>> -> memref<16384x768xf32, #tpu.memory_space<hbm>>
    tpu.enqueue_indirect_dma source(%dma_start3A_136 : memref<16384x768xf32, #tpu.memory_space<hbm>>) target(%arg16 : memref<64x768xf32, #tpu.memory_space<vmem>>) offsets(%dma_start3A_133 : memref<64xi32, #tpu.memory_space<vmem>>) semaphore(%arg19 : memref<!tpu.dma_semaphore, #tpu.memory_space<semaphore_mem>>)
    %dma_wait3A_137 = arith.constant 3 : i32
    %dma_wait3A_138 = arith.constant 0 : i32
    %dma_wait3A_139 = tpu.memref_slice %arg13[%dma_wait3A_137, %dma_wait3A_138] : memref<8x64xi32, #tpu.memory_space<vmem>> -> memref<1x64xi32, #tpu.memory_space<vmem>>
    %dma_wait3A_140 = tpu.memref_squeeze %dma_wait3A_139 : memref<1x64xi32, #tpu.memory_space<vmem>> -> memref<64xi32, #tpu.memory_space<vmem>>
    %dma_wait3A_141 = arith.constant 0 : i32
    %dma_wait3A_142 = arith.constant 0 : i32
    %dma_wait3A_143 = tpu.memref_slice %arg2[%dma_wait3A_141, %dma_wait3A_142] : memref<16384x768xf32, #tpu.memory_space<hbm>> -> memref<16384x768xf32, #tpu.memory_space<hbm>>
    tpu.wait_indirect_dma semaphore(%arg20 : memref<!tpu.dma_semaphore, #tpu.memory_space<semaphore_mem>>) src(%dma_wait3A_143 : memref<16384x768xf32, #tpu.memory_space<hbm>>) dst(%arg17 : memref<64x768xf32, #tpu.memory_space<vmem>>)
    %dma_start3A_144 = arith.constant 3 : i32
    %dma_start3A_145 = arith.constant 0 : i32
    %dma_start3A_146 = tpu.memref_slice %arg12[%dma_start3A_144, %dma_start3A_145] : memref<8x64xi32, #tpu.memory_space<vmem>> -> memref<1x64xi32, #tpu.memory_space<vmem>>
    %dma_start3A_147 = tpu.memref_squeeze %dma_start3A_146 : memref<1x64xi32, #tpu.memory_space<vmem>> -> memref<64xi32, #tpu.memory_space<vmem>>
    %dma_start3A_148 = arith.constant 0 : i32
    %dma_start3A_149 = arith.constant 0 : i32
    %dma_start3A_150 = tpu.memref_slice %arg8[%dma_start3A_148, %dma_start3A_149] : memref<100000x768xf32, #tpu.memory_space<hbm>> -> memref<100000x768xf32, #tpu.memory_space<hbm>>
    tpu.enqueue_indirect_dma source(%arg17 : memref<64x768xf32, #tpu.memory_space<vmem>>) target(%dma_start3A_150 : memref<100000x768xf32, #tpu.memory_space<hbm>>) offsets(%dma_start3A_147 : memref<64xi32, #tpu.memory_space<vmem>>) semaphore(%arg22 : memref<!tpu.dma_semaphore, #tpu.memory_space<semaphore_mem>>)
    %dma_wait3A_151 = arith.constant 3 : i32
    %dma_wait3A_152 = arith.constant 0 : i32
    %dma_wait3A_153 = tpu.memref_slice %arg12[%dma_wait3A_151, %dma_wait3A_152] : memref<8x64xi32, #tpu.memory_space<vmem>> -> memref<1x64xi32, #tpu.memory_space<vmem>>
    %dma_wait3A_154 = tpu.memref_squeeze %dma_wait3A_153 : memref<1x64xi32, #tpu.memory_space<vmem>> -> memref<64xi32, #tpu.memory_space<vmem>>
    %dma_wait3A_155 = arith.constant 0 : i32
    %dma_wait3A_156 = arith.constant 0 : i32
    %dma_wait3A_157 = tpu.memref_slice %arg8[%dma_wait3A_155, %dma_wait3A_156] : memref<100000x768xf32, #tpu.memory_space<hbm>> -> memref<100000x768xf32, #tpu.memory_space<hbm>>
    tpu.wait_indirect_dma semaphore(%arg22 : memref<!tpu.dma_semaphore, #tpu.memory_space<semaphore_mem>>) src(%arg17 : memref<64x768xf32, #tpu.memory_space<vmem>>) dst(%dma_wait3A_157 : memref<100000x768xf32, #tpu.memory_space<hbm>>)
    %dma_start3A_158 = arith.constant 5 : i32
    %dma_start3A_159 = arith.constant 0 : i32
    %dma_start3A_160 = tpu.memref_slice %arg13[%dma_start3A_158, %dma_start3A_159] : memref<8x64xi32, #tpu.memory_space<vmem>> -> memref<1x64xi32, #tpu.memory_space<vmem>>
    %dma_start3A_161 = tpu.memref_squeeze %dma_start3A_160 : memref<1x64xi32, #tpu.memory_space<vmem>> -> memref<64xi32, #tpu.memory_space<vmem>>
    %dma_start3A_162 = arith.constant 0 : i32
    %dma_start3A_163 = arith.constant 0 : i32
    %dma_start3A_164 = tpu.memref_slice %arg2[%dma_start3A_162, %dma_start3A_163] : memref<16384x768xf32, #tpu.memory_space<hbm>> -> memref<16384x768xf32, #tpu.memory_space<hbm>>
    tpu.enqueue_indirect_dma source(%dma_start3A_164 : memref<16384x768xf32, #tpu.memory_space<hbm>>) target(%arg17 : memref<64x768xf32, #tpu.memory_space<vmem>>) offsets(%dma_start3A_161 : memref<64xi32, #tpu.memory_space<vmem>>) semaphore(%arg20 : memref<!tpu.dma_semaphore, #tpu.memory_space<semaphore_mem>>)
    %dma_wait3A_165 = arith.constant 4 : i32
    %dma_wait3A_166 = arith.constant 0 : i32
    %dma_wait3A_167 = tpu.memref_slice %arg13[%dma_wait3A_165, %dma_wait3A_166] : memref<8x64xi32, #tpu.memory_space<vmem>> -> memref<1x64xi32, #tpu.memory_space<vmem>>
    %dma_wait3A_168 = tpu.memref_squeeze %dma_wait3A_167 : memref<1x64xi32, #tpu.memory_space<vmem>> -> memref<64xi32, #tpu.memory_space<vmem>>
    %dma_wait3A_169 = arith.constant 0 : i32
    %dma_wait3A_170 = arith.constant 0 : i32
    %dma_wait3A_171 = tpu.memref_slice %arg2[%dma_wait3A_169, %dma_wait3A_170] : memref<16384x768xf32, #tpu.memory_space<hbm>> -> memref<16384x768xf32, #tpu.memory_space<hbm>>
    tpu.wait_indirect_dma semaphore(%arg19 : memref<!tpu.dma_semaphore, #tpu.memory_space<semaphore_mem>>) src(%dma_wait3A_171 : memref<16384x768xf32, #tpu.memory_space<hbm>>) dst(%arg16 : memref<64x768xf32, #tpu.memory_space<vmem>>)
    %dma_start3A_172 = arith.constant 4 : i32
    %dma_start3A_173 = arith.constant 0 : i32
    %dma_start3A_174 = tpu.memref_slice %arg12[%dma_start3A_172, %dma_start3A_173] : memref<8x64xi32, #tpu.memory_space<vmem>> -> memref<1x64xi32, #tpu.memory_space<vmem>>
    %dma_start3A_175 = tpu.memref_squeeze %dma_start3A_174 : memref<1x64xi32, #tpu.memory_space<vmem>> -> memref<64xi32, #tpu.memory_space<vmem>>
    %dma_start3A_176 = arith.constant 0 : i32
    %dma_start3A_177 = arith.constant 0 : i32
    %dma_start3A_178 = tpu.memref_slice %arg8[%dma_start3A_176, %dma_start3A_177] : memref<100000x768xf32, #tpu.memory_space<hbm>> -> memref<100000x768xf32, #tpu.memory_space<hbm>>
    tpu.enqueue_indirect_dma source(%arg16 : memref<64x768xf32, #tpu.memory_space<vmem>>) target(%dma_start3A_178 : memref<100000x768xf32, #tpu.memory_space<hbm>>) offsets(%dma_start3A_175 : memref<64xi32, #tpu.memory_space<vmem>>) semaphore(%arg21 : memref<!tpu.dma_semaphore, #tpu.memory_space<semaphore_mem>>)
    %dma_wait3A_179 = arith.constant 4 : i32
    %dma_wait3A_180 = arith.constant 0 : i32
    %dma_wait3A_181 = tpu.memref_slice %arg12[%dma_wait3A_179, %dma_wait3A_180] : memref<8x64xi32, #tpu.memory_space<vmem>> -> memref<1x64xi32, #tpu.memory_space<vmem>>
    %dma_wait3A_182 = tpu.memref_squeeze %dma_wait3A_181 : memref<1x64xi32, #tpu.memory_space<vmem>> -> memref<64xi32, #tpu.memory_space<vmem>>
    %dma_wait3A_183 = arith.constant 0 : i32
    %dma_wait3A_184 = arith.constant 0 : i32
    %dma_wait3A_185 = tpu.memref_slice %arg8[%dma_wait3A_183, %dma_wait3A_184] : memref<100000x768xf32, #tpu.memory_space<hbm>> -> memref<100000x768xf32, #tpu.memory_space<hbm>>
    tpu.wait_indirect_dma semaphore(%arg21 : memref<!tpu.dma_semaphore, #tpu.memory_space<semaphore_mem>>) src(%arg16 : memref<64x768xf32, #tpu.memory_space<vmem>>) dst(%dma_wait3A_185 : memref<100000x768xf32, #tpu.memory_space<hbm>>)
    %dma_start3A_186 = arith.constant 6 : i32
    %dma_start3A_187 = arith.constant 0 : i32
    %dma_start3A_188 = tpu.memref_slice %arg13[%dma_start3A_186, %dma_start3A_187] : memref<8x64xi32, #tpu.memory_space<vmem>> -> memref<1x64xi32, #tpu.memory_space<vmem>>
    %dma_start3A_189 = tpu.memref_squeeze %dma_start3A_188 : memref<1x64xi32, #tpu.memory_space<vmem>> -> memref<64xi32, #tpu.memory_space<vmem>>
    %dma_start3A_190 = arith.constant 0 : i32
    %dma_start3A_191 = arith.constant 0 : i32
    %dma_start3A_192 = tpu.memref_slice %arg2[%dma_start3A_190, %dma_start3A_191] : memref<16384x768xf32, #tpu.memory_space<hbm>> -> memref<16384x768xf32, #tpu.memory_space<hbm>>
    tpu.enqueue_indirect_dma source(%dma_start3A_192 : memref<16384x768xf32, #tpu.memory_space<hbm>>) target(%arg16 : memref<64x768xf32, #tpu.memory_space<vmem>>) offsets(%dma_start3A_189 : memref<64xi32, #tpu.memory_space<vmem>>) semaphore(%arg19 : memref<!tpu.dma_semaphore, #tpu.memory_space<semaphore_mem>>)
    %dma_wait3A_193 = arith.constant 5 : i32
    %dma_wait3A_194 = arith.constant 0 : i32
    %dma_wait3A_195 = tpu.memref_slice %arg13[%dma_wait3A_193, %dma_wait3A_194] : memref<8x64xi32, #tpu.memory_space<vmem>> -> memref<1x64xi32, #tpu.memory_space<vmem>>
    %dma_wait3A_196 = tpu.memref_squeeze %dma_wait3A_195 : memref<1x64xi32, #tpu.memory_space<vmem>> -> memref<64xi32, #tpu.memory_space<vmem>>
    %dma_wait3A_197 = arith.constant 0 : i32
    %dma_wait3A_198 = arith.constant 0 : i32
    %dma_wait3A_199 = tpu.memref_slice %arg2[%dma_wait3A_197, %dma_wait3A_198] : memref<16384x768xf32, #tpu.memory_space<hbm>> -> memref<16384x768xf32, #tpu.memory_space<hbm>>
    tpu.wait_indirect_dma semaphore(%arg20 : memref<!tpu.dma_semaphore, #tpu.memory_space<semaphore_mem>>) src(%dma_wait3A_199 : memref<16384x768xf32, #tpu.memory_space<hbm>>) dst(%arg17 : memref<64x768xf32, #tpu.memory_space<vmem>>)
    %dma_start3A_200 = arith.constant 5 : i32
    %dma_start3A_201 = arith.constant 0 : i32
    %dma_start3A_202 = tpu.memref_slice %arg12[%dma_start3A_200, %dma_start3A_201] : memref<8x64xi32, #tpu.memory_space<vmem>> -> memref<1x64xi32, #tpu.memory_space<vmem>>
    %dma_start3A_203 = tpu.memref_squeeze %dma_start3A_202 : memref<1x64xi32, #tpu.memory_space<vmem>> -> memref<64xi32, #tpu.memory_space<vmem>>
    %dma_start3A_204 = arith.constant 0 : i32
    %dma_start3A_205 = arith.constant 0 : i32
    %dma_start3A_206 = tpu.memref_slice %arg8[%dma_start3A_204, %dma_start3A_205] : memref<100000x768xf32, #tpu.memory_space<hbm>> -> memref<100000x768xf32, #tpu.memory_space<hbm>>
    tpu.enqueue_indirect_dma source(%arg17 : memref<64x768xf32, #tpu.memory_space<vmem>>) target(%dma_start3A_206 : memref<100000x768xf32, #tpu.memory_space<hbm>>) offsets(%dma_start3A_203 : memref<64xi32, #tpu.memory_space<vmem>>) semaphore(%arg22 : memref<!tpu.dma_semaphore, #tpu.memory_space<semaphore_mem>>)
    %dma_wait3A_207 = arith.constant 5 : i32
    %dma_wait3A_208 = arith.constant 0 : i32
    %dma_wait3A_209 = tpu.memref_slice %arg12[%dma_wait3A_207, %dma_wait3A_208] : memref<8x64xi32, #tpu.memory_space<vmem>> -> memref<1x64xi32, #tpu.memory_space<vmem>>
    %dma_wait3A_210 = tpu.memref_squeeze %dma_wait3A_209 : memref<1x64xi32, #tpu.memory_space<vmem>> -> memref<64xi32, #tpu.memory_space<vmem>>
    %dma_wait3A_211 = arith.constant 0 : i32
    %dma_wait3A_212 = arith.constant 0 : i32
    %dma_wait3A_213 = tpu.memref_slice %arg8[%dma_wait3A_211, %dma_wait3A_212] : memref<100000x768xf32, #tpu.memory_space<hbm>> -> memref<100000x768xf32, #tpu.memory_space<hbm>>
    tpu.wait_indirect_dma semaphore(%arg22 : memref<!tpu.dma_semaphore, #tpu.memory_space<semaphore_mem>>) src(%arg17 : memref<64x768xf32, #tpu.memory_space<vmem>>) dst(%dma_wait3A_213 : memref<100000x768xf32, #tpu.memory_space<hbm>>)
    %dma_start3A_214 = arith.constant 7 : i32
    %dma_start3A_215 = arith.constant 0 : i32
    %dma_start3A_216 = tpu.memref_slice %arg13[%dma_start3A_214, %dma_start3A_215] : memref<8x64xi32, #tpu.memory_space<vmem>> -> memref<1x64xi32, #tpu.memory_space<vmem>>
    %dma_start3A_217 = tpu.memref_squeeze %dma_start3A_216 : memref<1x64xi32, #tpu.memory_space<vmem>> -> memref<64xi32, #tpu.memory_space<vmem>>
    %dma_start3A_218 = arith.constant 0 : i32
    %dma_start3A_219 = arith.constant 0 : i32
    %dma_start3A_220 = tpu.memref_slice %arg2[%dma_start3A_218, %dma_start3A_219] : memref<16384x768xf32, #tpu.memory_space<hbm>> -> memref<16384x768xf32, #tpu.memory_space<hbm>>
    tpu.enqueue_indirect_dma source(%dma_start3A_220 : memref<16384x768xf32, #tpu.memory_space<hbm>>) target(%arg17 : memref<64x768xf32, #tpu.memory_space<vmem>>) offsets(%dma_start3A_217 : memref<64xi32, #tpu.memory_space<vmem>>) semaphore(%arg20 : memref<!tpu.dma_semaphore, #tpu.memory_space<semaphore_mem>>)
    %dma_wait3A_221 = arith.constant 6 : i32
    %dma_wait3A_222 = arith.constant 0 : i32
    %dma_wait3A_223 = tpu.memref_slice %arg13[%dma_wait3A_221, %dma_wait3A_222] : memref<8x64xi32, #tpu.memory_space<vmem>> -> memref<1x64xi32, #tpu.memory_space<vmem>>
    %dma_wait3A_224 = tpu.memref_squeeze %dma_wait3A_223 : memref<1x64xi32, #tpu.memory_space<vmem>> -> memref<64xi32, #tpu.memory_space<vmem>>
    %dma_wait3A_225 = arith.constant 0 : i32
    %dma_wait3A_226 = arith.constant 0 : i32
    %dma_wait3A_227 = tpu.memref_slice %arg2[%dma_wait3A_225, %dma_wait3A_226] : memref<16384x768xf32, #tpu.memory_space<hbm>> -> memref<16384x768xf32, #tpu.memory_space<hbm>>
    tpu.wait_indirect_dma semaphore(%arg19 : memref<!tpu.dma_semaphore, #tpu.memory_space<semaphore_mem>>) src(%dma_wait3A_227 : memref<16384x768xf32, #tpu.memory_space<hbm>>) dst(%arg16 : memref<64x768xf32, #tpu.memory_space<vmem>>)
    %dma_start3A_228 = arith.constant 6 : i32
    %dma_start3A_229 = arith.constant 0 : i32
    %dma_start3A_230 = tpu.memref_slice %arg12[%dma_start3A_228, %dma_start3A_229] : memref<8x64xi32, #tpu.memory_space<vmem>> -> memref<1x64xi32, #tpu.memory_space<vmem>>
    %dma_start3A_231 = tpu.memref_squeeze %dma_start3A_230 : memref<1x64xi32, #tpu.memory_space<vmem>> -> memref<64xi32, #tpu.memory_space<vmem>>
    %dma_start3A_232 = arith.constant 0 : i32
    %dma_start3A_233 = arith.constant 0 : i32
    %dma_start3A_234 = tpu.memref_slice %arg8[%dma_start3A_232, %dma_start3A_233] : memref<100000x768xf32, #tpu.memory_space<hbm>> -> memref<100000x768xf32, #tpu.memory_space<hbm>>
    tpu.enqueue_indirect_dma source(%arg16 : memref<64x768xf32, #tpu.memory_space<vmem>>) target(%dma_start3A_234 : memref<100000x768xf32, #tpu.memory_space<hbm>>) offsets(%dma_start3A_231 : memref<64xi32, #tpu.memory_space<vmem>>) semaphore(%arg21 : memref<!tpu.dma_semaphore, #tpu.memory_space<semaphore_mem>>)
    %dma_wait3A_235 = arith.constant 7 : i32
    %dma_wait3A_236 = arith.constant 0 : i32
    %dma_wait3A_237 = tpu.memref_slice %arg13[%dma_wait3A_235, %dma_wait3A_236] : memref<8x64xi32, #tpu.memory_space<vmem>> -> memref<1x64xi32, #tpu.memory_space<vmem>>
    %dma_wait3A_238 = tpu.memref_squeeze %dma_wait3A_237 : memref<1x64xi32, #tpu.memory_space<vmem>> -> memref<64xi32, #tpu.memory_space<vmem>>
    %dma_wait3A_239 = arith.constant 0 : i32
    %dma_wait3A_240 = arith.constant 0 : i32
    %dma_wait3A_241 = tpu.memref_slice %arg2[%dma_wait3A_239, %dma_wait3A_240] : memref<16384x768xf32, #tpu.memory_space<hbm>> -> memref<16384x768xf32, #tpu.memory_space<hbm>>
    tpu.wait_indirect_dma semaphore(%arg20 : memref<!tpu.dma_semaphore, #tpu.memory_space<semaphore_mem>>) src(%dma_wait3A_241 : memref<16384x768xf32, #tpu.memory_space<hbm>>) dst(%arg17 : memref<64x768xf32, #tpu.memory_space<vmem>>)
    %dma_start3A_242 = arith.constant 7 : i32
    %dma_start3A_243 = arith.constant 0 : i32
    %dma_start3A_244 = tpu.memref_slice %arg12[%dma_start3A_242, %dma_start3A_243] : memref<8x64xi32, #tpu.memory_space<vmem>> -> memref<1x64xi32, #tpu.memory_space<vmem>>
    %dma_start3A_245 = tpu.memref_squeeze %dma_start3A_244 : memref<1x64xi32, #tpu.memory_space<vmem>> -> memref<64xi32, #tpu.memory_space<vmem>>
    %dma_start3A_246 = arith.constant 0 : i32
    %dma_start3A_247 = arith.constant 0 : i32
    %dma_start3A_248 = tpu.memref_slice %arg8[%dma_start3A_246, %dma_start3A_247] : memref<100000x768xf32, #tpu.memory_space<hbm>> -> memref<100000x768xf32, #tpu.memory_space<hbm>>
    tpu.enqueue_indirect_dma source(%arg17 : memref<64x768xf32, #tpu.memory_space<vmem>>) target(%dma_start3A_248 : memref<100000x768xf32, #tpu.memory_space<hbm>>) offsets(%dma_start3A_245 : memref<64xi32, #tpu.memory_space<vmem>>) semaphore(%arg22 : memref<!tpu.dma_semaphore, #tpu.memory_space<semaphore_mem>>)
    %dma_wait3A_249 = arith.constant 0 : i32
    %dma_wait3A_250 = arith.constant 0 : i32
    %dma_wait3A_251 = arith.constant 0 : i32
    %dma_wait3A_252 = tpu.memref_slice %arg18[%dma_wait3A_250, %dma_wait3A_251] : memref<4x128xf32, #tpu.memory_space<vmem>> -> memref<1x128xf32, #tpu.memory_space<vmem>>
    %dma_wait3A_253 = tpu.memref_squeeze %dma_wait3A_252 : memref<1x128xf32, #tpu.memory_space<vmem>> -> memref<128xf32, #tpu.memory_space<vmem>>
    %dma_wait3A_254 = arith.constant 0 : i32
    %dma_wait3A_255 = tpu.memref_slice %arg15[%dma_wait3A_249, %dma_wait3A_254] : memref<4x128xi32, #tpu.memory_space<vmem>> -> memref<1x128xi32, #tpu.memory_space<vmem>>
    %dma_wait3A_256 = tpu.memref_squeeze %dma_wait3A_255 : memref<1x128xi32, #tpu.memory_space<vmem>> -> memref<128xi32, #tpu.memory_space<vmem>>
    %dma_wait3A_257 = arith.constant 0 : i32
    %dma_wait3A_258 = tpu.memref_slice %arg3[%dma_wait3A_257] : memref<16384xf32, #tpu.memory_space<hbm>> -> memref<16384xf32, #tpu.memory_space<hbm>>
    tpu.wait_indirect_dma semaphore(%arg23 : memref<!tpu.dma_semaphore, #tpu.memory_space<semaphore_mem>>) src(%dma_wait3A_258 : memref<16384xf32, #tpu.memory_space<hbm>>) dst(%dma_wait3A_253 : memref<128xf32, #tpu.memory_space<vmem>>)
    %dma_wait3A_259 = arith.constant 1 : i32
    %dma_wait3A_260 = arith.constant 1 : i32
    %dma_wait3A_261 = arith.constant 0 : i32
    %dma_wait3A_262 = tpu.memref_slice %arg18[%dma_wait3A_260, %dma_wait3A_261] : memref<4x128xf32, #tpu.memory_space<vmem>> -> memref<1x128xf32, #tpu.memory_space<vmem>>
    %dma_wait3A_263 = tpu.memref_squeeze %dma_wait3A_262 : memref<1x128xf32, #tpu.memory_space<vmem>> -> memref<128xf32, #tpu.memory_space<vmem>>
    %dma_wait3A_264 = arith.constant 0 : i32
    %dma_wait3A_265 = tpu.memref_slice %arg15[%dma_wait3A_259, %dma_wait3A_264] : memref<4x128xi32, #tpu.memory_space<vmem>> -> memref<1x128xi32, #tpu.memory_space<vmem>>
    %dma_wait3A_266 = tpu.memref_squeeze %dma_wait3A_265 : memref<1x128xi32, #tpu.memory_space<vmem>> -> memref<128xi32, #tpu.memory_space<vmem>>
    %dma_wait3A_267 = arith.constant 0 : i32
    %dma_wait3A_268 = tpu.memref_slice %arg3[%dma_wait3A_267] : memref<16384xf32, #tpu.memory_space<hbm>> -> memref<16384xf32, #tpu.memory_space<hbm>>
    tpu.wait_indirect_dma semaphore(%arg23 : memref<!tpu.dma_semaphore, #tpu.memory_space<semaphore_mem>>) src(%dma_wait3A_268 : memref<16384xf32, #tpu.memory_space<hbm>>) dst(%dma_wait3A_263 : memref<128xf32, #tpu.memory_space<vmem>>)
    %dma_wait3A_269 = arith.constant 2 : i32
    %dma_wait3A_270 = arith.constant 2 : i32
    %dma_wait3A_271 = arith.constant 0 : i32
    %dma_wait3A_272 = tpu.memref_slice %arg18[%dma_wait3A_270, %dma_wait3A_271] : memref<4x128xf32, #tpu.memory_space<vmem>> -> memref<1x128xf32, #tpu.memory_space<vmem>>
    %dma_wait3A_273 = tpu.memref_squeeze %dma_wait3A_272 : memref<1x128xf32, #tpu.memory_space<vmem>> -> memref<128xf32, #tpu.memory_space<vmem>>
    %dma_wait3A_274 = arith.constant 0 : i32
    %dma_wait3A_275 = tpu.memref_slice %arg15[%dma_wait3A_269, %dma_wait3A_274] : memref<4x128xi32, #tpu.memory_space<vmem>> -> memref<1x128xi32, #tpu.memory_space<vmem>>
    %dma_wait3A_276 = tpu.memref_squeeze %dma_wait3A_275 : memref<1x128xi32, #tpu.memory_space<vmem>> -> memref<128xi32, #tpu.memory_space<vmem>>
    %dma_wait3A_277 = arith.constant 0 : i32
    %dma_wait3A_278 = tpu.memref_slice %arg3[%dma_wait3A_277] : memref<16384xf32, #tpu.memory_space<hbm>> -> memref<16384xf32, #tpu.memory_space<hbm>>
    tpu.wait_indirect_dma semaphore(%arg23 : memref<!tpu.dma_semaphore, #tpu.memory_space<semaphore_mem>>) src(%dma_wait3A_278 : memref<16384xf32, #tpu.memory_space<hbm>>) dst(%dma_wait3A_273 : memref<128xf32, #tpu.memory_space<vmem>>)
    %dma_wait3A_279 = arith.constant 3 : i32
    %dma_wait3A_280 = arith.constant 3 : i32
    %dma_wait3A_281 = arith.constant 0 : i32
    %dma_wait3A_282 = tpu.memref_slice %arg18[%dma_wait3A_280, %dma_wait3A_281] : memref<4x128xf32, #tpu.memory_space<vmem>> -> memref<1x128xf32, #tpu.memory_space<vmem>>
    %dma_wait3A_283 = tpu.memref_squeeze %dma_wait3A_282 : memref<1x128xf32, #tpu.memory_space<vmem>> -> memref<128xf32, #tpu.memory_space<vmem>>
    %dma_wait3A_284 = arith.constant 0 : i32
    %dma_wait3A_285 = tpu.memref_slice %arg15[%dma_wait3A_279, %dma_wait3A_284] : memref<4x128xi32, #tpu.memory_space<vmem>> -> memref<1x128xi32, #tpu.memory_space<vmem>>
    %dma_wait3A_286 = tpu.memref_squeeze %dma_wait3A_285 : memref<1x128xi32, #tpu.memory_space<vmem>> -> memref<128xi32, #tpu.memory_space<vmem>>
    %dma_wait3A_287 = arith.constant 0 : i32
    %dma_wait3A_288 = tpu.memref_slice %arg3[%dma_wait3A_287] : memref<16384xf32, #tpu.memory_space<hbm>> -> memref<16384xf32, #tpu.memory_space<hbm>>
    tpu.wait_indirect_dma semaphore(%arg23 : memref<!tpu.dma_semaphore, #tpu.memory_space<semaphore_mem>>) src(%dma_wait3A_288 : memref<16384xf32, #tpu.memory_space<hbm>>) dst(%dma_wait3A_283 : memref<128xf32, #tpu.memory_space<vmem>>)
    %dma_start3A_289 = arith.constant 0 : i32
    %dma_start3A_290 = arith.constant 0 : i32
    %dma_start3A_291 = arith.constant 0 : i32
    %dma_start3A_292 = tpu.memref_slice %arg18[%dma_start3A_289, %dma_start3A_291] : memref<4x128xf32, #tpu.memory_space<vmem>> -> memref<1x128xf32, #tpu.memory_space<vmem>>
    %dma_start3A_293 = tpu.memref_squeeze %dma_start3A_292 : memref<1x128xf32, #tpu.memory_space<vmem>> -> memref<128xf32, #tpu.memory_space<vmem>>
    %dma_start3A_294 = arith.constant 0 : i32
    %dma_start3A_295 = tpu.memref_slice %arg14[%dma_start3A_290, %dma_start3A_294] : memref<4x128xi32, #tpu.memory_space<vmem>> -> memref<1x128xi32, #tpu.memory_space<vmem>>
    %dma_start3A_296 = tpu.memref_squeeze %dma_start3A_295 : memref<1x128xi32, #tpu.memory_space<vmem>> -> memref<128xi32, #tpu.memory_space<vmem>>
    %dma_start3A_297 = arith.constant 0 : i32
    %dma_start3A_298 = tpu.memref_slice %arg9[%dma_start3A_297] : memref<100000xf32, #tpu.memory_space<hbm>> -> memref<100000xf32, #tpu.memory_space<hbm>>
    tpu.enqueue_indirect_dma source(%dma_start3A_293 : memref<128xf32, #tpu.memory_space<vmem>>) target(%dma_start3A_298 : memref<100000xf32, #tpu.memory_space<hbm>>) offsets(%dma_start3A_296 : memref<128xi32, #tpu.memory_space<vmem>>) semaphore(%arg23 : memref<!tpu.dma_semaphore, #tpu.memory_space<semaphore_mem>>)
    %dma_start3A_299 = arith.constant 1 : i32
    %dma_start3A_300 = arith.constant 1 : i32
    %dma_start3A_301 = arith.constant 0 : i32
    %dma_start3A_302 = tpu.memref_slice %arg18[%dma_start3A_299, %dma_start3A_301] : memref<4x128xf32, #tpu.memory_space<vmem>> -> memref<1x128xf32, #tpu.memory_space<vmem>>
    %dma_start3A_303 = tpu.memref_squeeze %dma_start3A_302 : memref<1x128xf32, #tpu.memory_space<vmem>> -> memref<128xf32, #tpu.memory_space<vmem>>
    %dma_start3A_304 = arith.constant 0 : i32
    %dma_start3A_305 = tpu.memref_slice %arg14[%dma_start3A_300, %dma_start3A_304] : memref<4x128xi32, #tpu.memory_space<vmem>> -> memref<1x128xi32, #tpu.memory_space<vmem>>
    %dma_start3A_306 = tpu.memref_squeeze %dma_start3A_305 : memref<1x128xi32, #tpu.memory_space<vmem>> -> memref<128xi32, #tpu.memory_space<vmem>>
    %dma_start3A_307 = arith.constant 0 : i32
    %dma_start3A_308 = tpu.memref_slice %arg9[%dma_start3A_307] : memref<100000xf32, #tpu.memory_space<hbm>> -> memref<100000xf32, #tpu.memory_space<hbm>>
    tpu.enqueue_indirect_dma source(%dma_start3A_303 : memref<128xf32, #tpu.memory_space<vmem>>) target(%dma_start3A_308 : memref<100000xf32, #tpu.memory_space<hbm>>) offsets(%dma_start3A_306 : memref<128xi32, #tpu.memory_space<vmem>>) semaphore(%arg23 : memref<!tpu.dma_semaphore, #tpu.memory_space<semaphore_mem>>)
    %dma_start3A_309 = arith.constant 2 : i32
    %dma_start3A_310 = arith.constant 2 : i32
    %dma_start3A_311 = arith.constant 0 : i32
    %dma_start3A_312 = tpu.memref_slice %arg18[%dma_start3A_309, %dma_start3A_311] : memref<4x128xf32, #tpu.memory_space<vmem>> -> memref<1x128xf32, #tpu.memory_space<vmem>>
    %dma_start3A_313 = tpu.memref_squeeze %dma_start3A_312 : memref<1x128xf32, #tpu.memory_space<vmem>> -> memref<128xf32, #tpu.memory_space<vmem>>
    %dma_start3A_314 = arith.constant 0 : i32
    %dma_start3A_315 = tpu.memref_slice %arg14[%dma_start3A_310, %dma_start3A_314] : memref<4x128xi32, #tpu.memory_space<vmem>> -> memref<1x128xi32, #tpu.memory_space<vmem>>
    %dma_start3A_316 = tpu.memref_squeeze %dma_start3A_315 : memref<1x128xi32, #tpu.memory_space<vmem>> -> memref<128xi32, #tpu.memory_space<vmem>>
    %dma_start3A_317 = arith.constant 0 : i32
    %dma_start3A_318 = tpu.memref_slice %arg9[%dma_start3A_317] : memref<100000xf32, #tpu.memory_space<hbm>> -> memref<100000xf32, #tpu.memory_space<hbm>>
    tpu.enqueue_indirect_dma source(%dma_start3A_313 : memref<128xf32, #tpu.memory_space<vmem>>) target(%dma_start3A_318 : memref<100000xf32, #tpu.memory_space<hbm>>) offsets(%dma_start3A_316 : memref<128xi32, #tpu.memory_space<vmem>>) semaphore(%arg23 : memref<!tpu.dma_semaphore, #tpu.memory_space<semaphore_mem>>)
    %dma_start3A_319 = arith.constant 3 : i32
    %dma_start3A_320 = arith.constant 3 : i32
    %dma_start3A_321 = arith.constant 0 : i32
    %dma_start3A_322 = tpu.memref_slice %arg18[%dma_start3A_319, %dma_start3A_321] : memref<4x128xf32, #tpu.memory_space<vmem>> -> memref<1x128xf32, #tpu.memory_space<vmem>>
    %dma_start3A_323 = tpu.memref_squeeze %dma_start3A_322 : memref<1x128xf32, #tpu.memory_space<vmem>> -> memref<128xf32, #tpu.memory_space<vmem>>
    %dma_start3A_324 = arith.constant 0 : i32
    %dma_start3A_325 = tpu.memref_slice %arg14[%dma_start3A_320, %dma_start3A_324] : memref<4x128xi32, #tpu.memory_space<vmem>> -> memref<1x128xi32, #tpu.memory_space<vmem>>
    %dma_start3A_326 = tpu.memref_squeeze %dma_start3A_325 : memref<1x128xi32, #tpu.memory_space<vmem>> -> memref<128xi32, #tpu.memory_space<vmem>>
    %dma_start3A_327 = arith.constant 0 : i32
    %dma_start3A_328 = tpu.memref_slice %arg9[%dma_start3A_327] : memref<100000xf32, #tpu.memory_space<hbm>> -> memref<100000xf32, #tpu.memory_space<hbm>>
    tpu.enqueue_indirect_dma source(%dma_start3A_323 : memref<128xf32, #tpu.memory_space<vmem>>) target(%dma_start3A_328 : memref<100000xf32, #tpu.memory_space<hbm>>) offsets(%dma_start3A_326 : memref<128xi32, #tpu.memory_space<vmem>>) semaphore(%arg23 : memref<!tpu.dma_semaphore, #tpu.memory_space<semaphore_mem>>)
    %dma_wait3A_329 = arith.constant 0 : i32
    %dma_wait3A_330 = arith.constant 0 : i32
    %dma_wait3A_331 = arith.constant 0 : i32
    %dma_wait3A_332 = tpu.memref_slice %arg18[%dma_wait3A_329, %dma_wait3A_331] : memref<4x128xf32, #tpu.memory_space<vmem>> -> memref<1x128xf32, #tpu.memory_space<vmem>>
    %dma_wait3A_333 = tpu.memref_squeeze %dma_wait3A_332 : memref<1x128xf32, #tpu.memory_space<vmem>> -> memref<128xf32, #tpu.memory_space<vmem>>
    %dma_wait3A_334 = arith.constant 0 : i32
    %dma_wait3A_335 = tpu.memref_slice %arg14[%dma_wait3A_330, %dma_wait3A_334] : memref<4x128xi32, #tpu.memory_space<vmem>> -> memref<1x128xi32, #tpu.memory_space<vmem>>
    %dma_wait3A_336 = tpu.memref_squeeze %dma_wait3A_335 : memref<1x128xi32, #tpu.memory_space<vmem>> -> memref<128xi32, #tpu.memory_space<vmem>>
    %dma_wait3A_337 = arith.constant 0 : i32
    %dma_wait3A_338 = tpu.memref_slice %arg9[%dma_wait3A_337] : memref<100000xf32, #tpu.memory_space<hbm>> -> memref<100000xf32, #tpu.memory_space<hbm>>
    tpu.wait_indirect_dma semaphore(%arg23 : memref<!tpu.dma_semaphore, #tpu.memory_space<semaphore_mem>>) src(%dma_wait3A_333 : memref<128xf32, #tpu.memory_space<vmem>>) dst(%dma_wait3A_338 : memref<100000xf32, #tpu.memory_space<hbm>>)
    %dma_wait3A_339 = arith.constant 1 : i32
    %dma_wait3A_340 = arith.constant 1 : i32
    %dma_wait3A_341 = arith.constant 0 : i32
    %dma_wait3A_342 = tpu.memref_slice %arg18[%dma_wait3A_339, %dma_wait3A_341] : memref<4x128xf32, #tpu.memory_space<vmem>> -> memref<1x128xf32, #tpu.memory_space<vmem>>
    %dma_wait3A_343 = tpu.memref_squeeze %dma_wait3A_342 : memref<1x128xf32, #tpu.memory_space<vmem>> -> memref<128xf32, #tpu.memory_space<vmem>>
    %dma_wait3A_344 = arith.constant 0 : i32
    %dma_wait3A_345 = tpu.memref_slice %arg14[%dma_wait3A_340, %dma_wait3A_344] : memref<4x128xi32, #tpu.memory_space<vmem>> -> memref<1x128xi32, #tpu.memory_space<vmem>>
    %dma_wait3A_346 = tpu.memref_squeeze %dma_wait3A_345 : memref<1x128xi32, #tpu.memory_space<vmem>> -> memref<128xi32, #tpu.memory_space<vmem>>
    %dma_wait3A_347 = arith.constant 0 : i32
    %dma_wait3A_348 = tpu.memref_slice %arg9[%dma_wait3A_347] : memref<100000xf32, #tpu.memory_space<hbm>> -> memref<100000xf32, #tpu.memory_space<hbm>>
    tpu.wait_indirect_dma semaphore(%arg23 : memref<!tpu.dma_semaphore, #tpu.memory_space<semaphore_mem>>) src(%dma_wait3A_343 : memref<128xf32, #tpu.memory_space<vmem>>) dst(%dma_wait3A_348 : memref<100000xf32, #tpu.memory_space<hbm>>)
    %dma_wait3A_349 = arith.constant 2 : i32
    %dma_wait3A_350 = arith.constant 2 : i32
    %dma_wait3A_351 = arith.constant 0 : i32
    %dma_wait3A_352 = tpu.memref_slice %arg18[%dma_wait3A_349, %dma_wait3A_351] : memref<4x128xf32, #tpu.memory_space<vmem>> -> memref<1x128xf32, #tpu.memory_space<vmem>>
    %dma_wait3A_353 = tpu.memref_squeeze %dma_wait3A_352 : memref<1x128xf32, #tpu.memory_space<vmem>> -> memref<128xf32, #tpu.memory_space<vmem>>
    %dma_wait3A_354 = arith.constant 0 : i32
    %dma_wait3A_355 = tpu.memref_slice %arg14[%dma_wait3A_350, %dma_wait3A_354] : memref<4x128xi32, #tpu.memory_space<vmem>> -> memref<1x128xi32, #tpu.memory_space<vmem>>
    %dma_wait3A_356 = tpu.memref_squeeze %dma_wait3A_355 : memref<1x128xi32, #tpu.memory_space<vmem>> -> memref<128xi32, #tpu.memory_space<vmem>>
    %dma_wait3A_357 = arith.constant 0 : i32
    %dma_wait3A_358 = tpu.memref_slice %arg9[%dma_wait3A_357] : memref<100000xf32, #tpu.memory_space<hbm>> -> memref<100000xf32, #tpu.memory_space<hbm>>
    tpu.wait_indirect_dma semaphore(%arg23 : memref<!tpu.dma_semaphore, #tpu.memory_space<semaphore_mem>>) src(%dma_wait3A_353 : memref<128xf32, #tpu.memory_space<vmem>>) dst(%dma_wait3A_358 : memref<100000xf32, #tpu.memory_space<hbm>>)
    %dma_wait3A_359 = arith.constant 3 : i32
    %dma_wait3A_360 = arith.constant 3 : i32
    %dma_wait3A_361 = arith.constant 0 : i32
    %dma_wait3A_362 = tpu.memref_slice %arg18[%dma_wait3A_359, %dma_wait3A_361] : memref<4x128xf32, #tpu.memory_space<vmem>> -> memref<1x128xf32, #tpu.memory_space<vmem>>
    %dma_wait3A_363 = tpu.memref_squeeze %dma_wait3A_362 : memref<1x128xf32, #tpu.memory_space<vmem>> -> memref<128xf32, #tpu.memory_space<vmem>>
    %dma_wait3A_364 = arith.constant 0 : i32
    %dma_wait3A_365 = tpu.memref_slice %arg14[%dma_wait3A_360, %dma_wait3A_364] : memref<4x128xi32, #tpu.memory_space<vmem>> -> memref<1x128xi32, #tpu.memory_space<vmem>>
    %dma_wait3A_366 = tpu.memref_squeeze %dma_wait3A_365 : memref<1x128xi32, #tpu.memory_space<vmem>> -> memref<128xi32, #tpu.memory_space<vmem>>
    %dma_wait3A_367 = arith.constant 0 : i32
    %dma_wait3A_368 = tpu.memref_slice %arg9[%dma_wait3A_367] : memref<100000xf32, #tpu.memory_space<hbm>> -> memref<100000xf32, #tpu.memory_space<hbm>>
    tpu.wait_indirect_dma semaphore(%arg23 : memref<!tpu.dma_semaphore, #tpu.memory_space<semaphore_mem>>) src(%dma_wait3A_363 : memref<128xf32, #tpu.memory_space<vmem>>) dst(%dma_wait3A_368 : memref<100000xf32, #tpu.memory_space<hbm>>)
    %dma_wait3A_369 = arith.constant 7 : i32
    %dma_wait3A_370 = arith.constant 0 : i32
    %dma_wait3A_371 = tpu.memref_slice %arg12[%dma_wait3A_369, %dma_wait3A_370] : memref<8x64xi32, #tpu.memory_space<vmem>> -> memref<1x64xi32, #tpu.memory_space<vmem>>
    %dma_wait3A_372 = tpu.memref_squeeze %dma_wait3A_371 : memref<1x64xi32, #tpu.memory_space<vmem>> -> memref<64xi32, #tpu.memory_space<vmem>>
    %dma_wait3A_373 = arith.constant 0 : i32
    %dma_wait3A_374 = arith.constant 0 : i32
    %dma_wait3A_375 = tpu.memref_slice %arg8[%dma_wait3A_373, %dma_wait3A_374] : memref<100000x768xf32, #tpu.memory_space<hbm>> -> memref<100000x768xf32, #tpu.memory_space<hbm>>
    tpu.wait_indirect_dma semaphore(%arg22 : memref<!tpu.dma_semaphore, #tpu.memory_space<semaphore_mem>>) src(%arg17 : memref<64x768xf32, #tpu.memory_space<vmem>>) dst(%dma_wait3A_375 : memref<100000x768xf32, #tpu.memory_space<hbm>>)
    %dma_wait3A_376 = arith.constant 6 : i32
    %dma_wait3A_377 = arith.constant 0 : i32
    %dma_wait3A_378 = tpu.memref_slice %arg12[%dma_wait3A_376, %dma_wait3A_377] : memref<8x64xi32, #tpu.memory_space<vmem>> -> memref<1x64xi32, #tpu.memory_space<vmem>>
    %dma_wait3A_379 = tpu.memref_squeeze %dma_wait3A_378 : memref<1x64xi32, #tpu.memory_space<vmem>> -> memref<64xi32, #tpu.memory_space<vmem>>
    %dma_wait3A_380 = arith.constant 0 : i32
    %dma_wait3A_381 = arith.constant 0 : i32
    %dma_wait3A_382 = tpu.memref_slice %arg8[%dma_wait3A_380, %dma_wait3A_381] : memref<100000x768xf32, #tpu.memory_space<hbm>> -> memref<100000x768xf32, #tpu.memory_space<hbm>>
    tpu.wait_indirect_dma semaphore(%arg21 : memref<!tpu.dma_semaphore, #tpu.memory_space<semaphore_mem>>) src(%arg16 : memref<64x768xf32, #tpu.memory_space<vmem>>) dst(%dma_wait3A_382 : memref<100000x768xf32, #tpu.memory_space<hbm>>)
    return
  }
}

module attributes {stable_mosaic.version = 14 : i64} {
  func.func @body(%arg0: i32, %arg1: memref<1024x768xf32, #tpu.memory_space<vmem>>, %arg2: memref<1024x768xf32, #tpu.memory_space<vmem>>, %arg3: memref<1024x256xf32, #tpu.memory_space<vmem>>, %arg4: memref<768x256xbf16, #tpu.memory_space<vmem>>, %arg5: memref<768x256xbf16, #tpu.memory_space<vmem>>, %arg6: memref<256x256xbf16, #tpu.memory_space<vmem>>, %arg7: memref<256x256xbf16, #tpu.memory_space<vmem>>, %arg8: memref<256x2304xbf16, #tpu.memory_space<vmem>>, %arg9: memref<768x2304xbf16, #tpu.memory_space<vmem>>, %arg10: memref<1x256xf32, #tpu.memory_space<vmem>>, %arg11: memref<1x256xf32, #tpu.memory_space<vmem>>, %arg12: memref<1x2304xf32, #tpu.memory_space<vmem>>, %arg13: memref<1x2304xf32, #tpu.memory_space<vmem>>, %arg14: memref<1024x768xf32, #tpu.memory_space<vmem>>) attributes {dimension_semantics = [#tpu.dimension_semantics<arbitrary>], iteration_bounds = array<i64: 16>, scalar_prefetch = 0 : i64, scratch_operands = 0 : i64, tpu.core_type = #tpu.core_type<tc>, window_params = [{transform_indices = @transform_0, window_bounds = array<i64: 1024, 768>}, {transform_indices = @transform_1, window_bounds = array<i64: 1024, 768>}, {transform_indices = @transform_2, window_bounds = array<i64: 1024, 256>}, {pipeline_mode = #tpu.pipeline_mode<synchronous>, transform_indices = @transform_3, window_bounds = array<i64: 768, 256>}, {pipeline_mode = #tpu.pipeline_mode<synchronous>, transform_indices = @transform_4, window_bounds = array<i64: 768, 256>}, {pipeline_mode = #tpu.pipeline_mode<synchronous>, transform_indices = @transform_5, window_bounds = array<i64: 256, 256>}, {pipeline_mode = #tpu.pipeline_mode<synchronous>, transform_indices = @transform_6, window_bounds = array<i64: 256, 256>}, {pipeline_mode = #tpu.pipeline_mode<synchronous>, transform_indices = @transform_7, window_bounds = array<i64: 256, 2304>}, {pipeline_mode = #tpu.pipeline_mode<synchronous>, transform_indices = @transform_8, window_bounds = array<i64: 768, 2304>}, {pipeline_mode = #tpu.pipeline_mode<synchronous>, transform_indices = @transform_9, window_bounds = array<i64: 1, 256>}, {pipeline_mode = #tpu.pipeline_mode<synchronous>, transform_indices = @transform_10, window_bounds = array<i64: 1, 256>}, {pipeline_mode = #tpu.pipeline_mode<synchronous>, transform_indices = @transform_11, window_bounds = array<i64: 1, 2304>}, {pipeline_mode = #tpu.pipeline_mode<synchronous>, transform_indices = @transform_12, window_bounds = array<i64: 1, 2304>}, {transform_indices = @transform_13, window_bounds = array<i64: 1024, 768>}]} {
    %get3A = arith.constant 0 : index
    %get3A_0 = arith.constant 0 : index
    %get3A_1 = vector.load %arg1[%get3A, %get3A_0] : memref<1024x768xf32, #tpu.memory_space<vmem>>, vector<1024x768xf32>
    %convert_element_type3A = arith.truncf %get3A_1 : vector<1024x768xf32> to vector<1024x768xbf16>
    %get3A_2 = arith.constant 0 : index
    %get3A_3 = arith.constant 0 : index
    %get3A_4 = vector.load %arg4[%get3A_2, %get3A_3] : memref<768x256xbf16, #tpu.memory_space<vmem>>, vector<768x256xbf16>
    %dot_general3A = arith.constant dense<0.000000e+00> : vector<1024x256xf32>
    %dot_general3A_5 = tpu.matmul %convert_element_type3A, %get3A_4, %dot_general3A {dimension_numbers = #tpu.dot_dimension_numbers<[1], [0], [0], [1], [0, 0, 1, 1], [], []>, transpose_lhs_hint = false} : vector<1024x768xbf16>, vector<768x256xbf16>, vector<1024x256xf32> -> vector<1024x256xf32>
    %get3A_6 = arith.constant 0 : index
    %get3A_7 = arith.constant 0 : index
    %get3A_8 = vector.load %arg2[%get3A_6, %get3A_7] : memref<1024x768xf32, #tpu.memory_space<vmem>>, vector<1024x768xf32>
    %convert_element_type3A_9 = arith.truncf %get3A_8 : vector<1024x768xf32> to vector<1024x768xbf16>
    %get3A_10 = arith.constant 0 : index
    %get3A_11 = arith.constant 0 : index
    %get3A_12 = vector.load %arg5[%get3A_10, %get3A_11] : memref<768x256xbf16, #tpu.memory_space<vmem>>, vector<768x256xbf16>
    %dot_general3A_13 = arith.constant dense<0.000000e+00> : vector<1024x256xf32>
    %dot_general3A_14 = tpu.matmul %convert_element_type3A_9, %get3A_12, %dot_general3A_13 {dimension_numbers = #tpu.dot_dimension_numbers<[1], [0], [0], [1], [0, 0, 1, 1], [], []>, transpose_lhs_hint = false} : vector<1024x768xbf16>, vector<768x256xbf16>, vector<1024x256xf32> -> vector<1024x256xf32>
    %add3A = arith.addf %dot_general3A_5, %dot_general3A_14 : vector<1024x256xf32>
    %get3A_15 = arith.constant 0 : index
    %get3A_16 = arith.constant 0 : index
    %get3A_17 = vector.load %arg3[%get3A_15, %get3A_16] : memref<1024x256xf32, #tpu.memory_space<vmem>>, vector<1024x256xf32>
    %convert_element_type3A_18 = arith.truncf %get3A_17 : vector<1024x256xf32> to vector<1024x256xbf16>
    %get3A_19 = arith.constant 0 : index
    %get3A_20 = arith.constant 0 : index
    %get3A_21 = vector.load %arg6[%get3A_19, %get3A_20] : memref<256x256xbf16, #tpu.memory_space<vmem>>, vector<256x256xbf16>
    %dot_general3A_22 = arith.constant dense<0.000000e+00> : vector<1024x256xf32>
    %dot_general3A_23 = tpu.matmul %convert_element_type3A_18, %get3A_21, %dot_general3A_22 {dimension_numbers = #tpu.dot_dimension_numbers<[1], [0], [0], [1], [0, 0, 1, 1], [], []>, transpose_lhs_hint = false} : vector<1024x256xbf16>, vector<256x256xbf16>, vector<1024x256xf32> -> vector<1024x256xf32>
    %add3A_24 = arith.addf %add3A, %dot_general3A_23 : vector<1024x256xf32>
    %get3A_25 = arith.constant 0 : index
    %get3A_26 = arith.constant 0 : index
    %get3A_27 = vector.load %arg10[%get3A_25, %get3A_26] : memref<1x256xf32, #tpu.memory_space<vmem>>, vector<1x256xf32>
    %add3A_28 = vector.broadcast %get3A_27 : vector<1x256xf32> to vector<1024x256xf32>
    %add3A_29 = arith.addf %add3A_24, %add3A_28 : vector<1024x256xf32>
    %max3A = arith.constant 0.000000e+00 : f32
    %max3A_30 = vector.broadcast %max3A : f32 to vector<1024x256xf32>
    %max3A_31 = arith.maximumf %add3A_29, %max3A_30 : vector<1024x256xf32>
    %convert_element_type3A_32 = arith.truncf %max3A_31 : vector<1024x256xf32> to vector<1024x256xbf16>
    %get3A_33 = arith.constant 0 : index
    %get3A_34 = arith.constant 0 : index
    %get3A_35 = vector.load %arg7[%get3A_33, %get3A_34] : memref<256x256xbf16, #tpu.memory_space<vmem>>, vector<256x256xbf16>
    %dot_general3A_36 = arith.constant dense<0.000000e+00> : vector<1024x256xf32>
    %dot_general3A_37 = tpu.matmul %convert_element_type3A_32, %get3A_35, %dot_general3A_36 {dimension_numbers = #tpu.dot_dimension_numbers<[1], [0], [0], [1], [0, 0, 1, 1], [], []>, transpose_lhs_hint = false} : vector<1024x256xbf16>, vector<256x256xbf16>, vector<1024x256xf32> -> vector<1024x256xf32>
    %get3A_38 = arith.constant 0 : index
    %get3A_39 = arith.constant 0 : index
    %get3A_40 = vector.load %arg11[%get3A_38, %get3A_39] : memref<1x256xf32, #tpu.memory_space<vmem>>, vector<1x256xf32>
    %add3A_41 = vector.broadcast %get3A_40 : vector<1x256xf32> to vector<1024x256xf32>
    %add3A_42 = arith.addf %dot_general3A_37, %add3A_41 : vector<1024x256xf32>
    %convert_element_type3A_43 = arith.truncf %add3A_42 : vector<1024x256xf32> to vector<1024x256xbf16>
    %get3A_44 = arith.constant 0 : index
    %get3A_45 = arith.constant 0 : index
    %get3A_46 = vector.load %arg8[%get3A_44, %get3A_45] : memref<256x2304xbf16, #tpu.memory_space<vmem>>, vector<256x2304xbf16>
    %dot_general3A_47 = arith.constant dense<0.000000e+00> : vector<1024x2304xf32>
    %dot_general3A_48 = tpu.matmul %convert_element_type3A_43, %get3A_46, %dot_general3A_47 {dimension_numbers = #tpu.dot_dimension_numbers<[1], [0], [0], [1], [0, 0, 1, 1], [], []>, transpose_lhs_hint = false} : vector<1024x256xbf16>, vector<256x2304xbf16>, vector<1024x2304xf32> -> vector<1024x2304xf32>
    %get3A_49 = arith.constant 0 : index
    %get3A_50 = arith.constant 0 : index
    %get3A_51 = vector.load %arg12[%get3A_49, %get3A_50] : memref<1x2304xf32, #tpu.memory_space<vmem>>, vector<1x2304xf32>
    %add3A_52 = vector.broadcast %get3A_51 : vector<1x2304xf32> to vector<1024x2304xf32>
    %add3A_53 = arith.addf %dot_general3A_48, %add3A_52 : vector<1024x2304xf32>
    %get3A_54 = arith.constant 0 : index
    %get3A_55 = arith.constant 0 : index
    %get3A_56 = vector.load %arg9[%get3A_54, %get3A_55] : memref<768x2304xbf16, #tpu.memory_space<vmem>>, vector<768x2304xbf16>
    %dot_general3A_57 = arith.constant dense<0.000000e+00> : vector<1024x2304xf32>
    %dot_general3A_58 = tpu.matmul %convert_element_type3A, %get3A_56, %dot_general3A_57 {dimension_numbers = #tpu.dot_dimension_numbers<[1], [0], [0], [1], [0, 0, 1, 1], [], []>, transpose_lhs_hint = false} : vector<1024x768xbf16>, vector<768x2304xbf16>, vector<1024x2304xf32> -> vector<1024x2304xf32>
    %get3A_59 = arith.constant 0 : index
    %get3A_60 = arith.constant 0 : index
    %get3A_61 = vector.load %arg13[%get3A_59, %get3A_60] : memref<1x2304xf32, #tpu.memory_space<vmem>>, vector<1x2304xf32>
    %add3A_62 = vector.broadcast %get3A_61 : vector<1x2304xf32> to vector<1024x2304xf32>
    %add3A_63 = arith.addf %dot_general3A_58, %add3A_62 : vector<1024x2304xf32>
    %slice3A = vector.extract_strided_slice %add3A_53 {offsets = [0, 0], sizes = [1024, 768], strides = [1, 1]} : vector<1024x2304xf32> to vector<1024x768xf32>
    %slice3A_64 = vector.extract_strided_slice %add3A_63 {offsets = [0, 0], sizes = [1024, 768], strides = [1, 1]} : vector<1024x2304xf32> to vector<1024x768xf32>
    %add3A_65 = arith.addf %slice3A, %slice3A_64 : vector<1024x768xf32>
    %logistic3A = arith.negf %add3A_65 : vector<1024x768xf32>
    %logistic3A_66 = math.exp %logistic3A : vector<1024x768xf32>
    %logistic3A_67 = arith.constant 1.000000e+00 : f32
    %logistic3A_68 = vector.broadcast %logistic3A_67 : f32 to vector<1024x768xf32>
    %logistic3A_69 = arith.addf %logistic3A_68, %logistic3A_66 : vector<1024x768xf32>
    %logistic3A_70 = arith.divf %logistic3A_68, %logistic3A_69 : vector<1024x768xf32>
    %slice3A_71 = vector.extract_strided_slice %add3A_53 {offsets = [0, 768], sizes = [1024, 768], strides = [1, 1]} : vector<1024x2304xf32> to vector<1024x768xf32>
    %slice3A_72 = vector.extract_strided_slice %add3A_63 {offsets = [0, 768], sizes = [1024, 768], strides = [1, 1]} : vector<1024x2304xf32> to vector<1024x768xf32>
    %add3A_73 = arith.addf %slice3A_71, %slice3A_72 : vector<1024x768xf32>
    %logistic3A_74 = arith.negf %add3A_73 : vector<1024x768xf32>
    %logistic3A_75 = math.exp %logistic3A_74 : vector<1024x768xf32>
    %logistic3A_76 = arith.constant 1.000000e+00 : f32
    %logistic3A_77 = vector.broadcast %logistic3A_76 : f32 to vector<1024x768xf32>
    %logistic3A_78 = arith.addf %logistic3A_77, %logistic3A_75 : vector<1024x768xf32>
    %logistic3A_79 = arith.divf %logistic3A_77, %logistic3A_78 : vector<1024x768xf32>
    %slice3A_80 = vector.extract_strided_slice %add3A_53 {offsets = [0, 1536], sizes = [1024, 768], strides = [1, 1]} : vector<1024x2304xf32> to vector<1024x768xf32>
    %slice3A_81 = vector.extract_strided_slice %add3A_63 {offsets = [0, 1536], sizes = [1024, 768], strides = [1, 1]} : vector<1024x2304xf32> to vector<1024x768xf32>
    %mul3A = arith.mulf %logistic3A_70, %slice3A_81 : vector<1024x768xf32>
    %add3A_82 = arith.addf %slice3A_80, %mul3A : vector<1024x768xf32>
    %tanh3A = math.tanh %add3A_82 : vector<1024x768xf32>
    %sub3A = arith.constant 1.000000e+00 : f32
    %sub3A_83 = vector.broadcast %sub3A : f32 to vector<1024x768xf32>
    %sub3A_84 = arith.subf %sub3A_83, %logistic3A_79 : vector<1024x768xf32>
    %mul3A_85 = arith.mulf %sub3A_84, %tanh3A : vector<1024x768xf32>
    %mul3A_86 = arith.mulf %logistic3A_79, %get3A_1 : vector<1024x768xf32>
    %add3A_87 = arith.addf %mul3A_85, %mul3A_86 : vector<1024x768xf32>
    %swap3A = arith.constant 0 : index
    %swap3A_88 = arith.constant 0 : index
    %swap3A_89 = vector.load %arg14[%swap3A, %swap3A_88] : memref<1024x768xf32, #tpu.memory_space<vmem>>, vector<1024x768xf32>
    tpu.vector_store %arg14[%swap3A, %swap3A_88], %add3A_87 {strides = array<i32>} : memref<1024x768xf32, #tpu.memory_space<vmem>>, vector<1024x768xf32>,
    return
  }
  func.func @transform_0(%arg0: i32) -> (i32, i32) {
    %c0_i32 = arith.constant 0 : i32
    %c0_i32_0 = arith.constant 0 : i32
    return %arg0, %c0_i32 : i32, i32
  }
  func.func @transform_1(%arg0: i32) -> (i32, i32) {
    %c0_i32 = arith.constant 0 : i32
    %c0_i32_0 = arith.constant 0 : i32
    return %arg0, %c0_i32 : i32, i32
  }
  func.func @transform_2(%arg0: i32) -> (i32, i32) {
    %c0_i32 = arith.constant 0 : i32
    %c0_i32_0 = arith.constant 0 : i32
    return %arg0, %c0_i32 : i32, i32
  }
  func.func @transform_3(%arg0: i32) -> (i32, i32) {
    %c0_i32 = arith.constant 0 : i32
    %c0_i32_0 = arith.constant 0 : i32
    %c0_i32_1 = arith.constant 0 : i32
    return %c0_i32, %c0_i32_0 : i32, i32
  }
  func.func @transform_4(%arg0: i32) -> (i32, i32) {
    %c0_i32 = arith.constant 0 : i32
    %c0_i32_0 = arith.constant 0 : i32
    %c0_i32_1 = arith.constant 0 : i32
    return %c0_i32, %c0_i32_0 : i32, i32
  }
  func.func @transform_5(%arg0: i32) -> (i32, i32) {
    %c0_i32 = arith.constant 0 : i32
    %c0_i32_0 = arith.constant 0 : i32
    %c0_i32_1 = arith.constant 0 : i32
    return %c0_i32, %c0_i32_0 : i32, i32
  }
  func.func @transform_6(%arg0: i32) -> (i32, i32) {
    %c0_i32 = arith.constant 0 : i32
    %c0_i32_0 = arith.constant 0 : i32
    %c0_i32_1 = arith.constant 0 : i32
    return %c0_i32, %c0_i32_0 : i32, i32
  }
  func.func @transform_7(%arg0: i32) -> (i32, i32) {
    %c0_i32 = arith.constant 0 : i32
    %c0_i32_0 = arith.constant 0 : i32
    %c0_i32_1 = arith.constant 0 : i32
    return %c0_i32, %c0_i32_0 : i32, i32
  }
  func.func @transform_8(%arg0: i32) -> (i32, i32) {
    %c0_i32 = arith.constant 0 : i32
    %c0_i32_0 = arith.constant 0 : i32
    %c0_i32_1 = arith.constant 0 : i32
    return %c0_i32, %c0_i32_0 : i32, i32
  }
  func.func @transform_9(%arg0: i32) -> (i32, i32) {
    %c0_i32 = arith.constant 0 : i32
    %c0_i32_0 = arith.constant 0 : i32
    %c0_i32_1 = arith.constant 0 : i32
    return %c0_i32, %c0_i32_0 : i32, i32
  }
  func.func @transform_10(%arg0: i32) -> (i32, i32) {
    %c0_i32 = arith.constant 0 : i32
    %c0_i32_0 = arith.constant 0 : i32
    %c0_i32_1 = arith.constant 0 : i32
    return %c0_i32, %c0_i32_0 : i32, i32
  }
  func.func @transform_11(%arg0: i32) -> (i32, i32) {
    %c0_i32 = arith.constant 0 : i32
    %c0_i32_0 = arith.constant 0 : i32
    %c0_i32_1 = arith.constant 0 : i32
    return %c0_i32, %c0_i32_0 : i32, i32
  }
  func.func @transform_12(%arg0: i32) -> (i32, i32) {
    %c0_i32 = arith.constant 0 : i32
    %c0_i32_0 = arith.constant 0 : i32
    %c0_i32_1 = arith.constant 0 : i32
    return %c0_i32, %c0_i32_0 : i32, i32
  }
  func.func @transform_13(%arg0: i32) -> (i32, i32) {
    %c0_i32 = arith.constant 0 : i32
    %c0_i32_0 = arith.constant 0 : i32
    return %arg0, %c0_i32 : i32, i32
  }
}

</mosaic_0001>

<sc_bundles>
// kernel: gather_offload_async_start
scs
__scs_entry_jumppad:
0x0: {  	(pc) =	sbr.rel $0x88, $3  }
0x1: {  	(tag) =	ssettag $0x0;
	lr =	simm.s32 $0x1  }
0x2: {  	[smem:$0x3F93] =	sst lr;
	_ =	strace $0xD0000000  }
0x3: {  	_ = 	snop  }
0x4: {  	_ = 	snop  }
0x5: {  	_ = 	snop  }
0x6: {  	_ = 	snop  }
0x7: {  	_ = 	snop  }
__scs_overlays_trampoline_lowered:
0x8: {  	[smem:$0x3FA2] =	sst s0  }
0x9: {  	[smem:$0x3FA3] =	sst s1  }
0xa: {  	[smem:$0x3FA4] =	sst s2  }
0xb: {  	[smem:$0x3FA5] =	sst s3  }
0xc: {  	[smem:$0x3FA6] =	sst s4  }
0xd: {  	[smem:$0x3FA7] =	sst s5  }
0xe: {  	[smem:$0x3FA8] =	sst s6  }
0xf: {  	[smem:$0x3FA9] =	sst s7  }
0x10: {  	[smem:$0x3FAA] =	sst s8  }
0x11: {  	[smem:$0x3FAB] =	sst s9;
	s0 =	simm.s32 @!p0 $0x0  }
0x12: {  	s1 =	sld [smem:$0x3F91];
	s0 =	simm.s32 @p0 $0x1  }
0x13: {  	[smem:$0x3FAC] =	sst s0;
	s0 =	simm.s32 @!p1 $0x0  }
0x14: {  	s2 =	sld [smem:$0x3F90];
	s0 =	simm.s32 @p1 $0x1  }
0x15: {  	[smem:$0x3FAD] =	sst s0;
	s0 =	simm.s32 @!p2 $0x0  }
0x16: {  	s3 =	sld [smem:$0x3FDB];
	s0 =	simm.s32 @p2 $0x1  }
0x17: {  	s4 =	simm.s32 $0x1BF5;
	[smem:$0x3FAF] =	sst s0  }
0x18: {  	s0 =	sld [smem:$0x3F92];
	_ =	swait.ge [sflag:s4], $0x0  }
0x19: {  	s7 =	sld [smem:$0x3F93]  }
0x1a: {  	s8 =	sadd.s32 $0xFFFFE003, lr  }
0x1b: {  	s9 =	sadd.s32 $0xFFFFFEF7, lr;
	s5 =	simm.s32 $0xFFFFFFFF;
	p2 =	slt.u32 s8, $0xFFFFF086  }
0x1c: {  	p1 =	slt.u32 s9, $0xF7A;
	s5 =	simm.s32 @!p2 $0x0  }
0x1d: {  	s5 =	simm.s32 @p1 $0x1;
	p0 =	seq.s32 s7, s2  }
0x1e: {  	s7 =	smul.u32 @!p0 $0xF7A, s2;
	p2 =	seq.s32 @!p0 s5, $0x0  }
0x1f: {  	s9 =	smul.u32 $0xF7A, s1;
	s8 =	simm.s32 @!p0 $0x1BF5;
	p2 =	por !p2, p0  }
0x20: {  	[sflag:s8] =	ssyncset.s32 @!p0 $0xFFFFF086;
	s6 =	sadd.s32 @!p0 s3, s7;
	s7 =	simm.s32 @!p0 $0x108  }
0x21: {  	s3 =	sadd.s32 s3, s9;
	s6 =	sadd.s32 @!p0 $0x88, s6;
	s7 =	simm.s32 @p2 $0x1082  }
0x22: {  	[simem:s7], [sflag:s8] =	dma.local @!p0 [hbm:s6], $0xF7A  }
0x23: {  	s9 =	sor.u32 $0xD0000000, s2;
	s6 =	simm.s32 $0x108;
	_ =	swait.ge @!p0 [sflag:s8], $0x0  }
0x24: {  	s3 =	sadd.s32 $0x88, s3;
	s6 =	simm.s32 @!p1 $0x1082;
	[sflag:s4] =	ssyncset.s32 $0xFFFFF086  }
0x25: {  	[simem:s6], [sflag:s4] =	dma.local [hbm:s3], $0xF7A  }
0x26: {  	[smem:$0x3F93] =	sst s1;
	(tag) =	ssettag s2;
	_ =	strace s9  }
0x27: {  	s1 =	sld [smem:$0x3FA3]  }
0x28: {  	s2 =	sld [smem:$0x3FA4]  }
0x29: {  	s4 =	sld [smem:$0x3FA6]  }
0x2a: {  	p0 =	seq.s32 s5, $0x0;
	s5 =	sld [smem:$0x3FA7]  }
0x2b: {  	s6 =	sld [smem:$0x3FA8]  }
0x2c: {  	s7 =	sld [smem:$0x3FA9]  }
0x2d: {  	s3 =	simm.s32 $0x108;
	s8 =	sld [smem:$0x3FAA]  }
0x2e: {  	s3 =	simm.s32 @!p0 $0x1082;
	s9 =	sld [smem:$0x3FAB]  }
0x2f: {  	lr =	sadd.s32 s0, s3;
	s0 =	sld [smem:$0x3FA2]  }
0x30: {  	s3 =	sld [smem:$0x3FA5]  }
0x31: {  	[smem:$0x3FAE] =	sst s10  }
0x32: {  	s10 =	sld [smem:$0x3FAC];
	_ =	sdelay $0x3  }
0x33: {  	p0 =	seq.s32 s10, $0x1;
	s10 =	sld [smem:$0x3FAE];
	_ =	sdelay $0x3  }
0x34: {  	[smem:$0x3FAE] =	sst s10  }
0x35: {  	s10 =	sld [smem:$0x3FAD];
	_ =	sdelay $0x3  }
0x36: {  	p1 =	seq.s32 s10, $0x1;
	s10 =	sld [smem:$0x3FAE];
	_ =	sdelay $0x3  }
0x37: {  	[smem:$0x3FAE] =	sst s10  }
0x38: {  	s10 =	sld [smem:$0x3FAF]  }
0x39: {  	_ = 	snop;
	(pc) =	sbr.ind lr, $3  }
0x3a: {  	_ = 	snop  }
0x3b: {  	_ = 	snop  }
0x3c: {  	p2 =	seq.s32 s10, $0x1;
	s10 =	sld [smem:$0x3FAE]  }
0x3d: {  	_ =	shalt  }
0x3e: {  	_ =	shalt  }
0x3f: {  	_ =	shalt  }
0x40: {  	_ =	shalt  }
0x41: {  	_ =	shalt  }
0x42: {  	_ =	shalt  }
0x43: {  	_ =	shalt  }
0x44: {  	_ =	shalt  }
0x45: {  	_ =	shalt  }
0x46: {  	_ =	shalt  }
0x47: {  	_ =	shalt  }
0x48: {  	_ =	shalt  }
0x49: {  	_ =	shalt  }
0x4a: {  	_ =	shalt  }
0x4b: {  	_ =	shalt  }
0x4c: {  	_ =	shalt  }
0x4d: {  	_ =	shalt  }
0x4e: {  	_ =	shalt  }
0x4f: {  	_ =	shalt  }
0x50: {  	_ =	shalt  }
0x51: {  	_ =	shalt  }
0x52: {  	_ =	shalt  }
0x53: {  	_ =	shalt  }
0x54: {  	_ =	shalt  }
0x55: {  	_ =	shalt  }
0x56: {  	_ =	shalt  }
0x57: {  	_ =	shalt  }
0x58: {  	_ =	shalt  }
0x59: {  	_ =	shalt  }
0x5a: {  	_ =	shalt  }
0x5b: {  	_ =	shalt  }
0x5c: {  	_ =	shalt  }
0x5d: {  	_ =	shalt  }
0x5e: {  	_ =	shalt  }
0x5f: {  	_ =	shalt  }
0x60: {  	_ =	shalt  }
0x61: {  	_ =	shalt  }
0x62: {  	_ =	shalt  }
0x63: {  	_ =	shalt  }
0x64: {  	_ =	shalt  }
0x65: {  	_ =	shalt  }
0x66: {  	_ =	shalt  }
0x67: {  	_ =	shalt  }
0x68: {  	_ =	shalt  }
0x69: {  	_ =	shalt  }
0x6a: {  	_ =	shalt  }
0x6b: {  	_ =	shalt  }
0x6c: {  	_ =	shalt  }
0x6d: {  	_ =	shalt  }
0x6e: {  	_ =	shalt  }
0x6f: {  	_ =	shalt  }
0x70: {  	_ =	shalt  }
0x71: {  	_ =	shalt  }
0x72: {  	_ =	shalt  }
0x73: {  	_ =	shalt  }
0x74: {  	_ =	shalt  }
0x75: {  	_ =	shalt  }
0x76: {  	_ =	shalt  }
0x77: {  	_ =	shalt  }
0x78: {  	_ =	shalt  }
0x79: {  	_ =	shalt  }
0x7a: {  	_ =	shalt  }
0x7b: {  	_ =	shalt  }
0x7c: {  	_ =	shalt  }
0x7d: {  	_ =	shalt  }
0x7e: {  	_ =	shalt  }
0x7f: {  	_ =	shalt  }
0x80: {  	_ =	shalt  }
0x81: {  	_ =	shalt  }
0x82: {  	_ =	shalt  }
0x83: {  	_ =	shalt  }
0x84: {  	_ =	shalt  }
0x85: {  	_ =	shalt  }
0x86: {  	_ =	shalt  }
0x87: {  	_ =	shalt  }
.Lfunc_end0:
.L_simem_size_0:
called_computation_lowered:
.L_overlay_start_0:
0x88: {  	s2 =	sld [smem:$0x3FD9]  }
0x89: {  	s3 =	sld [smem:$0x3FFE];
	_ =	sdelay $0x1  }
0x8a: {  	s1 =	srdreg.scid  }
0x8b: {  	s0 =	sand.u32 $0x1, s1  }
0x8c: {  	s14 =	sshll.u32 s0, $0xA;
	s2 =	sadd.s32 s3, s2  }
0x8d: {  	s2 =	sadd.s32 s2, s14  }
0x8e: {  	[smem:$0x3FBA] =	sst s2  }
0x8f: {  	_ = 	snop  }
0x90: {  	s2 =	sld [smem:$0x3FD0];
	_ =	sdelay $0x2  }
0x91: {  	s15 =	simm.s32 $0xB;
	s4 =	simm.s32 $0x10  }
0x92: {  	[smem:s4], [sflag:s15] =	dma.local [hbm:s2], $0x1  }
0x93: {  	_ =	swait.eq [sflag:s15], $0x1  }
0x94: {  	[sflag:s15] =	ssyncset.done $0x0  }
0x95: {  	[sflag:s15] =	ssyncadd.s32 $0xFFFFFFFF  }
0x96: {  	s16 =	sld [smem:$0x10];
	(tm) =	ssettm $0x1  }
0x97: {  	s17 =	sld [smem:$0x3FFB];
	_ =	sdelay $0x3  }
0x98: {  	_ =	strace s17  }
0x99: {  	s3 =	sld [smem:$0x3FFC];
	_ =	sdelay $0x3  }
0x9a: {  	_ =	strace s3  }
0x9b: {  	s3 =	sld [smem:$0x3FFD];
	_ =	sdelay $0x3  }
0x9c: {  	_ =	strace s3  }
0x9d: {  	_ =	strace $0x8FFFFFFF  }
0x9e: {  	s18 =	sld [smem:$0x3FDB];
	_ =	sdelay $0x1  }
0x9f: {  	s19 =	simm.s32 $_scs_section_size  }
0xa0: {  	s5 =	simm.s32 $_size__tile_overlayer_lowered;
	s6 =	simm.s32 $_tile_overlayer_lowered  }
0xa1: {  	s22 =	simm.s32 $0x1BFF;
	s21 =	sshll.u32 s6, $0x1;
	s3 =	sadd.s32 s19, s18  }
0xa2: {  	s7 =	simm.s32 $0x0;
	s20 =	sshll.u32 s5, $0x1;
	s5 =	sadd.s32 s21, s3  }
0xa3: {  	[timem:s7], [sflag:s22] =	dma.local [hbm:s5], s20  }
0xa4: {  	_ =	swait.ge [sflag:s22], s20  }
0xa5: {  	s4 =	ssub.s32 $0x0, s20;
	[sflag:s22] =	ssyncset.done $0x0  }
0xa6: {  	[sflag:s22] =	ssyncadd.s32 s4;
	_ =	sdelay $0x1  }
0xa7: {  	s23 =	simm.s32 $0x1B8B  }
0xa8: {  	_ =	swait.ge [sflag:s23], $0x1  }
0xa9: {  	[sflag:s23] =	ssyncset.done $0x0  }
0xaa: {  	s25 =	simm.s32 $0x1B8E;
	s24 =	sld [smem:$0x3FFE];
	[sflag:s23] =	ssyncadd.s32 $0xFFFFFFFF  }
0xab: {  	s26 =	simm.s32 $execute0_lowered;
	[smem:$0x3FD2] =	sst s25  }
0xac: {  	s5 =	sshll.u32 s26, $0x1;
	_ =	strace $0x80000046;
	[dreg:$0x1] =	wrdreg $0xFFFFFFFF  }
0xad: {  	s28 =	simm.s32 $_size_execute0_lowered;
	s3 =	sadd.s32 s3, s5;
	[dreg:$0x0] =	wrdreg $0x0  }
0xae: {  	s5 =	sshll.u32 s28, $0x1;
	[dreg:$0x2] =	wrdreg s3  }
0xaf: {  	[dreg:$0x3] =	wrdreg s5  }
0xb0: {  	[dreg:$0x4] =	wrdreg $0xC0  }
0xb1: {  	_ =	task [dreg:s7], $0x5FFFF  }
0xb2: {  	[dreg:$0x1] =	wrdreg $0xFFFFFFFF  }
0xb3: {  	[dreg:$0x0] =	wrdreg $0x60  }
0xb4: {  	[dreg:$0x2] =	wrdreg s16  }
0xb5: {  	[dreg:$0x3] =	wrdreg s24  }
0xb6: {  	[dreg:$0x4] =	wrdreg $0x9  }
0xb7: {  	_ =	task.clear_ibuf [dreg:s7], $0x5FFFF;
	_ =	strace $0x90000046  }
0xb8: {  	s29 =	simm.s32 $0x9;
	_ =	strace $0x80000048  }
0xb9: {  	_ =	swait.ge [sflag:s29], $0x1  }
0xba: {  	[sflag:s29] =	ssyncadd.s32 $0xFFFFFFFF  }
0xbb: {  	_ =	strace $0x90000048  }
0xbc: {  	_ =	sfence  }
0xbd: {  	s30 =	sld [smem:$0x0];
	_ =	sdelay $0x2  }
0xbe: {  	s31 =	sshll.u32 s1, $0xD;
	s1 =	sshrl.u32 s1, $0x2  }
0xbf: {  	s3 =	sand.u32 $0x4000, s31;
	s1 =	sadd.s32 s1, s30  }
0xc0: {  	s0 =	sor.u32 s3, s0;
	s1 =	sshll.u32 s1, $0x11  }
0xc1: {  	s0 =	sor.u32 s1, s0  }
0xc2: {  	s0 =	sadd.s32 $0x8F2B, s0  }
0xc3: {  	[sflag:s0] =	ssyncadd.remote.s32 $0x1  }
0xc4: {  	_ =	sfence.sel $0xFFFF  }
0xc5: {  	[dreg:$0x0] =	wrdreg $0xFFFFFFFF;
	(pc) =	sbr.abs _section_cstart, $3  }
0xc6: {  	[dreg:$0x1] =	wrdreg $0xFFFFFFFF  }
0xc7: {  	_ =	task.clear_ibuf [dreg:s7], $0x2FFFF;
	_ =	strace $0x9FFFFFFF  }
0xc8: {  	(tm) =	ssettm $0x7FFFFFFF  }
0xc9: {  	_ =	shalt  }
tec
execute0_lowered:
.L_overlay_start_1:
0x0: {  	(tag) =	ssettag $0x1  }
0x1: {  	s1 =	srdreg.scid;
	s2 =	rddreg [dreg:$0x0]  }
0x2: {  	s0 =	stileid.u32;
	s5 =	rddreg [dreg:$0x1];
	s6 =	simm.s32 $0x1  }
0x3: {  	s9 =	simm.s32 $0x1;
	s10 =	simm.s32 $0x3;
	s1 =	sshll.u32 s1, $0x8  }
0x4: {  	s13 =	simm.s32 $0x0;
	s3 =	sshll.u32 s0, $0x9;
	s4 =	sand.u32 $0x100, s1  }
0x5: {  	s12 =	simm.s32 $0x0;
	s1 =	rddreg [dreg:$0x2];
	s3 =	sor.u32 s3, s4  }
0x6: {  	_ =	strace $0x80000047;
	s4 =	sadd.s32 $0x3800, s5;
	s8 =	ssub.s32 $0x4000, s3  }
.Ltmp0:
0x7: {  	s5 =	sadd.s32 $0x4000, s5;
	s7 =	sand.u32 $0x1F00, s8;
	(pc) =	sbr.rel .LBB2_1-.Ltmp0, $4  }
0x8: {  	[sflag:s6] =	ssyncpa.u1 $0x0;
	s11 =	smov.u32 s3;
	p0 =	sne.s32 s7, $0x0  }
0x9: {  	s8 =	sshrl.u32 s8, $0xD;
	s7 =	simm.s32 $0x2;
	s9 =	simm.s32 @!p0 $0x0  }
0xa: {  	[sflag:s7] =	ssyncpa.u1 $0x0;
	p0 =	por $0x0, $0x0;
	s8 =	sadd.s32 s9, s8  }
0xb: {  	vm0 =	vmmov $0xffff;
	[sflag:s10] =	ssyncpa.u1 $0x0;
	s10 =	simm.s32 $0x0;
	s9 =	sadd.s32 $0x1, s8  }
.LBB2_4:
0xc: {  	v2 =	vnsel vm1, $0x0, v2  }
0xd: {  	vm1 =	vgt.s32 v0, $0x0;
	v2 =	vmin.u32 v2, $0x1869F  }
0xe: {  	v0 =	vnsel vm1, $0x0, v0  }
0xf: {  	v0 =	vmin.u32 v0, $0x1869F  }
0x10: {  	[tilespmem:s15], [sflag:$0x1] =	stream.indirect_vreg.gather [hbm4b:s2+s10], $0x1, v1, vm0, $0x4038;
	[tilespmem:$0x400] =	vst v63  }
0x11: {  	(ifvalue) =	ssetifvalue $0x7FFFFFFF  }
0x12: {  	[tilespmem:s16], [sflag:$0x1] =	stream.indirect_vreg.gather [hbm4b:s2+s10], $0x1, v2, vm0, $0x4038;
	[tilespmem:$0x400] =	vst v63  }
0x13: {  	s29 =	sadd.s32 $0x10, s16;
	(ifvalue) =	ssetifvalue $0x7FFFFFFF  }
0x14: {  	[tilespmem:s29], [sflag:$0x1] =	stream.indirect_vreg.gather [hbm4b:s2+s10], $0x1, v0, vm0, $0x4038;
	[tilespmem:$0x400] =	vst v63  }
0x15: {  	_ =	swait.ge [sflag:s6], $0x100  }
0x16: {  	s30 =	sshrl.u32 s13, $0x3;
	[sflag:s6] =	ssyncset.done $0x0  }
0x17: {  	s31 =	sand.u32 $0x7, s13;
	s15 =	sadd.s32 s5, s30;
	[sflag:s6] =	ssyncadd.s32 $0xFFFFFF00  }
0x18: {  	[hbm4b:s15+s31] =	stream.linear.scatter [tilespmem:s14], [sflag:$0x3], $0x100, $0x38;
	[tilespmem:$0x400] =	vst v63  }
.LBB2_5:
0x19: {  	s15 =	sadd.s32 $0x2000, s11  }
0x1a: {  	p2 =	sgt.s32 s15, $0x3FFF  }
0x1b: {  	s15 =	smov.u32 @p2 s3;
	p2 =	sne.s32 s12, s9  }
.Ltmp1:
0x1c: {  	p1 =	slt.u32 s12, $0x2;
	(pc) =	sbr.rel @!p2 .LBB2_6-.Ltmp1, $4  }
0x1d: {  	s14 =	simm.s32 @!p1 $0x3  }
0x1e: {  	s16 =	sadd.s32 $0x1, s12;
	_ =	swait.ge @!p1 [sflag:s14], $0x100  }
0x1f: {  	s13 =	smov.u32 s11;
	p0 =	por !p0, !p0;
	[sflag:s14] =	ssyncset.done @!p1 $0x0  }
0x20: {  	s12 =	smov.u32 s16;
	s11 =	smov.u32 s15;
	[sflag:s14] =	ssyncadd.s32 @!p1 $0xFFFFFF00  }
.LBB2_1:
0x21: {  	p1 =	sge.u32 s12, s8  }
0x22: {  	s14 =	sxor.u32 @!p1 $0xFFFFFFFF, s12  }
0x23: {  	s31 =	sadd.s32 $0xFFFFFFFF, s12;
	s15 =	sshrl.u32 @!p1 s11, $0x3;
	s14 =	sshll.u32 @!p1 s14, $0x8  }
0x24: {  	s16 =	sand.u32 @!p1 $0x7, s11;
	s15 =	sadd.s32 @!p1 s4, s15;
	s14 =	sand.u32 @!p1 $0x100, s14  }
0x25: {  	[tilespmem:s14], [sflag:$0x2] =	stream.linear.gather @!p1 [hbm4b:s15+s16], $0x100, $0x38;
	[tilespmem:$0x400] =	vst v63  }
0x26: {  	p1 =	sge.u32 s31, s8  }
.Ltmp2:
0x27: {  	_ = 	snop;
	(pc) =	sbr.rel @p1 .LBB2_5-.Ltmp2, $1  }
0x28: {  	_ =	sdelay $0x3  }
0x29: {  	s14 =	simm.s32 $0x1  }
0x2a: {  	_ =	swait.ge [sflag:s7], $0x100;
	s14 =	simm.s32 @!p0 $0x0  }
0x2b: {  	[sflag:s7] =	ssyncset.done $0x0;
	s14 =	sshll.u32 s14, $0x8  }
0x2c: {  	[sflag:s7] =	ssyncadd.s32 $0xFFFFFF00;
	(ifvalue) =	ssetifvalue $0x7FFFFFFF;
	v0 =	vld.msk [tilespmem:s14+$0x0 ss:$0x1], $0xffff;
	_ =	sdelay $0x4  }
0x2d: {  	s15 =	sadd.s32 $0x10, s14;
	vm1 =	vgt.s32 v0, $0x0  }
0x2e: {  	v2 =	vld.msk [tilespmem:s15+$0x0 ss:$0x1], $0xffff;
	v1 =	vnsel vm1, $0x0, v0  }
0x2f: {  	v1 =	vmin.u32 v1, $0x1869F;
	_ =	sdelay $0x1  }
0x30: {  	s16 =	sshll.u32 s12, $0x8;
	s18 =	simm.s32 $0x20  }
0x31: {  	s16 =	sand.u32 $0x100, s16;
	s17 =	sadd.s32 $0x10, s15;
	s15 =	sor.u32 $0x200, s14  }
0x32: {  	s14 =	sor.u32 $0x200, s16;
	s16 =	sadd.s32 $0x10, s15;
	v0 =	vld.msk [tilespmem:s17+$0x0 ss:$0x1], $0xffff;
	vm1 =	vgt.s32 v2, $0x0;
	(ifvalue) =	ssetifvalue $0x7FFFFFFF  }
.LBB2_3:
0x33: {  	[tilespmem:s15], [sflag:$0x1] =	stream.indirect_vreg.gather [hbm4b:s2+s10], $0x1, v1, vm0, $0x4038;
	[tilespmem:$0x400] =	vst v63  }
0x34: {  	s18 =	sadd.s32 $0x10, s18  }
0x35: {  	v2 =	vnsel vm1, $0x0, v2;
	p1 =	slt.u32 s18, $0xF0  }
.Ltmp3:
0x36: {  	s15 =	smov.u32 s16;
	v1 =	vmin.u32 v2, $0x1869F;
	(pc) =	sbr.rel @p1 .LBB2_3-.Ltmp3, $3  }
0x37: {  	_ =	sdelay $0x1  }
0x38: {  	s17 =	sadd.s32 $0x10, s17  }
0x39: {  	vm1 =	vgt.s32 v0, $0x0;
	s16 =	sadd.s32 $0x10, s16;
	v2 =	vmov v0;
	(ifvalue) =	ssetifvalue $0x7FFFFFFF;
	v0 =	vld.msk [tilespmem:s17+$0x0 ss:$0x1], $0xffff  }
.Ltmp4:
0x3a: {  	_ = 	snop;
	(pc) =	sbr.rel .LBB2_4-.Ltmp4, $1  }
0x3b: {  	_ =	sdelay $0x3  }
.LBB2_6:
0x3c: {  	_ =	sfence.sel $0x180000  }
0x3d: {  	s2 =	simm.s32 $0x2;
	[bflag:$0x0] =	sbarrier.arrive $0xFFFF  }
0x3e: {  	s30 =	simm.s32 $0x3;
	[sflag:s2] =	ssyncpa.u1 $0x1  }
0x3f: {  	s31 =	simm.s32 $0x1;
	[sflag:s30] =	ssyncpa.u1 $0x1  }
0x40: {  	[sflag:s31] =	ssyncpa.u1 $0x1  }
0x41: {  	p0 =	sne.s32 s0, $0x0;
	_ =	strace $0x90000047  }
0x42: {  	s0 =	sadd.s32 @!p0 $0x100000, s1;
	[bflag:$0x2] =	sbarrier.arrive $0xFFFF  }
0x43: {  	[sflag:s0] =	ssyncadd.tile.s32 @!p0 $0x1;
	_ =	shalt  }
.Lfunc_end2:
_tile_overlayer_lowered:
.L_overlay_start_2:
0x44: {  	(tag) =	ssettag $0x2  }
0x45: {  	s0 =	rddreg [dreg:$0x0];
	s2 =	stileid.u32  }
0x46: {  	s1 =	rddreg [dreg:$0x1];
	p0 =	sne.s32 s2, $0x0  }
0x47: {  	s3 =	rddreg [dreg:$0x2];
	[bflag:$0x3] =	sbarrier.arrive $0xFFFF;
	s2 =	simm.s32 @!p0 $0x1C01  }
0x48: {  	[timem:s3], [sflag:s2] =	dma.local @!p0 [hbm:s0], s1  }
0x49: {  	s0 =	simm.s32 @!p0 $0x1  }
0x4a: {  	_ =	swait.ge @!p0 [sflag:s0], s1  }
0x4b: {  	s1 =	ssub.s32 @!p0 $0x0, s1;
	[sflag:s0] =	ssyncset.done @!p0 $0x0  }
0x4c: {  	[sflag:s0] =	ssyncadd.s32 @!p0 s1  }
0x4d: {  	[bflag:$0x3] =	sbarrier.arrive $0xFFFF  }
0x4e: {  	_ =	shalt  }

// kernel: kernel.5.cloned.1.call-start
scs
__scs_entry_jumppad:
0x0: {  	(pc) =	sbr.rel $0x88, $3  }
0x1: {  	(tag) =	ssettag $0x0;
	lr =	simm.s32 $0x1  }
0x2: {  	[smem:$0x3F93] =	sst lr;
	_ =	strace $0xD0000000  }
0x3: {  	_ = 	snop  }
0x4: {  	_ = 	snop  }
0x5: {  	_ = 	snop  }
0x6: {  	_ = 	snop  }
0x7: {  	_ = 	snop  }
__scs_overlays_trampoline_lowered:
0x8: {  	[smem:$0x3FA2] =	sst s0  }
0x9: {  	[smem:$0x3FA3] =	sst s1  }
0xa: {  	[smem:$0x3FA4] =	sst s2  }
0xb: {  	[smem:$0x3FA5] =	sst s3  }
0xc: {  	[smem:$0x3FA6] =	sst s4  }
0xd: {  	[smem:$0x3FA7] =	sst s5  }
0xe: {  	[smem:$0x3FA8] =	sst s6  }
0xf: {  	[smem:$0x3FA9] =	sst s7  }
0x10: {  	[smem:$0x3FAA] =	sst s8  }
0x11: {  	[smem:$0x3FAB] =	sst s9;
	s0 =	simm.s32 @!p0 $0x0  }
0x12: {  	s1 =	sld [smem:$0x3F91];
	s0 =	simm.s32 @p0 $0x1  }
0x13: {  	[smem:$0x3FAC] =	sst s0;
	s0 =	simm.s32 @!p1 $0x0  }
0x14: {  	s2 =	sld [smem:$0x3F90];
	s0 =	simm.s32 @p1 $0x1  }
0x15: {  	[smem:$0x3FAD] =	sst s0;
	s0 =	simm.s32 @!p2 $0x0  }
0x16: {  	s3 =	sld [smem:$0x3FDB];
	s0 =	simm.s32 @p2 $0x1  }
0x17: {  	s4 =	simm.s32 $0x1BF5;
	[smem:$0x3FAF] =	sst s0  }
0x18: {  	s0 =	sld [smem:$0x3F92];
	_ =	swait.ge [sflag:s4], $0x0  }
0x19: {  	s7 =	sld [smem:$0x3F93]  }
0x1a: {  	s8 =	sadd.s32 $0xFFFFE003, lr  }
0x1b: {  	s9 =	sadd.s32 $0xFFFFFEF7, lr;
	s5 =	simm.s32 $0xFFFFFFFF;
	p2 =	slt.u32 s8, $0xFFFFF086  }
0x1c: {  	p1 =	slt.u32 s9, $0xF7A;
	s5 =	simm.s32 @!p2 $0x0  }
0x1d: {  	s5 =	simm.s32 @p1 $0x1;
	p0 =	seq.s32 s7, s2  }
0x1e: {  	s7 =	smul.u32 @!p0 $0xF7A, s2;
	p2 =	seq.s32 @!p0 s5, $0x0  }
0x1f: {  	s9 =	smul.u32 $0xF7A, s1;
	s8 =	simm.s32 @!p0 $0x1BF5;
	p2 =	por !p2, p0  }
0x20: {  	[sflag:s8] =	ssyncset.s32 @!p0 $0xFFFFF086;
	s6 =	sadd.s32 @!p0 s3, s7;
	s7 =	simm.s32 @!p0 $0x108  }
0x21: {  	s3 =	sadd.s32 s3, s9;
	s6 =	sadd.s32 @!p0 $0x88, s6;
	s7 =	simm.s32 @p2 $0x1082  }
0x22: {  	[simem:s7], [sflag:s8] =	dma.local @!p0 [hbm:s6], $0xF7A  }
0x23: {  	s9 =	sor.u32 $0xD0000000, s2;
	s6 =	simm.s32 $0x108;
	_ =	swait.ge @!p0 [sflag:s8], $0x0  }
0x24: {  	s3 =	sadd.s32 $0x88, s3;
	s6 =	simm.s32 @!p1 $0x1082;
	[sflag:s4] =	ssyncset.s32 $0xFFFFF086  }
0x25: {  	[simem:s6], [sflag:s4] =	dma.local [hbm:s3], $0xF7A  }
0x26: {  	[smem:$0x3F93] =	sst s1;
	(tag) =	ssettag s2;
	_ =	strace s9  }
0x27: {  	s1 =	sld [smem:$0x3FA3]  }
0x28: {  	s2 =	sld [smem:$0x3FA4]  }
0x29: {  	s4 =	sld [smem:$0x3FA6]  }
0x2a: {  	p0 =	seq.s32 s5, $0x0;
	s5 =	sld [smem:$0x3FA7]  }
0x2b: {  	s6 =	sld [smem:$0x3FA8]  }
0x2c: {  	s7 =	sld [smem:$0x3FA9]  }
0x2d: {  	s3 =	simm.s32 $0x108;
	s8 =	sld [smem:$0x3FAA]  }
0x2e: {  	s3 =	simm.s32 @!p0 $0x1082;
	s9 =	sld [smem:$0x3FAB]  }
0x2f: {  	lr =	sadd.s32 s0, s3;
	s0 =	sld [smem:$0x3FA2]  }
0x30: {  	s3 =	sld [smem:$0x3FA5]  }
0x31: {  	[smem:$0x3FAE] =	sst s10  }
0x32: {  	s10 =	sld [smem:$0x3FAC];
	_ =	sdelay $0x3  }
0x33: {  	p0 =	seq.s32 s10, $0x1;
	s10 =	sld [smem:$0x3FAE];
	_ =	sdelay $0x3  }
0x34: {  	[smem:$0x3FAE] =	sst s10  }
0x35: {  	s10 =	sld [smem:$0x3FAD];
	_ =	sdelay $0x3  }
0x36: {  	p1 =	seq.s32 s10, $0x1;
	s10 =	sld [smem:$0x3FAE];
	_ =	sdelay $0x3  }
0x37: {  	[smem:$0x3FAE] =	sst s10  }
0x38: {  	s10 =	sld [smem:$0x3FAF]  }
0x39: {  	_ = 	snop;
	(pc) =	sbr.ind lr, $3  }
0x3a: {  	_ = 	snop  }
0x3b: {  	_ = 	snop  }
0x3c: {  	p2 =	seq.s32 s10, $0x1;
	s10 =	sld [smem:$0x3FAE]  }
0x3d: {  	_ =	shalt  }
0x3e: {  	_ =	shalt  }
0x3f: {  	_ =	shalt  }
0x40: {  	_ =	shalt  }
0x41: {  	_ =	shalt  }
0x42: {  	_ =	shalt  }
0x43: {  	_ =	shalt  }
0x44: {  	_ =	shalt  }
0x45: {  	_ =	shalt  }
0x46: {  	_ =	shalt  }
0x47: {  	_ =	shalt  }
0x48: {  	_ =	shalt  }
0x49: {  	_ =	shalt  }
0x4a: {  	_ =	shalt  }
0x4b: {  	_ =	shalt  }
0x4c: {  	_ =	shalt  }
0x4d: {  	_ =	shalt  }
0x4e: {  	_ =	shalt  }
0x4f: {  	_ =	shalt  }
0x50: {  	_ =	shalt  }
0x51: {  	_ =	shalt  }
0x52: {  	_ =	shalt  }
0x53: {  	_ =	shalt  }
0x54: {  	_ =	shalt  }
0x55: {  	_ =	shalt  }
0x56: {  	_ =	shalt  }
0x57: {  	_ =	shalt  }
0x58: {  	_ =	shalt  }
0x59: {  	_ =	shalt  }
0x5a: {  	_ =	shalt  }
0x5b: {  	_ =	shalt  }
0x5c: {  	_ =	shalt  }
0x5d: {  	_ =	shalt  }
0x5e: {  	_ =	shalt  }
0x5f: {  	_ =	shalt  }
0x60: {  	_ =	shalt  }
0x61: {  	_ =	shalt  }
0x62: {  	_ =	shalt  }
0x63: {  	_ =	shalt  }
0x64: {  	_ =	shalt  }
0x65: {  	_ =	shalt  }
0x66: {  	_ =	shalt  }
0x67: {  	_ =	shalt  }
0x68: {  	_ =	shalt  }
0x69: {  	_ =	shalt  }
0x6a: {  	_ =	shalt  }
0x6b: {  	_ =	shalt  }
0x6c: {  	_ =	shalt  }
0x6d: {  	_ =	shalt  }
0x6e: {  	_ =	shalt  }
0x6f: {  	_ =	shalt  }
0x70: {  	_ =	shalt  }
0x71: {  	_ =	shalt  }
0x72: {  	_ =	shalt  }
0x73: {  	_ =	shalt  }
0x74: {  	_ =	shalt  }
0x75: {  	_ =	shalt  }
0x76: {  	_ =	shalt  }
0x77: {  	_ =	shalt  }
0x78: {  	_ =	shalt  }
0x79: {  	_ =	shalt  }
0x7a: {  	_ =	shalt  }
0x7b: {  	_ =	shalt  }
0x7c: {  	_ =	shalt  }
0x7d: {  	_ =	shalt  }
0x7e: {  	_ =	shalt  }
0x7f: {  	_ =	shalt  }
0x80: {  	_ =	shalt  }
0x81: {  	_ =	shalt  }
0x82: {  	_ =	shalt  }
0x83: {  	_ =	shalt  }
0x84: {  	_ =	shalt  }
0x85: {  	_ =	shalt  }
0x86: {  	_ =	shalt  }
0x87: {  	_ =	shalt  }
.Lfunc_end0:
.L_simem_size_0:
called_computation.1_lowered:
.L_overlay_start_0:
0x88: {  	s2 =	sld [smem:$0x3FD9]  }
0x89: {  	s3 =	sld [smem:$0x3FFE];
	_ =	sdelay $0x1  }
0x8a: {  	s1 =	srdreg.scid  }
0x8b: {  	s0 =	sand.u32 $0x1, s1  }
0x8c: {  	s15 =	sshll.u32 s0, $0xA;
	s2 =	sadd.s32 s3, s2  }
0x8d: {  	s2 =	sadd.s32 s2, s15  }
0x8e: {  	[smem:$0x3FBA] =	sst s2  }
0x8f: {  	_ = 	snop  }
0x90: {  	s2 =	sld [smem:$0x3FD0];
	_ =	sdelay $0x2  }
0x91: {  	s16 =	simm.s32 $0xB;
	s4 =	simm.s32 $0x10  }
0x92: {  	[smem:s4], [sflag:s16] =	dma.local [hbm:s2], $0x1  }
0x93: {  	_ =	swait.eq [sflag:s16], $0x1  }
0x94: {  	[sflag:s16] =	ssyncset.done $0x0  }
0x95: {  	[sflag:s16] =	ssyncadd.s32 $0xFFFFFFFF  }
0x96: {  	s17 =	sld [smem:$0x11];
	(tm) =	ssettm $0x1  }
0x97: {  	s18 =	sld [smem:$0x3FFB];
	_ =	sdelay $0x3  }
0x98: {  	_ =	strace s18  }
0x99: {  	s2 =	sld [smem:$0x3FFC];
	_ =	sdelay $0x3  }
0x9a: {  	_ =	strace s2  }
0x9b: {  	s2 =	sld [smem:$0x3FFD];
	_ =	sdelay $0x3  }
0x9c: {  	_ =	strace s2  }
0x9d: {  	_ =	strace $0x8FFFFFFF  }
0x9e: {  	s19 =	sld [smem:$0x3FDB];
	_ =	sdelay $0x1  }
0x9f: {  	s20 =	simm.s32 $_scs_section_size  }
0xa0: {  	s5 =	simm.s32 $_size__tile_overlayer_lowered;
	s6 =	simm.s32 $_tile_overlayer_lowered  }
0xa1: {  	s7 =	simm.s32 $0x1BFF;
	s21 =	sshll.u32 s6, $0x1;
	s4 =	sadd.s32 s20, s19  }
0xa2: {  	s22 =	simm.s32 $0x0;
	s5 =	sshll.u32 s5, $0x1;
	s6 =	sadd.s32 s21, s4  }
0xa3: {  	[timem:s22], [sflag:s7] =	dma.local [hbm:s6], s5  }
0xa4: {  	_ =	swait.ge [sflag:s7], s5  }
0xa5: {  	s5 =	ssub.s32 $0x0, s5;
	[sflag:s7] =	ssyncset.done $0x0  }
0xa6: {  	[sflag:s7] =	ssyncadd.s32 s5;
	_ =	sdelay $0x1  }
0xa7: {  	s23 =	simm.s32 $0x1B8B  }
0xa8: {  	_ =	swait.ge [sflag:s23], $0x1  }
0xa9: {  	[sflag:s23] =	ssyncset.done $0x0  }
0xaa: {  	[sflag:s23] =	ssyncadd.s32 $0xFFFFFFFF  }
0xab: {  	s5 =	sld [smem:$0x0]  }
0xac: {  	s6 =	sand.u32 $0xFFFFFFFE, s1  }
0xad: {  	p0 =	sne.s32 s1, s6  }
0xae: {  	s6 =	sshll.u32 @p0 s6, $0xE  }
0xaf: {  	s6 =	sadd.s32 @p0 $0x11B8D, s6;
	s7 =	sshll.u32 @p0 s5, $0x11  }
0xb0: {  	s6 =	sor.u32 @p0 s7, s6  }
0xb1: {  	[sflag:s6] =	ssyncadd.remote.s32 @p0 $0x1;
	_ =	sdelay $0x1  }
0xb2: {  	s6 =	simm.s32 @p0 $0x1B8D  }
0xb3: {  	_ =	swait.eq @p0 [sflag:s6], $0x1  }
0xb4: {  	[sflag:s6] =	ssyncadd.s32 @p0 $0xFFFFFFFF  }
0xb5: {  	s7 =	sshll.u32 @!p0 s1, $0xE  }
0xb6: {  	s7 =	sor.u32 @!p0 $0x4000, s7;
	s6 =	simm.s32 @!p0 $0x1B8D  }
0xb7: {  	s5 =	sshll.u32 @!p0 s5, $0x11;
	s7 =	sadd.s32 @!p0 $0x11B8D, s7;
	_ =	swait.eq @!p0 [sflag:s6], $0x1  }
0xb8: {  	s5 =	sor.u32 @!p0 s5, s7;
	[sflag:s6] =	ssyncadd.s32 @!p0 $0xFFFFFFFF  }
0xb9: {  	s25 =	simm.s32 $0x1B8E;
	s24 =	sld [smem:$0x3FFE];
	[sflag:s5] =	ssyncadd.remote.s32 @!p0 $0x1  }
0xba: {  	s26 =	simm.s32 $execute0_lowered;
	[smem:$0x3FD2] =	sst s25  }
0xbb: {  	s6 =	sshll.u32 s26, $0x1;
	_ =	strace $0x80000049;
	[dreg:$0x1] =	wrdreg $0xFFFFFFFF  }
0xbc: {  	s28 =	simm.s32 $_size_execute0_lowered;
	s4 =	sadd.s32 s4, s6;
	[dreg:$0x0] =	wrdreg $0x0  }
0xbd: {  	s6 =	sshll.u32 s28, $0x1;
	[dreg:$0x2] =	wrdreg s4  }
0xbe: {  	[dreg:$0x3] =	wrdreg s6  }
0xbf: {  	[dreg:$0x4] =	wrdreg $0xC0  }
0xc0: {  	_ =	task [dreg:s22], $0x5FFFF  }
0xc1: {  	[dreg:$0x1] =	wrdreg $0xFFFFFFFF  }
0xc2: {  	[dreg:$0x0] =	wrdreg $0x60  }
0xc3: {  	[dreg:$0x2] =	wrdreg s17  }
0xc4: {  	[dreg:$0x3] =	wrdreg s24  }
0xc5: {  	[dreg:$0x4] =	wrdreg $0xA  }
0xc6: {  	_ =	task.clear_ibuf [dreg:s22], $0x5FFFF;
	_ =	strace $0x90000049  }
0xc7: {  	s29 =	simm.s32 $0xA;
	_ =	strace $0x8000004B  }
0xc8: {  	_ =	swait.ge [sflag:s29], $0x1  }
0xc9: {  	[sflag:s29] =	ssyncadd.s32 $0xFFFFFFFF  }
0xca: {  	_ =	strace $0x9000004B  }
0xcb: {  	_ =	sfence  }
0xcc: {  	s30 =	sld [smem:$0x0];
	_ =	sdelay $0x2  }
0xcd: {  	s31 =	sshll.u32 s1, $0xD;
	s1 =	sshrl.u32 s1, $0x2  }
0xce: {  	s4 =	sand.u32 $0x4000, s31;
	s1 =	sadd.s32 s1, s30  }
0xcf: {  	s0 =	sor.u32 s4, s0;
	s1 =	sshll.u32 s1, $0x11  }
0xd0: {  	s0 =	sor.u32 s1, s0  }
0xd1: {  	s0 =	sadd.s32 $0x8F2B, s0  }
0xd2: {  	[sflag:s0] =	ssyncadd.remote.s32 $0x1  }
0xd3: {  	_ =	sfence.sel $0xFFFF  }
0xd4: {  	[dreg:$0x0] =	wrdreg $0xFFFFFFFF;
	(pc) =	sbr.abs _section_cstart, $3  }
0xd5: {  	[dreg:$0x1] =	wrdreg $0xFFFFFFFF  }
0xd6: {  	_ =	task.clear_ibuf [dreg:s22], $0x2FFFF;
	_ =	strace $0x9FFFFFFF  }
0xd7: {  	(tm) =	ssettm $0x7FFFFFFF  }
tec
execute0_lowered:
.L_overlay_start_1:
0x0: {  	(tag) =	ssettag $0x1  }
0x1: {  	s2 =	rddreg [dreg:$0x0];
	s0 =	srdreg.scid  }
0x2: {  	s3 =	stileid.u32;
	s1 =	rddreg [dreg:$0x1];
	s18 =	simm.s32 $0x400  }
0x3: {  	s8 =	simm.s32 $0x3;
	s0 =	sand.u32 $0x1, s0;
	s4 =	sshll.u32 s3, $0x1  }
0x4: {  	s10 =	simm.s32 $0x2;
	s3 =	simm.s32 $0x0;
	s4 =	sor.u32 s0, s4  }
0x5: {  	s11 =	simm.s32 $0x4;
	[smem:$0x7FF] =	sst s3;
	s5 =	sshll.u32 s4, $0x7  }
0x6: {  	s0 =	ssub.s32 $0x2, s0;
	s6 =	smul.u32 $0xC000, s4;
	s5 =	sadd.s32 s5, s1  }
0x7: {  	s4 =	smul.u32 $0x60000, s4;
	s1 =	sadd.s32 $0x4800, s1;
	s5 =	sadd.s32 $0x2800, s5  }
0x8: {  	_ =	strace $0x8000004A;
	s6 =	sadd.s32 s1, s6;
	[dreg:$0x3] =	wrdreg s5  }
0x9: {  	s4 =	sshrl.u32 s4, $0x3;
	s25 =	sadd.s32 $0x1800, s6;
	[dreg:$0xb] =	wrdreg s6  }
0xa: {  	s26 =	sadd.s32 $0x3000, s6;
	s1 =	sadd.s32 s1, s4;
	[dreg:$0x4] =	wrdreg s25  }
0xb: {  	s30 =	sshrl.u32 s0, $0x1;
	[dreg:$0x5] =	wrdreg s26;
	s4 =	sadd.s32 $0x4800, s1  }
0xc: {  	s0 =	ssub.s32 s0, s30;
	s28 =	sadd.s32 $0x6000, s1;
	[dreg:$0x6] =	wrdreg s4  }
0xd: {  	s7 =	smax.u32 s0, $0x1;
	s29 =	sadd.s32 $0x7800, s1;
	[dreg:$0x7] =	wrdreg s28  }
0xe: {  	v2 =	vlaneseq.u32;
	s0 =	simm.s32 $0x1;
	s31 =	sadd.s32 $0x9000, s1;
	[dreg:$0x8] =	wrdreg s29  }
0xf: {  	vm0 =	vmmov $0xffff;
	v1 =	vshrl.u32 v2, $0x3;
	s5 =	sadd.s32 $0x100, s2;
	s1 =	sadd.s32 $0xA800, s1;
	[dreg:$0x9] =	wrdreg s31  }
0x10: {  	v0 =	vand.u32 $0x7, v2;
	v2 =	vor.u32 $0x8, v2;
	v1 =	vmul.u32 $0x8, v1;
	s6 =	sadd.s32 $0x200, s2;
	[dreg:$0xa] =	wrdreg s1;
	s4 =	simm.s32 $0xC400  }
.LBB2_1:
0x11: {  	s12 =	rddreg [dreg:$0x3];
	s1 =	simm.s32 $0x5  }
0x12: {  	[tilespmem:s3], [sflag:$0x5] =	stream.linear.gather [hbm4b:s12+s3], $0x400, $0x38;
	[tilespmem:$0x18400] =	vst v63  }
0x13: {  	_ =	swait.ge [sflag:s1], $0x400  }
0x14: {  	[sflag:s1] =	ssyncset.done $0x0  }
0x15: {  	[sflag:s1] =	ssyncadd.s32 $0xFFFFFC00  }
0x16: {  	v3 =	vld [tilespmem:$0x0];
	_ =	sdelay $0x4  }
0x17: {  	v4 =	vshrl.u32 v3, $0x3  }
0x18: {  	v4 =	vmul.u32 $0x30, v4  }
0x19: {  	v3 =	vand.u32 $0x7, v3  }
0x1a: {  	v3 =	vor.u32 v3, v4  }
0x1b: {  	v4 =	vperm.xlane v3, v0;
	_ =	sdelay $0x1  }
0x1c: {  	v4 =	vadd.s32 v1, v4;
	_ =	sdelay $0x3  }
0x1d: {  	v3 =	vperm.xlane v3, v2  }
0x1e: {  	[tilespmem:s18], [sflag:$0x1] =	stream.indirect_vreg.gather [hbm4b:s2+s3], $0x80, v4, vm0, $0xb8;
	[tilespmem:$0x18400] =	vst v63  }
0x1f: {  	s1 =	simm.s32 $0xC00;
	v3 =	vadd.s32 v1, v3  }
0x20: {  	[tilespmem:s1], [sflag:$0x1] =	stream.indirect_vreg.gather [hbm4b:s5+s3], $0x80, v4, vm0, $0xb8;
	[tilespmem:$0x18400] =	vst v63  }
0x21: {  	s9 =	simm.s32 $0x1400  }
0x22: {  	[tilespmem:s9], [sflag:$0x1] =	stream.indirect_vreg.gather [hbm4b:s6+s3], $0x80, v4, vm0, $0xb8;
	[tilespmem:$0x18400] =	vst v63  }
0x23: {  	s12 =	simm.s32 $0x1C00  }
0x24: {  	[tilespmem:s12], [sflag:$0x1] =	stream.indirect_vreg.gather [hbm4b:s2+s3], $0x80, v3, vm0, $0xb8;
	[tilespmem:$0x18400] =	vst v63  }
0x25: {  	s13 =	simm.s32 $0x2400  }
0x26: {  	[tilespmem:s13], [sflag:$0x1] =	stream.indirect_vreg.gather [hbm4b:s5+s3], $0x80, v3, vm0, $0xb8;
	[tilespmem:$0x18400] =	vst v63  }
0x27: {  	s14 =	simm.s32 $0x2C00  }
0x28: {  	[tilespmem:s14], [sflag:$0x1] =	stream.indirect_vreg.gather [hbm4b:s6+s3], $0x80, v3, vm0, $0xb8;
	[tilespmem:$0x18400] =	vst v63  }
0x29: {  	v3 =	vld [tilespmem:$0x10];
	_ =	sdelay $0x4  }
0x2a: {  	v33 =	vshrl.u32 v3, $0x3  }
0x2b: {  	v4 =	vmul.u32 $0x30, v33  }
0x2c: {  	v3 =	vand.u32 $0x7, v3  }
0x2d: {  	v3 =	vor.u32 v3, v4  }
0x2e: {  	v4 =	vperm.xlane v3, v0;
	_ =	sdelay $0x1  }
0x2f: {  	v4 =	vadd.s32 v1, v4;
	_ =	sdelay $0x3  }
0x30: {  	s15 =	simm.s32 $0x3400;
	v3 =	vperm.xlane v3, v2  }
0x31: {  	[tilespmem:s15], [sflag:$0x1] =	stream.indirect_vreg.gather [hbm4b:s2+s3], $0x80, v4, vm0, $0xb8;
	[tilespmem:$0x18400] =	vst v63  }
0x32: {  	s16 =	simm.s32 $0x3C00;
	v3 =	vadd.s32 v1, v3  }
0x33: {  	[tilespmem:s16], [sflag:$0x1] =	stream.indirect_vreg.gather [hbm4b:s5+s3], $0x80, v4, vm0, $0xb8;
	[tilespmem:$0x18400] =	vst v63  }
0x34: {  	s17 =	simm.s32 $0x4400  }
0x35: {  	[tilespmem:s17], [sflag:$0x1] =	stream.indirect_vreg.gather [hbm4b:s6+s3], $0x80, v4, vm0, $0xb8;
	[tilespmem:$0x18400] =	vst v63  }
0x36: {  	s19 =	simm.s32 $0x4C00  }
0x37: {  	[tilespmem:s19], [sflag:$0x1] =	stream.indirect_vreg.gather [hbm4b:s2+s3], $0x80, v3, vm0, $0xb8;
	[tilespmem:$0x18400] =	vst v63  }
0x38: {  	s20 =	simm.s32 $0x5400  }
0x39: {  	[tilespmem:s20], [sflag:$0x1] =	stream.indirect_vreg.gather [hbm4b:s5+s3], $0x80, v3, vm0, $0xb8;
	[tilespmem:$0x18400] =	vst v63  }
0x3a: {  	s21 =	simm.s32 $0x5C00  }
0x3b: {  	[tilespmem:s21], [sflag:$0x1] =	stream.indirect_vreg.gather [hbm4b:s6+s3], $0x80, v3, vm0, $0xb8;
	[tilespmem:$0x18400] =	vst v63  }
0x3c: {  	v3 =	vld [tilespmem:$0x20];
	_ =	sdelay $0x4  }
0x3d: {  	v34 =	vshrl.u32 v3, $0x3  }
0x3e: {  	v4 =	vmul.u32 $0x30, v34  }
0x3f: {  	v3 =	vand.u32 $0x7, v3  }
0x40: {  	v3 =	vor.u32 v3, v4  }
0x41: {  	v4 =	vperm.xlane v3, v0;
	_ =	sdelay $0x1  }
0x42: {  	v4 =	vadd.s32 v1, v4;
	_ =	sdelay $0x3  }
0x43: {  	s22 =	simm.s32 $0x6400;
	v3 =	vperm.xlane v3, v2  }
0x44: {  	[tilespmem:s22], [sflag:$0x1] =	stream.indirect_vreg.gather [hbm4b:s2+s3], $0x80, v4, vm0, $0xb8;
	[tilespmem:$0x18400] =	vst v63  }
0x45: {  	s23 =	simm.s32 $0x6C00;
	v3 =	vadd.s32 v1, v3  }
0x46: {  	[tilespmem:s23], [sflag:$0x1] =	stream.indirect_vreg.gather [hbm4b:s5+s3], $0x80, v4, vm0, $0xb8;
	[tilespmem:$0x18400] =	vst v63  }
0x47: {  	s24 =	simm.s32 $0x7400  }
0x48: {  	[tilespmem:s24], [sflag:$0x1] =	stream.indirect_vreg.gather [hbm4b:s6+s3], $0x80, v4, vm0, $0xb8;
	[tilespmem:$0x18400] =	vst v63  }
0x49: {  	s25 =	simm.s32 $0x7C00  }
0x4a: {  	[tilespmem:s25], [sflag:$0x1] =	stream.indirect_vreg.gather [hbm4b:s2+s3], $0x80, v3, vm0, $0xb8;
	[tilespmem:$0x18400] =	vst v63  }
0x4b: {  	s28 =	simm.s32 $0x8400  }
0x4c: {  	[tilespmem:s28], [sflag:$0x1] =	stream.indirect_vreg.gather [hbm4b:s5+s3], $0x80, v3, vm0, $0xb8;
	[tilespmem:$0x18400] =	vst v63  }
0x4d: {  	s29 =	simm.s32 $0x8C00  }
0x4e: {  	[tilespmem:s29], [sflag:$0x1] =	stream.indirect_vreg.gather [hbm4b:s6+s3], $0x80, v3, vm0, $0xb8;
	[tilespmem:$0x18400] =	vst v63  }
0x4f: {  	v3 =	vld [tilespmem:$0x30];
	_ =	sdelay $0x4  }
0x50: {  	v35 =	vshrl.u32 v3, $0x3  }
0x51: {  	v4 =	vmul.u32 $0x30, v35  }
0x52: {  	v3 =	vand.u32 $0x7, v3  }
0x53: {  	v3 =	vor.u32 v3, v4  }
0x54: {  	v4 =	vperm.xlane v3, v0;
	_ =	sdelay $0x1  }
0x55: {  	v4 =	vadd.s32 v1, v4;
	_ =	sdelay $0x3  }
0x56: {  	s30 =	simm.s32 $0x9400;
	v3 =	vperm.xlane v3, v2  }
0x57: {  	[tilespmem:s30], [sflag:$0x1] =	stream.indirect_vreg.gather [hbm4b:s2+s3], $0x80, v4, vm0, $0xb8;
	[tilespmem:$0x18400] =	vst v63  }
0x58: {  	s9 =	simm.s32 $0x9C00;
	v3 =	vadd.s32 v1, v3  }
0x59: {  	[tilespmem:s9], [sflag:$0x1] =	stream.indirect_vreg.gather [hbm4b:s5+s3], $0x80, v4, vm0, $0xb8;
	[tilespmem:$0x18400] =	vst v63  }
0x5a: {  	s12 =	simm.s32 $0xA400  }
0x5b: {  	[tilespmem:s12], [sflag:$0x1] =	stream.indirect_vreg.gather [hbm4b:s6+s3], $0x80, v4, vm0, $0xb8;
	[tilespmem:$0x18400] =	vst v63  }
0x5c: {  	s16 =	simm.s32 $0xAC00  }
0x5d: {  	[tilespmem:s16], [sflag:$0x1] =	stream.indirect_vreg.gather [hbm4b:s2+s3], $0x80, v3, vm0, $0xb8;
	[tilespmem:$0x18400] =	vst v63  }
0x5e: {  	s17 =	simm.s32 $0xB400  }
0x5f: {  	[tilespmem:s17], [sflag:$0x1] =	stream.indirect_vreg.gather [hbm4b:s5+s3], $0x80, v3, vm0, $0xb8;
	[tilespmem:$0x18400] =	vst v63  }
0x60: {  	s19 =	simm.s32 $0xBC00  }
0x61: {  	[tilespmem:s19], [sflag:$0x1] =	stream.indirect_vreg.gather [hbm4b:s6+s3], $0x80, v3, vm0, $0xb8;
	[tilespmem:$0x18400] =	vst v63  }
0x62: {  	v3 =	vld [tilespmem:$0x80];
	_ =	sdelay $0x4  }
0x63: {  	v36 =	vshrl.u32 v3, $0x3  }
0x64: {  	v4 =	vmul.u32 $0x30, v36  }
0x65: {  	v3 =	vand.u32 $0x7, v3  }
0x66: {  	v3 =	vor.u32 v3, v4  }
0x67: {  	v4 =	vperm.xlane v3, v0;
	_ =	sdelay $0x1  }
0x68: {  	v4 =	vadd.s32 v1, v4;
	_ =	sdelay $0x3  }
0x69: {  	v3 =	vperm.xlane v3, v2  }
0x6a: {  	[tilespmem:s4], [sflag:$0x2] =	stream.indirect_vreg.gather [hbm4b:s2+s3], $0x80, v4, vm0, $0xb8;
	[tilespmem:$0x18400] =	vst v63  }
0x6b: {  	s20 =	simm.s32 $0xCC00;
	v3 =	vadd.s32 v1, v3  }
0x6c: {  	[tilespmem:s20], [sflag:$0x2] =	stream.indirect_vreg.gather [hbm4b:s5+s3], $0x80, v4, vm0, $0xb8;
	[tilespmem:$0x18400] =	vst v63  }
0x6d: {  	s21 =	simm.s32 $0xD400  }
0x6e: {  	[tilespmem:s21], [sflag:$0x2] =	stream.indirect_vreg.gather [hbm4b:s6+s3], $0x80, v4, vm0, $0xb8;
	[tilespmem:$0x18400] =	vst v63  }
0x6f: {  	s22 =	simm.s32 $0xDC00  }
0x70: {  	[tilespmem:s22], [sflag:$0x2] =	stream.indirect_vreg.gather [hbm4b:s2+s3], $0x80, v3, vm0, $0xb8;
	[tilespmem:$0x18400] =	vst v63  }
0x71: {  	s23 =	simm.s32 $0xE400  }
0x72: {  	[tilespmem:s23], [sflag:$0x2] =	stream.indirect_vreg.gather [hbm4b:s5+s3], $0x80, v3, vm0, $0xb8;
	[tilespmem:$0x18400] =	vst v63  }
0x73: {  	s24 =	simm.s32 $0xEC00  }
0x74: {  	[tilespmem:s24], [sflag:$0x2] =	stream.indirect_vreg.gather [hbm4b:s6+s3], $0x80, v3, vm0, $0xb8;
	[tilespmem:$0x18400] =	vst v63  }
0x75: {  	v3 =	vld [tilespmem:$0x90];
	_ =	sdelay $0x4  }
0x76: {  	v37 =	vshrl.u32 v3, $0x3  }
0x77: {  	v4 =	vmul.u32 $0x30, v37  }
0x78: {  	v3 =	vand.u32 $0x7, v3  }
0x79: {  	v3 =	vor.u32 v3, v4  }
0x7a: {  	v4 =	vperm.xlane v3, v0;
	_ =	sdelay $0x1  }
0x7b: {  	v4 =	vadd.s32 v1, v4;
	_ =	sdelay $0x3  }
0x7c: {  	s25 =	simm.s32 $0xF400;
	v3 =	vperm.xlane v3, v2  }
0x7d: {  	[tilespmem:s25], [sflag:$0x2] =	stream.indirect_vreg.gather [hbm4b:s2+s3], $0x80, v4, vm0, $0xb8;
	[tilespmem:$0x18400] =	vst v63  }
0x7e: {  	s28 =	simm.s32 $0xFC00;
	v3 =	vadd.s32 v1, v3  }
0x7f: {  	[tilespmem:s28], [sflag:$0x2] =	stream.indirect_vreg.gather [hbm4b:s5+s3], $0x80, v4, vm0, $0xb8;
	[tilespmem:$0x18400] =	vst v63  }
0x80: {  	s29 =	simm.s32 $0x10400  }
0x81: {  	[tilespmem:s29], [sflag:$0x2] =	stream.indirect_vreg.gather [hbm4b:s6+s3], $0x80, v4, vm0, $0xb8;
	[tilespmem:$0x18400] =	vst v63  }
0x82: {  	s30 =	simm.s32 $0x10C00  }
0x83: {  	[tilespmem:s30], [sflag:$0x2] =	stream.indirect_vreg.gather [hbm4b:s2+s3], $0x80, v3, vm0, $0xb8;
	[tilespmem:$0x18400] =	vst v63  }
0x84: {  	s1 =	simm.s32 $0x11400  }
0x85: {  	[tilespmem:s1], [sflag:$0x2] =	stream.indirect_vreg.gather [hbm4b:s5+s3], $0x80, v3, vm0, $0xb8;
	[tilespmem:$0x18400] =	vst v63  }
0x86: {  	s9 =	simm.s32 $0x11C00  }
0x87: {  	[tilespmem:s9], [sflag:$0x2] =	stream.indirect_vreg.gather [hbm4b:s6+s3], $0x80, v3, vm0, $0xb8;
	[tilespmem:$0x18400] =	vst v63  }
0x88: {  	v3 =	vld [tilespmem:$0xA0];
	_ =	sdelay $0x4  }
0x89: {  	v38 =	vshrl.u32 v3, $0x3  }
0x8a: {  	v4 =	vmul.u32 $0x30, v38  }
0x8b: {  	v3 =	vand.u32 $0x7, v3  }
0x8c: {  	v3 =	vor.u32 v3, v4  }
0x8d: {  	v4 =	vperm.xlane v3, v0;
	_ =	sdelay $0x1  }
0x8e: {  	v4 =	vadd.s32 v1, v4;
	_ =	sdelay $0x3  }
0x8f: {  	s16 =	simm.s32 $0x12400;
	v3 =	vperm.xlane v3, v2  }
0x90: {  	[tilespmem:s16], [sflag:$0x2] =	stream.indirect_vreg.gather [hbm4b:s2+s3], $0x80, v4, vm0, $0xb8;
	[tilespmem:$0x18400] =	vst v63  }
0x91: {  	s20 =	simm.s32 $0x12C00;
	v3 =	vadd.s32 v1, v3  }
0x92: {  	[tilespmem:s20], [sflag:$0x2] =	stream.indirect_vreg.gather [hbm4b:s5+s3], $0x80, v4, vm0, $0xb8;
	[tilespmem:$0x18400] =	vst v63  }
0x93: {  	s21 =	simm.s32 $0x13400  }
0x94: {  	[tilespmem:s21], [sflag:$0x2] =	stream.indirect_vreg.gather [hbm4b:s6+s3], $0x80, v4, vm0, $0xb8;
	[tilespmem:$0x18400] =	vst v63  }
0x95: {  	s22 =	simm.s32 $0x13C00  }
0x96: {  	[tilespmem:s22], [sflag:$0x2] =	stream.indirect_vreg.gather [hbm4b:s2+s3], $0x80, v3, vm0, $0xb8;
	[tilespmem:$0x18400] =	vst v63  }
0x97: {  	s23 =	simm.s32 $0x14400  }
0x98: {  	[tilespmem:s23], [sflag:$0x2] =	stream.indirect_vreg.gather [hbm4b:s5+s3], $0x80, v3, vm0, $0xb8;
	[tilespmem:$0x18400] =	vst v63  }
0x99: {  	s24 =	simm.s32 $0x14C00  }
0x9a: {  	[tilespmem:s24], [sflag:$0x2] =	stream.indirect_vreg.gather [hbm4b:s6+s3], $0x80, v3, vm0, $0xb8;
	[tilespmem:$0x18400] =	vst v63  }
0x9b: {  	v3 =	vld [tilespmem:$0xB0];
	_ =	sdelay $0x4  }
0x9c: {  	v39 =	vshrl.u32 v3, $0x3  }
0x9d: {  	v4 =	vmul.u32 $0x30, v39  }
0x9e: {  	v3 =	vand.u32 $0x7, v3  }
0x9f: {  	v3 =	vor.u32 v3, v4  }
0xa0: {  	v4 =	vperm.xlane v3, v0;
	_ =	sdelay $0x1  }
0xa1: {  	v4 =	vadd.s32 v1, v4;
	_ =	sdelay $0x3  }
0xa2: {  	s25 =	simm.s32 $0x15400;
	v3 =	vperm.xlane v3, v2  }
0xa3: {  	[tilespmem:s25], [sflag:$0x2] =	stream.indirect_vreg.gather [hbm4b:s2+s3], $0x80, v4, vm0, $0xb8;
	[tilespmem:$0x18400] =	vst v63  }
0xa4: {  	s28 =	simm.s32 $0x15C00;
	v3 =	vadd.s32 v1, v3  }
0xa5: {  	[tilespmem:s28], [sflag:$0x2] =	stream.indirect_vreg.gather [hbm4b:s5+s3], $0x80, v4, vm0, $0xb8;
	[tilespmem:$0x18400] =	vst v63  }
0xa6: {  	s29 =	simm.s32 $0x16400  }
0xa7: {  	[tilespmem:s29], [sflag:$0x2] =	stream.indirect_vreg.gather [hbm4b:s6+s3], $0x80, v4, vm0, $0xb8;
	[tilespmem:$0x18400] =	vst v63  }
0xa8: {  	s30 =	simm.s32 $0x16C00  }
0xa9: {  	[tilespmem:s30], [sflag:$0x2] =	stream.indirect_vreg.gather [hbm4b:s2+s3], $0x80, v3, vm0, $0xb8;
	[tilespmem:$0x18400] =	vst v63  }
0xaa: {  	s1 =	simm.s32 $0x17400  }
0xab: {  	[tilespmem:s1], [sflag:$0x2] =	stream.indirect_vreg.gather [hbm4b:s5+s3], $0x80, v3, vm0, $0xb8;
	[tilespmem:$0x18400] =	vst v63  }
0xac: {  	s9 =	simm.s32 $0x17C00  }
0xad: {  	[tilespmem:s9], [sflag:$0x2] =	stream.indirect_vreg.gather [hbm4b:s6+s3], $0x80, v3, vm0, $0xb8;
	[tilespmem:$0x18400] =	vst v63  }
0xae: {  	_ =	swait.ge [sflag:s0], $0xC000  }
0xaf: {  	[sflag:s0] =	ssyncset.done $0x0  }
0xb0: {  	s16 =	rddreg [dreg:$0xb];
	[sflag:s0] =	ssyncadd.s32 $0xFFFF4000  }
0xb1: {  	[hbm4b:s16+s3] =	stream.linear.scatter [tilespmem:s18], [sflag:$0x3], $0xC000, $0x38;
	[tilespmem:$0x18400] =	vst v63  }
0xb2: {  	_ =	swait.ge [sflag:s8], $0xC000  }
0xb3: {  	[sflag:s8] =	ssyncset.done $0x0  }
0xb4: {  	[sflag:s8] =	ssyncadd.s32 $0xFFFF4000  }
0xb5: {  	v3 =	vld [tilespmem:$0x100];
	_ =	sdelay $0x4  }
0xb6: {  	v40 =	vshrl.u32 v3, $0x3  }
0xb7: {  	v4 =	vmul.u32 $0x30, v40  }
0xb8: {  	v3 =	vand.u32 $0x7, v3  }
0xb9: {  	v3 =	vor.u32 v3, v4  }
0xba: {  	v4 =	vperm.xlane v3, v0;
	_ =	sdelay $0x1  }
0xbb: {  	v4 =	vadd.s32 v1, v4;
	_ =	sdelay $0x3  }
0xbc: {  	v3 =	vperm.xlane v3, v2  }
0xbd: {  	[tilespmem:s18], [sflag:$0x1] =	stream.indirect_vreg.gather [hbm4b:s2+s3], $0x80, v4, vm0, $0xb8;
	[tilespmem:$0x18400] =	vst v63  }
0xbe: {  	s1 =	simm.s32 $0xC00;
	v3 =	vadd.s32 v1, v3  }
0xbf: {  	[tilespmem:s1], [sflag:$0x1] =	stream.indirect_vreg.gather [hbm4b:s5+s3], $0x80, v4, vm0, $0xb8;
	[tilespmem:$0x18400] =	vst v63  }
0xc0: {  	s9 =	simm.s32 $0x1400  }
0xc1: {  	[tilespmem:s9], [sflag:$0x1] =	stream.indirect_vreg.gather [hbm4b:s6+s3], $0x80, v4, vm0, $0xb8;
	[tilespmem:$0x18400] =	vst v63  }
0xc2: {  	s20 =	simm.s32 $0x1C00  }
0xc3: {  	[tilespmem:s20], [sflag:$0x1] =	stream.indirect_vreg.gather [hbm4b:s2+s3], $0x80, v3, vm0, $0xb8;
	[tilespmem:$0x18400] =	vst v63  }
0xc4: {  	s21 =	simm.s32 $0x2400  }
0xc5: {  	[tilespmem:s21], [sflag:$0x1] =	stream.indirect_vreg.gather [hbm4b:s5+s3], $0x80, v3, vm0, $0xb8;
	[tilespmem:$0x18400] =	vst v63  }
0xc6: {  	s13 =	simm.s32 $0x2C00  }
0xc7: {  	[tilespmem:s13], [sflag:$0x1] =	stream.indirect_vreg.gather [hbm4b:s6+s3], $0x80, v3, vm0, $0xb8;
	[tilespmem:$0x18400] =	vst v63  }
0xc8: {  	v3 =	vld [tilespmem:$0x110];
	_ =	sdelay $0x4  }
0xc9: {  	v41 =	vshrl.u32 v3, $0x3  }
0xca: {  	v4 =	vmul.u32 $0x30, v41  }
0xcb: {  	v3 =	vand.u32 $0x7, v3  }
0xcc: {  	v3 =	vor.u32 v3, v4  }
0xcd: {  	v4 =	vperm.xlane v3, v0;
	_ =	sdelay $0x1  }
0xce: {  	v4 =	vadd.s32 v1, v4;
	_ =	sdelay $0x3  }
0xcf: {  	s14 =	simm.s32 $0x3400;
	v3 =	vperm.xlane v3, v2  }
0xd0: {  	[tilespmem:s14], [sflag:$0x1] =	stream.indirect_vreg.gather [hbm4b:s2+s3], $0x80, v4, vm0, $0xb8;
	[tilespmem:$0x18400] =	vst v63  }
0xd1: {  	s22 =	simm.s32 $0x3C00;
	v3 =	vadd.s32 v1, v3  }
0xd2: {  	[tilespmem:s22], [sflag:$0x1] =	stream.indirect_vreg.gather [hbm4b:s5+s3], $0x80, v4, vm0, $0xb8;
	[tilespmem:$0x18400] =	vst v63  }
0xd3: {  	s23 =	simm.s32 $0x4400  }
0xd4: {  	[tilespmem:s23], [sflag:$0x1] =	stream.indirect_vreg.gather [hbm4b:s6+s3], $0x80, v4, vm0, $0xb8;
	[tilespmem:$0x18400] =	vst v63  }
0xd5: {  	s24 =	simm.s32 $0x4C00  }
0xd6: {  	[tilespmem:s24], [sflag:$0x1] =	stream.indirect_vreg.gather [hbm4b:s2+s3], $0x80, v3, vm0, $0xb8;
	[tilespmem:$0x18400] =	vst v63  }
0xd7: {  	s25 =	simm.s32 $0x5400  }
0xd8: {  	[tilespmem:s25], [sflag:$0x1] =	stream.indirect_vreg.gather [hbm4b:s5+s3], $0x80, v3, vm0, $0xb8;
	[tilespmem:$0x18400] =	vst v63  }
0xd9: {  	s15 =	simm.s32 $0x5C00  }
0xda: {  	[tilespmem:s15], [sflag:$0x1] =	stream.indirect_vreg.gather [hbm4b:s6+s3], $0x80, v3, vm0, $0xb8;
	[tilespmem:$0x18400] =	vst v63  }
0xdb: {  	v3 =	vld [tilespmem:$0x120];
	_ =	sdelay $0x4  }
0xdc: {  	v42 =	vshrl.u32 v3, $0x3  }
0xdd: {  	v4 =	vmul.u32 $0x30, v42  }
0xde: {  	v3 =	vand.u32 $0x7, v3  }
0xdf: {  	v3 =	vor.u32 v3, v4  }
0xe0: {  	v4 =	vperm.xlane v3, v0;
	_ =	sdelay $0x1  }
0xe1: {  	v4 =	vadd.s32 v1, v4;
	_ =	sdelay $0x3  }
0xe2: {  	s26 =	simm.s32 $0x6400;
	v3 =	vperm.xlane v3, v2  }
0xe3: {  	[tilespmem:s26], [sflag:$0x1] =	stream.indirect_vreg.gather [hbm4b:s2+s3], $0x80, v4, vm0, $0xb8;
	[tilespmem:$0x18400] =	vst v63  }
0xe4: {  	v3 =	vadd.s32 v1, v3;
	s26 =	simm.s32 $0x6C00  }
0xe5: {  	[tilespmem:s26], [sflag:$0x1] =	stream.indirect_vreg.gather [hbm4b:s5+s3], $0x80, v4, vm0, $0xb8;
	[tilespmem:$0x18400] =	vst v63  }
0xe6: {  	s28 =	simm.s32 $0x7400  }
0xe7: {  	[tilespmem:s28], [sflag:$0x1] =	stream.indirect_vreg.gather [hbm4b:s6+s3], $0x80, v4, vm0, $0xb8;
	[tilespmem:$0x18400] =	vst v63  }
0xe8: {  	s29 =	simm.s32 $0x7C00  }
0xe9: {  	[tilespmem:s29], [sflag:$0x1] =	stream.indirect_vreg.gather [hbm4b:s2+s3], $0x80, v3, vm0, $0xb8;
	[tilespmem:$0x18400] =	vst v63  }
0xea: {  	s30 =	simm.s32 $0x8400  }
0xeb: {  	[tilespmem:s30], [sflag:$0x1] =	stream.indirect_vreg.gather [hbm4b:s5+s3], $0x80, v3, vm0, $0xb8;
	[tilespmem:$0x18400] =	vst v63  }
0xec: {  	s31 =	simm.s32 $0x8C00  }
0xed: {  	[tilespmem:s31], [sflag:$0x1] =	stream.indirect_vreg.gather [hbm4b:s6+s3], $0x80, v3, vm0, $0xb8;
	[tilespmem:$0x18400] =	vst v63  }
0xee: {  	v3 =	vld [tilespmem:$0x130];
	_ =	sdelay $0x4  }
0xef: {  	v43 =	vshrl.u32 v3, $0x3  }
0xf0: {  	v4 =	vmul.u32 $0x30, v43  }
0xf1: {  	v3 =	vand.u32 $0x7, v3  }
0xf2: {  	v3 =	vor.u32 v3, v4  }
0xf3: {  	v4 =	vperm.xlane v3, v0;
	_ =	sdelay $0x1  }
0xf4: {  	v4 =	vadd.s32 v1, v4;
	_ =	sdelay $0x3  }
0xf5: {  	s16 =	simm.s32 $0x9400;
	v3 =	vperm.xlane v3, v2  }
0xf6: {  	[tilespmem:s16], [sflag:$0x1] =	stream.indirect_vreg.gather [hbm4b:s2+s3], $0x80, v4, vm0, $0xb8;
	[tilespmem:$0x18400] =	vst v63  }
0xf7: {  	s31 =	simm.s32 $0x9C00;
	v3 =	vadd.s32 v1, v3  }
0xf8: {  	[tilespmem:s31], [sflag:$0x1] =	stream.indirect_vreg.gather [hbm4b:s5+s3], $0x80, v4, vm0, $0xb8;
	[tilespmem:$0x18400] =	vst v63  }
0xf9: {  	s13 =	simm.s32 $0xA400  }
0xfa: {  	[tilespmem:s13], [sflag:$0x1] =	stream.indirect_vreg.gather [hbm4b:s6+s3], $0x80, v4, vm0, $0xb8;
	[tilespmem:$0x18400] =	vst v63  }
0xfb: {  	s14 =	simm.s32 $0xAC00  }
0xfc: {  	[tilespmem:s14], [sflag:$0x1] =	stream.indirect_vreg.gather [hbm4b:s2+s3], $0x80, v3, vm0, $0xb8;
	[tilespmem:$0x18400] =	vst v63  }
0xfd: {  	s15 =	simm.s32 $0xB400  }
0xfe: {  	[tilespmem:s15], [sflag:$0x1] =	stream.indirect_vreg.gather [hbm4b:s5+s3], $0x80, v3, vm0, $0xb8;
	[tilespmem:$0x18400] =	vst v63  }
0xff: {  	s17 =	simm.s32 $0xBC00  }
0x100: {  	[tilespmem:s17], [sflag:$0x1] =	stream.indirect_vreg.gather [hbm4b:s6+s3], $0x80, v3, vm0, $0xb8;
	[tilespmem:$0x18400] =	vst v63  }
0x101: {  	_ =	swait.ge [sflag:s10], $0xC000  }
0x102: {  	[sflag:s10] =	ssyncset.done $0x0  }
0x103: {  	s17 =	rddreg [dreg:$0x4];
	[sflag:s10] =	ssyncadd.s32 $0xFFFF4000  }
0x104: {  	[hbm4b:s17+s3] =	stream.linear.scatter [tilespmem:s4], [sflag:$0x4], $0xC000, $0x38;
	[tilespmem:$0x18400] =	vst v63  }
0x105: {  	_ =	swait.ge [sflag:s11], $0xC000  }
0x106: {  	[sflag:s11] =	ssyncset.done $0x0  }
0x107: {  	[sflag:s11] =	ssyncadd.s32 $0xFFFF4000  }
0x108: {  	v3 =	vld [tilespmem:$0x180];
	_ =	sdelay $0x4  }
0x109: {  	v44 =	vshrl.u32 v3, $0x3  }
0x10a: {  	v4 =	vmul.u32 $0x30, v44  }
0x10b: {  	v3 =	vand.u32 $0x7, v3  }
0x10c: {  	v3 =	vor.u32 v3, v4  }
0x10d: {  	v4 =	vperm.xlane v3, v0;
	_ =	sdelay $0x1  }
0x10e: {  	v4 =	vadd.s32 v1, v4;
	_ =	sdelay $0x3  }
0x10f: {  	v3 =	vperm.xlane v3, v2  }
0x110: {  	[tilespmem:s4], [sflag:$0x2] =	stream.indirect_vreg.gather [hbm4b:s2+s3], $0x80, v4, vm0, $0xb8;
	[tilespmem:$0x18400] =	vst v63  }
0x111: {  	s17 =	simm.s32 $0xCC00;
	v3 =	vadd.s32 v1, v3  }
0x112: {  	[tilespmem:s17], [sflag:$0x2] =	stream.indirect_vreg.gather [hbm4b:s5+s3], $0x80, v4, vm0, $0xb8;
	[tilespmem:$0x18400] =	vst v63  }
0x113: {  	s17 =	simm.s32 $0xD400  }
0x114: {  	[tilespmem:s17], [sflag:$0x2] =	stream.indirect_vreg.gather [hbm4b:s6+s3], $0x80, v4, vm0, $0xb8;
	[tilespmem:$0x18400] =	vst v63  }
0x115: {  	s17 =	simm.s32 $0xDC00  }
0x116: {  	[tilespmem:s17], [sflag:$0x2] =	stream.indirect_vreg.gather [hbm4b:s2+s3], $0x80, v3, vm0, $0xb8;
	[tilespmem:$0x18400] =	vst v63  }
0x117: {  	s17 =	simm.s32 $0xE400  }
0x118: {  	[tilespmem:s17], [sflag:$0x2] =	stream.indirect_vreg.gather [hbm4b:s5+s3], $0x80, v3, vm0, $0xb8;
	[tilespmem:$0x18400] =	vst v63  }
0x119: {  	s19 =	simm.s32 $0xEC00  }
0x11a: {  	[tilespmem:s19], [sflag:$0x2] =	stream.indirect_vreg.gather [hbm4b:s6+s3], $0x80, v3, vm0, $0xb8;
	[tilespmem:$0x18400] =	vst v63  }
0x11b: {  	v3 =	vld [tilespmem:$0x190];
	_ =	sdelay $0x4  }
0x11c: {  	v45 =	vshrl.u32 v3, $0x3  }
0x11d: {  	v4 =	vmul.u32 $0x30, v45  }
0x11e: {  	v3 =	vand.u32 $0x7, v3  }
0x11f: {  	v3 =	vor.u32 v3, v4  }
0x120: {  	v4 =	vperm.xlane v3, v0;
	_ =	sdelay $0x1  }
0x121: {  	v4 =	vadd.s32 v1, v4;
	_ =	sdelay $0x3  }
0x122: {  	s17 =	simm.s32 $0xF400;
	v3 =	vperm.xlane v3, v2  }
0x123: {  	[tilespmem:s17], [sflag:$0x2] =	stream.indirect_vreg.gather [hbm4b:s2+s3], $0x80, v4, vm0, $0xb8;
	[tilespmem:$0x18400] =	vst v63  }
0x124: {  	s19 =	simm.s32 $0xFC00;
	v3 =	vadd.s32 v1, v3  }
0x125: {  	[tilespmem:s19], [sflag:$0x2] =	stream.indirect_vreg.gather [hbm4b:s5+s3], $0x80, v4, vm0, $0xb8;
	[tilespmem:$0x18400] =	vst v63  }
0x126: {  	s17 =	simm.s32 $0x10400  }
0x127: {  	[tilespmem:s17], [sflag:$0x2] =	stream.indirect_vreg.gather [hbm4b:s6+s3], $0x80, v4, vm0, $0xb8;
	[tilespmem:$0x18400] =	vst v63  }
0x128: {  	s19 =	simm.s32 $0x10C00  }
0x129: {  	[tilespmem:s19], [sflag:$0x2] =	stream.indirect_vreg.gather [hbm4b:s2+s3], $0x80, v3, vm0, $0xb8;
	[tilespmem:$0x18400] =	vst v63  }
0x12a: {  	s17 =	simm.s32 $0x11400  }
0x12b: {  	[tilespmem:s17], [sflag:$0x2] =	stream.indirect_vreg.gather [hbm4b:s5+s3], $0x80, v3, vm0, $0xb8;
	[tilespmem:$0x18400] =	vst v63  }
0x12c: {  	s19 =	simm.s32 $0x11C00  }
0x12d: {  	[tilespmem:s19], [sflag:$0x2] =	stream.indirect_vreg.gather [hbm4b:s6+s3], $0x80, v3, vm0, $0xb8;
	[tilespmem:$0x18400] =	vst v63  }
0x12e: {  	v3 =	vld [tilespmem:$0x1A0];
	_ =	sdelay $0x4  }
0x12f: {  	v46 =	vshrl.u32 v3, $0x3  }
0x130: {  	v4 =	vmul.u32 $0x30, v46  }
0x131: {  	v3 =	vand.u32 $0x7, v3  }
0x132: {  	v3 =	vor.u32 v3, v4  }
0x133: {  	v4 =	vperm.xlane v3, v0;
	_ =	sdelay $0x1  }
0x134: {  	v4 =	vadd.s32 v1, v4;
	_ =	sdelay $0x3  }
0x135: {  	s17 =	simm.s32 $0x12400;
	v3 =	vperm.xlane v3, v2  }
0x136: {  	[tilespmem:s17], [sflag:$0x2] =	stream.indirect_vreg.gather [hbm4b:s2+s3], $0x80, v4, vm0, $0xb8;
	[tilespmem:$0x18400] =	vst v63  }
0x137: {  	s19 =	simm.s32 $0x12C00;
	v3 =	vadd.s32 v1, v3  }
0x138: {  	[tilespmem:s19], [sflag:$0x2] =	stream.indirect_vreg.gather [hbm4b:s5+s3], $0x80, v4, vm0, $0xb8;
	[tilespmem:$0x18400] =	vst v63  }
0x139: {  	s17 =	simm.s32 $0x13400  }
0x13a: {  	[tilespmem:s17], [sflag:$0x2] =	stream.indirect_vreg.gather [hbm4b:s6+s3], $0x80, v4, vm0, $0xb8;
	[tilespmem:$0x18400] =	vst v63  }
0x13b: {  	s19 =	simm.s32 $0x13C00  }
0x13c: {  	[tilespmem:s19], [sflag:$0x2] =	stream.indirect_vreg.gather [hbm4b:s2+s3], $0x80, v3, vm0, $0xb8;
	[tilespmem:$0x18400] =	vst v63  }
0x13d: {  	s17 =	simm.s32 $0x14400  }
0x13e: {  	[tilespmem:s17], [sflag:$0x2] =	stream.indirect_vreg.gather [hbm4b:s5+s3], $0x80, v3, vm0, $0xb8;
	[tilespmem:$0x18400] =	vst v63  }
0x13f: {  	s19 =	simm.s32 $0x14C00  }
0x140: {  	[tilespmem:s19], [sflag:$0x2] =	stream.indirect_vreg.gather [hbm4b:s6+s3], $0x80, v3, vm0, $0xb8;
	[tilespmem:$0x18400] =	vst v63  }
0x141: {  	v3 =	vld [tilespmem:$0x1B0];
	_ =	sdelay $0x4  }
0x142: {  	v47 =	vshrl.u32 v3, $0x3  }
0x143: {  	v4 =	vmul.u32 $0x30, v47  }
0x144: {  	v3 =	vand.u32 $0x7, v3  }
0x145: {  	v3 =	vor.u32 v3, v4  }
0x146: {  	v4 =	vperm.xlane v3, v0;
	_ =	sdelay $0x1  }
0x147: {  	v4 =	vadd.s32 v1, v4;
	_ =	sdelay $0x3  }
0x148: {  	s17 =	simm.s32 $0x15400;
	v3 =	vperm.xlane v3, v2  }
0x149: {  	[tilespmem:s17], [sflag:$0x2] =	stream.indirect_vreg.gather [hbm4b:s2+s3], $0x80, v4, vm0, $0xb8;
	[tilespmem:$0x18400] =	vst v63  }
0x14a: {  	s19 =	simm.s32 $0x15C00;
	v3 =	vadd.s32 v1, v3  }
0x14b: {  	[tilespmem:s19], [sflag:$0x2] =	stream.indirect_vreg.gather [hbm4b:s5+s3], $0x80, v4, vm0, $0xb8;
	[tilespmem:$0x18400] =	vst v63  }
0x14c: {  	s17 =	simm.s32 $0x16400  }
0x14d: {  	[tilespmem:s17], [sflag:$0x2] =	stream.indirect_vreg.gather [hbm4b:s6+s3], $0x80, v4, vm0, $0xb8;
	[tilespmem:$0x18400] =	vst v63  }
0x14e: {  	s19 =	simm.s32 $0x16C00  }
0x14f: {  	[tilespmem:s19], [sflag:$0x2] =	stream.indirect_vreg.gather [hbm4b:s2+s3], $0x80, v3, vm0, $0xb8;
	[tilespmem:$0x18400] =	vst v63  }
0x150: {  	s17 =	simm.s32 $0x17400  }
0x151: {  	[tilespmem:s17], [sflag:$0x2] =	stream.indirect_vreg.gather [hbm4b:s5+s3], $0x80, v3, vm0, $0xb8;
	[tilespmem:$0x18400] =	vst v63  }
0x152: {  	s19 =	simm.s32 $0x17C00  }
0x153: {  	[tilespmem:s19], [sflag:$0x2] =	stream.indirect_vreg.gather [hbm4b:s6+s3], $0x80, v3, vm0, $0xb8;
	[tilespmem:$0x18400] =	vst v63  }
0x154: {  	_ =	swait.ge [sflag:s0], $0xC000  }
0x155: {  	[sflag:s0] =	ssyncset.done $0x0  }
0x156: {  	s17 =	rddreg [dreg:$0x5];
	[sflag:s0] =	ssyncadd.s32 $0xFFFF4000  }
0x157: {  	[hbm4b:s17+s3] =	stream.linear.scatter [tilespmem:s18], [sflag:$0x3], $0xC000, $0x38;
	[tilespmem:$0x18400] =	vst v63  }
0x158: {  	_ =	swait.ge [sflag:s8], $0xC000  }
0x159: {  	[sflag:s8] =	ssyncset.done $0x0  }
0x15a: {  	[sflag:s8] =	ssyncadd.s32 $0xFFFF4000  }
0x15b: {  	v3 =	vld [tilespmem:$0x200];
	_ =	sdelay $0x4  }
0x15c: {  	v48 =	vshrl.u32 v3, $0x3  }
0x15d: {  	v4 =	vmul.u32 $0x30, v48  }
0x15e: {  	v3 =	vand.u32 $0x7, v3  }
0x15f: {  	v3 =	vor.u32 v3, v4  }
0x160: {  	v4 =	vperm.xlane v3, v0;
	_ =	sdelay $0x1  }
0x161: {  	v4 =	vadd.s32 v1, v4;
	_ =	sdelay $0x3  }
0x162: {  	v3 =	vperm.xlane v3, v2  }
0x163: {  	[tilespmem:s18], [sflag:$0x1] =	stream.indirect_vreg.gather [hbm4b:s2+s3], $0x80, v4, vm0, $0xb8;
	[tilespmem:$0x18400] =	vst v63  }
0x164: {  	v3 =	vadd.s32 v1, v3  }
0x165: {  	[tilespmem:s1], [sflag:$0x1] =	stream.indirect_vreg.gather [hbm4b:s5+s3], $0x80, v4, vm0, $0xb8;
	[tilespmem:$0x18400] =	vst v63  }
0x166: {  	_ = 	snop  }
0x167: {  	[tilespmem:s9], [sflag:$0x1] =	stream.indirect_vreg.gather [hbm4b:s6+s3], $0x80, v4, vm0, $0xb8;
	[tilespmem:$0x18400] =	vst v63  }
0x168: {  	_ = 	snop  }
0x169: {  	[tilespmem:s20], [sflag:$0x1] =	stream.indirect_vreg.gather [hbm4b:s2+s3], $0x80, v3, vm0, $0xb8;
	[tilespmem:$0x18400] =	vst v63  }
0x16a: {  	_ = 	snop  }
0x16b: {  	[tilespmem:s21], [sflag:$0x1] =	stream.indirect_vreg.gather [hbm4b:s5+s3], $0x80, v3, vm0, $0xb8;
	[tilespmem:$0x18400] =	vst v63  }
0x16c: {  	s19 =	simm.s32 $0x2C00  }
0x16d: {  	[tilespmem:s19], [sflag:$0x1] =	stream.indirect_vreg.gather [hbm4b:s6+s3], $0x80, v3, vm0, $0xb8;
	[tilespmem:$0x18400] =	vst v63  }
0x16e: {  	v3 =	vld [tilespmem:$0x210];
	_ =	sdelay $0x4  }
0x16f: {  	v49 =	vshrl.u32 v3, $0x3  }
0x170: {  	v4 =	vmul.u32 $0x30, v49  }
0x171: {  	v3 =	vand.u32 $0x7, v3  }
0x172: {  	v3 =	vor.u32 v3, v4  }
0x173: {  	v4 =	vperm.xlane v3, v0;
	_ =	sdelay $0x1  }
0x174: {  	v4 =	vadd.s32 v1, v4;
	_ =	sdelay $0x3  }
0x175: {  	s21 =	simm.s32 $0x3400;
	v3 =	vperm.xlane v3, v2  }
0x176: {  	[tilespmem:s21], [sflag:$0x1] =	stream.indirect_vreg.gather [hbm4b:s2+s3], $0x80, v4, vm0, $0xb8;
	[tilespmem:$0x18400] =	vst v63  }
0x177: {  	v3 =	vadd.s32 v1, v3  }
0x178: {  	[tilespmem:s22], [sflag:$0x1] =	stream.indirect_vreg.gather [hbm4b:s5+s3], $0x80, v4, vm0, $0xb8;
	[tilespmem:$0x18400] =	vst v63  }
0x179: {  	_ = 	snop  }
0x17a: {  	[tilespmem:s23], [sflag:$0x1] =	stream.indirect_vreg.gather [hbm4b:s6+s3], $0x80, v4, vm0, $0xb8;
	[tilespmem:$0x18400] =	vst v63  }
0x17b: {  	_ = 	snop  }
0x17c: {  	[tilespmem:s24], [sflag:$0x1] =	stream.indirect_vreg.gather [hbm4b:s2+s3], $0x80, v3, vm0, $0xb8;
	[tilespmem:$0x18400] =	vst v63  }
0x17d: {  	_ = 	snop  }
0x17e: {  	[tilespmem:s25], [sflag:$0x1] =	stream.indirect_vreg.gather [hbm4b:s5+s3], $0x80, v3, vm0, $0xb8;
	[tilespmem:$0x18400] =	vst v63  }
0x17f: {  	s19 =	simm.s32 $0x5C00  }
0x180: {  	[tilespmem:s19], [sflag:$0x1] =	stream.indirect_vreg.gather [hbm4b:s6+s3], $0x80, v3, vm0, $0xb8;
	[tilespmem:$0x18400] =	vst v63  }
0x181: {  	v3 =	vld [tilespmem:$0x220];
	_ =	sdelay $0x4  }
0x182: {  	v50 =	vshrl.u32 v3, $0x3  }
0x183: {  	v4 =	vmul.u32 $0x30, v50  }
0x184: {  	v3 =	vand.u32 $0x7, v3  }
0x185: {  	v3 =	vor.u32 v3, v4  }
0x186: {  	v4 =	vperm.xlane v3, v0;
	_ =	sdelay $0x1  }
0x187: {  	v4 =	vadd.s32 v1, v4;
	_ =	sdelay $0x3  }
0x188: {  	s25 =	simm.s32 $0x6400;
	v3 =	vperm.xlane v3, v2  }
0x189: {  	[tilespmem:s25], [sflag:$0x1] =	stream.indirect_vreg.gather [hbm4b:s2+s3], $0x80, v4, vm0, $0xb8;
	[tilespmem:$0x18400] =	vst v63  }
0x18a: {  	v3 =	vadd.s32 v1, v3  }
0x18b: {  	[tilespmem:s26], [sflag:$0x1] =	stream.indirect_vreg.gather [hbm4b:s5+s3], $0x80, v4, vm0, $0xb8;
	[tilespmem:$0x18400] =	vst v63  }
0x18c: {  	_ = 	snop  }
0x18d: {  	[tilespmem:s28], [sflag:$0x1] =	stream.indirect_vreg.gather [hbm4b:s6+s3], $0x80, v4, vm0, $0xb8;
	[tilespmem:$0x18400] =	vst v63  }
0x18e: {  	_ = 	snop  }
0x18f: {  	[tilespmem:s29], [sflag:$0x1] =	stream.indirect_vreg.gather [hbm4b:s2+s3], $0x80, v3, vm0, $0xb8;
	[tilespmem:$0x18400] =	vst v63  }
0x190: {  	_ = 	snop  }
0x191: {  	[tilespmem:s30], [sflag:$0x1] =	stream.indirect_vreg.gather [hbm4b:s5+s3], $0x80, v3, vm0, $0xb8;
	[tilespmem:$0x18400] =	vst v63  }
0x192: {  	s30 =	simm.s32 $0x8C00  }
0x193: {  	[tilespmem:s30], [sflag:$0x1] =	stream.indirect_vreg.gather [hbm4b:s6+s3], $0x80, v3, vm0, $0xb8;
	[tilespmem:$0x18400] =	vst v63  }
0x194: {  	v3 =	vld [tilespmem:$0x230];
	_ =	sdelay $0x4  }
0x195: {  	v51 =	vshrl.u32 v3, $0x3  }
0x196: {  	v4 =	vmul.u32 $0x30, v51  }
0x197: {  	v3 =	vand.u32 $0x7, v3  }
0x198: {  	v3 =	vor.u32 v3, v4  }
0x199: {  	v4 =	vperm.xlane v3, v0;
	_ =	sdelay $0x1  }
0x19a: {  	v4 =	vadd.s32 v1, v4;
	_ =	sdelay $0x3  }
0x19b: {  	v3 =	vperm.xlane v3, v2  }
0x19c: {  	[tilespmem:s16], [sflag:$0x1] =	stream.indirect_vreg.gather [hbm4b:s2+s3], $0x80, v4, vm0, $0xb8;
	[tilespmem:$0x18400] =	vst v63  }
0x19d: {  	v3 =	vadd.s32 v1, v3  }
0x19e: {  	[tilespmem:s31], [sflag:$0x1] =	stream.indirect_vreg.gather [hbm4b:s5+s3], $0x80, v4, vm0, $0xb8;
	[tilespmem:$0x18400] =	vst v63  }
0x19f: {  	_ = 	snop  }
0x1a0: {  	[tilespmem:s13], [sflag:$0x1] =	stream.indirect_vreg.gather [hbm4b:s6+s3], $0x80, v4, vm0, $0xb8;
	[tilespmem:$0x18400] =	vst v63  }
0x1a1: {  	_ = 	snop  }
0x1a2: {  	[tilespmem:s14], [sflag:$0x1] =	stream.indirect_vreg.gather [hbm4b:s2+s3], $0x80, v3, vm0, $0xb8;
	[tilespmem:$0x18400] =	vst v63  }
0x1a3: {  	_ = 	snop  }
0x1a4: {  	[tilespmem:s15], [sflag:$0x1] =	stream.indirect_vreg.gather [hbm4b:s5+s3], $0x80, v3, vm0, $0xb8;
	[tilespmem:$0x18400] =	vst v63  }
0x1a5: {  	s31 =	simm.s32 $0xBC00  }
0x1a6: {  	[tilespmem:s31], [sflag:$0x1] =	stream.indirect_vreg.gather [hbm4b:s6+s3], $0x80, v3, vm0, $0xb8;
	[tilespmem:$0x18400] =	vst v63  }
0x1a7: {  	_ =	swait.ge [sflag:s10], $0xC000  }
0x1a8: {  	[sflag:s10] =	ssyncset.done $0x0  }
0x1a9: {  	s19 =	rddreg [dreg:$0x6];
	[sflag:s10] =	ssyncadd.s32 $0xFFFF4000  }
0x1aa: {  	[hbm4b:s19+s3] =	stream.linear.scatter [tilespmem:s4], [sflag:$0x4], $0xC000, $0x38;
	[tilespmem:$0x18400] =	vst v63  }
0x1ab: {  	_ =	swait.ge [sflag:s11], $0xC000  }
0x1ac: {  	[sflag:s11] =	ssyncset.done $0x0  }
0x1ad: {  	[sflag:s11] =	ssyncadd.s32 $0xFFFF4000  }
0x1ae: {  	v3 =	vld [tilespmem:$0x280];
	_ =	sdelay $0x4  }
0x1af: {  	v52 =	vshrl.u32 v3, $0x3  }
0x1b0: {  	v4 =	vmul.u32 $0x30, v52  }
0x1b1: {  	v3 =	vand.u32 $0x7, v3  }
0x1b2: {  	v3 =	vor.u32 v3, v4  }
0x1b3: {  	v4 =	vperm.xlane v3, v0;
	_ =	sdelay $0x1  }
0x1b4: {  	v4 =	vadd.s32 v1, v4;
	_ =	sdelay $0x3  }
0x1b5: {  	v3 =	vperm.xlane v3, v2  }
0x1b6: {  	[tilespmem:s4], [sflag:$0x2] =	stream.indirect_vreg.gather [hbm4b:s2+s3], $0x80, v4, vm0, $0xb8;
	[tilespmem:$0x18400] =	vst v63  }
0x1b7: {  	s31 =	simm.s32 $0xCC00;
	v3 =	vadd.s32 v1, v3  }
0x1b8: {  	[tilespmem:s31], [sflag:$0x2] =	stream.indirect_vreg.gather [hbm4b:s5+s3], $0x80, v4, vm0, $0xb8;
	[tilespmem:$0x18400] =	vst v63  }
0x1b9: {  	s19 =	simm.s32 $0xD400  }
0x1ba: {  	[tilespmem:s19], [sflag:$0x2] =	stream.indirect_vreg.gather [hbm4b:s6+s3], $0x80, v4, vm0, $0xb8;
	[tilespmem:$0x18400] =	vst v63  }
0x1bb: {  	s12 =	simm.s32 $0xDC00  }
0x1bc: {  	[tilespmem:s12], [sflag:$0x2] =	stream.indirect_vreg.gather [hbm4b:s2+s3], $0x80, v3, vm0, $0xb8;
	[tilespmem:$0x18400] =	vst v63  }
0x1bd: {  	s12 =	simm.s32 $0xE400  }
0x1be: {  	[tilespmem:s12], [sflag:$0x2] =	stream.indirect_vreg.gather [hbm4b:s5+s3], $0x80, v3, vm0, $0xb8;
	[tilespmem:$0x18400] =	vst v63  }
0x1bf: {  	s12 =	simm.s32 $0xEC00  }
0x1c0: {  	[tilespmem:s12], [sflag:$0x2] =	stream.indirect_vreg.gather [hbm4b:s6+s3], $0x80, v3, vm0, $0xb8;
	[tilespmem:$0x18400] =	vst v63  }
0x1c1: {  	v3 =	vld [tilespmem:$0x290];
	_ =	sdelay $0x4  }
0x1c2: {  	v53 =	vshrl.u32 v3, $0x3  }
0x1c3: {  	v4 =	vmul.u32 $0x30, v53  }
0x1c4: {  	v3 =	vand.u32 $0x7, v3  }
0x1c5: {  	v3 =	vor.u32 v3, v4  }
0x1c6: {  	v4 =	vperm.xlane v3, v0;
	_ =	sdelay $0x1  }
0x1c7: {  	v4 =	vadd.s32 v1, v4;
	_ =	sdelay $0x3  }
0x1c8: {  	s12 =	simm.s32 $0xF400;
	v3 =	vperm.xlane v3, v2  }
0x1c9: {  	[tilespmem:s12], [sflag:$0x2] =	stream.indirect_vreg.gather [hbm4b:s2+s3], $0x80, v4, vm0, $0xb8;
	[tilespmem:$0x18400] =	vst v63  }
0x1ca: {  	v3 =	vadd.s32 v1, v3;
	s12 =	simm.s32 $0xFC00  }
0x1cb: {  	[tilespmem:s12], [sflag:$0x2] =	stream.indirect_vreg.gather [hbm4b:s5+s3], $0x80, v4, vm0, $0xb8;
	[tilespmem:$0x18400] =	vst v63  }
0x1cc: {  	s12 =	simm.s32 $0x10400  }
0x1cd: {  	[tilespmem:s12], [sflag:$0x2] =	stream.indirect_vreg.gather [hbm4b:s6+s3], $0x80, v4, vm0, $0xb8;
	[tilespmem:$0x18400] =	vst v63  }
0x1ce: {  	s12 =	simm.s32 $0x10C00  }
0x1cf: {  	[tilespmem:s12], [sflag:$0x2] =	stream.indirect_vreg.gather [hbm4b:s2+s3], $0x80, v3, vm0, $0xb8;
	[tilespmem:$0x18400] =	vst v63  }
0x1d0: {  	s12 =	simm.s32 $0x11400  }
0x1d1: {  	[tilespmem:s12], [sflag:$0x2] =	stream.indirect_vreg.gather [hbm4b:s5+s3], $0x80, v3, vm0, $0xb8;
	[tilespmem:$0x18400] =	vst v63  }
0x1d2: {  	s12 =	simm.s32 $0x11C00  }
0x1d3: {  	[tilespmem:s12], [sflag:$0x2] =	stream.indirect_vreg.gather [hbm4b:s6+s3], $0x80, v3, vm0, $0xb8;
	[tilespmem:$0x18400] =	vst v63  }
0x1d4: {  	v3 =	vld [tilespmem:$0x2A0];
	_ =	sdelay $0x4  }
0x1d5: {  	v54 =	vshrl.u32 v3, $0x3  }
0x1d6: {  	v4 =	vmul.u32 $0x30, v54  }
0x1d7: {  	v3 =	vand.u32 $0x7, v3  }
0x1d8: {  	v3 =	vor.u32 v3, v4  }
0x1d9: {  	v4 =	vperm.xlane v3, v0;
	_ =	sdelay $0x1  }
0x1da: {  	v4 =	vadd.s32 v1, v4;
	_ =	sdelay $0x3  }
0x1db: {  	s12 =	simm.s32 $0x12400;
	v3 =	vperm.xlane v3, v2  }
0x1dc: {  	[tilespmem:s12], [sflag:$0x2] =	stream.indirect_vreg.gather [hbm4b:s2+s3], $0x80, v4, vm0, $0xb8;
	[tilespmem:$0x18400] =	vst v63  }
0x1dd: {  	v3 =	vadd.s32 v1, v3;
	s12 =	simm.s32 $0x12C00  }
0x1de: {  	[tilespmem:s12], [sflag:$0x2] =	stream.indirect_vreg.gather [hbm4b:s5+s3], $0x80, v4, vm0, $0xb8;
	[tilespmem:$0x18400] =	vst v63  }
0x1df: {  	s12 =	simm.s32 $0x13400  }
0x1e0: {  	[tilespmem:s12], [sflag:$0x2] =	stream.indirect_vreg.gather [hbm4b:s6+s3], $0x80, v4, vm0, $0xb8;
	[tilespmem:$0x18400] =	vst v63  }
0x1e1: {  	s12 =	simm.s32 $0x13C00  }
0x1e2: {  	[tilespmem:s12], [sflag:$0x2] =	stream.indirect_vreg.gather [hbm4b:s2+s3], $0x80, v3, vm0, $0xb8;
	[tilespmem:$0x18400] =	vst v63  }
0x1e3: {  	s12 =	simm.s32 $0x14400  }
0x1e4: {  	[tilespmem:s12], [sflag:$0x2] =	stream.indirect_vreg.gather [hbm4b:s5+s3], $0x80, v3, vm0, $0xb8;
	[tilespmem:$0x18400] =	vst v63  }
0x1e5: {  	s12 =	simm.s32 $0x14C00  }
0x1e6: {  	[tilespmem:s12], [sflag:$0x2] =	stream.indirect_vreg.gather [hbm4b:s6+s3], $0x80, v3, vm0, $0xb8;
	[tilespmem:$0x18400] =	vst v63  }
0x1e7: {  	v3 =	vld [tilespmem:$0x2B0];
	_ =	sdelay $0x4  }
0x1e8: {  	v55 =	vshrl.u32 v3, $0x3  }
0x1e9: {  	v4 =	vmul.u32 $0x30, v55  }
0x1ea: {  	v3 =	vand.u32 $0x7, v3  }
0x1eb: {  	v3 =	vor.u32 v3, v4  }
0x1ec: {  	v4 =	vperm.xlane v3, v0;
	_ =	sdelay $0x1  }
0x1ed: {  	v4 =	vadd.s32 v1, v4;
	_ =	sdelay $0x3  }
0x1ee: {  	s12 =	simm.s32 $0x15400;
	v3 =	vperm.xlane v3, v2  }
0x1ef: {  	[tilespmem:s12], [sflag:$0x2] =	stream.indirect_vreg.gather [hbm4b:s2+s3], $0x80, v4, vm0, $0xb8;
	[tilespmem:$0x18400] =	vst v63  }
0x1f0: {  	v3 =	vadd.s32 v1, v3;
	s12 =	simm.s32 $0x15C00  }
0x1f1: {  	[tilespmem:s12], [sflag:$0x2] =	stream.indirect_vreg.gather [hbm4b:s5+s3], $0x80, v4, vm0, $0xb8;
	[tilespmem:$0x18400] =	vst v63  }
0x1f2: {  	s12 =	simm.s32 $0x16400  }
0x1f3: {  	[tilespmem:s12], [sflag:$0x2] =	stream.indirect_vreg.gather [hbm4b:s6+s3], $0x80, v4, vm0, $0xb8;
	[tilespmem:$0x18400] =	vst v63  }
0x1f4: {  	s12 =	simm.s32 $0x16C00  }
0x1f5: {  	[tilespmem:s12], [sflag:$0x2] =	stream.indirect_vreg.gather [hbm4b:s2+s3], $0x80, v3, vm0, $0xb8;
	[tilespmem:$0x18400] =	vst v63  }
0x1f6: {  	s12 =	simm.s32 $0x17400  }
0x1f7: {  	[tilespmem:s12], [sflag:$0x2] =	stream.indirect_vreg.gather [hbm4b:s5+s3], $0x80, v3, vm0, $0xb8;
	[tilespmem:$0x18400] =	vst v63  }
0x1f8: {  	s12 =	simm.s32 $0x17C00  }
0x1f9: {  	[tilespmem:s12], [sflag:$0x2] =	stream.indirect_vreg.gather [hbm4b:s6+s3], $0x80, v3, vm0, $0xb8;
	[tilespmem:$0x18400] =	vst v63  }
0x1fa: {  	_ =	swait.ge [sflag:s0], $0xC000  }
0x1fb: {  	[sflag:s0] =	ssyncset.done $0x0  }
0x1fc: {  	s12 =	rddreg [dreg:$0x7];
	[sflag:s0] =	ssyncadd.s32 $0xFFFF4000  }
0x1fd: {  	[hbm4b:s12+s3] =	stream.linear.scatter [tilespmem:s18], [sflag:$0x3], $0xC000, $0x38;
	[tilespmem:$0x18400] =	vst v63  }
0x1fe: {  	_ =	swait.ge [sflag:s8], $0xC000  }
0x1ff: {  	[sflag:s8] =	ssyncset.done $0x0  }
0x200: {  	[sflag:s8] =	ssyncadd.s32 $0xFFFF4000  }
0x201: {  	v3 =	vld [tilespmem:$0x300];
	_ =	sdelay $0x4  }
0x202: {  	v56 =	vshrl.u32 v3, $0x3  }
0x203: {  	v4 =	vmul.u32 $0x30, v56  }
0x204: {  	v3 =	vand.u32 $0x7, v3  }
0x205: {  	v3 =	vor.u32 v3, v4  }
0x206: {  	v4 =	vperm.xlane v3, v0;
	_ =	sdelay $0x1  }
0x207: {  	v4 =	vadd.s32 v1, v4;
	_ =	sdelay $0x3  }
0x208: {  	v3 =	vperm.xlane v3, v2  }
0x209: {  	[tilespmem:s18], [sflag:$0x1] =	stream.indirect_vreg.gather [hbm4b:s2+s3], $0x80, v4, vm0, $0xb8;
	[tilespmem:$0x18400] =	vst v63  }
0x20a: {  	s1 =	simm.s32 $0xC00;
	v3 =	vadd.s32 v1, v3  }
0x20b: {  	[tilespmem:s1], [sflag:$0x1] =	stream.indirect_vreg.gather [hbm4b:s5+s3], $0x80, v4, vm0, $0xb8;
	[tilespmem:$0x18400] =	vst v63  }
0x20c: {  	s9 =	simm.s32 $0x1400  }
0x20d: {  	[tilespmem:s9], [sflag:$0x1] =	stream.indirect_vreg.gather [hbm4b:s6+s3], $0x80, v4, vm0, $0xb8;
	[tilespmem:$0x18400] =	vst v63  }
0x20e: {  	s17 =	simm.s32 $0x1C00  }
0x20f: {  	[tilespmem:s17], [sflag:$0x1] =	stream.indirect_vreg.gather [hbm4b:s2+s3], $0x80, v3, vm0, $0xb8;
	[tilespmem:$0x18400] =	vst v63  }
0x210: {  	s20 =	simm.s32 $0x2400  }
0x211: {  	[tilespmem:s20], [sflag:$0x1] =	stream.indirect_vreg.gather [hbm4b:s5+s3], $0x80, v3, vm0, $0xb8;
	[tilespmem:$0x18400] =	vst v63  }
0x212: {  	s17 =	simm.s32 $0x2C00  }
0x213: {  	[tilespmem:s17], [sflag:$0x1] =	stream.indirect_vreg.gather [hbm4b:s6+s3], $0x80, v3, vm0, $0xb8;
	[tilespmem:$0x18400] =	vst v63  }
0x214: {  	v3 =	vld [tilespmem:$0x310];
	_ =	sdelay $0x4  }
0x215: {  	v57 =	vshrl.u32 v3, $0x3  }
0x216: {  	v4 =	vmul.u32 $0x30, v57  }
0x217: {  	v3 =	vand.u32 $0x7, v3  }
0x218: {  	v3 =	vor.u32 v3, v4  }
0x219: {  	v4 =	vperm.xlane v3, v0;
	_ =	sdelay $0x1  }
0x21a: {  	v4 =	vadd.s32 v1, v4;
	_ =	sdelay $0x3  }
0x21b: {  	s20 =	simm.s32 $0x3400;
	v3 =	vperm.xlane v3, v2  }
0x21c: {  	[tilespmem:s20], [sflag:$0x1] =	stream.indirect_vreg.gather [hbm4b:s2+s3], $0x80, v4, vm0, $0xb8;
	[tilespmem:$0x18400] =	vst v63  }
0x21d: {  	s21 =	simm.s32 $0x3C00;
	v3 =	vadd.s32 v1, v3  }
0x21e: {  	[tilespmem:s21], [sflag:$0x1] =	stream.indirect_vreg.gather [hbm4b:s5+s3], $0x80, v4, vm0, $0xb8;
	[tilespmem:$0x18400] =	vst v63  }
0x21f: {  	s22 =	simm.s32 $0x4400  }
0x220: {  	[tilespmem:s22], [sflag:$0x1] =	stream.indirect_vreg.gather [hbm4b:s6+s3], $0x80, v4, vm0, $0xb8;
	[tilespmem:$0x18400] =	vst v63  }
0x221: {  	s23 =	simm.s32 $0x4C00  }
0x222: {  	[tilespmem:s23], [sflag:$0x1] =	stream.indirect_vreg.gather [hbm4b:s2+s3], $0x80, v3, vm0, $0xb8;
	[tilespmem:$0x18400] =	vst v63  }
0x223: {  	s24 =	simm.s32 $0x5400  }
0x224: {  	[tilespmem:s24], [sflag:$0x1] =	stream.indirect_vreg.gather [hbm4b:s5+s3], $0x80, v3, vm0, $0xb8;
	[tilespmem:$0x18400] =	vst v63  }
0x225: {  	s22 =	simm.s32 $0x5C00  }
0x226: {  	[tilespmem:s22], [sflag:$0x1] =	stream.indirect_vreg.gather [hbm4b:s6+s3], $0x80, v3, vm0, $0xb8;
	[tilespmem:$0x18400] =	vst v63  }
0x227: {  	v3 =	vld [tilespmem:$0x320];
	_ =	sdelay $0x4  }
0x228: {  	v58 =	vshrl.u32 v3, $0x3  }
0x229: {  	v4 =	vmul.u32 $0x30, v58  }
0x22a: {  	v3 =	vand.u32 $0x7, v3  }
0x22b: {  	v3 =	vor.u32 v3, v4  }
0x22c: {  	v4 =	vperm.xlane v3, v0;
	_ =	sdelay $0x1  }
0x22d: {  	v4 =	vadd.s32 v1, v4;
	_ =	sdelay $0x3  }
0x22e: {  	s23 =	simm.s32 $0x6400;
	v3 =	vperm.xlane v3, v2  }
0x22f: {  	[tilespmem:s23], [sflag:$0x1] =	stream.indirect_vreg.gather [hbm4b:s2+s3], $0x80, v4, vm0, $0xb8;
	[tilespmem:$0x18400] =	vst v63  }
0x230: {  	s25 =	simm.s32 $0x6C00;
	v3 =	vadd.s32 v1, v3  }
0x231: {  	[tilespmem:s25], [sflag:$0x1] =	stream.indirect_vreg.gather [hbm4b:s5+s3], $0x80, v4, vm0, $0xb8;
	[tilespmem:$0x18400] =	vst v63  }
0x232: {  	s26 =	simm.s32 $0x7400  }
0x233: {  	[tilespmem:s26], [sflag:$0x1] =	stream.indirect_vreg.gather [hbm4b:s6+s3], $0x80, v4, vm0, $0xb8;
	[tilespmem:$0x18400] =	vst v63  }
0x234: {  	s28 =	simm.s32 $0x7C00  }
0x235: {  	[tilespmem:s28], [sflag:$0x1] =	stream.indirect_vreg.gather [hbm4b:s2+s3], $0x80, v3, vm0, $0xb8;
	[tilespmem:$0x18400] =	vst v63  }
0x236: {  	s29 =	simm.s32 $0x8400  }
0x237: {  	[tilespmem:s29], [sflag:$0x1] =	stream.indirect_vreg.gather [hbm4b:s5+s3], $0x80, v3, vm0, $0xb8;
	[tilespmem:$0x18400] =	vst v63  }
0x238: {  	s24 =	simm.s32 $0x8C00  }
0x239: {  	[tilespmem:s24], [sflag:$0x1] =	stream.indirect_vreg.gather [hbm4b:s6+s3], $0x80, v3, vm0, $0xb8;
	[tilespmem:$0x18400] =	vst v63  }
0x23a: {  	v3 =	vld [tilespmem:$0x330];
	_ =	sdelay $0x4  }
0x23b: {  	v59 =	vshrl.u32 v3, $0x3  }
0x23c: {  	v4 =	vmul.u32 $0x30, v59  }
0x23d: {  	v3 =	vand.u32 $0x7, v3  }
0x23e: {  	v3 =	vor.u32 v3, v4  }
0x23f: {  	v4 =	vperm.xlane v3, v0;
	_ =	sdelay $0x1  }
0x240: {  	v4 =	vadd.s32 v1, v4;
	_ =	sdelay $0x3  }
0x241: {  	s16 =	simm.s32 $0x9400;
	v3 =	vperm.xlane v3, v2  }
0x242: {  	[tilespmem:s16], [sflag:$0x1] =	stream.indirect_vreg.gather [hbm4b:s2+s3], $0x80, v4, vm0, $0xb8;
	[tilespmem:$0x18400] =	vst v63  }
0x243: {  	s30 =	simm.s32 $0x9C00;
	v3 =	vadd.s32 v1, v3  }
0x244: {  	[tilespmem:s30], [sflag:$0x1] =	stream.indirect_vreg.gather [hbm4b:s5+s3], $0x80, v4, vm0, $0xb8;
	[tilespmem:$0x18400] =	vst v63  }
0x245: {  	s13 =	simm.s32 $0xA400  }
0x246: {  	[tilespmem:s13], [sflag:$0x1] =	stream.indirect_vreg.gather [hbm4b:s6+s3], $0x80, v4, vm0, $0xb8;
	[tilespmem:$0x18400] =	vst v63  }
0x247: {  	s14 =	simm.s32 $0xAC00  }
0x248: {  	[tilespmem:s14], [sflag:$0x1] =	stream.indirect_vreg.gather [hbm4b:s2+s3], $0x80, v3, vm0, $0xb8;
	[tilespmem:$0x18400] =	vst v63  }
0x249: {  	s15 =	simm.s32 $0xB400  }
0x24a: {  	[tilespmem:s15], [sflag:$0x1] =	stream.indirect_vreg.gather [hbm4b:s5+s3], $0x80, v3, vm0, $0xb8;
	[tilespmem:$0x18400] =	vst v63  }
0x24b: {  	s25 =	simm.s32 $0xBC00  }
0x24c: {  	[tilespmem:s25], [sflag:$0x1] =	stream.indirect_vreg.gather [hbm4b:s6+s3], $0x80, v3, vm0, $0xb8;
	[tilespmem:$0x18400] =	vst v63  }
0x24d: {  	_ =	swait.ge [sflag:s10], $0xC000  }
0x24e: {  	[sflag:s10] =	ssyncset.done $0x0  }
0x24f: {  	s26 =	rddreg [dreg:$0x8];
	[sflag:s10] =	ssyncadd.s32 $0xFFFF4000  }
0x250: {  	[hbm4b:s26+s3] =	stream.linear.scatter [tilespmem:s4], [sflag:$0x4], $0xC000, $0x38;
	[tilespmem:$0x18400] =	vst v63  }
0x251: {  	_ =	swait.ge [sflag:s11], $0xC000  }
0x252: {  	[sflag:s11] =	ssyncset.done $0x0  }
0x253: {  	[sflag:s11] =	ssyncadd.s32 $0xFFFF4000  }
0x254: {  	v3 =	vld [tilespmem:$0x380];
	_ =	sdelay $0x4  }
0x255: {  	v60 =	vshrl.u32 v3, $0x3  }
0x256: {  	v4 =	vmul.u32 $0x30, v60  }
0x257: {  	v3 =	vand.u32 $0x7, v3  }
0x258: {  	v3 =	vor.u32 v3, v4  }
0x259: {  	v4 =	vperm.xlane v3, v0;
	_ =	sdelay $0x1  }
0x25a: {  	v4 =	vadd.s32 v1, v4;
	_ =	sdelay $0x3  }
0x25b: {  	v3 =	vperm.xlane v3, v2  }
0x25c: {  	[tilespmem:s4], [sflag:$0x2] =	stream.indirect_vreg.gather [hbm4b:s2+s3], $0x80, v4, vm0, $0xb8;
	[tilespmem:$0x18400] =	vst v63  }
0x25d: {  	s31 =	simm.s32 $0xCC00;
	v3 =	vadd.s32 v1, v3  }
0x25e: {  	[tilespmem:s31], [sflag:$0x2] =	stream.indirect_vreg.gather [hbm4b:s5+s3], $0x80, v4, vm0, $0xb8;
	[tilespmem:$0x18400] =	vst v63  }
0x25f: {  	s19 =	simm.s32 $0xD400  }
0x260: {  	[tilespmem:s19], [sflag:$0x2] =	stream.indirect_vreg.gather [hbm4b:s6+s3], $0x80, v4, vm0, $0xb8;
	[tilespmem:$0x18400] =	vst v63  }
0x261: {  	s28 =	simm.s32 $0xDC00  }
0x262: {  	[tilespmem:s28], [sflag:$0x2] =	stream.indirect_vreg.gather [hbm4b:s2+s3], $0x80, v3, vm0, $0xb8;
	[tilespmem:$0x18400] =	vst v63  }
0x263: {  	s29 =	simm.s32 $0xE400  }
0x264: {  	[tilespmem:s29], [sflag:$0x2] =	stream.indirect_vreg.gather [hbm4b:s5+s3], $0x80, v3, vm0, $0xb8;
	[tilespmem:$0x18400] =	vst v63  }
0x265: {  	s30 =	simm.s32 $0xEC00  }
0x266: {  	[tilespmem:s30], [sflag:$0x2] =	stream.indirect_vreg.gather [hbm4b:s6+s3], $0x80, v3, vm0, $0xb8;
	[tilespmem:$0x18400] =	vst v63  }
0x267: {  	v3 =	vld [tilespmem:$0x390];
	_ =	sdelay $0x4  }
0x268: {  	v61 =	vshrl.u32 v3, $0x3  }
0x269: {  	v4 =	vmul.u32 $0x30, v61  }
0x26a: {  	v3 =	vand.u32 $0x7, v3  }
0x26b: {  	v3 =	vor.u32 v3, v4  }
0x26c: {  	v4 =	vperm.xlane v3, v0;
	_ =	sdelay $0x1  }
0x26d: {  	v4 =	vadd.s32 v1, v4;
	_ =	sdelay $0x3  }
0x26e: {  	s31 =	simm.s32 $0xF400;
	v3 =	vperm.xlane v3, v2  }
0x26f: {  	[tilespmem:s31], [sflag:$0x2] =	stream.indirect_vreg.gather [hbm4b:s2+s3], $0x80, v4, vm0, $0xb8;
	[tilespmem:$0x18400] =	vst v63  }
0x270: {  	s9 =	simm.s32 $0xFC00;
	v3 =	vadd.s32 v1, v3  }
0x271: {  	[tilespmem:s9], [sflag:$0x2] =	stream.indirect_vreg.gather [hbm4b:s5+s3], $0x80, v4, vm0, $0xb8;
	[tilespmem:$0x18400] =	vst v63  }
0x272: {  	s12 =	simm.s32 $0x10400  }
0x273: {  	[tilespmem:s12], [sflag:$0x2] =	stream.indirect_vreg.gather [hbm4b:s6+s3], $0x80, v4, vm0, $0xb8;
	[tilespmem:$0x18400] =	vst v63  }
0x274: {  	s13 =	simm.s32 $0x10C00  }
0x275: {  	[tilespmem:s13], [sflag:$0x2] =	stream.indirect_vreg.gather [hbm4b:s2+s3], $0x80, v3, vm0, $0xb8;
	[tilespmem:$0x18400] =	vst v63  }
0x276: {  	s14 =	simm.s32 $0x11400  }
0x277: {  	[tilespmem:s14], [sflag:$0x2] =	stream.indirect_vreg.gather [hbm4b:s5+s3], $0x80, v3, vm0, $0xb8;
	[tilespmem:$0x18400] =	vst v63  }
0x278: {  	s15 =	simm.s32 $0x11C00  }
0x279: {  	[tilespmem:s15], [sflag:$0x2] =	stream.indirect_vreg.gather [hbm4b:s6+s3], $0x80, v3, vm0, $0xb8;
	[tilespmem:$0x18400] =	vst v63  }
0x27a: {  	v3 =	vld [tilespmem:$0x3A0];
	_ =	sdelay $0x4  }
0x27b: {  	v62 =	vshrl.u32 v3, $0x3  }
0x27c: {  	v4 =	vmul.u32 $0x30, v62  }
0x27d: {  	v3 =	vand.u32 $0x7, v3  }
0x27e: {  	v3 =	vor.u32 v3, v4  }
0x27f: {  	v4 =	vperm.xlane v3, v0;
	_ =	sdelay $0x1  }
0x280: {  	v4 =	vadd.s32 v1, v4;
	_ =	sdelay $0x3  }
0x281: {  	s16 =	simm.s32 $0x12400;
	v3 =	vperm.xlane v3, v2  }
0x282: {  	[tilespmem:s16], [sflag:$0x2] =	stream.indirect_vreg.gather [hbm4b:s2+s3], $0x80, v4, vm0, $0xb8;
	[tilespmem:$0x18400] =	vst v63  }
0x283: {  	s17 =	simm.s32 $0x12C00;
	v3 =	vadd.s32 v1, v3  }
0x284: {  	[tilespmem:s17], [sflag:$0x2] =	stream.indirect_vreg.gather [hbm4b:s5+s3], $0x80, v4, vm0, $0xb8;
	[tilespmem:$0x18400] =	vst v63  }
0x285: {  	s19 =	simm.s32 $0x13400  }
0x286: {  	[tilespmem:s19], [sflag:$0x2] =	stream.indirect_vreg.gather [hbm4b:s6+s3], $0x80, v4, vm0, $0xb8;
	[tilespmem:$0x18400] =	vst v63  }
0x287: {  	s20 =	simm.s32 $0x13C00  }
0x288: {  	[tilespmem:s20], [sflag:$0x2] =	stream.indirect_vreg.gather [hbm4b:s2+s3], $0x80, v3, vm0, $0xb8;
	[tilespmem:$0x18400] =	vst v63  }
0x289: {  	s21 =	simm.s32 $0x14400  }
0x28a: {  	[tilespmem:s21], [sflag:$0x2] =	stream.indirect_vreg.gather [hbm4b:s5+s3], $0x80, v3, vm0, $0xb8;
	[tilespmem:$0x18400] =	vst v63  }
0x28b: {  	s22 =	simm.s32 $0x14C00  }
0x28c: {  	[tilespmem:s22], [sflag:$0x2] =	stream.indirect_vreg.gather [hbm4b:s6+s3], $0x80, v3, vm0, $0xb8;
	[tilespmem:$0x18400] =	vst v63  }
0x28d: {  	v3 =	vld [tilespmem:$0x3B0];
	_ =	sdelay $0x4  }
0x28e: {  	v63 =	vshrl.u32 v3, $0x3  }
0x28f: {  	v4 =	vmul.u32 $0x30, v63  }
0x290: {  	v3 =	vand.u32 $0x7, v3  }
0x291: {  	v3 =	vor.u32 v3, v4  }
0x292: {  	v4 =	vperm.xlane v3, v0;
	_ =	sdelay $0x1  }
0x293: {  	v4 =	vadd.s32 v1, v4;
	_ =	sdelay $0x3  }
0x294: {  	s23 =	simm.s32 $0x15400;
	v3 =	vperm.xlane v3, v2  }
0x295: {  	[tilespmem:s23], [sflag:$0x2] =	stream.indirect_vreg.gather [hbm4b:s2+s3], $0x80, v4, vm0, $0xb8;
	[tilespmem:$0x18400] =	vst v63  }
0x296: {  	s24 =	simm.s32 $0x15C00;
	v3 =	vadd.s32 v1, v3  }
0x297: {  	[tilespmem:s24], [sflag:$0x2] =	stream.indirect_vreg.gather [hbm4b:s5+s3], $0x80, v4, vm0, $0xb8;
	[tilespmem:$0x18400] =	vst v63  }
0x298: {  	s25 =	simm.s32 $0x16400  }
0x299: {  	[tilespmem:s25], [sflag:$0x2] =	stream.indirect_vreg.gather [hbm4b:s6+s3], $0x80, v4, vm0, $0xb8;
	[tilespmem:$0x18400] =	vst v63  }
0x29a: {  	s26 =	simm.s32 $0x16C00  }
0x29b: {  	[tilespmem:s26], [sflag:$0x2] =	stream.indirect_vreg.gather [hbm4b:s2+s3], $0x80, v3, vm0, $0xb8;
	[tilespmem:$0x18400] =	vst v63  }
0x29c: {  	s28 =	simm.s32 $0x17400  }
0x29d: {  	[tilespmem:s28], [sflag:$0x2] =	stream.indirect_vreg.gather [hbm4b:s5+s3], $0x80, v3, vm0, $0xb8;
	[tilespmem:$0x18400] =	vst v63  }
0x29e: {  	s29 =	simm.s32 $0x17C00  }
0x29f: {  	[tilespmem:s29], [sflag:$0x2] =	stream.indirect_vreg.gather [hbm4b:s6+s3], $0x80, v3, vm0, $0xb8;
	[tilespmem:$0x18400] =	vst v63  }
0x2a0: {  	_ =	swait.ge [sflag:s0], $0xC000  }
0x2a1: {  	[sflag:s0] =	ssyncset.done $0x0  }
0x2a2: {  	s30 =	rddreg [dreg:$0x9];
	[sflag:s0] =	ssyncadd.s32 $0xFFFF4000  }
0x2a3: {  	[hbm4b:s30+s3] =	stream.linear.scatter [tilespmem:s18], [sflag:$0x3], $0xC000, $0x38;
	[tilespmem:$0x18400] =	vst v63  }
0x2a4: {  	_ =	swait.ge [sflag:s10], $0xC000  }
0x2a5: {  	[sflag:s10] =	ssyncset.done $0x0  }
0x2a6: {  	s31 =	rddreg [dreg:$0xa];
	[sflag:s10] =	ssyncadd.s32 $0xFFFF4000  }
0x2a7: {  	[hbm4b:s31+s3] =	stream.linear.scatter [tilespmem:s4], [sflag:$0x4], $0xC000, $0x38;
	[tilespmem:$0x18400] =	vst v63  }
0x2a8: {  	p0 =	sne.s32 s7, $0x1;
	_ =	swait.ge [sflag:s11], $0xC000  }
.Ltmp0:
0x2a9: {  	[sflag:s11] =	ssyncset.done $0x0;
	(pc) =	sbr.rel @p0 .LBB2_1-.Ltmp0, $4  }
0x2aa: {  	[sflag:s11] =	ssyncadd.s32 $0xFFFF4000  }
0x2ab: {  	_ =	swait.ge [sflag:s8], $0xC000  }
0x2ac: {  	[sflag:s8] =	ssyncset.done $0x0  }
0x2ad: {  	s7 =	sadd.s32 $0xFFFFFFFF, s7;
	[sflag:s8] =	ssyncadd.s32 $0xFFFF4000  }
0x2ae: {  	_ =	sfence.sel $0x180000  }
0x2af: {  	[bflag:$0x0] =	sbarrier.arrive $0xFFFF  }
0x2b0: {  	_ =	strace $0x9000004A  }
0x2b1: {  	s0 =	stileid.u32;
	[bflag:$0x2] =	sbarrier.arrive $0xFFFF  }
0x2b2: {  	p0 =	sne.s32 s0, $0x0;
	s0 =	rddreg [dreg:$0x2]  }
0x2b3: {  	s0 =	sadd.s32 @!p0 $0x100000, s0  }
0x2b4: {  	[sflag:s0] =	ssyncadd.tile.s32 @!p0 $0x1;
	_ =	shalt  }
.Lfunc_end2:
_tile_overlayer_lowered:
.L_overlay_start_2:
0x2b5: {  	(tag) =	ssettag $0x2  }
0x2b6: {  	s0 =	rddreg [dreg:$0x0];
	s2 =	stileid.u32  }
0x2b7: {  	s1 =	rddreg [dreg:$0x1];
	p0 =	sne.s32 s2, $0x0  }
0x2b8: {  	s3 =	rddreg [dreg:$0x2];
	[bflag:$0x3] =	sbarrier.arrive $0xFFFF;
	s2 =	simm.s32 @!p0 $0x1C05  }
0x2b9: {  	[timem:s3], [sflag:s2] =	dma.local @!p0 [hbm:s0], s1  }
0x2ba: {  	s0 =	simm.s32 @!p0 $0x5  }
0x2bb: {  	_ =	swait.ge @!p0 [sflag:s0], s1  }
0x2bc: {  	s1 =	ssub.s32 @!p0 $0x0, s1;
	[sflag:s0] =	ssyncset.done @!p0 $0x0  }
0x2bd: {  	[sflag:s0] =	ssyncadd.s32 @!p0 s1  }
0x2be: {  	[bflag:$0x3] =	sbarrier.arrive $0xFFFF  }
0x2bf: {  	_ =	shalt  }

// kernel: kernel.8.cloned.1.call-start
scs
__scs_entry_jumppad:
0x0: {  	(pc) =	sbr.rel $0x88, $3  }
0x1: {  	(tag) =	ssettag $0x0;
	lr =	simm.s32 $0x1  }
0x2: {  	[smem:$0x3F93] =	sst lr;
	_ =	strace $0xD0000000  }
0x3: {  	_ = 	snop  }
0x4: {  	_ = 	snop  }
0x5: {  	_ = 	snop  }
0x6: {  	_ = 	snop  }
0x7: {  	_ = 	snop  }
__scs_overlays_trampoline_lowered:
0x8: {  	[smem:$0x3FA2] =	sst s0  }
0x9: {  	[smem:$0x3FA3] =	sst s1  }
0xa: {  	[smem:$0x3FA4] =	sst s2  }
0xb: {  	[smem:$0x3FA5] =	sst s3  }
0xc: {  	[smem:$0x3FA6] =	sst s4  }
0xd: {  	[smem:$0x3FA7] =	sst s5  }
0xe: {  	[smem:$0x3FA8] =	sst s6  }
0xf: {  	[smem:$0x3FA9] =	sst s7  }
0x10: {  	[smem:$0x3FAA] =	sst s8  }
0x11: {  	[smem:$0x3FAB] =	sst s9;
	s0 =	simm.s32 @!p0 $0x0  }
0x12: {  	s1 =	sld [smem:$0x3F91];
	s0 =	simm.s32 @p0 $0x1  }
0x13: {  	[smem:$0x3FAC] =	sst s0;
	s0 =	simm.s32 @!p1 $0x0  }
0x14: {  	s2 =	sld [smem:$0x3F90];
	s0 =	simm.s32 @p1 $0x1  }
0x15: {  	[smem:$0x3FAD] =	sst s0;
	s0 =	simm.s32 @!p2 $0x0  }
0x16: {  	s3 =	sld [smem:$0x3FDB];
	s0 =	simm.s32 @p2 $0x1  }
0x17: {  	s4 =	simm.s32 $0x1BF5;
	[smem:$0x3FAF] =	sst s0  }
0x18: {  	s0 =	sld [smem:$0x3F92];
	_ =	swait.ge [sflag:s4], $0x0  }
0x19: {  	s7 =	sld [smem:$0x3F93]  }
0x1a: {  	s8 =	sadd.s32 $0xFFFFE003, lr  }
0x1b: {  	s9 =	sadd.s32 $0xFFFFFEF7, lr;
	s5 =	simm.s32 $0xFFFFFFFF;
	p2 =	slt.u32 s8, $0xFFFFF086  }
0x1c: {  	p1 =	slt.u32 s9, $0xF7A;
	s5 =	simm.s32 @!p2 $0x0  }
0x1d: {  	s5 =	simm.s32 @p1 $0x1;
	p0 =	seq.s32 s7, s2  }
0x1e: {  	s7 =	smul.u32 @!p0 $0xF7A, s2;
	p2 =	seq.s32 @!p0 s5, $0x0  }
0x1f: {  	s9 =	smul.u32 $0xF7A, s1;
	s8 =	simm.s32 @!p0 $0x1BF5;
	p2 =	por !p2, p0  }
0x20: {  	[sflag:s8] =	ssyncset.s32 @!p0 $0xFFFFF086;
	s6 =	sadd.s32 @!p0 s3, s7;
	s7 =	simm.s32 @!p0 $0x108  }
0x21: {  	s3 =	sadd.s32 s3, s9;
	s6 =	sadd.s32 @!p0 $0x88, s6;
	s7 =	simm.s32 @p2 $0x1082  }
0x22: {  	[simem:s7], [sflag:s8] =	dma.local @!p0 [hbm:s6], $0xF7A  }
0x23: {  	s9 =	sor.u32 $0xD0000000, s2;
	s6 =	simm.s32 $0x108;
	_ =	swait.ge @!p0 [sflag:s8], $0x0  }
0x24: {  	s3 =	sadd.s32 $0x88, s3;
	s6 =	simm.s32 @!p1 $0x1082;
	[sflag:s4] =	ssyncset.s32 $0xFFFFF086  }
0x25: {  	[simem:s6], [sflag:s4] =	dma.local [hbm:s3], $0xF7A  }
0x26: {  	[smem:$0x3F93] =	sst s1;
	(tag) =	ssettag s2;
	_ =	strace s9  }
0x27: {  	s1 =	sld [smem:$0x3FA3]  }
0x28: {  	s2 =	sld [smem:$0x3FA4]  }
0x29: {  	s4 =	sld [smem:$0x3FA6]  }
0x2a: {  	p0 =	seq.s32 s5, $0x0;
	s5 =	sld [smem:$0x3FA7]  }
0x2b: {  	s6 =	sld [smem:$0x3FA8]  }
0x2c: {  	s7 =	sld [smem:$0x3FA9]  }
0x2d: {  	s3 =	simm.s32 $0x108;
	s8 =	sld [smem:$0x3FAA]  }
0x2e: {  	s3 =	simm.s32 @!p0 $0x1082;
	s9 =	sld [smem:$0x3FAB]  }
0x2f: {  	lr =	sadd.s32 s0, s3;
	s0 =	sld [smem:$0x3FA2]  }
0x30: {  	s3 =	sld [smem:$0x3FA5]  }
0x31: {  	[smem:$0x3FAE] =	sst s10  }
0x32: {  	s10 =	sld [smem:$0x3FAC];
	_ =	sdelay $0x3  }
0x33: {  	p0 =	seq.s32 s10, $0x1;
	s10 =	sld [smem:$0x3FAE];
	_ =	sdelay $0x3  }
0x34: {  	[smem:$0x3FAE] =	sst s10  }
0x35: {  	s10 =	sld [smem:$0x3FAD];
	_ =	sdelay $0x3  }
0x36: {  	p1 =	seq.s32 s10, $0x1;
	s10 =	sld [smem:$0x3FAE];
	_ =	sdelay $0x3  }
0x37: {  	[smem:$0x3FAE] =	sst s10  }
0x38: {  	s10 =	sld [smem:$0x3FAF]  }
0x39: {  	_ = 	snop;
	(pc) =	sbr.ind lr, $3  }
0x3a: {  	_ = 	snop  }
0x3b: {  	_ = 	snop  }
0x3c: {  	p2 =	seq.s32 s10, $0x1;
	s10 =	sld [smem:$0x3FAE]  }
0x3d: {  	_ =	shalt  }
0x3e: {  	_ =	shalt  }
0x3f: {  	_ =	shalt  }
0x40: {  	_ =	shalt  }
0x41: {  	_ =	shalt  }
0x42: {  	_ =	shalt  }
0x43: {  	_ =	shalt  }
0x44: {  	_ =	shalt  }
0x45: {  	_ =	shalt  }
0x46: {  	_ =	shalt  }
0x47: {  	_ =	shalt  }
0x48: {  	_ =	shalt  }
0x49: {  	_ =	shalt  }
0x4a: {  	_ =	shalt  }
0x4b: {  	_ =	shalt  }
0x4c: {  	_ =	shalt  }
0x4d: {  	_ =	shalt  }
0x4e: {  	_ =	shalt  }
0x4f: {  	_ =	shalt  }
0x50: {  	_ =	shalt  }
0x51: {  	_ =	shalt  }
0x52: {  	_ =	shalt  }
0x53: {  	_ =	shalt  }
0x54: {  	_ =	shalt  }
0x55: {  	_ =	shalt  }
0x56: {  	_ =	shalt  }
0x57: {  	_ =	shalt  }
0x58: {  	_ =	shalt  }
0x59: {  	_ =	shalt  }
0x5a: {  	_ =	shalt  }
0x5b: {  	_ =	shalt  }
0x5c: {  	_ =	shalt  }
0x5d: {  	_ =	shalt  }
0x5e: {  	_ =	shalt  }
0x5f: {  	_ =	shalt  }
0x60: {  	_ =	shalt  }
0x61: {  	_ =	shalt  }
0x62: {  	_ =	shalt  }
0x63: {  	_ =	shalt  }
0x64: {  	_ =	shalt  }
0x65: {  	_ =	shalt  }
0x66: {  	_ =	shalt  }
0x67: {  	_ =	shalt  }
0x68: {  	_ =	shalt  }
0x69: {  	_ =	shalt  }
0x6a: {  	_ =	shalt  }
0x6b: {  	_ =	shalt  }
0x6c: {  	_ =	shalt  }
0x6d: {  	_ =	shalt  }
0x6e: {  	_ =	shalt  }
0x6f: {  	_ =	shalt  }
0x70: {  	_ =	shalt  }
0x71: {  	_ =	shalt  }
0x72: {  	_ =	shalt  }
0x73: {  	_ =	shalt  }
0x74: {  	_ =	shalt  }
0x75: {  	_ =	shalt  }
0x76: {  	_ =	shalt  }
0x77: {  	_ =	shalt  }
0x78: {  	_ =	shalt  }
0x79: {  	_ =	shalt  }
0x7a: {  	_ =	shalt  }
0x7b: {  	_ =	shalt  }
0x7c: {  	_ =	shalt  }
0x7d: {  	_ =	shalt  }
0x7e: {  	_ =	shalt  }
0x7f: {  	_ =	shalt  }
0x80: {  	_ =	shalt  }
0x81: {  	_ =	shalt  }
0x82: {  	_ =	shalt  }
0x83: {  	_ =	shalt  }
0x84: {  	_ =	shalt  }
0x85: {  	_ =	shalt  }
0x86: {  	_ =	shalt  }
0x87: {  	_ =	shalt  }
.Lfunc_end0:
.L_simem_size_0:
called_computation.2_lowered:
.L_overlay_start_0:
0x88: {  	s2 =	sld [smem:$0x3FD9]  }
0x89: {  	s3 =	sld [smem:$0x3FFE];
	_ =	sdelay $0x1  }
0x8a: {  	s1 =	srdreg.scid  }
0x8b: {  	s0 =	sand.u32 $0x1, s1  }
0x8c: {  	s14 =	sshll.u32 s0, $0xA;
	s2 =	sadd.s32 s3, s2  }
0x8d: {  	s2 =	sadd.s32 s2, s14  }
0x8e: {  	[smem:$0x3FBA] =	sst s2  }
0x8f: {  	_ = 	snop  }
0x90: {  	s2 =	sld [smem:$0x3FD0];
	_ =	sdelay $0x1  }
0x91: {  	s15 =	sld [smem:$0x3FC7]  }
0x92: {  	s5 =	simm.s32 $0xB;
	s6 =	simm.s32 $0x10;
	s4 =	sld [smem:$0x3FC4]  }
0x93: {  	[smem:s6], [sflag:s5] =	dma.local [hbm:s2], $0x1  }
0x94: {  	_ =	swait.eq [sflag:s5], $0x1  }
0x95: {  	s16 =	sld [smem:$0x10];
	[sflag:s5] =	ssyncset.done $0x0  }
0x96: {  	s17 =	sld [smem:$0x11];
	[sflag:s5] =	ssyncadd.s32 $0xFFFFFFFF  }
0x97: {  	s18 =	sld [smem:$0x12];
	(tm) =	ssettm $0x1  }
0x98: {  	s7 =	sld [smem:$0x3FFB];
	_ =	sdelay $0x3  }
0x99: {  	_ =	strace s7  }
0x9a: {  	s7 =	sld [smem:$0x3FFC];
	_ =	sdelay $0x3  }
0x9b: {  	_ =	strace s7  }
0x9c: {  	s7 =	sld [smem:$0x3FFD];
	_ =	sdelay $0x3  }
0x9d: {  	_ =	strace s7  }
0x9e: {  	_ =	strace $0x8FFFFFFF  }
0x9f: {  	s19 =	sld [smem:$0x3FDB];
	_ =	sdelay $0x1  }
0xa0: {  	s8 =	simm.s32 $_scs_section_size  }
0xa1: {  	s9 =	simm.s32 $_size__tile_overlayer_lowered;
	s10 =	simm.s32 $_tile_overlayer_lowered  }
0xa2: {  	s22 =	simm.s32 $0x1BFF;
	s21 =	sshll.u32 s10, $0x1;
	s7 =	sadd.s32 s8, s19  }
0xa3: {  	s11 =	simm.s32 $0x0;
	s20 =	sshll.u32 s9, $0x1;
	s9 =	sadd.s32 s21, s7  }
0xa4: {  	[timem:s11], [sflag:s22] =	dma.local [hbm:s9], s20  }
0xa5: {  	_ =	swait.ge [sflag:s22], s20  }
0xa6: {  	s8 =	ssub.s32 $0x0, s20;
	[sflag:s22] =	ssyncset.done $0x0  }
0xa7: {  	[sflag:s22] =	ssyncadd.s32 s8;
	_ =	sdelay $0x1  }
0xa8: {  	s23 =	simm.s32 $0x1B8B  }
0xa9: {  	_ =	swait.ge [sflag:s23], $0x1  }
0xaa: {  	[sflag:s23] =	ssyncset.done $0x0  }
0xab: {  	s25 =	simm.s32 $0x1B8E;
	s24 =	sld [smem:$0x3FFE];
	[sflag:s23] =	ssyncadd.s32 $0xFFFFFFFF  }
0xac: {  	s26 =	simm.s32 $execute0_lowered;
	[smem:$0x3FD2] =	sst s25  }
0xad: {  	s9 =	sshll.u32 s26, $0x1;
	_ =	strace $0x8000004C;
	[dreg:$0x1] =	wrdreg $0xFFFFFFFF  }
0xae: {  	s28 =	simm.s32 $_size_execute0_lowered;
	s7 =	sadd.s32 s7, s9;
	[dreg:$0x0] =	wrdreg $0x0  }
0xaf: {  	s9 =	sshll.u32 s28, $0x1;
	[dreg:$0x2] =	wrdreg s7  }
0xb0: {  	[dreg:$0x3] =	wrdreg s9  }
0xb1: {  	[dreg:$0x4] =	wrdreg $0xC0  }
0xb2: {  	_ =	task [dreg:s11], $0x5FFFF  }
0xb3: {  	[dreg:$0x1] =	wrdreg $0xFFFFFFFF  }
0xb4: {  	[dreg:$0x0] =	wrdreg $0x60  }
0xb5: {  	[dreg:$0x2] =	wrdreg s16  }
0xb6: {  	[dreg:$0x3] =	wrdreg s4  }
0xb7: {  	[dreg:$0x4] =	wrdreg s24  }
0xb8: {  	[dreg:$0x5] =	wrdreg s15  }
0xb9: {  	[dreg:$0x6] =	wrdreg s17  }
0xba: {  	[dreg:$0x7] =	wrdreg s18  }
0xbb: {  	[dreg:$0x8] =	wrdreg $0x9  }
0xbc: {  	_ =	task.clear_ibuf [dreg:s11], $0x9FFFF;
	_ =	strace $0x9000004C  }
0xbd: {  	s29 =	simm.s32 $0x9;
	_ =	strace $0x8000004E  }
0xbe: {  	_ =	swait.ge [sflag:s29], $0x1  }
0xbf: {  	[sflag:s29] =	ssyncadd.s32 $0xFFFFFFFF  }
0xc0: {  	_ =	strace $0x9000004E  }
0xc1: {  	_ =	sfence  }
0xc2: {  	s30 =	sld [smem:$0x0];
	_ =	sdelay $0x2  }
0xc3: {  	s31 =	sshll.u32 s1, $0xD;
	s1 =	sshrl.u32 s1, $0x2  }
0xc4: {  	s3 =	sand.u32 $0x4000, s31;
	s1 =	sadd.s32 s1, s30  }
0xc5: {  	s0 =	sor.u32 s3, s0;
	s1 =	sshll.u32 s1, $0x11  }
0xc6: {  	s0 =	sor.u32 s1, s0  }
0xc7: {  	s0 =	sadd.s32 $0x8F2B, s0  }
0xc8: {  	[sflag:s0] =	ssyncadd.remote.s32 $0x1  }
0xc9: {  	_ =	sfence.sel $0xFFFF  }
0xca: {  	[dreg:$0x0] =	wrdreg $0xFFFFFFFF;
	(pc) =	sbr.abs _section_cstart, $3  }
0xcb: {  	[dreg:$0x1] =	wrdreg $0xFFFFFFFF  }
0xcc: {  	_ =	task.clear_ibuf [dreg:s11], $0x2FFFF;
	_ =	strace $0x9FFFFFFF  }
0xcd: {  	(tm) =	ssettm $0x7FFFFFFF  }
tec
execute0_lowered:
.L_overlay_start_1:
0x0: {  	(tag) =	ssettag $0x1  }
0x1: {  	s12 =	rddreg [dreg:$0x0]  }
0x2: {  	s1 =	rddreg [dreg:$0x2]  }
0x3: {  	s2 =	rddreg [dreg:$0x3];
	s3 =	srdreg.scid  }
0x4: {  	s5 =	stileid.u32;
	s4 =	rddreg [dreg:$0x4];
	s6 =	simm.s32 $0x0  }
0x5: {  	s24 =	simm.s32 $0x400;
	s25 =	simm.s32 $0xA80;
	[smem:$0x7FF] =	sst s6  }
0x6: {  	s26 =	simm.s32 $0xB00;
	_ =	strace $0x8000004D;
	[dreg:$0xb] =	wrdreg s24  }
0x7: {  	s28 =	simm.s32 $0xB80;
	s29 =	simm.s32 $0x880;
	[dreg:$0xc] =	wrdreg s25  }
0x8: {  	s30 =	simm.s32 $0x900;
	s31 =	simm.s32 $0x980;
	[dreg:$0xd] =	wrdreg s26  }
0x9: {  	s3 =	sand.u32 $0x1, s3;
	s5 =	sshll.u32 s5, $0x1;
	[dreg:$0xe] =	wrdreg s28  }
0xa: {  	s9 =	sadd.s32 $0x100, s4;
	s10 =	sadd.s32 $0x200, s4;
	[dreg:$0xf] =	wrdreg s29  }
0xb: {  	s5 =	sor.u32 s3, s5;
	s3 =	ssub.s32 $0x2, s3;
	[dreg:$0x10] =	wrdreg s30  }
0xc: {  	[dreg:$0x11] =	wrdreg s31;
	s7 =	sshll.u32 s5, $0x7;
	s5 =	sshll.u32 s5, $0x6  }
0xd: {  	s23 =	sshrl.u32 s3, $0x1;
	s7 =	sadd.s32 s7, s1;
	s2 =	sadd.s32 s2, s5  }
0xe: {  	s1 =	sadd.s32 s5, s1;
	s8 =	sadd.s32 $0x2800, s7;
	[dreg:$0x9] =	wrdreg s2  }
0xf: {  	v2 =	vlaneseq.u32;
	s3 =	ssub.s32 s3, s23;
	s7 =	sadd.s32 $0x184800, s7;
	[dreg:$0x7] =	wrdreg s8  }
0x10: {  	vm0 =	vmmov $0xffff;
	v1 =	vshrl.u32 v2, $0x3;
	s1 =	sadd.s32 $0x4000, s1;
	s2 =	smax.u32 s3, $0x1;
	[dreg:$0x8] =	wrdreg s7  }
0x11: {  	v0 =	vand.u32 $0x7, v2;
	v2 =	vor.u32 $0x8, v2;
	v1 =	vmul.u32 $0x8, v1;
	[dreg:$0xa] =	wrdreg s1;
	s7 =	sadd.s32 $0x100, s12;
	s8 =	sadd.s32 $0x200, s12  }
.LBB2_1:
0x12: {  	[dreg:$0x12] =	wrdreg s2  }
0x13: {  	s30 =	rddreg [dreg:$0x7];
	s0 =	simm.s32 $0x6  }
0x14: {  	[tilespmem:s6], [sflag:$0x6] =	stream.linear.gather [hbm4b:s30+s6], $0x400, $0x38;
	[tilespmem:$0x18E00] =	vst v63  }
0x15: {  	_ =	swait.ge [sflag:s0], $0x400  }
0x16: {  	s1 =	rddreg [dreg:$0x8];
	[sflag:s0] =	ssyncset.done $0x0  }
0x17: {  	s31 =	rddreg [dreg:$0xb];
	[sflag:s0] =	ssyncadd.s32 $0xFFFFFC00  }
0x18: {  	[tilespmem:s31], [sflag:$0x6] =	stream.linear.gather [hbm4b:s1+s6], $0x400, $0x38;
	[tilespmem:$0x18E00] =	vst v63  }
0x19: {  	_ =	swait.ge [sflag:s0], $0x400  }
0x1a: {  	[sflag:s0] =	ssyncset.done $0x0  }
0x1b: {  	s1 =	simm.s32 $0x800;
	s3 =	rddreg [dreg:$0x9];
	[sflag:s0] =	ssyncadd.s32 $0xFFFFFC00  }
0x1c: {  	[tilespmem:s1], [sflag:$0x6] =	stream.linear.gather [hbm4b:s3+s6], $0x200, $0x38;
	[tilespmem:$0x18E00] =	vst v63  }
0x1d: {  	_ =	swait.ge [sflag:s0], $0x200  }
0x1e: {  	[sflag:s0] =	ssyncset.done $0x0  }
0x1f: {  	s11 =	simm.s32 $0xA00;
	s5 =	rddreg [dreg:$0xa];
	[sflag:s0] =	ssyncadd.s32 $0xFFFFFE00  }
0x20: {  	[tilespmem:s11], [sflag:$0x6] =	stream.linear.gather [hbm4b:s5+s6], $0x200, $0x38;
	[tilespmem:$0x18E00] =	vst v63  }
0x21: {  	_ =	swait.ge [sflag:s0], $0x200  }
0x22: {  	[sflag:s0] =	ssyncset.done $0x0  }
0x23: {  	[sflag:s0] =	ssyncadd.s32 $0xFFFFFE00  }
0x24: {  	s14 =	simm.s32 $0x80;
	s5 =	simm.s32 $0x18C00;
	s3 =	rddreg [dreg:$0x1]  }
0x25: {  	[tilespmem:s5], [sflag:$0x5] =	stream.indirect.gather [hbm4b:s3+s14], $0x1, s11, s14, $0xb8;
	[tilespmem:$0x18E00] =	vst v63  }
0x26: {  	s16 =	simm.s32 $0x18C80;
	s13 =	rddreg [dreg:$0xc]  }
0x27: {  	[tilespmem:s16], [sflag:$0x5] =	stream.indirect.gather [hbm4b:s3+s14], $0x1, s13, s14, $0xb8;
	[tilespmem:$0x18E00] =	vst v63  }
0x28: {  	s18 =	simm.s32 $0x18D00;
	s15 =	rddreg [dreg:$0xd]  }
0x29: {  	[tilespmem:s18], [sflag:$0x5] =	stream.indirect.gather [hbm4b:s3+s14], $0x1, s15, s14, $0xb8;
	[tilespmem:$0x18E00] =	vst v63  }
0x2a: {  	s19 =	simm.s32 $0x18D80;
	s17 =	rddreg [dreg:$0xe]  }
0x2b: {  	[tilespmem:s19], [sflag:$0x5] =	stream.indirect.gather [hbm4b:s3+s14], $0x1, s17, s14, $0xb8;
	[tilespmem:$0x18E00] =	vst v63  }
0x2c: {  	v3 =	vld [tilespmem:$0x400];
	_ =	sdelay $0x4  }
0x2d: {  	v4 =	vshrl.u32 v3, $0x3  }
0x2e: {  	v4 =	vmul.u32 $0x30, v4  }
0x2f: {  	v3 =	vand.u32 $0x7, v3  }
0x30: {  	v3 =	vor.u32 v3, v4  }
0x31: {  	v4 =	vperm.xlane v3, v0;
	_ =	sdelay $0x1  }
0x32: {  	v4 =	vadd.s32 v1, v4;
	_ =	sdelay $0x3  }
0x33: {  	s20 =	simm.s32 $0xC00;
	v3 =	vperm.xlane v3, v2  }
0x34: {  	[tilespmem:s20], [sflag:$0x1] =	stream.indirect_vreg.gather [hbm4b:s12+s6], $0x80, v4, vm0, $0xb8;
	[tilespmem:$0x18E00] =	vst v63  }
0x35: {  	s21 =	simm.s32 $0x1400;
	v3 =	vadd.s32 v1, v3  }
0x36: {  	[tilespmem:s21], [sflag:$0x1] =	stream.indirect_vreg.gather [hbm4b:s7+s6], $0x80, v4, vm0, $0xb8;
	[tilespmem:$0x18E00] =	vst v63  }
0x37: {  	s22 =	simm.s32 $0x1C00  }
0x38: {  	[tilespmem:s22], [sflag:$0x1] =	stream.indirect_vreg.gather [hbm4b:s8+s6], $0x80, v4, vm0, $0xb8;
	[tilespmem:$0x18E00] =	vst v63  }
0x39: {  	s23 =	simm.s32 $0x2400  }
0x3a: {  	[tilespmem:s23], [sflag:$0x1] =	stream.indirect_vreg.gather [hbm4b:s12+s6], $0x80, v3, vm0, $0xb8;
	[tilespmem:$0x18E00] =	vst v63  }
0x3b: {  	s24 =	simm.s32 $0x2C00  }
0x3c: {  	[tilespmem:s24], [sflag:$0x1] =	stream.indirect_vreg.gather [hbm4b:s7+s6], $0x80, v3, vm0, $0xb8;
	[tilespmem:$0x18E00] =	vst v63  }
0x3d: {  	s25 =	simm.s32 $0x3400  }
0x3e: {  	[tilespmem:s25], [sflag:$0x1] =	stream.indirect_vreg.gather [hbm4b:s8+s6], $0x80, v3, vm0, $0xb8;
	[tilespmem:$0x18E00] =	vst v63  }
0x3f: {  	v3 =	vld [tilespmem:$0x410];
	_ =	sdelay $0x4  }
0x40: {  	v57 =	vshrl.u32 v3, $0x3  }
0x41: {  	v4 =	vmul.u32 $0x30, v57  }
0x42: {  	v3 =	vand.u32 $0x7, v3  }
0x43: {  	v3 =	vor.u32 v3, v4  }
0x44: {  	v4 =	vperm.xlane v3, v0;
	_ =	sdelay $0x1  }
0x45: {  	v4 =	vadd.s32 v1, v4;
	_ =	sdelay $0x3  }
0x46: {  	s26 =	simm.s32 $0x3C00;
	v3 =	vperm.xlane v3, v2  }
0x47: {  	[tilespmem:s26], [sflag:$0x1] =	stream.indirect_vreg.gather [hbm4b:s12+s6], $0x80, v4, vm0, $0xb8;
	[tilespmem:$0x18E00] =	vst v63  }
0x48: {  	s28 =	simm.s32 $0x4400;
	v3 =	vadd.s32 v1, v3  }
0x49: {  	[tilespmem:s28], [sflag:$0x1] =	stream.indirect_vreg.gather [hbm4b:s7+s6], $0x80, v4, vm0, $0xb8;
	[tilespmem:$0x18E00] =	vst v63  }
0x4a: {  	s29 =	simm.s32 $0x4C00  }
0x4b: {  	[tilespmem:s29], [sflag:$0x1] =	stream.indirect_vreg.gather [hbm4b:s8+s6], $0x80, v4, vm0, $0xb8;
	[tilespmem:$0x18E00] =	vst v63  }
0x4c: {  	s30 =	simm.s32 $0x5400  }
0x4d: {  	[tilespmem:s30], [sflag:$0x1] =	stream.indirect_vreg.gather [hbm4b:s12+s6], $0x80, v3, vm0, $0xb8;
	[tilespmem:$0x18E00] =	vst v63  }
0x4e: {  	s31 =	simm.s32 $0x5C00  }
0x4f: {  	[tilespmem:s31], [sflag:$0x1] =	stream.indirect_vreg.gather [hbm4b:s7+s6], $0x80, v3, vm0, $0xb8;
	[tilespmem:$0x18E00] =	vst v63  }
0x50: {  	s0 =	simm.s32 $0x6400  }
0x51: {  	[tilespmem:s0], [sflag:$0x1] =	stream.indirect_vreg.gather [hbm4b:s8+s6], $0x80, v3, vm0, $0xb8;
	[tilespmem:$0x18E00] =	vst v63  }
0x52: {  	v3 =	vld [tilespmem:$0x420];
	_ =	sdelay $0x4  }
0x53: {  	v58 =	vshrl.u32 v3, $0x3  }
0x54: {  	v4 =	vmul.u32 $0x30, v58  }
0x55: {  	v3 =	vand.u32 $0x7, v3  }
0x56: {  	v3 =	vor.u32 v3, v4  }
0x57: {  	v4 =	vperm.xlane v3, v0;
	_ =	sdelay $0x1  }
0x58: {  	v4 =	vadd.s32 v1, v4;
	_ =	sdelay $0x3  }
0x59: {  	s2 =	simm.s32 $0x6C00;
	v3 =	vperm.xlane v3, v2  }
0x5a: {  	[tilespmem:s2], [sflag:$0x1] =	stream.indirect_vreg.gather [hbm4b:s12+s6], $0x80, v4, vm0, $0xb8;
	[tilespmem:$0x18E00] =	vst v63  }
0x5b: {  	s3 =	simm.s32 $0x7400;
	v3 =	vadd.s32 v1, v3  }
0x5c: {  	[tilespmem:s3], [sflag:$0x1] =	stream.indirect_vreg.gather [hbm4b:s7+s6], $0x80, v4, vm0, $0xb8;
	[tilespmem:$0x18E00] =	vst v63  }
0x5d: {  	s5 =	simm.s32 $0x7C00  }
0x5e: {  	[tilespmem:s5], [sflag:$0x1] =	stream.indirect_vreg.gather [hbm4b:s8+s6], $0x80, v4, vm0, $0xb8;
	[tilespmem:$0x18E00] =	vst v63  }
0x5f: {  	s11 =	simm.s32 $0x8400  }
0x60: {  	[tilespmem:s11], [sflag:$0x1] =	stream.indirect_vreg.gather [hbm4b:s12+s6], $0x80, v3, vm0, $0xb8;
	[tilespmem:$0x18E00] =	vst v63  }
0x61: {  	s13 =	simm.s32 $0x8C00  }
0x62: {  	[tilespmem:s13], [sflag:$0x1] =	stream.indirect_vreg.gather [hbm4b:s7+s6], $0x80, v3, vm0, $0xb8;
	[tilespmem:$0x18E00] =	vst v63  }
0x63: {  	s14 =	simm.s32 $0x9400  }
0x64: {  	[tilespmem:s14], [sflag:$0x1] =	stream.indirect_vreg.gather [hbm4b:s8+s6], $0x80, v3, vm0, $0xb8;
	[tilespmem:$0x18E00] =	vst v63  }
0x65: {  	v3 =	vld [tilespmem:$0x430];
	_ =	sdelay $0x4  }
0x66: {  	v59 =	vshrl.u32 v3, $0x3  }
0x67: {  	v4 =	vmul.u32 $0x30, v59  }
0x68: {  	v3 =	vand.u32 $0x7, v3  }
0x69: {  	v3 =	vor.u32 v3, v4  }
0x6a: {  	v4 =	vperm.xlane v3, v0;
	_ =	sdelay $0x1  }
0x6b: {  	v4 =	vadd.s32 v1, v4;
	_ =	sdelay $0x3  }
0x6c: {  	s15 =	simm.s32 $0x9C00;
	v3 =	vperm.xlane v3, v2  }
0x6d: {  	[tilespmem:s15], [sflag:$0x1] =	stream.indirect_vreg.gather [hbm4b:s12+s6], $0x80, v4, vm0, $0xb8;
	[tilespmem:$0x18E00] =	vst v63  }
0x6e: {  	s16 =	simm.s32 $0xA400;
	v3 =	vadd.s32 v1, v3  }
0x6f: {  	[tilespmem:s16], [sflag:$0x1] =	stream.indirect_vreg.gather [hbm4b:s7+s6], $0x80, v4, vm0, $0xb8;
	[tilespmem:$0x18E00] =	vst v63  }
0x70: {  	s17 =	simm.s32 $0xAC00  }
0x71: {  	[tilespmem:s17], [sflag:$0x1] =	stream.indirect_vreg.gather [hbm4b:s8+s6], $0x80, v4, vm0, $0xb8;
	[tilespmem:$0x18E00] =	vst v63  }
0x72: {  	s18 =	simm.s32 $0xB400  }
0x73: {  	[tilespmem:s18], [sflag:$0x1] =	stream.indirect_vreg.gather [hbm4b:s12+s6], $0x80, v3, vm0, $0xb8;
	[tilespmem:$0x18E00] =	vst v63  }
0x74: {  	s19 =	simm.s32 $0xBC00  }
0x75: {  	[tilespmem:s19], [sflag:$0x1] =	stream.indirect_vreg.gather [hbm4b:s7+s6], $0x80, v3, vm0, $0xb8;
	[tilespmem:$0x18E00] =	vst v63  }
0x76: {  	s20 =	simm.s32 $0xC400  }
0x77: {  	[tilespmem:s20], [sflag:$0x1] =	stream.indirect_vreg.gather [hbm4b:s8+s6], $0x80, v3, vm0, $0xb8;
	[tilespmem:$0x18E00] =	vst v63  }
0x78: {  	v3 =	vld [tilespmem:$0x480];
	_ =	sdelay $0x4  }
0x79: {  	v60 =	vshrl.u32 v3, $0x3  }
0x7a: {  	v4 =	vmul.u32 $0x30, v60  }
0x7b: {  	v3 =	vand.u32 $0x7, v3  }
0x7c: {  	v3 =	vor.u32 v3, v4  }
0x7d: {  	v4 =	vperm.xlane v3, v0;
	_ =	sdelay $0x1  }
0x7e: {  	v4 =	vadd.s32 v1, v4;
	_ =	sdelay $0x3  }
0x7f: {  	s21 =	simm.s32 $0xCC00;
	v3 =	vperm.xlane v3, v2  }
0x80: {  	[tilespmem:s21], [sflag:$0x2] =	stream.indirect_vreg.gather [hbm4b:s12+s6], $0x80, v4, vm0, $0xb8;
	[tilespmem:$0x18E00] =	vst v63  }
0x81: {  	s22 =	simm.s32 $0xD400;
	v3 =	vadd.s32 v1, v3  }
0x82: {  	[tilespmem:s22], [sflag:$0x2] =	stream.indirect_vreg.gather [hbm4b:s7+s6], $0x80, v4, vm0, $0xb8;
	[tilespmem:$0x18E00] =	vst v63  }
0x83: {  	s23 =	simm.s32 $0xDC00  }
0x84: {  	[tilespmem:s23], [sflag:$0x2] =	stream.indirect_vreg.gather [hbm4b:s8+s6], $0x80, v4, vm0, $0xb8;
	[tilespmem:$0x18E00] =	vst v63  }
0x85: {  	s24 =	simm.s32 $0xE400  }
0x86: {  	[tilespmem:s24], [sflag:$0x2] =	stream.indirect_vreg.gather [hbm4b:s12+s6], $0x80, v3, vm0, $0xb8;
	[tilespmem:$0x18E00] =	vst v63  }
0x87: {  	s25 =	simm.s32 $0xEC00  }
0x88: {  	[tilespmem:s25], [sflag:$0x2] =	stream.indirect_vreg.gather [hbm4b:s7+s6], $0x80, v3, vm0, $0xb8;
	[tilespmem:$0x18E00] =	vst v63  }
0x89: {  	s26 =	simm.s32 $0xF400  }
0x8a: {  	[tilespmem:s26], [sflag:$0x2] =	stream.indirect_vreg.gather [hbm4b:s8+s6], $0x80, v3, vm0, $0xb8;
	[tilespmem:$0x18E00] =	vst v63  }
0x8b: {  	v3 =	vld [tilespmem:$0x490];
	_ =	sdelay $0x4  }
0x8c: {  	v61 =	vshrl.u32 v3, $0x3  }
0x8d: {  	v4 =	vmul.u32 $0x30, v61  }
0x8e: {  	v3 =	vand.u32 $0x7, v3  }
0x8f: {  	v3 =	vor.u32 v3, v4  }
0x90: {  	v4 =	vperm.xlane v3, v0;
	_ =	sdelay $0x1  }
0x91: {  	v4 =	vadd.s32 v1, v4;
	_ =	sdelay $0x3  }
0x92: {  	s28 =	simm.s32 $0xFC00;
	v3 =	vperm.xlane v3, v2  }
0x93: {  	[tilespmem:s28], [sflag:$0x2] =	stream.indirect_vreg.gather [hbm4b:s12+s6], $0x80, v4, vm0, $0xb8;
	[tilespmem:$0x18E00] =	vst v63  }
0x94: {  	s29 =	simm.s32 $0x10400;
	v3 =	vadd.s32 v1, v3  }
0x95: {  	[tilespmem:s29], [sflag:$0x2] =	stream.indirect_vreg.gather [hbm4b:s7+s6], $0x80, v4, vm0, $0xb8;
	[tilespmem:$0x18E00] =	vst v63  }
0x96: {  	s30 =	simm.s32 $0x10C00  }
0x97: {  	[tilespmem:s30], [sflag:$0x2] =	stream.indirect_vreg.gather [hbm4b:s8+s6], $0x80, v4, vm0, $0xb8;
	[tilespmem:$0x18E00] =	vst v63  }
0x98: {  	s31 =	simm.s32 $0x11400  }
0x99: {  	[tilespmem:s31], [sflag:$0x2] =	stream.indirect_vreg.gather [hbm4b:s12+s6], $0x80, v3, vm0, $0xb8;
	[tilespmem:$0x18E00] =	vst v63  }
0x9a: {  	s0 =	simm.s32 $0x11C00  }
0x9b: {  	[tilespmem:s0], [sflag:$0x2] =	stream.indirect_vreg.gather [hbm4b:s7+s6], $0x80, v3, vm0, $0xb8;
	[tilespmem:$0x18E00] =	vst v63  }
0x9c: {  	s2 =	simm.s32 $0x12400  }
0x9d: {  	[tilespmem:s2], [sflag:$0x2] =	stream.indirect_vreg.gather [hbm4b:s8+s6], $0x80, v3, vm0, $0xb8;
	[tilespmem:$0x18E00] =	vst v63  }
0x9e: {  	v3 =	vld [tilespmem:$0x4A0];
	_ =	sdelay $0x4  }
0x9f: {  	v62 =	vshrl.u32 v3, $0x3  }
0xa0: {  	v4 =	vmul.u32 $0x30, v62  }
0xa1: {  	v3 =	vand.u32 $0x7, v3  }
0xa2: {  	v3 =	vor.u32 v3, v4  }
0xa3: {  	v4 =	vperm.xlane v3, v0;
	_ =	sdelay $0x1  }
0xa4: {  	v4 =	vadd.s32 v1, v4;
	_ =	sdelay $0x3  }
0xa5: {  	s3 =	simm.s32 $0x12C00;
	v3 =	vperm.xlane v3, v2  }
0xa6: {  	[tilespmem:s3], [sflag:$0x2] =	stream.indirect_vreg.gather [hbm4b:s12+s6], $0x80, v4, vm0, $0xb8;
	[tilespmem:$0x18E00] =	vst v63  }
0xa7: {  	s5 =	simm.s32 $0x13400;
	v3 =	vadd.s32 v1, v3  }
0xa8: {  	[tilespmem:s5], [sflag:$0x2] =	stream.indirect_vreg.gather [hbm4b:s7+s6], $0x80, v4, vm0, $0xb8;
	[tilespmem:$0x18E00] =	vst v63  }
0xa9: {  	s11 =	simm.s32 $0x13C00  }
0xaa: {  	[tilespmem:s11], [sflag:$0x2] =	stream.indirect_vreg.gather [hbm4b:s8+s6], $0x80, v4, vm0, $0xb8;
	[tilespmem:$0x18E00] =	vst v63  }
0xab: {  	s13 =	simm.s32 $0x14400  }
0xac: {  	[tilespmem:s13], [sflag:$0x2] =	stream.indirect_vreg.gather [hbm4b:s12+s6], $0x80, v3, vm0, $0xb8;
	[tilespmem:$0x18E00] =	vst v63  }
0xad: {  	s14 =	simm.s32 $0x14C00  }
0xae: {  	[tilespmem:s14], [sflag:$0x2] =	stream.indirect_vreg.gather [hbm4b:s7+s6], $0x80, v3, vm0, $0xb8;
	[tilespmem:$0x18E00] =	vst v63  }
0xaf: {  	s15 =	simm.s32 $0x15400  }
0xb0: {  	[tilespmem:s15], [sflag:$0x2] =	stream.indirect_vreg.gather [hbm4b:s8+s6], $0x80, v3, vm0, $0xb8;
	[tilespmem:$0x18E00] =	vst v63  }
0xb1: {  	v3 =	vld [tilespmem:$0x4B0];
	_ =	sdelay $0x4  }
0xb2: {  	v63 =	vshrl.u32 v3, $0x3  }
0xb3: {  	v4 =	vmul.u32 $0x30, v63  }
0xb4: {  	v3 =	vand.u32 $0x7, v3  }
0xb5: {  	v3 =	vor.u32 v3, v4  }
0xb6: {  	v4 =	vperm.xlane v3, v0;
	_ =	sdelay $0x1  }
0xb7: {  	v4 =	vadd.s32 v1, v4;
	_ =	sdelay $0x3  }
0xb8: {  	s16 =	simm.s32 $0x15C00;
	v3 =	vperm.xlane v3, v2  }
0xb9: {  	[tilespmem:s16], [sflag:$0x2] =	stream.indirect_vreg.gather [hbm4b:s12+s6], $0x80, v4, vm0, $0xb8;
	[tilespmem:$0x18E00] =	vst v63  }
0xba: {  	s17 =	simm.s32 $0x16400;
	v3 =	vadd.s32 v1, v3  }
0xbb: {  	[tilespmem:s17], [sflag:$0x2] =	stream.indirect_vreg.gather [hbm4b:s7+s6], $0x80, v4, vm0, $0xb8;
	[tilespmem:$0x18E00] =	vst v63  }
0xbc: {  	s18 =	simm.s32 $0x16C00  }
0xbd: {  	[tilespmem:s18], [sflag:$0x2] =	stream.indirect_vreg.gather [hbm4b:s8+s6], $0x80, v4, vm0, $0xb8;
	[tilespmem:$0x18E00] =	vst v63  }
0xbe: {  	s19 =	simm.s32 $0x17400  }
0xbf: {  	[tilespmem:s19], [sflag:$0x2] =	stream.indirect_vreg.gather [hbm4b:s12+s6], $0x80, v3, vm0, $0xb8;
	[tilespmem:$0x18E00] =	vst v63  }
0xc0: {  	s20 =	simm.s32 $0x17C00  }
0xc1: {  	[tilespmem:s20], [sflag:$0x2] =	stream.indirect_vreg.gather [hbm4b:s7+s6], $0x80, v3, vm0, $0xb8;
	[tilespmem:$0x18E00] =	vst v63  }
0xc2: {  	s21 =	simm.s32 $0x18400;
	s0 =	simm.s32 $0x1  }
0xc3: {  	[tilespmem:s21], [sflag:$0x2] =	stream.indirect_vreg.gather [hbm4b:s8+s6], $0x80, v3, vm0, $0xb8;
	[tilespmem:$0x18E00] =	vst v63  }
0xc4: {  	_ =	swait.ge [sflag:s0], $0xC000  }
0xc5: {  	[sflag:s0] =	ssyncset.done $0x0  }
0xc6: {  	[sflag:s0] =	ssyncadd.s32 $0xFFFF4000  }
0xc7: {  	v3 =	vld [tilespmem:$0x0];
	_ =	sdelay $0x4  }
0xc8: {  	v8 =	vshrl.u32 v3, $0x3  }
0xc9: {  	v4 =	vmul.u32 $0x30, v8  }
0xca: {  	v3 =	vand.u32 $0x7, v3  }
0xcb: {  	v3 =	vor.u32 v3, v4  }
0xcc: {  	v4 =	vperm.xlane v3, v0;
	_ =	sdelay $0x1  }
0xcd: {  	v4 =	vadd.s32 v1, v4;
	_ =	sdelay $0x3  }
0xce: {  	s23 =	simm.s32 $0xC00;
	v3 =	vperm.xlane v3, v2  }
0xcf: {  	[hbm4b:s4+s6] =	stream.indirect_vreg.scatter [tilespmem:s23], [sflag:$0x3], $0x80, v4, vm0, $0xb8;
	[tilespmem:$0x18E00] =	vst v63  }
0xd0: {  	s1 =	simm.s32 $0x1400;
	v3 =	vadd.s32 v1, v3  }
0xd1: {  	[hbm4b:s9+s6] =	stream.indirect_vreg.scatter [tilespmem:s1], [sflag:$0x3], $0x80, v4, vm0, $0xb8;
	[tilespmem:$0x18E00] =	vst v63  }
0xd2: {  	s2 =	simm.s32 $0x1C00  }
0xd3: {  	[hbm4b:s10+s6] =	stream.indirect_vreg.scatter [tilespmem:s2], [sflag:$0x3], $0x80, v4, vm0, $0xb8;
	[tilespmem:$0x18E00] =	vst v63  }
0xd4: {  	s3 =	simm.s32 $0x2400  }
0xd5: {  	[hbm4b:s4+s6] =	stream.indirect_vreg.scatter [tilespmem:s3], [sflag:$0x3], $0x80, v3, vm0, $0xb8;
	[tilespmem:$0x18E00] =	vst v63  }
0xd6: {  	s5 =	simm.s32 $0x2C00  }
0xd7: {  	[hbm4b:s9+s6] =	stream.indirect_vreg.scatter [tilespmem:s5], [sflag:$0x3], $0x80, v3, vm0, $0xb8;
	[tilespmem:$0x18E00] =	vst v63  }
0xd8: {  	s24 =	simm.s32 $0x3400  }
0xd9: {  	[hbm4b:s10+s6] =	stream.indirect_vreg.scatter [tilespmem:s24], [sflag:$0x3], $0x80, v3, vm0, $0xb8;
	[tilespmem:$0x18E00] =	vst v63  }
0xda: {  	v3 =	vld [tilespmem:$0x10];
	_ =	sdelay $0x4  }
0xdb: {  	v9 =	vshrl.u32 v3, $0x3  }
0xdc: {  	v4 =	vmul.u32 $0x30, v9  }
0xdd: {  	v3 =	vand.u32 $0x7, v3  }
0xde: {  	v3 =	vor.u32 v3, v4  }
0xdf: {  	v4 =	vperm.xlane v3, v0;
	_ =	sdelay $0x1  }
0xe0: {  	v4 =	vadd.s32 v1, v4;
	_ =	sdelay $0x3  }
0xe1: {  	s25 =	simm.s32 $0x3C00;
	v3 =	vperm.xlane v3, v2  }
0xe2: {  	[hbm4b:s4+s6] =	stream.indirect_vreg.scatter [tilespmem:s25], [sflag:$0x3], $0x80, v4, vm0, $0xb8;
	[tilespmem:$0x18E00] =	vst v63  }
0xe3: {  	s11 =	simm.s32 $0x4400;
	v3 =	vadd.s32 v1, v3  }
0xe4: {  	[hbm4b:s9+s6] =	stream.indirect_vreg.scatter [tilespmem:s11], [sflag:$0x3], $0x80, v4, vm0, $0xb8;
	[tilespmem:$0x18E00] =	vst v63  }
0xe5: {  	s22 =	simm.s32 $0x4C00  }
0xe6: {  	[hbm4b:s10+s6] =	stream.indirect_vreg.scatter [tilespmem:s22], [sflag:$0x3], $0x80, v4, vm0, $0xb8;
	[tilespmem:$0x18E00] =	vst v63  }
0xe7: {  	s13 =	simm.s32 $0x5400  }
0xe8: {  	[hbm4b:s4+s6] =	stream.indirect_vreg.scatter [tilespmem:s13], [sflag:$0x3], $0x80, v3, vm0, $0xb8;
	[tilespmem:$0x18E00] =	vst v63  }
0xe9: {  	s14 =	simm.s32 $0x5C00  }
0xea: {  	[hbm4b:s9+s6] =	stream.indirect_vreg.scatter [tilespmem:s14], [sflag:$0x3], $0x80, v3, vm0, $0xb8;
	[tilespmem:$0x18E00] =	vst v63  }
0xeb: {  	s26 =	simm.s32 $0x6400  }
0xec: {  	[hbm4b:s10+s6] =	stream.indirect_vreg.scatter [tilespmem:s26], [sflag:$0x3], $0x80, v3, vm0, $0xb8;
	[tilespmem:$0x18E00] =	vst v63  }
0xed: {  	v3 =	vld [tilespmem:$0x20];
	_ =	sdelay $0x4  }
0xee: {  	v10 =	vshrl.u32 v3, $0x3  }
0xef: {  	v4 =	vmul.u32 $0x30, v10  }
0xf0: {  	v3 =	vand.u32 $0x7, v3  }
0xf1: {  	v3 =	vor.u32 v3, v4  }
0xf2: {  	v4 =	vperm.xlane v3, v0;
	_ =	sdelay $0x1  }
0xf3: {  	v4 =	vadd.s32 v1, v4;
	_ =	sdelay $0x3  }
0xf4: {  	s28 =	simm.s32 $0x6C00;
	v3 =	vperm.xlane v3, v2  }
0xf5: {  	[hbm4b:s4+s6] =	stream.indirect_vreg.scatter [tilespmem:s28], [sflag:$0x3], $0x80, v4, vm0, $0xb8;
	[tilespmem:$0x18E00] =	vst v63  }
0xf6: {  	s15 =	simm.s32 $0x7400;
	v3 =	vadd.s32 v1, v3  }
0xf7: {  	[hbm4b:s9+s6] =	stream.indirect_vreg.scatter [tilespmem:s15], [sflag:$0x3], $0x80, v4, vm0, $0xb8;
	[tilespmem:$0x18E00] =	vst v63  }
0xf8: {  	s16 =	simm.s32 $0x7C00  }
0xf9: {  	[hbm4b:s10+s6] =	stream.indirect_vreg.scatter [tilespmem:s16], [sflag:$0x3], $0x80, v4, vm0, $0xb8;
	[tilespmem:$0x18E00] =	vst v63  }
0xfa: {  	s17 =	simm.s32 $0x8400  }
0xfb: {  	[hbm4b:s4+s6] =	stream.indirect_vreg.scatter [tilespmem:s17], [sflag:$0x3], $0x80, v3, vm0, $0xb8;
	[tilespmem:$0x18E00] =	vst v63  }
0xfc: {  	s18 =	simm.s32 $0x8C00  }
0xfd: {  	[hbm4b:s9+s6] =	stream.indirect_vreg.scatter [tilespmem:s18], [sflag:$0x3], $0x80, v3, vm0, $0xb8;
	[tilespmem:$0x18E00] =	vst v63  }
0xfe: {  	s29 =	simm.s32 $0x9400  }
0xff: {  	[hbm4b:s10+s6] =	stream.indirect_vreg.scatter [tilespmem:s29], [sflag:$0x3], $0x80, v3, vm0, $0xb8;
	[tilespmem:$0x18E00] =	vst v63  }
0x100: {  	v3 =	vld [tilespmem:$0x30];
	_ =	sdelay $0x4  }
0x101: {  	v11 =	vshrl.u32 v3, $0x3  }
0x102: {  	v4 =	vmul.u32 $0x30, v11  }
0x103: {  	v3 =	vand.u32 $0x7, v3  }
0x104: {  	v3 =	vor.u32 v3, v4  }
0x105: {  	v4 =	vperm.xlane v3, v0;
	_ =	sdelay $0x1  }
0x106: {  	v4 =	vadd.s32 v1, v4;
	_ =	sdelay $0x3  }
0x107: {  	s30 =	simm.s32 $0x9C00;
	v3 =	vperm.xlane v3, v2  }
0x108: {  	[hbm4b:s4+s6] =	stream.indirect_vreg.scatter [tilespmem:s30], [sflag:$0x3], $0x80, v4, vm0, $0xb8;
	[tilespmem:$0x18E00] =	vst v63  }
0x109: {  	s19 =	simm.s32 $0xA400;
	v3 =	vadd.s32 v1, v3  }
0x10a: {  	[hbm4b:s9+s6] =	stream.indirect_vreg.scatter [tilespmem:s19], [sflag:$0x3], $0x80, v4, vm0, $0xb8;
	[tilespmem:$0x18E00] =	vst v63  }
0x10b: {  	s20 =	simm.s32 $0xAC00  }
0x10c: {  	[hbm4b:s10+s6] =	stream.indirect_vreg.scatter [tilespmem:s20], [sflag:$0x3], $0x80, v4, vm0, $0xb8;
	[tilespmem:$0x18E00] =	vst v63  }
0x10d: {  	s21 =	simm.s32 $0xB400  }
0x10e: {  	[hbm4b:s4+s6] =	stream.indirect_vreg.scatter [tilespmem:s21], [sflag:$0x3], $0x80, v3, vm0, $0xb8;
	[tilespmem:$0x18E00] =	vst v63  }
0x10f: {  	s22 =	simm.s32 $0xBC00  }
0x110: {  	[hbm4b:s9+s6] =	stream.indirect_vreg.scatter [tilespmem:s22], [sflag:$0x3], $0x80, v3, vm0, $0xb8;
	[tilespmem:$0x18E00] =	vst v63  }
0x111: {  	s31 =	simm.s32 $0xC400;
	s0 =	simm.s32 $0x3  }
0x112: {  	[hbm4b:s10+s6] =	stream.indirect_vreg.scatter [tilespmem:s31], [sflag:$0x3], $0x80, v3, vm0, $0xb8;
	[tilespmem:$0x18E00] =	vst v63  }
0x113: {  	_ =	swait.ge [sflag:s0], $0xC000  }
0x114: {  	[sflag:s0] =	ssyncset.done $0x0  }
0x115: {  	[sflag:s0] =	ssyncadd.s32 $0xFFFF4000  }
0x116: {  	v3 =	vld [tilespmem:$0x500];
	_ =	sdelay $0x4  }
0x117: {  	v12 =	vshrl.u32 v3, $0x3  }
0x118: {  	v4 =	vmul.u32 $0x30, v12  }
0x119: {  	v3 =	vand.u32 $0x7, v3  }
0x11a: {  	v3 =	vor.u32 v3, v4  }
0x11b: {  	v4 =	vperm.xlane v3, v0;
	_ =	sdelay $0x1  }
0x11c: {  	v4 =	vadd.s32 v1, v4;
	_ =	sdelay $0x3  }
0x11d: {  	v3 =	vperm.xlane v3, v2  }
0x11e: {  	[tilespmem:s23], [sflag:$0x1] =	stream.indirect_vreg.gather [hbm4b:s12+s6], $0x80, v4, vm0, $0xb8;
	[tilespmem:$0x18E00] =	vst v63  }
0x11f: {  	v3 =	vadd.s32 v1, v3  }
0x120: {  	[tilespmem:s1], [sflag:$0x1] =	stream.indirect_vreg.gather [hbm4b:s7+s6], $0x80, v4, vm0, $0xb8;
	[tilespmem:$0x18E00] =	vst v63  }
0x121: {  	_ = 	snop  }
0x122: {  	[tilespmem:s2], [sflag:$0x1] =	stream.indirect_vreg.gather [hbm4b:s8+s6], $0x80, v4, vm0, $0xb8;
	[tilespmem:$0x18E00] =	vst v63  }
0x123: {  	_ = 	snop  }
0x124: {  	[tilespmem:s3], [sflag:$0x1] =	stream.indirect_vreg.gather [hbm4b:s12+s6], $0x80, v3, vm0, $0xb8;
	[tilespmem:$0x18E00] =	vst v63  }
0x125: {  	_ = 	snop  }
0x126: {  	[tilespmem:s5], [sflag:$0x1] =	stream.indirect_vreg.gather [hbm4b:s7+s6], $0x80, v3, vm0, $0xb8;
	[tilespmem:$0x18E00] =	vst v63  }
0x127: {  	_ = 	snop  }
0x128: {  	[tilespmem:s24], [sflag:$0x1] =	stream.indirect_vreg.gather [hbm4b:s8+s6], $0x80, v3, vm0, $0xb8;
	[tilespmem:$0x18E00] =	vst v63  }
0x129: {  	v3 =	vld [tilespmem:$0x510];
	_ =	sdelay $0x4  }
0x12a: {  	v13 =	vshrl.u32 v3, $0x3  }
0x12b: {  	v4 =	vmul.u32 $0x30, v13  }
0x12c: {  	v3 =	vand.u32 $0x7, v3  }
0x12d: {  	v3 =	vor.u32 v3, v4  }
0x12e: {  	v4 =	vperm.xlane v3, v0;
	_ =	sdelay $0x1  }
0x12f: {  	v4 =	vadd.s32 v1, v4;
	_ =	sdelay $0x3  }
0x130: {  	v3 =	vperm.xlane v3, v2  }
0x131: {  	[tilespmem:s25], [sflag:$0x1] =	stream.indirect_vreg.gather [hbm4b:s12+s6], $0x80, v4, vm0, $0xb8;
	[tilespmem:$0x18E00] =	vst v63  }
0x132: {  	v3 =	vadd.s32 v1, v3  }
0x133: {  	[tilespmem:s11], [sflag:$0x1] =	stream.indirect_vreg.gather [hbm4b:s7+s6], $0x80, v4, vm0, $0xb8;
	[tilespmem:$0x18E00] =	vst v63  }
0x134: {  	s25 =	simm.s32 $0x4C00  }
0x135: {  	[tilespmem:s25], [sflag:$0x1] =	stream.indirect_vreg.gather [hbm4b:s8+s6], $0x80, v4, vm0, $0xb8;
	[tilespmem:$0x18E00] =	vst v63  }
0x136: {  	_ = 	snop  }
0x137: {  	[tilespmem:s13], [sflag:$0x1] =	stream.indirect_vreg.gather [hbm4b:s12+s6], $0x80, v3, vm0, $0xb8;
	[tilespmem:$0x18E00] =	vst v63  }
0x138: {  	_ = 	snop  }
0x139: {  	[tilespmem:s14], [sflag:$0x1] =	stream.indirect_vreg.gather [hbm4b:s7+s6], $0x80, v3, vm0, $0xb8;
	[tilespmem:$0x18E00] =	vst v63  }
0x13a: {  	_ = 	snop  }
0x13b: {  	[tilespmem:s26], [sflag:$0x1] =	stream.indirect_vreg.gather [hbm4b:s8+s6], $0x80, v3, vm0, $0xb8;
	[tilespmem:$0x18E00] =	vst v63  }
0x13c: {  	v3 =	vld [tilespmem:$0x520];
	_ =	sdelay $0x4  }
0x13d: {  	v14 =	vshrl.u32 v3, $0x3  }
0x13e: {  	v4 =	vmul.u32 $0x30, v14  }
0x13f: {  	v3 =	vand.u32 $0x7, v3  }
0x140: {  	v3 =	vor.u32 v3, v4  }
0x141: {  	v4 =	vperm.xlane v3, v0;
	_ =	sdelay $0x1  }
0x142: {  	v4 =	vadd.s32 v1, v4;
	_ =	sdelay $0x3  }
0x143: {  	v3 =	vperm.xlane v3, v2  }
0x144: {  	[tilespmem:s28], [sflag:$0x1] =	stream.indirect_vreg.gather [hbm4b:s12+s6], $0x80, v4, vm0, $0xb8;
	[tilespmem:$0x18E00] =	vst v63  }
0x145: {  	v3 =	vadd.s32 v1, v3  }
0x146: {  	[tilespmem:s15], [sflag:$0x1] =	stream.indirect_vreg.gather [hbm4b:s7+s6], $0x80, v4, vm0, $0xb8;
	[tilespmem:$0x18E00] =	vst v63  }
0x147: {  	_ = 	snop  }
0x148: {  	[tilespmem:s16], [sflag:$0x1] =	stream.indirect_vreg.gather [hbm4b:s8+s6], $0x80, v4, vm0, $0xb8;
	[tilespmem:$0x18E00] =	vst v63  }
0x149: {  	_ = 	snop  }
0x14a: {  	[tilespmem:s17], [sflag:$0x1] =	stream.indirect_vreg.gather [hbm4b:s12+s6], $0x80, v3, vm0, $0xb8;
	[tilespmem:$0x18E00] =	vst v63  }
0x14b: {  	_ = 	snop  }
0x14c: {  	[tilespmem:s18], [sflag:$0x1] =	stream.indirect_vreg.gather [hbm4b:s7+s6], $0x80, v3, vm0, $0xb8;
	[tilespmem:$0x18E00] =	vst v63  }
0x14d: {  	_ = 	snop  }
0x14e: {  	[tilespmem:s29], [sflag:$0x1] =	stream.indirect_vreg.gather [hbm4b:s8+s6], $0x80, v3, vm0, $0xb8;
	[tilespmem:$0x18E00] =	vst v63  }
0x14f: {  	v3 =	vld [tilespmem:$0x530];
	_ =	sdelay $0x4  }
0x150: {  	v15 =	vshrl.u32 v3, $0x3  }
0x151: {  	v4 =	vmul.u32 $0x30, v15  }
0x152: {  	v3 =	vand.u32 $0x7, v3  }
0x153: {  	v3 =	vor.u32 v3, v4  }
0x154: {  	v4 =	vperm.xlane v3, v0;
	_ =	sdelay $0x1  }
0x155: {  	v4 =	vadd.s32 v1, v4;
	_ =	sdelay $0x3  }
0x156: {  	v3 =	vperm.xlane v3, v2  }
0x157: {  	[tilespmem:s30], [sflag:$0x1] =	stream.indirect_vreg.gather [hbm4b:s12+s6], $0x80, v4, vm0, $0xb8;
	[tilespmem:$0x18E00] =	vst v63  }
0x158: {  	v3 =	vadd.s32 v1, v3  }
0x159: {  	[tilespmem:s19], [sflag:$0x1] =	stream.indirect_vreg.gather [hbm4b:s7+s6], $0x80, v4, vm0, $0xb8;
	[tilespmem:$0x18E00] =	vst v63  }
0x15a: {  	_ = 	snop  }
0x15b: {  	[tilespmem:s20], [sflag:$0x1] =	stream.indirect_vreg.gather [hbm4b:s8+s6], $0x80, v4, vm0, $0xb8;
	[tilespmem:$0x18E00] =	vst v63  }
0x15c: {  	_ = 	snop  }
0x15d: {  	[tilespmem:s21], [sflag:$0x1] =	stream.indirect_vreg.gather [hbm4b:s12+s6], $0x80, v3, vm0, $0xb8;
	[tilespmem:$0x18E00] =	vst v63  }
0x15e: {  	_ = 	snop  }
0x15f: {  	[tilespmem:s22], [sflag:$0x1] =	stream.indirect_vreg.gather [hbm4b:s7+s6], $0x80, v3, vm0, $0xb8;
	[tilespmem:$0x18E00] =	vst v63  }
0x160: {  	s30 =	simm.s32 $0x2  }
0x161: {  	[tilespmem:s31], [sflag:$0x1] =	stream.indirect_vreg.gather [hbm4b:s8+s6], $0x80, v3, vm0, $0xb8;
	[tilespmem:$0x18E00] =	vst v63  }
0x162: {  	_ =	swait.ge [sflag:s30], $0xC000  }
0x163: {  	[sflag:s30] =	ssyncset.done $0x0  }
0x164: {  	[sflag:s30] =	ssyncadd.s32 $0xFFFF4000  }
0x165: {  	v3 =	vld [tilespmem:$0x80];
	_ =	sdelay $0x4  }
0x166: {  	v16 =	vshrl.u32 v3, $0x3  }
0x167: {  	v4 =	vmul.u32 $0x30, v16  }
0x168: {  	v3 =	vand.u32 $0x7, v3  }
0x169: {  	v3 =	vor.u32 v3, v4  }
0x16a: {  	v4 =	vperm.xlane v3, v0;
	_ =	sdelay $0x1  }
0x16b: {  	v4 =	vadd.s32 v1, v4;
	_ =	sdelay $0x3  }
0x16c: {  	s24 =	simm.s32 $0xCC00;
	v3 =	vperm.xlane v3, v2  }
0x16d: {  	[hbm4b:s4+s6] =	stream.indirect_vreg.scatter [tilespmem:s24], [sflag:$0x4], $0x80, v4, vm0, $0xb8;
	[tilespmem:$0x18E00] =	vst v63  }
0x16e: {  	s2 =	simm.s32 $0xD400;
	v3 =	vadd.s32 v1, v3  }
0x16f: {  	[hbm4b:s9+s6] =	stream.indirect_vreg.scatter [tilespmem:s2], [sflag:$0x4], $0x80, v4, vm0, $0xb8;
	[tilespmem:$0x18E00] =	vst v63  }
0x170: {  	s1 =	simm.s32 $0xDC00  }
0x171: {  	[hbm4b:s10+s6] =	stream.indirect_vreg.scatter [tilespmem:s1], [sflag:$0x4], $0x80, v4, vm0, $0xb8;
	[tilespmem:$0x18E00] =	vst v63  }
0x172: {  	s5 =	simm.s32 $0xE400  }
0x173: {  	[hbm4b:s4+s6] =	stream.indirect_vreg.scatter [tilespmem:s5], [sflag:$0x4], $0x80, v3, vm0, $0xb8;
	[tilespmem:$0x18E00] =	vst v63  }
0x174: {  	s3 =	simm.s32 $0xEC00  }
0x175: {  	[hbm4b:s9+s6] =	stream.indirect_vreg.scatter [tilespmem:s3], [sflag:$0x4], $0x80, v3, vm0, $0xb8;
	[tilespmem:$0x18E00] =	vst v63  }
0x176: {  	s25 =	simm.s32 $0xF400  }
0x177: {  	[hbm4b:s10+s6] =	stream.indirect_vreg.scatter [tilespmem:s25], [sflag:$0x4], $0x80, v3, vm0, $0xb8;
	[tilespmem:$0x18E00] =	vst v63  }
0x178: {  	v3 =	vld [tilespmem:$0x90];
	_ =	sdelay $0x4  }
0x179: {  	v17 =	vshrl.u32 v3, $0x3  }
0x17a: {  	v4 =	vmul.u32 $0x30, v17  }
0x17b: {  	v3 =	vand.u32 $0x7, v3  }
0x17c: {  	v3 =	vor.u32 v3, v4  }
0x17d: {  	v4 =	vperm.xlane v3, v0;
	_ =	sdelay $0x1  }
0x17e: {  	v4 =	vadd.s32 v1, v4;
	_ =	sdelay $0x3  }
0x17f: {  	s11 =	simm.s32 $0xFC00;
	v3 =	vperm.xlane v3, v2  }
0x180: {  	[hbm4b:s4+s6] =	stream.indirect_vreg.scatter [tilespmem:s11], [sflag:$0x4], $0x80, v4, vm0, $0xb8;
	[tilespmem:$0x18E00] =	vst v63  }
0x181: {  	s13 =	simm.s32 $0x10400;
	v3 =	vadd.s32 v1, v3  }
0x182: {  	[hbm4b:s9+s6] =	stream.indirect_vreg.scatter [tilespmem:s13], [sflag:$0x4], $0x80, v4, vm0, $0xb8;
	[tilespmem:$0x18E00] =	vst v63  }
0x183: {  	s31 =	simm.s32 $0x10C00  }
0x184: {  	[hbm4b:s10+s6] =	stream.indirect_vreg.scatter [tilespmem:s31], [sflag:$0x4], $0x80, v4, vm0, $0xb8;
	[tilespmem:$0x18E00] =	vst v63  }
0x185: {  	s15 =	simm.s32 $0x11400  }
0x186: {  	[hbm4b:s4+s6] =	stream.indirect_vreg.scatter [tilespmem:s15], [sflag:$0x4], $0x80, v3, vm0, $0xb8;
	[tilespmem:$0x18E00] =	vst v63  }
0x187: {  	s14 =	simm.s32 $0x11C00  }
0x188: {  	[hbm4b:s9+s6] =	stream.indirect_vreg.scatter [tilespmem:s14], [sflag:$0x4], $0x80, v3, vm0, $0xb8;
	[tilespmem:$0x18E00] =	vst v63  }
0x189: {  	s28 =	simm.s32 $0x12400  }
0x18a: {  	[hbm4b:s10+s6] =	stream.indirect_vreg.scatter [tilespmem:s28], [sflag:$0x4], $0x80, v3, vm0, $0xb8;
	[tilespmem:$0x18E00] =	vst v63  }
0x18b: {  	v3 =	vld [tilespmem:$0xA0];
	_ =	sdelay $0x4  }
0x18c: {  	v18 =	vshrl.u32 v3, $0x3  }
0x18d: {  	v4 =	vmul.u32 $0x30, v18  }
0x18e: {  	v3 =	vand.u32 $0x7, v3  }
0x18f: {  	v3 =	vor.u32 v3, v4  }
0x190: {  	v4 =	vperm.xlane v3, v0;
	_ =	sdelay $0x1  }
0x191: {  	v4 =	vadd.s32 v1, v4;
	_ =	sdelay $0x3  }
0x192: {  	s26 =	simm.s32 $0x12C00;
	v3 =	vperm.xlane v3, v2  }
0x193: {  	[hbm4b:s4+s6] =	stream.indirect_vreg.scatter [tilespmem:s26], [sflag:$0x4], $0x80, v4, vm0, $0xb8;
	[tilespmem:$0x18E00] =	vst v63  }
0x194: {  	s17 =	simm.s32 $0x13400;
	v3 =	vadd.s32 v1, v3  }
0x195: {  	[hbm4b:s9+s6] =	stream.indirect_vreg.scatter [tilespmem:s17], [sflag:$0x4], $0x80, v4, vm0, $0xb8;
	[tilespmem:$0x18E00] =	vst v63  }
0x196: {  	s16 =	simm.s32 $0x13C00  }
0x197: {  	[hbm4b:s10+s6] =	stream.indirect_vreg.scatter [tilespmem:s16], [sflag:$0x4], $0x80, v4, vm0, $0xb8;
	[tilespmem:$0x18E00] =	vst v63  }
0x198: {  	s19 =	simm.s32 $0x14400  }
0x199: {  	[hbm4b:s4+s6] =	stream.indirect_vreg.scatter [tilespmem:s19], [sflag:$0x4], $0x80, v3, vm0, $0xb8;
	[tilespmem:$0x18E00] =	vst v63  }
0x19a: {  	s18 =	simm.s32 $0x14C00  }
0x19b: {  	[hbm4b:s9+s6] =	stream.indirect_vreg.scatter [tilespmem:s18], [sflag:$0x4], $0x80, v3, vm0, $0xb8;
	[tilespmem:$0x18E00] =	vst v63  }
0x19c: {  	s30 =	simm.s32 $0x15400  }
0x19d: {  	[hbm4b:s10+s6] =	stream.indirect_vreg.scatter [tilespmem:s30], [sflag:$0x4], $0x80, v3, vm0, $0xb8;
	[tilespmem:$0x18E00] =	vst v63  }
0x19e: {  	v3 =	vld [tilespmem:$0xB0];
	_ =	sdelay $0x4  }
0x19f: {  	v19 =	vshrl.u32 v3, $0x3  }
0x1a0: {  	v4 =	vmul.u32 $0x30, v19  }
0x1a1: {  	v3 =	vand.u32 $0x7, v3  }
0x1a2: {  	v3 =	vor.u32 v3, v4  }
0x1a3: {  	v4 =	vperm.xlane v3, v0;
	_ =	sdelay $0x1  }
0x1a4: {  	v4 =	vadd.s32 v1, v4;
	_ =	sdelay $0x3  }
0x1a5: {  	s29 =	simm.s32 $0x15C00;
	v3 =	vperm.xlane v3, v2  }
0x1a6: {  	[hbm4b:s4+s6] =	stream.indirect_vreg.scatter [tilespmem:s29], [sflag:$0x4], $0x80, v4, vm0, $0xb8;
	[tilespmem:$0x18E00] =	vst v63  }
0x1a7: {  	s21 =	simm.s32 $0x16400;
	v3 =	vadd.s32 v1, v3  }
0x1a8: {  	[hbm4b:s9+s6] =	stream.indirect_vreg.scatter [tilespmem:s21], [sflag:$0x4], $0x80, v4, vm0, $0xb8;
	[tilespmem:$0x18E00] =	vst v63  }
0x1a9: {  	s20 =	simm.s32 $0x16C00  }
0x1aa: {  	[hbm4b:s10+s6] =	stream.indirect_vreg.scatter [tilespmem:s20], [sflag:$0x4], $0x80, v4, vm0, $0xb8;
	[tilespmem:$0x18E00] =	vst v63  }
0x1ab: {  	s23 =	simm.s32 $0x17400  }
0x1ac: {  	[hbm4b:s4+s6] =	stream.indirect_vreg.scatter [tilespmem:s23], [sflag:$0x4], $0x80, v3, vm0, $0xb8;
	[tilespmem:$0x18E00] =	vst v63  }
0x1ad: {  	s22 =	simm.s32 $0x17C00  }
0x1ae: {  	[hbm4b:s9+s6] =	stream.indirect_vreg.scatter [tilespmem:s22], [sflag:$0x4], $0x80, v3, vm0, $0xb8;
	[tilespmem:$0x18E00] =	vst v63  }
0x1af: {  	s0 =	simm.s32 $0x4;
	s31 =	simm.s32 $0x18400  }
0x1b0: {  	[hbm4b:s10+s6] =	stream.indirect_vreg.scatter [tilespmem:s31], [sflag:$0x4], $0x80, v3, vm0, $0xb8;
	[tilespmem:$0x18E00] =	vst v63  }
0x1b1: {  	_ =	swait.ge [sflag:s0], $0xC000  }
0x1b2: {  	[sflag:s0] =	ssyncset.done $0x0  }
0x1b3: {  	[sflag:s0] =	ssyncadd.s32 $0xFFFF4000  }
0x1b4: {  	v3 =	vld [tilespmem:$0x580];
	_ =	sdelay $0x4  }
0x1b5: {  	v20 =	vshrl.u32 v3, $0x3  }
0x1b6: {  	v4 =	vmul.u32 $0x30, v20  }
0x1b7: {  	v3 =	vand.u32 $0x7, v3  }
0x1b8: {  	v3 =	vor.u32 v3, v4  }
0x1b9: {  	v4 =	vperm.xlane v3, v0;
	_ =	sdelay $0x1  }
0x1ba: {  	v4 =	vadd.s32 v1, v4;
	_ =	sdelay $0x3  }
0x1bb: {  	v3 =	vperm.xlane v3, v2  }
0x1bc: {  	[tilespmem:s24], [sflag:$0x2] =	stream.indirect_vreg.gather [hbm4b:s12+s6], $0x80, v4, vm0, $0xb8;
	[tilespmem:$0x18E00] =	vst v63  }
0x1bd: {  	v3 =	vadd.s32 v1, v3  }
0x1be: {  	[tilespmem:s2], [sflag:$0x2] =	stream.indirect_vreg.gather [hbm4b:s7+s6], $0x80, v4, vm0, $0xb8;
	[tilespmem:$0x18E00] =	vst v63  }
0x1bf: {  	_ = 	snop  }
0x1c0: {  	[tilespmem:s1], [sflag:$0x2] =	stream.indirect_vreg.gather [hbm4b:s8+s6], $0x80, v4, vm0, $0xb8;
	[tilespmem:$0x18E00] =	vst v63  }
0x1c1: {  	_ = 	snop  }
0x1c2: {  	[tilespmem:s5], [sflag:$0x2] =	stream.indirect_vreg.gather [hbm4b:s12+s6], $0x80, v3, vm0, $0xb8;
	[tilespmem:$0x18E00] =	vst v63  }
0x1c3: {  	_ = 	snop  }
0x1c4: {  	[tilespmem:s3], [sflag:$0x2] =	stream.indirect_vreg.gather [hbm4b:s7+s6], $0x80, v3, vm0, $0xb8;
	[tilespmem:$0x18E00] =	vst v63  }
0x1c5: {  	_ = 	snop  }
0x1c6: {  	[tilespmem:s25], [sflag:$0x2] =	stream.indirect_vreg.gather [hbm4b:s8+s6], $0x80, v3, vm0, $0xb8;
	[tilespmem:$0x18E00] =	vst v63  }
0x1c7: {  	v3 =	vld [tilespmem:$0x590];
	_ =	sdelay $0x4  }
0x1c8: {  	v21 =	vshrl.u32 v3, $0x3  }
0x1c9: {  	v4 =	vmul.u32 $0x30, v21  }
0x1ca: {  	v3 =	vand.u32 $0x7, v3  }
0x1cb: {  	v3 =	vor.u32 v3, v4  }
0x1cc: {  	v4 =	vperm.xlane v3, v0;
	_ =	sdelay $0x1  }
0x1cd: {  	v4 =	vadd.s32 v1, v4;
	_ =	sdelay $0x3  }
0x1ce: {  	v3 =	vperm.xlane v3, v2  }
0x1cf: {  	[tilespmem:s11], [sflag:$0x2] =	stream.indirect_vreg.gather [hbm4b:s12+s6], $0x80, v4, vm0, $0xb8;
	[tilespmem:$0x18E00] =	vst v63  }
0x1d0: {  	v3 =	vadd.s32 v1, v3  }
0x1d1: {  	[tilespmem:s13], [sflag:$0x2] =	stream.indirect_vreg.gather [hbm4b:s7+s6], $0x80, v4, vm0, $0xb8;
	[tilespmem:$0x18E00] =	vst v63  }
0x1d2: {  	s13 =	simm.s32 $0x10C00  }
0x1d3: {  	[tilespmem:s13], [sflag:$0x2] =	stream.indirect_vreg.gather [hbm4b:s8+s6], $0x80, v4, vm0, $0xb8;
	[tilespmem:$0x18E00] =	vst v63  }
0x1d4: {  	_ = 	snop  }
0x1d5: {  	[tilespmem:s15], [sflag:$0x2] =	stream.indirect_vreg.gather [hbm4b:s12+s6], $0x80, v3, vm0, $0xb8;
	[tilespmem:$0x18E00] =	vst v63  }
0x1d6: {  	_ = 	snop  }
0x1d7: {  	[tilespmem:s14], [sflag:$0x2] =	stream.indirect_vreg.gather [hbm4b:s7+s6], $0x80, v3, vm0, $0xb8;
	[tilespmem:$0x18E00] =	vst v63  }
0x1d8: {  	_ = 	snop  }
0x1d9: {  	[tilespmem:s28], [sflag:$0x2] =	stream.indirect_vreg.gather [hbm4b:s8+s6], $0x80, v3, vm0, $0xb8;
	[tilespmem:$0x18E00] =	vst v63  }
0x1da: {  	v3 =	vld [tilespmem:$0x5A0];
	_ =	sdelay $0x4  }
0x1db: {  	v22 =	vshrl.u32 v3, $0x3  }
0x1dc: {  	v4 =	vmul.u32 $0x30, v22  }
0x1dd: {  	v3 =	vand.u32 $0x7, v3  }
0x1de: {  	v3 =	vor.u32 v3, v4  }
0x1df: {  	v4 =	vperm.xlane v3, v0;
	_ =	sdelay $0x1  }
0x1e0: {  	v4 =	vadd.s32 v1, v4;
	_ =	sdelay $0x3  }
0x1e1: {  	v3 =	vperm.xlane v3, v2  }
0x1e2: {  	[tilespmem:s26], [sflag:$0x2] =	stream.indirect_vreg.gather [hbm4b:s12+s6], $0x80, v4, vm0, $0xb8;
	[tilespmem:$0x18E00] =	vst v63  }
0x1e3: {  	v3 =	vadd.s32 v1, v3  }
0x1e4: {  	[tilespmem:s17], [sflag:$0x2] =	stream.indirect_vreg.gather [hbm4b:s7+s6], $0x80, v4, vm0, $0xb8;
	[tilespmem:$0x18E00] =	vst v63  }
0x1e5: {  	_ = 	snop  }
0x1e6: {  	[tilespmem:s16], [sflag:$0x2] =	stream.indirect_vreg.gather [hbm4b:s8+s6], $0x80, v4, vm0, $0xb8;
	[tilespmem:$0x18E00] =	vst v63  }
0x1e7: {  	_ = 	snop  }
0x1e8: {  	[tilespmem:s19], [sflag:$0x2] =	stream.indirect_vreg.gather [hbm4b:s12+s6], $0x80, v3, vm0, $0xb8;
	[tilespmem:$0x18E00] =	vst v63  }
0x1e9: {  	_ = 	snop  }
0x1ea: {  	[tilespmem:s18], [sflag:$0x2] =	stream.indirect_vreg.gather [hbm4b:s7+s6], $0x80, v3, vm0, $0xb8;
	[tilespmem:$0x18E00] =	vst v63  }
0x1eb: {  	_ = 	snop  }
0x1ec: {  	[tilespmem:s30], [sflag:$0x2] =	stream.indirect_vreg.gather [hbm4b:s8+s6], $0x80, v3, vm0, $0xb8;
	[tilespmem:$0x18E00] =	vst v63  }
0x1ed: {  	v3 =	vld [tilespmem:$0x5B0];
	_ =	sdelay $0x4  }
0x1ee: {  	v23 =	vshrl.u32 v3, $0x3  }
0x1ef: {  	v4 =	vmul.u32 $0x30, v23  }
0x1f0: {  	v3 =	vand.u32 $0x7, v3  }
0x1f1: {  	v3 =	vor.u32 v3, v4  }
0x1f2: {  	v4 =	vperm.xlane v3, v0;
	_ =	sdelay $0x1  }
0x1f3: {  	v4 =	vadd.s32 v1, v4;
	_ =	sdelay $0x3  }
0x1f4: {  	v3 =	vperm.xlane v3, v2  }
0x1f5: {  	[tilespmem:s29], [sflag:$0x2] =	stream.indirect_vreg.gather [hbm4b:s12+s6], $0x80, v4, vm0, $0xb8;
	[tilespmem:$0x18E00] =	vst v63  }
0x1f6: {  	v3 =	vadd.s32 v1, v3  }
0x1f7: {  	[tilespmem:s21], [sflag:$0x2] =	stream.indirect_vreg.gather [hbm4b:s7+s6], $0x80, v4, vm0, $0xb8;
	[tilespmem:$0x18E00] =	vst v63  }
0x1f8: {  	_ = 	snop  }
0x1f9: {  	[tilespmem:s20], [sflag:$0x2] =	stream.indirect_vreg.gather [hbm4b:s8+s6], $0x80, v4, vm0, $0xb8;
	[tilespmem:$0x18E00] =	vst v63  }
0x1fa: {  	_ = 	snop  }
0x1fb: {  	[tilespmem:s23], [sflag:$0x2] =	stream.indirect_vreg.gather [hbm4b:s12+s6], $0x80, v3, vm0, $0xb8;
	[tilespmem:$0x18E00] =	vst v63  }
0x1fc: {  	_ = 	snop  }
0x1fd: {  	[tilespmem:s22], [sflag:$0x2] =	stream.indirect_vreg.gather [hbm4b:s7+s6], $0x80, v3, vm0, $0xb8;
	[tilespmem:$0x18E00] =	vst v63  }
0x1fe: {  	s22 =	simm.s32 $0x1  }
0x1ff: {  	[tilespmem:s31], [sflag:$0x2] =	stream.indirect_vreg.gather [hbm4b:s8+s6], $0x80, v3, vm0, $0xb8;
	[tilespmem:$0x18E00] =	vst v63  }
0x200: {  	_ =	swait.ge [sflag:s22], $0xC000  }
0x201: {  	[sflag:s22] =	ssyncset.done $0x0  }
0x202: {  	[sflag:s22] =	ssyncadd.s32 $0xFFFF4000  }
0x203: {  	v3 =	vld [tilespmem:$0x100];
	_ =	sdelay $0x4  }
0x204: {  	v24 =	vshrl.u32 v3, $0x3  }
0x205: {  	v4 =	vmul.u32 $0x30, v24  }
0x206: {  	v3 =	vand.u32 $0x7, v3  }
0x207: {  	v3 =	vor.u32 v3, v4  }
0x208: {  	v4 =	vperm.xlane v3, v0;
	_ =	sdelay $0x1  }
0x209: {  	v4 =	vadd.s32 v1, v4;
	_ =	sdelay $0x3  }
0x20a: {  	s24 =	simm.s32 $0xC00;
	v3 =	vperm.xlane v3, v2  }
0x20b: {  	[hbm4b:s4+s6] =	stream.indirect_vreg.scatter [tilespmem:s24], [sflag:$0x3], $0x80, v4, vm0, $0xb8;
	[tilespmem:$0x18E00] =	vst v63  }
0x20c: {  	s30 =	simm.s32 $0x1400;
	v3 =	vadd.s32 v1, v3  }
0x20d: {  	[hbm4b:s9+s6] =	stream.indirect_vreg.scatter [tilespmem:s30], [sflag:$0x3], $0x80, v4, vm0, $0xb8;
	[tilespmem:$0x18E00] =	vst v63  }
0x20e: {  	s1 =	simm.s32 $0x1C00  }
0x20f: {  	[hbm4b:s10+s6] =	stream.indirect_vreg.scatter [tilespmem:s1], [sflag:$0x3], $0x80, v4, vm0, $0xb8;
	[tilespmem:$0x18E00] =	vst v63  }
0x210: {  	s2 =	simm.s32 $0x2400  }
0x211: {  	[hbm4b:s4+s6] =	stream.indirect_vreg.scatter [tilespmem:s2], [sflag:$0x3], $0x80, v3, vm0, $0xb8;
	[tilespmem:$0x18E00] =	vst v63  }
0x212: {  	s3 =	simm.s32 $0x2C00  }
0x213: {  	[hbm4b:s9+s6] =	stream.indirect_vreg.scatter [tilespmem:s3], [sflag:$0x3], $0x80, v3, vm0, $0xb8;
	[tilespmem:$0x18E00] =	vst v63  }
0x214: {  	s25 =	simm.s32 $0x3400  }
0x215: {  	[hbm4b:s10+s6] =	stream.indirect_vreg.scatter [tilespmem:s25], [sflag:$0x3], $0x80, v3, vm0, $0xb8;
	[tilespmem:$0x18E00] =	vst v63  }
0x216: {  	v3 =	vld [tilespmem:$0x110];
	_ =	sdelay $0x4  }
0x217: {  	v25 =	vshrl.u32 v3, $0x3  }
0x218: {  	v4 =	vmul.u32 $0x30, v25  }
0x219: {  	v3 =	vand.u32 $0x7, v3  }
0x21a: {  	v3 =	vor.u32 v3, v4  }
0x21b: {  	v4 =	vperm.xlane v3, v0;
	_ =	sdelay $0x1  }
0x21c: {  	v4 =	vadd.s32 v1, v4;
	_ =	sdelay $0x3  }
0x21d: {  	s26 =	simm.s32 $0x3C00;
	v3 =	vperm.xlane v3, v2  }
0x21e: {  	[hbm4b:s4+s6] =	stream.indirect_vreg.scatter [tilespmem:s26], [sflag:$0x3], $0x80, v4, vm0, $0xb8;
	[tilespmem:$0x18E00] =	vst v63  }
0x21f: {  	s5 =	simm.s32 $0x4400;
	v3 =	vadd.s32 v1, v3  }
0x220: {  	[hbm4b:s9+s6] =	stream.indirect_vreg.scatter [tilespmem:s5], [sflag:$0x3], $0x80, v4, vm0, $0xb8;
	[tilespmem:$0x18E00] =	vst v63  }
0x221: {  	s11 =	simm.s32 $0x4C00  }
0x222: {  	[hbm4b:s10+s6] =	stream.indirect_vreg.scatter [tilespmem:s11], [sflag:$0x3], $0x80, v4, vm0, $0xb8;
	[tilespmem:$0x18E00] =	vst v63  }
0x223: {  	s13 =	simm.s32 $0x5400  }
0x224: {  	[hbm4b:s4+s6] =	stream.indirect_vreg.scatter [tilespmem:s13], [sflag:$0x3], $0x80, v3, vm0, $0xb8;
	[tilespmem:$0x18E00] =	vst v63  }
0x225: {  	s14 =	simm.s32 $0x5C00  }
0x226: {  	[hbm4b:s9+s6] =	stream.indirect_vreg.scatter [tilespmem:s14], [sflag:$0x3], $0x80, v3, vm0, $0xb8;
	[tilespmem:$0x18E00] =	vst v63  }
0x227: {  	s28 =	simm.s32 $0x6400  }
0x228: {  	[hbm4b:s10+s6] =	stream.indirect_vreg.scatter [tilespmem:s28], [sflag:$0x3], $0x80, v3, vm0, $0xb8;
	[tilespmem:$0x18E00] =	vst v63  }
0x229: {  	v3 =	vld [tilespmem:$0x120];
	_ =	sdelay $0x4  }
0x22a: {  	v26 =	vshrl.u32 v3, $0x3  }
0x22b: {  	v4 =	vmul.u32 $0x30, v26  }
0x22c: {  	v3 =	vand.u32 $0x7, v3  }
0x22d: {  	v3 =	vor.u32 v3, v4  }
0x22e: {  	v4 =	vperm.xlane v3, v0;
	_ =	sdelay $0x1  }
0x22f: {  	v4 =	vadd.s32 v1, v4;
	_ =	sdelay $0x3  }
0x230: {  	s29 =	simm.s32 $0x6C00;
	v3 =	vperm.xlane v3, v2  }
0x231: {  	[hbm4b:s4+s6] =	stream.indirect_vreg.scatter [tilespmem:s29], [sflag:$0x3], $0x80, v4, vm0, $0xb8;
	[tilespmem:$0x18E00] =	vst v63  }
0x232: {  	s15 =	simm.s32 $0x7400;
	v3 =	vadd.s32 v1, v3  }
0x233: {  	[hbm4b:s9+s6] =	stream.indirect_vreg.scatter [tilespmem:s15], [sflag:$0x3], $0x80, v4, vm0, $0xb8;
	[tilespmem:$0x18E00] =	vst v63  }
0x234: {  	s16 =	simm.s32 $0x7C00  }
0x235: {  	[hbm4b:s10+s6] =	stream.indirect_vreg.scatter [tilespmem:s16], [sflag:$0x3], $0x80, v4, vm0, $0xb8;
	[tilespmem:$0x18E00] =	vst v63  }
0x236: {  	s17 =	simm.s32 $0x8400  }
0x237: {  	[hbm4b:s4+s6] =	stream.indirect_vreg.scatter [tilespmem:s17], [sflag:$0x3], $0x80, v3, vm0, $0xb8;
	[tilespmem:$0x18E00] =	vst v63  }
0x238: {  	s18 =	simm.s32 $0x8C00  }
0x239: {  	[hbm4b:s9+s6] =	stream.indirect_vreg.scatter [tilespmem:s18], [sflag:$0x3], $0x80, v3, vm0, $0xb8;
	[tilespmem:$0x18E00] =	vst v63  }
0x23a: {  	s31 =	simm.s32 $0x9400  }
0x23b: {  	[hbm4b:s10+s6] =	stream.indirect_vreg.scatter [tilespmem:s31], [sflag:$0x3], $0x80, v3, vm0, $0xb8;
	[tilespmem:$0x18E00] =	vst v63  }
0x23c: {  	v3 =	vld [tilespmem:$0x130];
	_ =	sdelay $0x4  }
0x23d: {  	v27 =	vshrl.u32 v3, $0x3  }
0x23e: {  	v4 =	vmul.u32 $0x30, v27  }
0x23f: {  	v3 =	vand.u32 $0x7, v3  }
0x240: {  	v3 =	vor.u32 v3, v4  }
0x241: {  	v4 =	vperm.xlane v3, v0;
	_ =	sdelay $0x1  }
0x242: {  	v4 =	vadd.s32 v1, v4;
	_ =	sdelay $0x3  }
0x243: {  	s23 =	simm.s32 $0x9C00;
	v3 =	vperm.xlane v3, v2  }
0x244: {  	[hbm4b:s4+s6] =	stream.indirect_vreg.scatter [tilespmem:s23], [sflag:$0x3], $0x80, v4, vm0, $0xb8;
	[tilespmem:$0x18E00] =	vst v63  }
0x245: {  	s19 =	simm.s32 $0xA400;
	v3 =	vadd.s32 v1, v3  }
0x246: {  	[hbm4b:s9+s6] =	stream.indirect_vreg.scatter [tilespmem:s19], [sflag:$0x3], $0x80, v4, vm0, $0xb8;
	[tilespmem:$0x18E00] =	vst v63  }
0x247: {  	s20 =	simm.s32 $0xAC00  }
0x248: {  	[hbm4b:s10+s6] =	stream.indirect_vreg.scatter [tilespmem:s20], [sflag:$0x3], $0x80, v4, vm0, $0xb8;
	[tilespmem:$0x18E00] =	vst v63  }
0x249: {  	s21 =	simm.s32 $0xB400  }
0x24a: {  	[hbm4b:s4+s6] =	stream.indirect_vreg.scatter [tilespmem:s21], [sflag:$0x3], $0x80, v3, vm0, $0xb8;
	[tilespmem:$0x18E00] =	vst v63  }
0x24b: {  	s22 =	simm.s32 $0xBC00  }
0x24c: {  	[hbm4b:s9+s6] =	stream.indirect_vreg.scatter [tilespmem:s22], [sflag:$0x3], $0x80, v3, vm0, $0xb8;
	[tilespmem:$0x18E00] =	vst v63  }
0x24d: {  	s0 =	simm.s32 $0xC400;
	s23 =	simm.s32 $0x3  }
0x24e: {  	[hbm4b:s10+s6] =	stream.indirect_vreg.scatter [tilespmem:s0], [sflag:$0x3], $0x80, v3, vm0, $0xb8;
	[tilespmem:$0x18E00] =	vst v63  }
0x24f: {  	_ =	swait.ge [sflag:s23], $0xC000  }
0x250: {  	[sflag:s23] =	ssyncset.done $0x0  }
0x251: {  	[sflag:s23] =	ssyncadd.s32 $0xFFFF4000  }
0x252: {  	v3 =	vld [tilespmem:$0x600];
	_ =	sdelay $0x4  }
0x253: {  	v28 =	vshrl.u32 v3, $0x3  }
0x254: {  	v4 =	vmul.u32 $0x30, v28  }
0x255: {  	v3 =	vand.u32 $0x7, v3  }
0x256: {  	v3 =	vor.u32 v3, v4  }
0x257: {  	v4 =	vperm.xlane v3, v0;
	_ =	sdelay $0x1  }
0x258: {  	v4 =	vadd.s32 v1, v4;
	_ =	sdelay $0x3  }
0x259: {  	v3 =	vperm.xlane v3, v2  }
0x25a: {  	[tilespmem:s24], [sflag:$0x1] =	stream.indirect_vreg.gather [hbm4b:s12+s6], $0x80, v4, vm0, $0xb8;
	[tilespmem:$0x18E00] =	vst v63  }
0x25b: {  	v3 =	vadd.s32 v1, v3  }
0x25c: {  	[tilespmem:s30], [sflag:$0x1] =	stream.indirect_vreg.gather [hbm4b:s7+s6], $0x80, v4, vm0, $0xb8;
	[tilespmem:$0x18E00] =	vst v63  }
0x25d: {  	_ = 	snop  }
0x25e: {  	[tilespmem:s1], [sflag:$0x1] =	stream.indirect_vreg.gather [hbm4b:s8+s6], $0x80, v4, vm0, $0xb8;
	[tilespmem:$0x18E00] =	vst v63  }
0x25f: {  	_ = 	snop  }
0x260: {  	[tilespmem:s2], [sflag:$0x1] =	stream.indirect_vreg.gather [hbm4b:s12+s6], $0x80, v3, vm0, $0xb8;
	[tilespmem:$0x18E00] =	vst v63  }
0x261: {  	_ = 	snop  }
0x262: {  	[tilespmem:s3], [sflag:$0x1] =	stream.indirect_vreg.gather [hbm4b:s7+s6], $0x80, v3, vm0, $0xb8;
	[tilespmem:$0x18E00] =	vst v63  }
0x263: {  	_ = 	snop  }
0x264: {  	[tilespmem:s25], [sflag:$0x1] =	stream.indirect_vreg.gather [hbm4b:s8+s6], $0x80, v3, vm0, $0xb8;
	[tilespmem:$0x18E00] =	vst v63  }
0x265: {  	v3 =	vld [tilespmem:$0x610];
	_ =	sdelay $0x4  }
0x266: {  	v29 =	vshrl.u32 v3, $0x3  }
0x267: {  	v4 =	vmul.u32 $0x30, v29  }
0x268: {  	v3 =	vand.u32 $0x7, v3  }
0x269: {  	v3 =	vor.u32 v3, v4  }
0x26a: {  	v4 =	vperm.xlane v3, v0;
	_ =	sdelay $0x1  }
0x26b: {  	v4 =	vadd.s32 v1, v4;
	_ =	sdelay $0x3  }
0x26c: {  	v3 =	vperm.xlane v3, v2  }
0x26d: {  	[tilespmem:s26], [sflag:$0x1] =	stream.indirect_vreg.gather [hbm4b:s12+s6], $0x80, v4, vm0, $0xb8;
	[tilespmem:$0x18E00] =	vst v63  }
0x26e: {  	v3 =	vadd.s32 v1, v3  }
0x26f: {  	[tilespmem:s5], [sflag:$0x1] =	stream.indirect_vreg.gather [hbm4b:s7+s6], $0x80, v4, vm0, $0xb8;
	[tilespmem:$0x18E00] =	vst v63  }
0x270: {  	_ = 	snop  }
0x271: {  	[tilespmem:s11], [sflag:$0x1] =	stream.indirect_vreg.gather [hbm4b:s8+s6], $0x80, v4, vm0, $0xb8;
	[tilespmem:$0x18E00] =	vst v63  }
0x272: {  	_ = 	snop  }
0x273: {  	[tilespmem:s13], [sflag:$0x1] =	stream.indirect_vreg.gather [hbm4b:s12+s6], $0x80, v3, vm0, $0xb8;
	[tilespmem:$0x18E00] =	vst v63  }
0x274: {  	_ = 	snop  }
0x275: {  	[tilespmem:s14], [sflag:$0x1] =	stream.indirect_vreg.gather [hbm4b:s7+s6], $0x80, v3, vm0, $0xb8;
	[tilespmem:$0x18E00] =	vst v63  }
0x276: {  	_ = 	snop  }
0x277: {  	[tilespmem:s28], [sflag:$0x1] =	stream.indirect_vreg.gather [hbm4b:s8+s6], $0x80, v3, vm0, $0xb8;
	[tilespmem:$0x18E00] =	vst v63  }
0x278: {  	v3 =	vld [tilespmem:$0x620];
	_ =	sdelay $0x4  }
0x279: {  	v30 =	vshrl.u32 v3, $0x3  }
0x27a: {  	v4 =	vmul.u32 $0x30, v30  }
0x27b: {  	v3 =	vand.u32 $0x7, v3  }
0x27c: {  	v3 =	vor.u32 v3, v4  }
0x27d: {  	v4 =	vperm.xlane v3, v0;
	_ =	sdelay $0x1  }
0x27e: {  	v4 =	vadd.s32 v1, v4;
	_ =	sdelay $0x3  }
0x27f: {  	v3 =	vperm.xlane v3, v2  }
0x280: {  	[tilespmem:s29], [sflag:$0x1] =	stream.indirect_vreg.gather [hbm4b:s12+s6], $0x80, v4, vm0, $0xb8;
	[tilespmem:$0x18E00] =	vst v63  }
0x281: {  	v3 =	vadd.s32 v1, v3  }
0x282: {  	[tilespmem:s15], [sflag:$0x1] =	stream.indirect_vreg.gather [hbm4b:s7+s6], $0x80, v4, vm0, $0xb8;
	[tilespmem:$0x18E00] =	vst v63  }
0x283: {  	_ = 	snop  }
0x284: {  	[tilespmem:s16], [sflag:$0x1] =	stream.indirect_vreg.gather [hbm4b:s8+s6], $0x80, v4, vm0, $0xb8;
	[tilespmem:$0x18E00] =	vst v63  }
0x285: {  	_ = 	snop  }
0x286: {  	[tilespmem:s17], [sflag:$0x1] =	stream.indirect_vreg.gather [hbm4b:s12+s6], $0x80, v3, vm0, $0xb8;
	[tilespmem:$0x18E00] =	vst v63  }
0x287: {  	_ = 	snop  }
0x288: {  	[tilespmem:s18], [sflag:$0x1] =	stream.indirect_vreg.gather [hbm4b:s7+s6], $0x80, v3, vm0, $0xb8;
	[tilespmem:$0x18E00] =	vst v63  }
0x289: {  	_ = 	snop  }
0x28a: {  	[tilespmem:s31], [sflag:$0x1] =	stream.indirect_vreg.gather [hbm4b:s8+s6], $0x80, v3, vm0, $0xb8;
	[tilespmem:$0x18E00] =	vst v63  }
0x28b: {  	v3 =	vld [tilespmem:$0x630];
	_ =	sdelay $0x4  }
0x28c: {  	v31 =	vshrl.u32 v3, $0x3  }
0x28d: {  	v4 =	vmul.u32 $0x30, v31  }
0x28e: {  	v3 =	vand.u32 $0x7, v3  }
0x28f: {  	v3 =	vor.u32 v3, v4  }
0x290: {  	v4 =	vperm.xlane v3, v0;
	_ =	sdelay $0x1  }
0x291: {  	v4 =	vadd.s32 v1, v4;
	_ =	sdelay $0x3  }
0x292: {  	s18 =	simm.s32 $0x9C00;
	v3 =	vperm.xlane v3, v2  }
0x293: {  	[tilespmem:s18], [sflag:$0x1] =	stream.indirect_vreg.gather [hbm4b:s12+s6], $0x80, v4, vm0, $0xb8;
	[tilespmem:$0x18E00] =	vst v63  }
0x294: {  	v3 =	vadd.s32 v1, v3  }
0x295: {  	[tilespmem:s19], [sflag:$0x1] =	stream.indirect_vreg.gather [hbm4b:s7+s6], $0x80, v4, vm0, $0xb8;
	[tilespmem:$0x18E00] =	vst v63  }
0x296: {  	_ = 	snop  }
0x297: {  	[tilespmem:s20], [sflag:$0x1] =	stream.indirect_vreg.gather [hbm4b:s8+s6], $0x80, v4, vm0, $0xb8;
	[tilespmem:$0x18E00] =	vst v63  }
0x298: {  	_ = 	snop  }
0x299: {  	[tilespmem:s21], [sflag:$0x1] =	stream.indirect_vreg.gather [hbm4b:s12+s6], $0x80, v3, vm0, $0xb8;
	[tilespmem:$0x18E00] =	vst v63  }
0x29a: {  	_ = 	snop  }
0x29b: {  	[tilespmem:s22], [sflag:$0x1] =	stream.indirect_vreg.gather [hbm4b:s7+s6], $0x80, v3, vm0, $0xb8;
	[tilespmem:$0x18E00] =	vst v63  }
0x29c: {  	s22 =	simm.s32 $0x2  }
0x29d: {  	[tilespmem:s0], [sflag:$0x1] =	stream.indirect_vreg.gather [hbm4b:s8+s6], $0x80, v3, vm0, $0xb8;
	[tilespmem:$0x18E00] =	vst v63  }
0x29e: {  	_ =	swait.ge [sflag:s22], $0xC000  }
0x29f: {  	[sflag:s22] =	ssyncset.done $0x0  }
0x2a0: {  	[sflag:s22] =	ssyncadd.s32 $0xFFFF4000  }
0x2a1: {  	v3 =	vld [tilespmem:$0x180];
	_ =	sdelay $0x4  }
0x2a2: {  	v32 =	vshrl.u32 v3, $0x3  }
0x2a3: {  	v4 =	vmul.u32 $0x30, v32  }
0x2a4: {  	v3 =	vand.u32 $0x7, v3  }
0x2a5: {  	v3 =	vor.u32 v3, v4  }
0x2a6: {  	v4 =	vperm.xlane v3, v0;
	_ =	sdelay $0x1  }
0x2a7: {  	v4 =	vadd.s32 v1, v4;
	_ =	sdelay $0x3  }
0x2a8: {  	s25 =	simm.s32 $0xCC00;
	v3 =	vperm.xlane v3, v2  }
0x2a9: {  	[hbm4b:s4+s6] =	stream.indirect_vreg.scatter [tilespmem:s25], [sflag:$0x4], $0x80, v4, vm0, $0xb8;
	[tilespmem:$0x18E00] =	vst v63  }
0x2aa: {  	s2 =	simm.s32 $0xD400;
	v3 =	vadd.s32 v1, v3  }
0x2ab: {  	[hbm4b:s9+s6] =	stream.indirect_vreg.scatter [tilespmem:s2], [sflag:$0x4], $0x80, v4, vm0, $0xb8;
	[tilespmem:$0x18E00] =	vst v63  }
0x2ac: {  	s1 =	simm.s32 $0xDC00  }
0x2ad: {  	[hbm4b:s10+s6] =	stream.indirect_vreg.scatter [tilespmem:s1], [sflag:$0x4], $0x80, v4, vm0, $0xb8;
	[tilespmem:$0x18E00] =	vst v63  }
0x2ae: {  	s5 =	simm.s32 $0xE400  }
0x2af: {  	[hbm4b:s4+s6] =	stream.indirect_vreg.scatter [tilespmem:s5], [sflag:$0x4], $0x80, v3, vm0, $0xb8;
	[tilespmem:$0x18E00] =	vst v63  }
0x2b0: {  	s3 =	simm.s32 $0xEC00  }
0x2b1: {  	[hbm4b:s9+s6] =	stream.indirect_vreg.scatter [tilespmem:s3], [sflag:$0x4], $0x80, v3, vm0, $0xb8;
	[tilespmem:$0x18E00] =	vst v63  }
0x2b2: {  	s29 =	simm.s32 $0xF400  }
0x2b3: {  	[hbm4b:s10+s6] =	stream.indirect_vreg.scatter [tilespmem:s29], [sflag:$0x4], $0x80, v3, vm0, $0xb8;
	[tilespmem:$0x18E00] =	vst v63  }
0x2b4: {  	v3 =	vld [tilespmem:$0x190];
	_ =	sdelay $0x4  }
0x2b5: {  	v33 =	vshrl.u32 v3, $0x3  }
0x2b6: {  	v4 =	vmul.u32 $0x30, v33  }
0x2b7: {  	v3 =	vand.u32 $0x7, v3  }
0x2b8: {  	v3 =	vor.u32 v3, v4  }
0x2b9: {  	v4 =	vperm.xlane v3, v0;
	_ =	sdelay $0x1  }
0x2ba: {  	v4 =	vadd.s32 v1, v4;
	_ =	sdelay $0x3  }
0x2bb: {  	s28 =	simm.s32 $0xFC00;
	v3 =	vperm.xlane v3, v2  }
0x2bc: {  	[hbm4b:s4+s6] =	stream.indirect_vreg.scatter [tilespmem:s28], [sflag:$0x4], $0x80, v4, vm0, $0xb8;
	[tilespmem:$0x18E00] =	vst v63  }
0x2bd: {  	s13 =	simm.s32 $0x10400;
	v3 =	vadd.s32 v1, v3  }
0x2be: {  	[hbm4b:s9+s6] =	stream.indirect_vreg.scatter [tilespmem:s13], [sflag:$0x4], $0x80, v4, vm0, $0xb8;
	[tilespmem:$0x18E00] =	vst v63  }
0x2bf: {  	s11 =	simm.s32 $0x10C00  }
0x2c0: {  	[hbm4b:s10+s6] =	stream.indirect_vreg.scatter [tilespmem:s11], [sflag:$0x4], $0x80, v4, vm0, $0xb8;
	[tilespmem:$0x18E00] =	vst v63  }
0x2c1: {  	s15 =	simm.s32 $0x11400  }
0x2c2: {  	[hbm4b:s4+s6] =	stream.indirect_vreg.scatter [tilespmem:s15], [sflag:$0x4], $0x80, v3, vm0, $0xb8;
	[tilespmem:$0x18E00] =	vst v63  }
0x2c3: {  	s14 =	simm.s32 $0x11C00  }
0x2c4: {  	[hbm4b:s9+s6] =	stream.indirect_vreg.scatter [tilespmem:s14], [sflag:$0x4], $0x80, v3, vm0, $0xb8;
	[tilespmem:$0x18E00] =	vst v63  }
0x2c5: {  	s23 =	simm.s32 $0x12400  }
0x2c6: {  	[hbm4b:s10+s6] =	stream.indirect_vreg.scatter [tilespmem:s23], [sflag:$0x4], $0x80, v3, vm0, $0xb8;
	[tilespmem:$0x18E00] =	vst v63  }
0x2c7: {  	v3 =	vld [tilespmem:$0x1A0];
	_ =	sdelay $0x4  }
0x2c8: {  	v34 =	vshrl.u32 v3, $0x3  }
0x2c9: {  	v4 =	vmul.u32 $0x30, v34  }
0x2ca: {  	v3 =	vand.u32 $0x7, v3  }
0x2cb: {  	v3 =	vor.u32 v3, v4  }
0x2cc: {  	v4 =	vperm.xlane v3, v0;
	_ =	sdelay $0x1  }
0x2cd: {  	v4 =	vadd.s32 v1, v4;
	_ =	sdelay $0x3  }
0x2ce: {  	s30 =	simm.s32 $0x12C00;
	v3 =	vperm.xlane v3, v2  }
0x2cf: {  	[hbm4b:s4+s6] =	stream.indirect_vreg.scatter [tilespmem:s30], [sflag:$0x4], $0x80, v4, vm0, $0xb8;
	[tilespmem:$0x18E00] =	vst v63  }
0x2d0: {  	s17 =	simm.s32 $0x13400;
	v3 =	vadd.s32 v1, v3  }
0x2d1: {  	[hbm4b:s9+s6] =	stream.indirect_vreg.scatter [tilespmem:s17], [sflag:$0x4], $0x80, v4, vm0, $0xb8;
	[tilespmem:$0x18E00] =	vst v63  }
0x2d2: {  	s16 =	simm.s32 $0x13C00  }
0x2d3: {  	[hbm4b:s10+s6] =	stream.indirect_vreg.scatter [tilespmem:s16], [sflag:$0x4], $0x80, v4, vm0, $0xb8;
	[tilespmem:$0x18E00] =	vst v63  }
0x2d4: {  	s19 =	simm.s32 $0x14400  }
0x2d5: {  	[hbm4b:s4+s6] =	stream.indirect_vreg.scatter [tilespmem:s19], [sflag:$0x4], $0x80, v3, vm0, $0xb8;
	[tilespmem:$0x18E00] =	vst v63  }
0x2d6: {  	s18 =	simm.s32 $0x14C00  }
0x2d7: {  	[hbm4b:s9+s6] =	stream.indirect_vreg.scatter [tilespmem:s18], [sflag:$0x4], $0x80, v3, vm0, $0xb8;
	[tilespmem:$0x18E00] =	vst v63  }
0x2d8: {  	s31 =	simm.s32 $0x15400  }
0x2d9: {  	[hbm4b:s10+s6] =	stream.indirect_vreg.scatter [tilespmem:s31], [sflag:$0x4], $0x80, v3, vm0, $0xb8;
	[tilespmem:$0x18E00] =	vst v63  }
0x2da: {  	v3 =	vld [tilespmem:$0x1B0];
	_ =	sdelay $0x4  }
0x2db: {  	v35 =	vshrl.u32 v3, $0x3  }
0x2dc: {  	v4 =	vmul.u32 $0x30, v35  }
0x2dd: {  	v3 =	vand.u32 $0x7, v3  }
0x2de: {  	v3 =	vor.u32 v3, v4  }
0x2df: {  	v4 =	vperm.xlane v3, v0;
	_ =	sdelay $0x1  }
0x2e0: {  	v4 =	vadd.s32 v1, v4;
	_ =	sdelay $0x3  }
0x2e1: {  	s26 =	simm.s32 $0x15C00;
	v3 =	vperm.xlane v3, v2  }
0x2e2: {  	[hbm4b:s4+s6] =	stream.indirect_vreg.scatter [tilespmem:s26], [sflag:$0x4], $0x80, v4, vm0, $0xb8;
	[tilespmem:$0x18E00] =	vst v63  }
0x2e3: {  	s21 =	simm.s32 $0x16400;
	v3 =	vadd.s32 v1, v3  }
0x2e4: {  	[hbm4b:s9+s6] =	stream.indirect_vreg.scatter [tilespmem:s21], [sflag:$0x4], $0x80, v4, vm0, $0xb8;
	[tilespmem:$0x18E00] =	vst v63  }
0x2e5: {  	s20 =	simm.s32 $0x16C00  }
0x2e6: {  	[hbm4b:s10+s6] =	stream.indirect_vreg.scatter [tilespmem:s20], [sflag:$0x4], $0x80, v4, vm0, $0xb8;
	[tilespmem:$0x18E00] =	vst v63  }
0x2e7: {  	s24 =	simm.s32 $0x17400  }
0x2e8: {  	[hbm4b:s4+s6] =	stream.indirect_vreg.scatter [tilespmem:s24], [sflag:$0x4], $0x80, v3, vm0, $0xb8;
	[tilespmem:$0x18E00] =	vst v63  }
0x2e9: {  	s22 =	simm.s32 $0x17C00  }
0x2ea: {  	[hbm4b:s9+s6] =	stream.indirect_vreg.scatter [tilespmem:s22], [sflag:$0x4], $0x80, v3, vm0, $0xb8;
	[tilespmem:$0x18E00] =	vst v63  }
0x2eb: {  	s0 =	simm.s32 $0x18400  }
0x2ec: {  	[hbm4b:s10+s6] =	stream.indirect_vreg.scatter [tilespmem:s0], [sflag:$0x4], $0x80, v3, vm0, $0xb8;
	[tilespmem:$0x18E00] =	vst v63  }
0x2ed: {  	s0 =	simm.s32 $0x4  }
0x2ee: {  	_ =	swait.ge [sflag:s0], $0xC000  }
0x2ef: {  	[sflag:s0] =	ssyncset.done $0x0  }
0x2f0: {  	[sflag:s0] =	ssyncadd.s32 $0xFFFF4000  }
0x2f1: {  	v3 =	vld [tilespmem:$0x680];
	_ =	sdelay $0x4  }
0x2f2: {  	v36 =	vshrl.u32 v3, $0x3  }
0x2f3: {  	v4 =	vmul.u32 $0x30, v36  }
0x2f4: {  	v3 =	vand.u32 $0x7, v3  }
0x2f5: {  	v3 =	vor.u32 v3, v4  }
0x2f6: {  	v4 =	vperm.xlane v3, v0;
	_ =	sdelay $0x1  }
0x2f7: {  	v4 =	vadd.s32 v1, v4;
	_ =	sdelay $0x3  }
0x2f8: {  	v3 =	vperm.xlane v3, v2  }
0x2f9: {  	[tilespmem:s25], [sflag:$0x2] =	stream.indirect_vreg.gather [hbm4b:s12+s6], $0x80, v4, vm0, $0xb8;
	[tilespmem:$0x18E00] =	vst v63  }
0x2fa: {  	v3 =	vadd.s32 v1, v3  }
0x2fb: {  	[tilespmem:s2], [sflag:$0x2] =	stream.indirect_vreg.gather [hbm4b:s7+s6], $0x80, v4, vm0, $0xb8;
	[tilespmem:$0x18E00] =	vst v63  }
0x2fc: {  	_ = 	snop  }
0x2fd: {  	[tilespmem:s1], [sflag:$0x2] =	stream.indirect_vreg.gather [hbm4b:s8+s6], $0x80, v4, vm0, $0xb8;
	[tilespmem:$0x18E00] =	vst v63  }
0x2fe: {  	_ = 	snop  }
0x2ff: {  	[tilespmem:s5], [sflag:$0x2] =	stream.indirect_vreg.gather [hbm4b:s12+s6], $0x80, v3, vm0, $0xb8;
	[tilespmem:$0x18E00] =	vst v63  }
0x300: {  	_ = 	snop  }
0x301: {  	[tilespmem:s3], [sflag:$0x2] =	stream.indirect_vreg.gather [hbm4b:s7+s6], $0x80, v3, vm0, $0xb8;
	[tilespmem:$0x18E00] =	vst v63  }
0x302: {  	_ = 	snop  }
0x303: {  	[tilespmem:s29], [sflag:$0x2] =	stream.indirect_vreg.gather [hbm4b:s8+s6], $0x80, v3, vm0, $0xb8;
	[tilespmem:$0x18E00] =	vst v63  }
0x304: {  	v3 =	vld [tilespmem:$0x690];
	_ =	sdelay $0x4  }
0x305: {  	v37 =	vshrl.u32 v3, $0x3  }
0x306: {  	v4 =	vmul.u32 $0x30, v37  }
0x307: {  	v3 =	vand.u32 $0x7, v3  }
0x308: {  	v3 =	vor.u32 v3, v4  }
0x309: {  	v4 =	vperm.xlane v3, v0;
	_ =	sdelay $0x1  }
0x30a: {  	v4 =	vadd.s32 v1, v4;
	_ =	sdelay $0x3  }
0x30b: {  	v3 =	vperm.xlane v3, v2  }
0x30c: {  	[tilespmem:s28], [sflag:$0x2] =	stream.indirect_vreg.gather [hbm4b:s12+s6], $0x80, v4, vm0, $0xb8;
	[tilespmem:$0x18E00] =	vst v63  }
0x30d: {  	v3 =	vadd.s32 v1, v3  }
0x30e: {  	[tilespmem:s13], [sflag:$0x2] =	stream.indirect_vreg.gather [hbm4b:s7+s6], $0x80, v4, vm0, $0xb8;
	[tilespmem:$0x18E00] =	vst v63  }
0x30f: {  	_ = 	snop  }
0x310: {  	[tilespmem:s11], [sflag:$0x2] =	stream.indirect_vreg.gather [hbm4b:s8+s6], $0x80, v4, vm0, $0xb8;
	[tilespmem:$0x18E00] =	vst v63  }
0x311: {  	_ = 	snop  }
0x312: {  	[tilespmem:s15], [sflag:$0x2] =	stream.indirect_vreg.gather [hbm4b:s12+s6], $0x80, v3, vm0, $0xb8;
	[tilespmem:$0x18E00] =	vst v63  }
0x313: {  	_ = 	snop  }
0x314: {  	[tilespmem:s14], [sflag:$0x2] =	stream.indirect_vreg.gather [hbm4b:s7+s6], $0x80, v3, vm0, $0xb8;
	[tilespmem:$0x18E00] =	vst v63  }
0x315: {  	_ = 	snop  }
0x316: {  	[tilespmem:s23], [sflag:$0x2] =	stream.indirect_vreg.gather [hbm4b:s8+s6], $0x80, v3, vm0, $0xb8;
	[tilespmem:$0x18E00] =	vst v63  }
0x317: {  	v3 =	vld [tilespmem:$0x6A0];
	_ =	sdelay $0x4  }
0x318: {  	v38 =	vshrl.u32 v3, $0x3  }
0x319: {  	v4 =	vmul.u32 $0x30, v38  }
0x31a: {  	v3 =	vand.u32 $0x7, v3  }
0x31b: {  	v3 =	vor.u32 v3, v4  }
0x31c: {  	v4 =	vperm.xlane v3, v0;
	_ =	sdelay $0x1  }
0x31d: {  	v4 =	vadd.s32 v1, v4;
	_ =	sdelay $0x3  }
0x31e: {  	v3 =	vperm.xlane v3, v2  }
0x31f: {  	[tilespmem:s30], [sflag:$0x2] =	stream.indirect_vreg.gather [hbm4b:s12+s6], $0x80, v4, vm0, $0xb8;
	[tilespmem:$0x18E00] =	vst v63  }
0x320: {  	v3 =	vadd.s32 v1, v3  }
0x321: {  	[tilespmem:s17], [sflag:$0x2] =	stream.indirect_vreg.gather [hbm4b:s7+s6], $0x80, v4, vm0, $0xb8;
	[tilespmem:$0x18E00] =	vst v63  }
0x322: {  	_ = 	snop  }
0x323: {  	[tilespmem:s16], [sflag:$0x2] =	stream.indirect_vreg.gather [hbm4b:s8+s6], $0x80, v4, vm0, $0xb8;
	[tilespmem:$0x18E00] =	vst v63  }
0x324: {  	_ = 	snop  }
0x325: {  	[tilespmem:s19], [sflag:$0x2] =	stream.indirect_vreg.gather [hbm4b:s12+s6], $0x80, v3, vm0, $0xb8;
	[tilespmem:$0x18E00] =	vst v63  }
0x326: {  	_ = 	snop  }
0x327: {  	[tilespmem:s18], [sflag:$0x2] =	stream.indirect_vreg.gather [hbm4b:s7+s6], $0x80, v3, vm0, $0xb8;
	[tilespmem:$0x18E00] =	vst v63  }
0x328: {  	_ = 	snop  }
0x329: {  	[tilespmem:s31], [sflag:$0x2] =	stream.indirect_vreg.gather [hbm4b:s8+s6], $0x80, v3, vm0, $0xb8;
	[tilespmem:$0x18E00] =	vst v63  }
0x32a: {  	v3 =	vld [tilespmem:$0x6B0];
	_ =	sdelay $0x4  }
0x32b: {  	v39 =	vshrl.u32 v3, $0x3  }
0x32c: {  	v4 =	vmul.u32 $0x30, v39  }
0x32d: {  	v3 =	vand.u32 $0x7, v3  }
0x32e: {  	v3 =	vor.u32 v3, v4  }
0x32f: {  	v4 =	vperm.xlane v3, v0;
	_ =	sdelay $0x1  }
0x330: {  	v4 =	vadd.s32 v1, v4;
	_ =	sdelay $0x3  }
0x331: {  	v3 =	vperm.xlane v3, v2  }
0x332: {  	[tilespmem:s26], [sflag:$0x2] =	stream.indirect_vreg.gather [hbm4b:s12+s6], $0x80, v4, vm0, $0xb8;
	[tilespmem:$0x18E00] =	vst v63  }
0x333: {  	v3 =	vadd.s32 v1, v3  }
0x334: {  	[tilespmem:s21], [sflag:$0x2] =	stream.indirect_vreg.gather [hbm4b:s7+s6], $0x80, v4, vm0, $0xb8;
	[tilespmem:$0x18E00] =	vst v63  }
0x335: {  	_ = 	snop  }
0x336: {  	[tilespmem:s20], [sflag:$0x2] =	stream.indirect_vreg.gather [hbm4b:s8+s6], $0x80, v4, vm0, $0xb8;
	[tilespmem:$0x18E00] =	vst v63  }
0x337: {  	_ = 	snop  }
0x338: {  	[tilespmem:s24], [sflag:$0x2] =	stream.indirect_vreg.gather [hbm4b:s12+s6], $0x80, v3, vm0, $0xb8;
	[tilespmem:$0x18E00] =	vst v63  }
0x339: {  	_ = 	snop  }
0x33a: {  	[tilespmem:s22], [sflag:$0x2] =	stream.indirect_vreg.gather [hbm4b:s7+s6], $0x80, v3, vm0, $0xb8;
	[tilespmem:$0x18E00] =	vst v63  }
0x33b: {  	s23 =	simm.s32 $0x18400;
	s24 =	simm.s32 $0x1  }
0x33c: {  	[tilespmem:s23], [sflag:$0x2] =	stream.indirect_vreg.gather [hbm4b:s8+s6], $0x80, v3, vm0, $0xb8;
	[tilespmem:$0x18E00] =	vst v63  }
0x33d: {  	_ =	swait.ge [sflag:s24], $0xC000  }
0x33e: {  	[sflag:s24] =	ssyncset.done $0x0  }
0x33f: {  	[sflag:s24] =	ssyncadd.s32 $0xFFFF4000  }
0x340: {  	v3 =	vld [tilespmem:$0x200];
	_ =	sdelay $0x4  }
0x341: {  	v40 =	vshrl.u32 v3, $0x3  }
0x342: {  	v4 =	vmul.u32 $0x30, v40  }
0x343: {  	v3 =	vand.u32 $0x7, v3  }
0x344: {  	v3 =	vor.u32 v3, v4  }
0x345: {  	v4 =	vperm.xlane v3, v0;
	_ =	sdelay $0x1  }
0x346: {  	v4 =	vadd.s32 v1, v4;
	_ =	sdelay $0x3  }
0x347: {  	s26 =	simm.s32 $0xC00;
	v3 =	vperm.xlane v3, v2  }
0x348: {  	[hbm4b:s4+s6] =	stream.indirect_vreg.scatter [tilespmem:s26], [sflag:$0x3], $0x80, v4, vm0, $0xb8;
	[tilespmem:$0x18E00] =	vst v63  }
0x349: {  	s1 =	simm.s32 $0x1400;
	v3 =	vadd.s32 v1, v3  }
0x34a: {  	[hbm4b:s9+s6] =	stream.indirect_vreg.scatter [tilespmem:s1], [sflag:$0x3], $0x80, v4, vm0, $0xb8;
	[tilespmem:$0x18E00] =	vst v63  }
0x34b: {  	s2 =	simm.s32 $0x1C00  }
0x34c: {  	[hbm4b:s10+s6] =	stream.indirect_vreg.scatter [tilespmem:s2], [sflag:$0x3], $0x80, v4, vm0, $0xb8;
	[tilespmem:$0x18E00] =	vst v63  }
0x34d: {  	s3 =	simm.s32 $0x2400  }
0x34e: {  	[hbm4b:s4+s6] =	stream.indirect_vreg.scatter [tilespmem:s3], [sflag:$0x3], $0x80, v3, vm0, $0xb8;
	[tilespmem:$0x18E00] =	vst v63  }
0x34f: {  	s5 =	simm.s32 $0x2C00  }
0x350: {  	[hbm4b:s9+s6] =	stream.indirect_vreg.scatter [tilespmem:s5], [sflag:$0x3], $0x80, v3, vm0, $0xb8;
	[tilespmem:$0x18E00] =	vst v63  }
0x351: {  	s28 =	simm.s32 $0x3400  }
0x352: {  	[hbm4b:s10+s6] =	stream.indirect_vreg.scatter [tilespmem:s28], [sflag:$0x3], $0x80, v3, vm0, $0xb8;
	[tilespmem:$0x18E00] =	vst v63  }
0x353: {  	v3 =	vld [tilespmem:$0x210];
	_ =	sdelay $0x4  }
0x354: {  	v41 =	vshrl.u32 v3, $0x3  }
0x355: {  	v4 =	vmul.u32 $0x30, v41  }
0x356: {  	v3 =	vand.u32 $0x7, v3  }
0x357: {  	v3 =	vor.u32 v3, v4  }
0x358: {  	v4 =	vperm.xlane v3, v0;
	_ =	sdelay $0x1  }
0x359: {  	v4 =	vadd.s32 v1, v4;
	_ =	sdelay $0x3  }
0x35a: {  	s29 =	simm.s32 $0x3C00;
	v3 =	vperm.xlane v3, v2  }
0x35b: {  	[hbm4b:s4+s6] =	stream.indirect_vreg.scatter [tilespmem:s29], [sflag:$0x3], $0x80, v4, vm0, $0xb8;
	[tilespmem:$0x18E00] =	vst v63  }
0x35c: {  	s11 =	simm.s32 $0x4400;
	v3 =	vadd.s32 v1, v3  }
0x35d: {  	[hbm4b:s9+s6] =	stream.indirect_vreg.scatter [tilespmem:s11], [sflag:$0x3], $0x80, v4, vm0, $0xb8;
	[tilespmem:$0x18E00] =	vst v63  }
0x35e: {  	s14 =	simm.s32 $0x4C00  }
0x35f: {  	[hbm4b:s10+s6] =	stream.indirect_vreg.scatter [tilespmem:s14], [sflag:$0x3], $0x80, v4, vm0, $0xb8;
	[tilespmem:$0x18E00] =	vst v63  }
0x360: {  	s15 =	simm.s32 $0x5400  }
0x361: {  	[hbm4b:s4+s6] =	stream.indirect_vreg.scatter [tilespmem:s15], [sflag:$0x3], $0x80, v3, vm0, $0xb8;
	[tilespmem:$0x18E00] =	vst v63  }
0x362: {  	s16 =	simm.s32 $0x5C00  }
0x363: {  	[hbm4b:s9+s6] =	stream.indirect_vreg.scatter [tilespmem:s16], [sflag:$0x3], $0x80, v3, vm0, $0xb8;
	[tilespmem:$0x18E00] =	vst v63  }
0x364: {  	s30 =	simm.s32 $0x6400  }
0x365: {  	[hbm4b:s10+s6] =	stream.indirect_vreg.scatter [tilespmem:s30], [sflag:$0x3], $0x80, v3, vm0, $0xb8;
	[tilespmem:$0x18E00] =	vst v63  }
0x366: {  	v3 =	vld [tilespmem:$0x220];
	_ =	sdelay $0x4  }
0x367: {  	v42 =	vshrl.u32 v3, $0x3  }
0x368: {  	v4 =	vmul.u32 $0x30, v42  }
0x369: {  	v3 =	vand.u32 $0x7, v3  }
0x36a: {  	v3 =	vor.u32 v3, v4  }
0x36b: {  	v4 =	vperm.xlane v3, v0;
	_ =	sdelay $0x1  }
0x36c: {  	v4 =	vadd.s32 v1, v4;
	_ =	sdelay $0x3  }
0x36d: {  	s31 =	simm.s32 $0x6C00;
	v3 =	vperm.xlane v3, v2  }
0x36e: {  	[hbm4b:s4+s6] =	stream.indirect_vreg.scatter [tilespmem:s31], [sflag:$0x3], $0x80, v4, vm0, $0xb8;
	[tilespmem:$0x18E00] =	vst v63  }
0x36f: {  	s17 =	simm.s32 $0x7400;
	v3 =	vadd.s32 v1, v3  }
0x370: {  	[hbm4b:s9+s6] =	stream.indirect_vreg.scatter [tilespmem:s17], [sflag:$0x3], $0x80, v4, vm0, $0xb8;
	[tilespmem:$0x18E00] =	vst v63  }
0x371: {  	s18 =	simm.s32 $0x7C00  }
0x372: {  	[hbm4b:s10+s6] =	stream.indirect_vreg.scatter [tilespmem:s18], [sflag:$0x3], $0x80, v4, vm0, $0xb8;
	[tilespmem:$0x18E00] =	vst v63  }
0x373: {  	s19 =	simm.s32 $0x8400  }
0x374: {  	[hbm4b:s4+s6] =	stream.indirect_vreg.scatter [tilespmem:s19], [sflag:$0x3], $0x80, v3, vm0, $0xb8;
	[tilespmem:$0x18E00] =	vst v63  }
0x375: {  	s20 =	simm.s32 $0x8C00  }
0x376: {  	[hbm4b:s9+s6] =	stream.indirect_vreg.scatter [tilespmem:s20], [sflag:$0x3], $0x80, v3, vm0, $0xb8;
	[tilespmem:$0x18E00] =	vst v63  }
0x377: {  	s25 =	simm.s32 $0x9400  }
0x378: {  	[hbm4b:s10+s6] =	stream.indirect_vreg.scatter [tilespmem:s25], [sflag:$0x3], $0x80, v3, vm0, $0xb8;
	[tilespmem:$0x18E00] =	vst v63  }
0x379: {  	v3 =	vld [tilespmem:$0x230];
	_ =	sdelay $0x4  }
0x37a: {  	v43 =	vshrl.u32 v3, $0x3  }
0x37b: {  	v4 =	vmul.u32 $0x30, v43  }
0x37c: {  	v3 =	vand.u32 $0x7, v3  }
0x37d: {  	v3 =	vor.u32 v3, v4  }
0x37e: {  	v4 =	vperm.xlane v3, v0;
	_ =	sdelay $0x1  }
0x37f: {  	v4 =	vadd.s32 v1, v4;
	_ =	sdelay $0x3  }
0x380: {  	s22 =	simm.s32 $0x9C00;
	v3 =	vperm.xlane v3, v2  }
0x381: {  	[hbm4b:s4+s6] =	stream.indirect_vreg.scatter [tilespmem:s22], [sflag:$0x3], $0x80, v4, vm0, $0xb8;
	[tilespmem:$0x18E00] =	vst v63  }
0x382: {  	s21 =	simm.s32 $0xA400;
	v3 =	vadd.s32 v1, v3  }
0x383: {  	[hbm4b:s9+s6] =	stream.indirect_vreg.scatter [tilespmem:s21], [sflag:$0x3], $0x80, v4, vm0, $0xb8;
	[tilespmem:$0x18E00] =	vst v63  }
0x384: {  	s23 =	simm.s32 $0xAC00  }
0x385: {  	[hbm4b:s10+s6] =	stream.indirect_vreg.scatter [tilespmem:s23], [sflag:$0x3], $0x80, v4, vm0, $0xb8;
	[tilespmem:$0x18E00] =	vst v63  }
0x386: {  	s24 =	simm.s32 $0xB400  }
0x387: {  	[hbm4b:s4+s6] =	stream.indirect_vreg.scatter [tilespmem:s24], [sflag:$0x3], $0x80, v3, vm0, $0xb8;
	[tilespmem:$0x18E00] =	vst v63  }
0x388: {  	s25 =	simm.s32 $0xBC00  }
0x389: {  	[hbm4b:s9+s6] =	stream.indirect_vreg.scatter [tilespmem:s25], [sflag:$0x3], $0x80, v3, vm0, $0xb8;
	[tilespmem:$0x18E00] =	vst v63  }
0x38a: {  	s0 =	simm.s32 $0xC400;
	s13 =	simm.s32 $0x3  }
0x38b: {  	[hbm4b:s10+s6] =	stream.indirect_vreg.scatter [tilespmem:s0], [sflag:$0x3], $0x80, v3, vm0, $0xb8;
	[tilespmem:$0x18E00] =	vst v63  }
0x38c: {  	_ =	swait.ge [sflag:s13], $0xC000  }
0x38d: {  	[sflag:s13] =	ssyncset.done $0x0  }
0x38e: {  	[sflag:s13] =	ssyncadd.s32 $0xFFFF4000  }
0x38f: {  	v3 =	vld [tilespmem:$0x700];
	_ =	sdelay $0x4  }
0x390: {  	v44 =	vshrl.u32 v3, $0x3  }
0x391: {  	v4 =	vmul.u32 $0x30, v44  }
0x392: {  	v3 =	vand.u32 $0x7, v3  }
0x393: {  	v3 =	vor.u32 v3, v4  }
0x394: {  	v4 =	vperm.xlane v3, v0;
	_ =	sdelay $0x1  }
0x395: {  	v4 =	vadd.s32 v1, v4;
	_ =	sdelay $0x3  }
0x396: {  	v3 =	vperm.xlane v3, v2  }
0x397: {  	[tilespmem:s26], [sflag:$0x1] =	stream.indirect_vreg.gather [hbm4b:s12+s6], $0x80, v4, vm0, $0xb8;
	[tilespmem:$0x18E00] =	vst v63  }
0x398: {  	v3 =	vadd.s32 v1, v3  }
0x399: {  	[tilespmem:s1], [sflag:$0x1] =	stream.indirect_vreg.gather [hbm4b:s7+s6], $0x80, v4, vm0, $0xb8;
	[tilespmem:$0x18E00] =	vst v63  }
0x39a: {  	_ = 	snop  }
0x39b: {  	[tilespmem:s2], [sflag:$0x1] =	stream.indirect_vreg.gather [hbm4b:s8+s6], $0x80, v4, vm0, $0xb8;
	[tilespmem:$0x18E00] =	vst v63  }
0x39c: {  	_ = 	snop  }
0x39d: {  	[tilespmem:s3], [sflag:$0x1] =	stream.indirect_vreg.gather [hbm4b:s12+s6], $0x80, v3, vm0, $0xb8;
	[tilespmem:$0x18E00] =	vst v63  }
0x39e: {  	_ = 	snop  }
0x39f: {  	[tilespmem:s5], [sflag:$0x1] =	stream.indirect_vreg.gather [hbm4b:s7+s6], $0x80, v3, vm0, $0xb8;
	[tilespmem:$0x18E00] =	vst v63  }
0x3a0: {  	_ = 	snop  }
0x3a1: {  	[tilespmem:s28], [sflag:$0x1] =	stream.indirect_vreg.gather [hbm4b:s8+s6], $0x80, v3, vm0, $0xb8;
	[tilespmem:$0x18E00] =	vst v63  }
0x3a2: {  	v3 =	vld [tilespmem:$0x710];
	_ =	sdelay $0x4  }
0x3a3: {  	v45 =	vshrl.u32 v3, $0x3  }
0x3a4: {  	v4 =	vmul.u32 $0x30, v45  }
0x3a5: {  	v3 =	vand.u32 $0x7, v3  }
0x3a6: {  	v3 =	vor.u32 v3, v4  }
0x3a7: {  	v4 =	vperm.xlane v3, v0;
	_ =	sdelay $0x1  }
0x3a8: {  	v4 =	vadd.s32 v1, v4;
	_ =	sdelay $0x3  }
0x3a9: {  	v3 =	vperm.xlane v3, v2  }
0x3aa: {  	[tilespmem:s29], [sflag:$0x1] =	stream.indirect_vreg.gather [hbm4b:s12+s6], $0x80, v4, vm0, $0xb8;
	[tilespmem:$0x18E00] =	vst v63  }
0x3ab: {  	v3 =	vadd.s32 v1, v3  }
0x3ac: {  	[tilespmem:s11], [sflag:$0x1] =	stream.indirect_vreg.gather [hbm4b:s7+s6], $0x80, v4, vm0, $0xb8;
	[tilespmem:$0x18E00] =	vst v63  }
0x3ad: {  	_ = 	snop  }
0x3ae: {  	[tilespmem:s14], [sflag:$0x1] =	stream.indirect_vreg.gather [hbm4b:s8+s6], $0x80, v4, vm0, $0xb8;
	[tilespmem:$0x18E00] =	vst v63  }
0x3af: {  	_ = 	snop  }
0x3b0: {  	[tilespmem:s15], [sflag:$0x1] =	stream.indirect_vreg.gather [hbm4b:s12+s6], $0x80, v3, vm0, $0xb8;
	[tilespmem:$0x18E00] =	vst v63  }
0x3b1: {  	_ = 	snop  }
0x3b2: {  	[tilespmem:s16], [sflag:$0x1] =	stream.indirect_vreg.gather [hbm4b:s7+s6], $0x80, v3, vm0, $0xb8;
	[tilespmem:$0x18E00] =	vst v63  }
0x3b3: {  	_ = 	snop  }
0x3b4: {  	[tilespmem:s30], [sflag:$0x1] =	stream.indirect_vreg.gather [hbm4b:s8+s6], $0x80, v3, vm0, $0xb8;
	[tilespmem:$0x18E00] =	vst v63  }
0x3b5: {  	v3 =	vld [tilespmem:$0x720];
	_ =	sdelay $0x4  }
0x3b6: {  	v46 =	vshrl.u32 v3, $0x3  }
0x3b7: {  	v4 =	vmul.u32 $0x30, v46  }
0x3b8: {  	v3 =	vand.u32 $0x7, v3  }
0x3b9: {  	v3 =	vor.u32 v3, v4  }
0x3ba: {  	v4 =	vperm.xlane v3, v0;
	_ =	sdelay $0x1  }
0x3bb: {  	v4 =	vadd.s32 v1, v4;
	_ =	sdelay $0x3  }
0x3bc: {  	v3 =	vperm.xlane v3, v2  }
0x3bd: {  	[tilespmem:s31], [sflag:$0x1] =	stream.indirect_vreg.gather [hbm4b:s12+s6], $0x80, v4, vm0, $0xb8;
	[tilespmem:$0x18E00] =	vst v63  }
0x3be: {  	v3 =	vadd.s32 v1, v3  }
0x3bf: {  	[tilespmem:s17], [sflag:$0x1] =	stream.indirect_vreg.gather [hbm4b:s7+s6], $0x80, v4, vm0, $0xb8;
	[tilespmem:$0x18E00] =	vst v63  }
0x3c0: {  	_ = 	snop  }
0x3c1: {  	[tilespmem:s18], [sflag:$0x1] =	stream.indirect_vreg.gather [hbm4b:s8+s6], $0x80, v4, vm0, $0xb8;
	[tilespmem:$0x18E00] =	vst v63  }
0x3c2: {  	_ = 	snop  }
0x3c3: {  	[tilespmem:s19], [sflag:$0x1] =	stream.indirect_vreg.gather [hbm4b:s12+s6], $0x80, v3, vm0, $0xb8;
	[tilespmem:$0x18E00] =	vst v63  }
0x3c4: {  	_ = 	snop  }
0x3c5: {  	[tilespmem:s20], [sflag:$0x1] =	stream.indirect_vreg.gather [hbm4b:s7+s6], $0x80, v3, vm0, $0xb8;
	[tilespmem:$0x18E00] =	vst v63  }
0x3c6: {  	s30 =	simm.s32 $0x9400  }
0x3c7: {  	[tilespmem:s30], [sflag:$0x1] =	stream.indirect_vreg.gather [hbm4b:s8+s6], $0x80, v3, vm0, $0xb8;
	[tilespmem:$0x18E00] =	vst v63  }
0x3c8: {  	v3 =	vld [tilespmem:$0x730];
	_ =	sdelay $0x4  }
0x3c9: {  	v47 =	vshrl.u32 v3, $0x3  }
0x3ca: {  	v4 =	vmul.u32 $0x30, v47  }
0x3cb: {  	v3 =	vand.u32 $0x7, v3  }
0x3cc: {  	v3 =	vor.u32 v3, v4  }
0x3cd: {  	v4 =	vperm.xlane v3, v0;
	_ =	sdelay $0x1  }
0x3ce: {  	v4 =	vadd.s32 v1, v4;
	_ =	sdelay $0x3  }
0x3cf: {  	v3 =	vperm.xlane v3, v2  }
0x3d0: {  	[tilespmem:s22], [sflag:$0x1] =	stream.indirect_vreg.gather [hbm4b:s12+s6], $0x80, v4, vm0, $0xb8;
	[tilespmem:$0x18E00] =	vst v63  }
0x3d1: {  	v3 =	vadd.s32 v1, v3  }
0x3d2: {  	[tilespmem:s21], [sflag:$0x1] =	stream.indirect_vreg.gather [hbm4b:s7+s6], $0x80, v4, vm0, $0xb8;
	[tilespmem:$0x18E00] =	vst v63  }
0x3d3: {  	_ = 	snop  }
0x3d4: {  	[tilespmem:s23], [sflag:$0x1] =	stream.indirect_vreg.gather [hbm4b:s8+s6], $0x80, v4, vm0, $0xb8;
	[tilespmem:$0x18E00] =	vst v63  }
0x3d5: {  	_ = 	snop  }
0x3d6: {  	[tilespmem:s24], [sflag:$0x1] =	stream.indirect_vreg.gather [hbm4b:s12+s6], $0x80, v3, vm0, $0xb8;
	[tilespmem:$0x18E00] =	vst v63  }
0x3d7: {  	_ = 	snop  }
0x3d8: {  	[tilespmem:s25], [sflag:$0x1] =	stream.indirect_vreg.gather [hbm4b:s7+s6], $0x80, v3, vm0, $0xb8;
	[tilespmem:$0x18E00] =	vst v63  }
0x3d9: {  	s31 =	simm.s32 $0x2  }
0x3da: {  	[tilespmem:s0], [sflag:$0x1] =	stream.indirect_vreg.gather [hbm4b:s8+s6], $0x80, v3, vm0, $0xb8;
	[tilespmem:$0x18E00] =	vst v63  }
0x3db: {  	_ =	swait.ge [sflag:s31], $0xC000  }
0x3dc: {  	[sflag:s31] =	ssyncset.done $0x0  }
0x3dd: {  	[sflag:s31] =	ssyncadd.s32 $0xFFFF4000  }
0x3de: {  	v3 =	vld [tilespmem:$0x280];
	_ =	sdelay $0x4  }
0x3df: {  	v48 =	vshrl.u32 v3, $0x3  }
0x3e0: {  	v4 =	vmul.u32 $0x30, v48  }
0x3e1: {  	v3 =	vand.u32 $0x7, v3  }
0x3e2: {  	v3 =	vor.u32 v3, v4  }
0x3e3: {  	v4 =	vperm.xlane v3, v0;
	_ =	sdelay $0x1  }
0x3e4: {  	v4 =	vadd.s32 v1, v4;
	_ =	sdelay $0x3  }
0x3e5: {  	s24 =	simm.s32 $0xCC00;
	v3 =	vperm.xlane v3, v2  }
0x3e6: {  	[hbm4b:s4+s6] =	stream.indirect_vreg.scatter [tilespmem:s24], [sflag:$0x4], $0x80, v4, vm0, $0xb8;
	[tilespmem:$0x18E00] =	vst v63  }
0x3e7: {  	s2 =	simm.s32 $0xD400;
	v3 =	vadd.s32 v1, v3  }
0x3e8: {  	[hbm4b:s9+s6] =	stream.indirect_vreg.scatter [tilespmem:s2], [sflag:$0x4], $0x80, v4, vm0, $0xb8;
	[tilespmem:$0x18E00] =	vst v63  }
0x3e9: {  	s1 =	simm.s32 $0xDC00  }
0x3ea: {  	[hbm4b:s10+s6] =	stream.indirect_vreg.scatter [tilespmem:s1], [sflag:$0x4], $0x80, v4, vm0, $0xb8;
	[tilespmem:$0x18E00] =	vst v63  }
0x3eb: {  	s5 =	simm.s32 $0xE400  }
0x3ec: {  	[hbm4b:s4+s6] =	stream.indirect_vreg.scatter [tilespmem:s5], [sflag:$0x4], $0x80, v3, vm0, $0xb8;
	[tilespmem:$0x18E00] =	vst v63  }
0x3ed: {  	s3 =	simm.s32 $0xEC00  }
0x3ee: {  	[hbm4b:s9+s6] =	stream.indirect_vreg.scatter [tilespmem:s3], [sflag:$0x4], $0x80, v3, vm0, $0xb8;
	[tilespmem:$0x18E00] =	vst v63  }
0x3ef: {  	s28 =	simm.s32 $0xF400  }
0x3f0: {  	[hbm4b:s10+s6] =	stream.indirect_vreg.scatter [tilespmem:s28], [sflag:$0x4], $0x80, v3, vm0, $0xb8;
	[tilespmem:$0x18E00] =	vst v63  }
0x3f1: {  	v3 =	vld [tilespmem:$0x290];
	_ =	sdelay $0x4  }
0x3f2: {  	v49 =	vshrl.u32 v3, $0x3  }
0x3f3: {  	v4 =	vmul.u32 $0x30, v49  }
0x3f4: {  	v3 =	vand.u32 $0x7, v3  }
0x3f5: {  	v3 =	vor.u32 v3, v4  }
0x3f6: {  	v4 =	vperm.xlane v3, v0;
	_ =	sdelay $0x1  }
0x3f7: {  	v4 =	vadd.s32 v1, v4;
	_ =	sdelay $0x3  }
0x3f8: {  	s26 =	simm.s32 $0xFC00;
	v3 =	vperm.xlane v3, v2  }
0x3f9: {  	[hbm4b:s4+s6] =	stream.indirect_vreg.scatter [tilespmem:s26], [sflag:$0x4], $0x80, v4, vm0, $0xb8;
	[tilespmem:$0x18E00] =	vst v63  }
0x3fa: {  	s13 =	simm.s32 $0x10400;
	v3 =	vadd.s32 v1, v3  }
0x3fb: {  	[hbm4b:s9+s6] =	stream.indirect_vreg.scatter [tilespmem:s13], [sflag:$0x4], $0x80, v4, vm0, $0xb8;
	[tilespmem:$0x18E00] =	vst v63  }
0x3fc: {  	s11 =	simm.s32 $0x10C00  }
0x3fd: {  	[hbm4b:s10+s6] =	stream.indirect_vreg.scatter [tilespmem:s11], [sflag:$0x4], $0x80, v4, vm0, $0xb8;
	[tilespmem:$0x18E00] =	vst v63  }
0x3fe: {  	s15 =	simm.s32 $0x11400  }
0x3ff: {  	[hbm4b:s4+s6] =	stream.indirect_vreg.scatter [tilespmem:s15], [sflag:$0x4], $0x80, v3, vm0, $0xb8;
	[tilespmem:$0x18E00] =	vst v63  }
0x400: {  	s14 =	simm.s32 $0x11C00  }
0x401: {  	[hbm4b:s9+s6] =	stream.indirect_vreg.scatter [tilespmem:s14], [sflag:$0x4], $0x80, v3, vm0, $0xb8;
	[tilespmem:$0x18E00] =	vst v63  }
0x402: {  	s30 =	simm.s32 $0x12400  }
0x403: {  	[hbm4b:s10+s6] =	stream.indirect_vreg.scatter [tilespmem:s30], [sflag:$0x4], $0x80, v3, vm0, $0xb8;
	[tilespmem:$0x18E00] =	vst v63  }
0x404: {  	v3 =	vld [tilespmem:$0x2A0];
	_ =	sdelay $0x4  }
0x405: {  	v50 =	vshrl.u32 v3, $0x3  }
0x406: {  	v4 =	vmul.u32 $0x30, v50  }
0x407: {  	v3 =	vand.u32 $0x7, v3  }
0x408: {  	v3 =	vor.u32 v3, v4  }
0x409: {  	v4 =	vperm.xlane v3, v0;
	_ =	sdelay $0x1  }
0x40a: {  	v4 =	vadd.s32 v1, v4;
	_ =	sdelay $0x3  }
0x40b: {  	s29 =	simm.s32 $0x12C00;
	v3 =	vperm.xlane v3, v2  }
0x40c: {  	[hbm4b:s4+s6] =	stream.indirect_vreg.scatter [tilespmem:s29], [sflag:$0x4], $0x80, v4, vm0, $0xb8;
	[tilespmem:$0x18E00] =	vst v63  }
0x40d: {  	s17 =	simm.s32 $0x13400;
	v3 =	vadd.s32 v1, v3  }
0x40e: {  	[hbm4b:s9+s6] =	stream.indirect_vreg.scatter [tilespmem:s17], [sflag:$0x4], $0x80, v4, vm0, $0xb8;
	[tilespmem:$0x18E00] =	vst v63  }
0x40f: {  	s16 =	simm.s32 $0x13C00  }
0x410: {  	[hbm4b:s10+s6] =	stream.indirect_vreg.scatter [tilespmem:s16], [sflag:$0x4], $0x80, v4, vm0, $0xb8;
	[tilespmem:$0x18E00] =	vst v63  }
0x411: {  	s19 =	simm.s32 $0x14400  }
0x412: {  	[hbm4b:s4+s6] =	stream.indirect_vreg.scatter [tilespmem:s19], [sflag:$0x4], $0x80, v3, vm0, $0xb8;
	[tilespmem:$0x18E00] =	vst v63  }
0x413: {  	s18 =	simm.s32 $0x14C00  }
0x414: {  	[hbm4b:s9+s6] =	stream.indirect_vreg.scatter [tilespmem:s18], [sflag:$0x4], $0x80, v3, vm0, $0xb8;
	[tilespmem:$0x18E00] =	vst v63  }
0x415: {  	s25 =	simm.s32 $0x15400  }
0x416: {  	[hbm4b:s10+s6] =	stream.indirect_vreg.scatter [tilespmem:s25], [sflag:$0x4], $0x80, v3, vm0, $0xb8;
	[tilespmem:$0x18E00] =	vst v63  }
0x417: {  	v3 =	vld [tilespmem:$0x2B0];
	_ =	sdelay $0x4  }
0x418: {  	v51 =	vshrl.u32 v3, $0x3  }
0x419: {  	v4 =	vmul.u32 $0x30, v51  }
0x41a: {  	v3 =	vand.u32 $0x7, v3  }
0x41b: {  	v3 =	vor.u32 v3, v4  }
0x41c: {  	v4 =	vperm.xlane v3, v0;
	_ =	sdelay $0x1  }
0x41d: {  	v4 =	vadd.s32 v1, v4;
	_ =	sdelay $0x3  }
0x41e: {  	s31 =	simm.s32 $0x15C00;
	v3 =	vperm.xlane v3, v2  }
0x41f: {  	[hbm4b:s4+s6] =	stream.indirect_vreg.scatter [tilespmem:s31], [sflag:$0x4], $0x80, v4, vm0, $0xb8;
	[tilespmem:$0x18E00] =	vst v63  }
0x420: {  	s21 =	simm.s32 $0x16400;
	v3 =	vadd.s32 v1, v3  }
0x421: {  	[hbm4b:s9+s6] =	stream.indirect_vreg.scatter [tilespmem:s21], [sflag:$0x4], $0x80, v4, vm0, $0xb8;
	[tilespmem:$0x18E00] =	vst v63  }
0x422: {  	s20 =	simm.s32 $0x16C00  }
0x423: {  	[hbm4b:s10+s6] =	stream.indirect_vreg.scatter [tilespmem:s20], [sflag:$0x4], $0x80, v4, vm0, $0xb8;
	[tilespmem:$0x18E00] =	vst v63  }
0x424: {  	s23 =	simm.s32 $0x17400  }
0x425: {  	[hbm4b:s4+s6] =	stream.indirect_vreg.scatter [tilespmem:s23], [sflag:$0x4], $0x80, v3, vm0, $0xb8;
	[tilespmem:$0x18E00] =	vst v63  }
0x426: {  	s22 =	simm.s32 $0x17C00  }
0x427: {  	[hbm4b:s9+s6] =	stream.indirect_vreg.scatter [tilespmem:s22], [sflag:$0x4], $0x80, v3, vm0, $0xb8;
	[tilespmem:$0x18E00] =	vst v63  }
0x428: {  	s0 =	simm.s32 $0x18400  }
0x429: {  	[hbm4b:s10+s6] =	stream.indirect_vreg.scatter [tilespmem:s0], [sflag:$0x4], $0x80, v3, vm0, $0xb8;
	[tilespmem:$0x18E00] =	vst v63  }
0x42a: {  	s0 =	simm.s32 $0x4  }
0x42b: {  	_ =	swait.ge [sflag:s0], $0xC000  }
0x42c: {  	[sflag:s0] =	ssyncset.done $0x0  }
0x42d: {  	[sflag:s0] =	ssyncadd.s32 $0xFFFF4000  }
0x42e: {  	v3 =	vld [tilespmem:$0x780];
	_ =	sdelay $0x4  }
0x42f: {  	v52 =	vshrl.u32 v3, $0x3  }
0x430: {  	v4 =	vmul.u32 $0x30, v52  }
0x431: {  	v3 =	vand.u32 $0x7, v3  }
0x432: {  	v3 =	vor.u32 v3, v4  }
0x433: {  	v4 =	vperm.xlane v3, v0;
	_ =	sdelay $0x1  }
0x434: {  	v4 =	vadd.s32 v1, v4;
	_ =	sdelay $0x3  }
0x435: {  	v3 =	vperm.xlane v3, v2  }
0x436: {  	[tilespmem:s24], [sflag:$0x2] =	stream.indirect_vreg.gather [hbm4b:s12+s6], $0x80, v4, vm0, $0xb8;
	[tilespmem:$0x18E00] =	vst v63  }
0x437: {  	v3 =	vadd.s32 v1, v3  }
0x438: {  	[tilespmem:s2], [sflag:$0x2] =	stream.indirect_vreg.gather [hbm4b:s7+s6], $0x80, v4, vm0, $0xb8;
	[tilespmem:$0x18E00] =	vst v63  }
0x439: {  	_ = 	snop  }
0x43a: {  	[tilespmem:s1], [sflag:$0x2] =	stream.indirect_vreg.gather [hbm4b:s8+s6], $0x80, v4, vm0, $0xb8;
	[tilespmem:$0x18E00] =	vst v63  }
0x43b: {  	_ = 	snop  }
0x43c: {  	[tilespmem:s5], [sflag:$0x2] =	stream.indirect_vreg.gather [hbm4b:s12+s6], $0x80, v3, vm0, $0xb8;
	[tilespmem:$0x18E00] =	vst v63  }
0x43d: {  	_ = 	snop  }
0x43e: {  	[tilespmem:s3], [sflag:$0x2] =	stream.indirect_vreg.gather [hbm4b:s7+s6], $0x80, v3, vm0, $0xb8;
	[tilespmem:$0x18E00] =	vst v63  }
0x43f: {  	_ = 	snop  }
0x440: {  	[tilespmem:s28], [sflag:$0x2] =	stream.indirect_vreg.gather [hbm4b:s8+s6], $0x80, v3, vm0, $0xb8;
	[tilespmem:$0x18E00] =	vst v63  }
0x441: {  	v3 =	vld [tilespmem:$0x790];
	_ =	sdelay $0x4  }
0x442: {  	v53 =	vshrl.u32 v3, $0x3  }
0x443: {  	v4 =	vmul.u32 $0x30, v53  }
0x444: {  	v3 =	vand.u32 $0x7, v3  }
0x445: {  	v3 =	vor.u32 v3, v4  }
0x446: {  	v4 =	vperm.xlane v3, v0;
	_ =	sdelay $0x1  }
0x447: {  	v4 =	vadd.s32 v1, v4;
	_ =	sdelay $0x3  }
0x448: {  	v3 =	vperm.xlane v3, v2  }
0x449: {  	[tilespmem:s26], [sflag:$0x2] =	stream.indirect_vreg.gather [hbm4b:s12+s6], $0x80, v4, vm0, $0xb8;
	[tilespmem:$0x18E00] =	vst v63  }
0x44a: {  	v3 =	vadd.s32 v1, v3  }
0x44b: {  	[tilespmem:s13], [sflag:$0x2] =	stream.indirect_vreg.gather [hbm4b:s7+s6], $0x80, v4, vm0, $0xb8;
	[tilespmem:$0x18E00] =	vst v63  }
0x44c: {  	_ = 	snop  }
0x44d: {  	[tilespmem:s11], [sflag:$0x2] =	stream.indirect_vreg.gather [hbm4b:s8+s6], $0x80, v4, vm0, $0xb8;
	[tilespmem:$0x18E00] =	vst v63  }
0x44e: {  	_ = 	snop  }
0x44f: {  	[tilespmem:s15], [sflag:$0x2] =	stream.indirect_vreg.gather [hbm4b:s12+s6], $0x80, v3, vm0, $0xb8;
	[tilespmem:$0x18E00] =	vst v63  }
0x450: {  	_ = 	snop  }
0x451: {  	[tilespmem:s14], [sflag:$0x2] =	stream.indirect_vreg.gather [hbm4b:s7+s6], $0x80, v3, vm0, $0xb8;
	[tilespmem:$0x18E00] =	vst v63  }
0x452: {  	_ = 	snop  }
0x453: {  	[tilespmem:s30], [sflag:$0x2] =	stream.indirect_vreg.gather [hbm4b:s8+s6], $0x80, v3, vm0, $0xb8;
	[tilespmem:$0x18E00] =	vst v63  }
0x454: {  	v3 =	vld [tilespmem:$0x7A0];
	_ =	sdelay $0x4  }
0x455: {  	v54 =	vshrl.u32 v3, $0x3  }
0x456: {  	v4 =	vmul.u32 $0x30, v54  }
0x457: {  	v3 =	vand.u32 $0x7, v3  }
0x458: {  	v3 =	vor.u32 v3, v4  }
0x459: {  	v4 =	vperm.xlane v3, v0;
	_ =	sdelay $0x1  }
0x45a: {  	v4 =	vadd.s32 v1, v4;
	_ =	sdelay $0x3  }
0x45b: {  	v3 =	vperm.xlane v3, v2  }
0x45c: {  	[tilespmem:s29], [sflag:$0x2] =	stream.indirect_vreg.gather [hbm4b:s12+s6], $0x80, v4, vm0, $0xb8;
	[tilespmem:$0x18E00] =	vst v63  }
0x45d: {  	v3 =	vadd.s32 v1, v3  }
0x45e: {  	[tilespmem:s17], [sflag:$0x2] =	stream.indirect_vreg.gather [hbm4b:s7+s6], $0x80, v4, vm0, $0xb8;
	[tilespmem:$0x18E00] =	vst v63  }
0x45f: {  	_ = 	snop  }
0x460: {  	[tilespmem:s16], [sflag:$0x2] =	stream.indirect_vreg.gather [hbm4b:s8+s6], $0x80, v4, vm0, $0xb8;
	[tilespmem:$0x18E00] =	vst v63  }
0x461: {  	_ = 	snop  }
0x462: {  	[tilespmem:s19], [sflag:$0x2] =	stream.indirect_vreg.gather [hbm4b:s12+s6], $0x80, v3, vm0, $0xb8;
	[tilespmem:$0x18E00] =	vst v63  }
0x463: {  	_ = 	snop  }
0x464: {  	[tilespmem:s18], [sflag:$0x2] =	stream.indirect_vreg.gather [hbm4b:s7+s6], $0x80, v3, vm0, $0xb8;
	[tilespmem:$0x18E00] =	vst v63  }
0x465: {  	_ = 	snop  }
0x466: {  	[tilespmem:s25], [sflag:$0x2] =	stream.indirect_vreg.gather [hbm4b:s8+s6], $0x80, v3, vm0, $0xb8;
	[tilespmem:$0x18E00] =	vst v63  }
0x467: {  	v3 =	vld [tilespmem:$0x7B0];
	_ =	sdelay $0x4  }
0x468: {  	v55 =	vshrl.u32 v3, $0x3  }
0x469: {  	v4 =	vmul.u32 $0x30, v55  }
0x46a: {  	v3 =	vand.u32 $0x7, v3  }
0x46b: {  	v3 =	vor.u32 v3, v4  }
0x46c: {  	v4 =	vperm.xlane v3, v0;
	_ =	sdelay $0x1  }
0x46d: {  	v4 =	vadd.s32 v1, v4;
	_ =	sdelay $0x3  }
0x46e: {  	v3 =	vperm.xlane v3, v2  }
0x46f: {  	[tilespmem:s31], [sflag:$0x2] =	stream.indirect_vreg.gather [hbm4b:s12+s6], $0x80, v4, vm0, $0xb8;
	[tilespmem:$0x18E00] =	vst v63  }
0x470: {  	v3 =	vadd.s32 v1, v3  }
0x471: {  	[tilespmem:s21], [sflag:$0x2] =	stream.indirect_vreg.gather [hbm4b:s7+s6], $0x80, v4, vm0, $0xb8;
	[tilespmem:$0x18E00] =	vst v63  }
0x472: {  	_ = 	snop  }
0x473: {  	[tilespmem:s20], [sflag:$0x2] =	stream.indirect_vreg.gather [hbm4b:s8+s6], $0x80, v4, vm0, $0xb8;
	[tilespmem:$0x18E00] =	vst v63  }
0x474: {  	_ = 	snop  }
0x475: {  	[tilespmem:s23], [sflag:$0x2] =	stream.indirect_vreg.gather [hbm4b:s12+s6], $0x80, v3, vm0, $0xb8;
	[tilespmem:$0x18E00] =	vst v63  }
0x476: {  	_ = 	snop  }
0x477: {  	[tilespmem:s22], [sflag:$0x2] =	stream.indirect_vreg.gather [hbm4b:s7+s6], $0x80, v3, vm0, $0xb8;
	[tilespmem:$0x18E00] =	vst v63  }
0x478: {  	s0 =	simm.s32 $0x18400  }
0x479: {  	[tilespmem:s0], [sflag:$0x2] =	stream.indirect_vreg.gather [hbm4b:s8+s6], $0x80, v3, vm0, $0xb8;
	[tilespmem:$0x18E00] =	vst v63  }
0x47a: {  	s0 =	simm.s32 $0x1  }
0x47b: {  	_ =	swait.ge [sflag:s0], $0xC000  }
0x47c: {  	[sflag:s0] =	ssyncset.done $0x0  }
0x47d: {  	[sflag:s0] =	ssyncadd.s32 $0xFFFF4000  }
0x47e: {  	v3 =	vld [tilespmem:$0x300];
	_ =	sdelay $0x4  }
0x47f: {  	v56 =	vshrl.u32 v3, $0x3  }
0x480: {  	v4 =	vmul.u32 $0x30, v56  }
0x481: {  	v3 =	vand.u32 $0x7, v3  }
0x482: {  	v3 =	vor.u32 v3, v4  }
0x483: {  	v4 =	vperm.xlane v3, v0;
	_ =	sdelay $0x1  }
0x484: {  	v4 =	vadd.s32 v1, v4;
	_ =	sdelay $0x3  }
0x485: {  	s0 =	simm.s32 $0xC00;
	v3 =	vperm.xlane v3, v2  }
0x486: {  	[hbm4b:s4+s6] =	stream.indirect_vreg.scatter [tilespmem:s0], [sflag:$0x3], $0x80, v4, vm0, $0xb8;
	[tilespmem:$0x18E00] =	vst v63  }
0x487: {  	v3 =	vadd.s32 v1, v3;
	s0 =	simm.s32 $0x1400  }
0x488: {  	[hbm4b:s9+s6] =	stream.indirect_vreg.scatter [tilespmem:s0], [sflag:$0x3], $0x80, v4, vm0, $0xb8;
	[tilespmem:$0x18E00] =	vst v63  }
0x489: {  	s0 =	simm.s32 $0x1C00  }
0x48a: {  	[hbm4b:s10+s6] =	stream.indirect_vreg.scatter [tilespmem:s0], [sflag:$0x3], $0x80, v4, vm0, $0xb8;
	[tilespmem:$0x18E00] =	vst v63  }
0x48b: {  	s0 =	simm.s32 $0x2400  }
0x48c: {  	[hbm4b:s4+s6] =	stream.indirect_vreg.scatter [tilespmem:s0], [sflag:$0x3], $0x80, v3, vm0, $0xb8;
	[tilespmem:$0x18E00] =	vst v63  }
0x48d: {  	s0 =	simm.s32 $0x2C00  }
0x48e: {  	[hbm4b:s9+s6] =	stream.indirect_vreg.scatter [tilespmem:s0], [sflag:$0x3], $0x80, v3, vm0, $0xb8;
	[tilespmem:$0x18E00] =	vst v63  }
0x48f: {  	s0 =	simm.s32 $0x3400  }
0x490: {  	[hbm4b:s10+s6] =	stream.indirect_vreg.scatter [tilespmem:s0], [sflag:$0x3], $0x80, v3, vm0, $0xb8;
	[tilespmem:$0x18E00] =	vst v63  }
0x491: {  	v3 =	vld [tilespmem:$0x310];
	_ =	sdelay $0x4  }
0x492: {  	v57 =	vshrl.u32 v3, $0x3  }
0x493: {  	v4 =	vmul.u32 $0x30, v57  }
0x494: {  	v3 =	vand.u32 $0x7, v3  }
0x495: {  	v3 =	vor.u32 v3, v4  }
0x496: {  	v4 =	vperm.xlane v3, v0;
	_ =	sdelay $0x1  }
0x497: {  	v4 =	vadd.s32 v1, v4;
	_ =	sdelay $0x3  }
0x498: {  	s0 =	simm.s32 $0x3C00;
	v3 =	vperm.xlane v3, v2  }
0x499: {  	[hbm4b:s4+s6] =	stream.indirect_vreg.scatter [tilespmem:s0], [sflag:$0x3], $0x80, v4, vm0, $0xb8;
	[tilespmem:$0x18E00] =	vst v63  }
0x49a: {  	v3 =	vadd.s32 v1, v3;
	s0 =	simm.s32 $0x4400  }
0x49b: {  	[hbm4b:s9+s6] =	stream.indirect_vreg.scatter [tilespmem:s0], [sflag:$0x3], $0x80, v4, vm0, $0xb8;
	[tilespmem:$0x18E00] =	vst v63  }
0x49c: {  	s0 =	simm.s32 $0x4C00  }
0x49d: {  	[hbm4b:s10+s6] =	stream.indirect_vreg.scatter [tilespmem:s0], [sflag:$0x3], $0x80, v4, vm0, $0xb8;
	[tilespmem:$0x18E00] =	vst v63  }
0x49e: {  	s0 =	simm.s32 $0x5400  }
0x49f: {  	[hbm4b:s4+s6] =	stream.indirect_vreg.scatter [tilespmem:s0], [sflag:$0x3], $0x80, v3, vm0, $0xb8;
	[tilespmem:$0x18E00] =	vst v63  }
0x4a0: {  	s0 =	simm.s32 $0x5C00  }
0x4a1: {  	[hbm4b:s9+s6] =	stream.indirect_vreg.scatter [tilespmem:s0], [sflag:$0x3], $0x80, v3, vm0, $0xb8;
	[tilespmem:$0x18E00] =	vst v63  }
0x4a2: {  	s0 =	simm.s32 $0x6400  }
0x4a3: {  	[hbm4b:s10+s6] =	stream.indirect_vreg.scatter [tilespmem:s0], [sflag:$0x3], $0x80, v3, vm0, $0xb8;
	[tilespmem:$0x18E00] =	vst v63  }
0x4a4: {  	v3 =	vld [tilespmem:$0x320];
	_ =	sdelay $0x4  }
0x4a5: {  	v58 =	vshrl.u32 v3, $0x3  }
0x4a6: {  	v4 =	vmul.u32 $0x30, v58  }
0x4a7: {  	v3 =	vand.u32 $0x7, v3  }
0x4a8: {  	v3 =	vor.u32 v3, v4  }
0x4a9: {  	v4 =	vperm.xlane v3, v0;
	_ =	sdelay $0x1  }
0x4aa: {  	v4 =	vadd.s32 v1, v4;
	_ =	sdelay $0x3  }
0x4ab: {  	s0 =	simm.s32 $0x6C00;
	v3 =	vperm.xlane v3, v2  }
0x4ac: {  	[hbm4b:s4+s6] =	stream.indirect_vreg.scatter [tilespmem:s0], [sflag:$0x3], $0x80, v4, vm0, $0xb8;
	[tilespmem:$0x18E00] =	vst v63  }
0x4ad: {  	v3 =	vadd.s32 v1, v3;
	s0 =	simm.s32 $0x7400  }
0x4ae: {  	[hbm4b:s9+s6] =	stream.indirect_vreg.scatter [tilespmem:s0], [sflag:$0x3], $0x80, v4, vm0, $0xb8;
	[tilespmem:$0x18E00] =	vst v63  }
0x4af: {  	s0 =	simm.s32 $0x7C00  }
0x4b0: {  	[hbm4b:s10+s6] =	stream.indirect_vreg.scatter [tilespmem:s0], [sflag:$0x3], $0x80, v4, vm0, $0xb8;
	[tilespmem:$0x18E00] =	vst v63  }
0x4b1: {  	s0 =	simm.s32 $0x8400  }
0x4b2: {  	[hbm4b:s4+s6] =	stream.indirect_vreg.scatter [tilespmem:s0], [sflag:$0x3], $0x80, v3, vm0, $0xb8;
	[tilespmem:$0x18E00] =	vst v63  }
0x4b3: {  	s0 =	simm.s32 $0x8C00  }
0x4b4: {  	[hbm4b:s9+s6] =	stream.indirect_vreg.scatter [tilespmem:s0], [sflag:$0x3], $0x80, v3, vm0, $0xb8;
	[tilespmem:$0x18E00] =	vst v63  }
0x4b5: {  	s0 =	simm.s32 $0x9400  }
0x4b6: {  	[hbm4b:s10+s6] =	stream.indirect_vreg.scatter [tilespmem:s0], [sflag:$0x3], $0x80, v3, vm0, $0xb8;
	[tilespmem:$0x18E00] =	vst v63  }
0x4b7: {  	v3 =	vld [tilespmem:$0x330];
	_ =	sdelay $0x4  }
0x4b8: {  	v59 =	vshrl.u32 v3, $0x3  }
0x4b9: {  	v4 =	vmul.u32 $0x30, v59  }
0x4ba: {  	v3 =	vand.u32 $0x7, v3  }
0x4bb: {  	v3 =	vor.u32 v3, v4  }
0x4bc: {  	v4 =	vperm.xlane v3, v0;
	_ =	sdelay $0x1  }
0x4bd: {  	v4 =	vadd.s32 v1, v4;
	_ =	sdelay $0x3  }
0x4be: {  	s0 =	simm.s32 $0x9C00;
	v3 =	vperm.xlane v3, v2  }
0x4bf: {  	[hbm4b:s4+s6] =	stream.indirect_vreg.scatter [tilespmem:s0], [sflag:$0x3], $0x80, v4, vm0, $0xb8;
	[tilespmem:$0x18E00] =	vst v63  }
0x4c0: {  	v3 =	vadd.s32 v1, v3;
	s0 =	simm.s32 $0xA400  }
0x4c1: {  	[hbm4b:s9+s6] =	stream.indirect_vreg.scatter [tilespmem:s0], [sflag:$0x3], $0x80, v4, vm0, $0xb8;
	[tilespmem:$0x18E00] =	vst v63  }
0x4c2: {  	s0 =	simm.s32 $0xAC00  }
0x4c3: {  	[hbm4b:s10+s6] =	stream.indirect_vreg.scatter [tilespmem:s0], [sflag:$0x3], $0x80, v4, vm0, $0xb8;
	[tilespmem:$0x18E00] =	vst v63  }
0x4c4: {  	s0 =	simm.s32 $0xB400  }
0x4c5: {  	[hbm4b:s4+s6] =	stream.indirect_vreg.scatter [tilespmem:s0], [sflag:$0x3], $0x80, v3, vm0, $0xb8;
	[tilespmem:$0x18E00] =	vst v63  }
0x4c6: {  	s0 =	simm.s32 $0xBC00  }
0x4c7: {  	[hbm4b:s9+s6] =	stream.indirect_vreg.scatter [tilespmem:s0], [sflag:$0x3], $0x80, v3, vm0, $0xb8;
	[tilespmem:$0x18E00] =	vst v63  }
0x4c8: {  	s0 =	simm.s32 $0xC400  }
0x4c9: {  	[hbm4b:s10+s6] =	stream.indirect_vreg.scatter [tilespmem:s0], [sflag:$0x3], $0x80, v3, vm0, $0xb8;
	[tilespmem:$0x18E00] =	vst v63  }
0x4ca: {  	s0 =	simm.s32 $0x2  }
0x4cb: {  	_ =	swait.ge [sflag:s0], $0xC000  }
0x4cc: {  	[sflag:s0] =	ssyncset.done $0x0  }
0x4cd: {  	[sflag:s0] =	ssyncadd.s32 $0xFFFF4000  }
0x4ce: {  	v3 =	vld [tilespmem:$0x380];
	_ =	sdelay $0x4  }
0x4cf: {  	v60 =	vshrl.u32 v3, $0x3  }
0x4d0: {  	v4 =	vmul.u32 $0x30, v60  }
0x4d1: {  	v3 =	vand.u32 $0x7, v3  }
0x4d2: {  	v3 =	vor.u32 v3, v4  }
0x4d3: {  	v4 =	vperm.xlane v3, v0;
	_ =	sdelay $0x1  }
0x4d4: {  	v4 =	vadd.s32 v1, v4;
	_ =	sdelay $0x3  }
0x4d5: {  	s24 =	simm.s32 $0xCC00;
	v3 =	vperm.xlane v3, v2  }
0x4d6: {  	[hbm4b:s4+s6] =	stream.indirect_vreg.scatter [tilespmem:s24], [sflag:$0x4], $0x80, v4, vm0, $0xb8;
	[tilespmem:$0x18E00] =	vst v63  }
0x4d7: {  	s2 =	simm.s32 $0xD400;
	v3 =	vadd.s32 v1, v3  }
0x4d8: {  	[hbm4b:s9+s6] =	stream.indirect_vreg.scatter [tilespmem:s2], [sflag:$0x4], $0x80, v4, vm0, $0xb8;
	[tilespmem:$0x18E00] =	vst v63  }
0x4d9: {  	s1 =	simm.s32 $0xDC00  }
0x4da: {  	[hbm4b:s10+s6] =	stream.indirect_vreg.scatter [tilespmem:s1], [sflag:$0x4], $0x80, v4, vm0, $0xb8;
	[tilespmem:$0x18E00] =	vst v63  }
0x4db: {  	s5 =	simm.s32 $0xE400  }
0x4dc: {  	[hbm4b:s4+s6] =	stream.indirect_vreg.scatter [tilespmem:s5], [sflag:$0x4], $0x80, v3, vm0, $0xb8;
	[tilespmem:$0x18E00] =	vst v63  }
0x4dd: {  	s3 =	simm.s32 $0xEC00  }
0x4de: {  	[hbm4b:s9+s6] =	stream.indirect_vreg.scatter [tilespmem:s3], [sflag:$0x4], $0x80, v3, vm0, $0xb8;
	[tilespmem:$0x18E00] =	vst v63  }
0x4df: {  	s28 =	simm.s32 $0xF400  }
0x4e0: {  	[hbm4b:s10+s6] =	stream.indirect_vreg.scatter [tilespmem:s28], [sflag:$0x4], $0x80, v3, vm0, $0xb8;
	[tilespmem:$0x18E00] =	vst v63  }
0x4e1: {  	v3 =	vld [tilespmem:$0x390];
	_ =	sdelay $0x4  }
0x4e2: {  	v61 =	vshrl.u32 v3, $0x3  }
0x4e3: {  	v4 =	vmul.u32 $0x30, v61  }
0x4e4: {  	v3 =	vand.u32 $0x7, v3  }
0x4e5: {  	v3 =	vor.u32 v3, v4  }
0x4e6: {  	v4 =	vperm.xlane v3, v0;
	_ =	sdelay $0x1  }
0x4e7: {  	v4 =	vadd.s32 v1, v4;
	_ =	sdelay $0x3  }
0x4e8: {  	s26 =	simm.s32 $0xFC00;
	v3 =	vperm.xlane v3, v2  }
0x4e9: {  	[hbm4b:s4+s6] =	stream.indirect_vreg.scatter [tilespmem:s26], [sflag:$0x4], $0x80, v4, vm0, $0xb8;
	[tilespmem:$0x18E00] =	vst v63  }
0x4ea: {  	s13 =	simm.s32 $0x10400;
	v3 =	vadd.s32 v1, v3  }
0x4eb: {  	[hbm4b:s9+s6] =	stream.indirect_vreg.scatter [tilespmem:s13], [sflag:$0x4], $0x80, v4, vm0, $0xb8;
	[tilespmem:$0x18E00] =	vst v63  }
0x4ec: {  	s11 =	simm.s32 $0x10C00  }
0x4ed: {  	[hbm4b:s10+s6] =	stream.indirect_vreg.scatter [tilespmem:s11], [sflag:$0x4], $0x80, v4, vm0, $0xb8;
	[tilespmem:$0x18E00] =	vst v63  }
0x4ee: {  	s15 =	simm.s32 $0x11400  }
0x4ef: {  	[hbm4b:s4+s6] =	stream.indirect_vreg.scatter [tilespmem:s15], [sflag:$0x4], $0x80, v3, vm0, $0xb8;
	[tilespmem:$0x18E00] =	vst v63  }
0x4f0: {  	s14 =	simm.s32 $0x11C00  }
0x4f1: {  	[hbm4b:s9+s6] =	stream.indirect_vreg.scatter [tilespmem:s14], [sflag:$0x4], $0x80, v3, vm0, $0xb8;
	[tilespmem:$0x18E00] =	vst v63  }
0x4f2: {  	s30 =	simm.s32 $0x12400  }
0x4f3: {  	[hbm4b:s10+s6] =	stream.indirect_vreg.scatter [tilespmem:s30], [sflag:$0x4], $0x80, v3, vm0, $0xb8;
	[tilespmem:$0x18E00] =	vst v63  }
0x4f4: {  	v3 =	vld [tilespmem:$0x3A0];
	_ =	sdelay $0x4  }
0x4f5: {  	v62 =	vshrl.u32 v3, $0x3  }
0x4f6: {  	v4 =	vmul.u32 $0x30, v62  }
0x4f7: {  	v3 =	vand.u32 $0x7, v3  }
0x4f8: {  	v3 =	vor.u32 v3, v4  }
0x4f9: {  	v4 =	vperm.xlane v3, v0;
	_ =	sdelay $0x1  }
0x4fa: {  	v4 =	vadd.s32 v1, v4;
	_ =	sdelay $0x3  }
0x4fb: {  	s29 =	simm.s32 $0x12C00;
	v3 =	vperm.xlane v3, v2  }
0x4fc: {  	[hbm4b:s4+s6] =	stream.indirect_vreg.scatter [tilespmem:s29], [sflag:$0x4], $0x80, v4, vm0, $0xb8;
	[tilespmem:$0x18E00] =	vst v63  }
0x4fd: {  	s17 =	simm.s32 $0x13400;
	v3 =	vadd.s32 v1, v3  }
0x4fe: {  	[hbm4b:s9+s6] =	stream.indirect_vreg.scatter [tilespmem:s17], [sflag:$0x4], $0x80, v4, vm0, $0xb8;
	[tilespmem:$0x18E00] =	vst v63  }
0x4ff: {  	s16 =	simm.s32 $0x13C00  }
0x500: {  	[hbm4b:s10+s6] =	stream.indirect_vreg.scatter [tilespmem:s16], [sflag:$0x4], $0x80, v4, vm0, $0xb8;
	[tilespmem:$0x18E00] =	vst v63  }
0x501: {  	s19 =	simm.s32 $0x14400  }
0x502: {  	[hbm4b:s4+s6] =	stream.indirect_vreg.scatter [tilespmem:s19], [sflag:$0x4], $0x80, v3, vm0, $0xb8;
	[tilespmem:$0x18E00] =	vst v63  }
0x503: {  	s18 =	simm.s32 $0x14C00  }
0x504: {  	[hbm4b:s9+s6] =	stream.indirect_vreg.scatter [tilespmem:s18], [sflag:$0x4], $0x80, v3, vm0, $0xb8;
	[tilespmem:$0x18E00] =	vst v63  }
0x505: {  	s14 =	simm.s32 $0x15400  }
0x506: {  	[hbm4b:s10+s6] =	stream.indirect_vreg.scatter [tilespmem:s14], [sflag:$0x4], $0x80, v3, vm0, $0xb8;
	[tilespmem:$0x18E00] =	vst v63  }
0x507: {  	v3 =	vld [tilespmem:$0x3B0];
	_ =	sdelay $0x4  }
0x508: {  	v63 =	vshrl.u32 v3, $0x3  }
0x509: {  	v4 =	vmul.u32 $0x30, v63  }
0x50a: {  	v3 =	vand.u32 $0x7, v3  }
0x50b: {  	v3 =	vor.u32 v3, v4  }
0x50c: {  	v4 =	vperm.xlane v3, v0;
	_ =	sdelay $0x1  }
0x50d: {  	v4 =	vadd.s32 v1, v4;
	_ =	sdelay $0x3  }
0x50e: {  	s31 =	simm.s32 $0x15C00;
	v3 =	vperm.xlane v3, v2  }
0x50f: {  	[hbm4b:s4+s6] =	stream.indirect_vreg.scatter [tilespmem:s31], [sflag:$0x4], $0x80, v4, vm0, $0xb8;
	[tilespmem:$0x18E00] =	vst v63  }
0x510: {  	s21 =	simm.s32 $0x16400;
	v3 =	vadd.s32 v1, v3  }
0x511: {  	[hbm4b:s9+s6] =	stream.indirect_vreg.scatter [tilespmem:s21], [sflag:$0x4], $0x80, v4, vm0, $0xb8;
	[tilespmem:$0x18E00] =	vst v63  }
0x512: {  	s20 =	simm.s32 $0x16C00  }
0x513: {  	[hbm4b:s10+s6] =	stream.indirect_vreg.scatter [tilespmem:s20], [sflag:$0x4], $0x80, v4, vm0, $0xb8;
	[tilespmem:$0x18E00] =	vst v63  }
0x514: {  	s23 =	simm.s32 $0x17400  }
0x515: {  	[hbm4b:s4+s6] =	stream.indirect_vreg.scatter [tilespmem:s23], [sflag:$0x4], $0x80, v3, vm0, $0xb8;
	[tilespmem:$0x18E00] =	vst v63  }
0x516: {  	s22 =	simm.s32 $0x17C00  }
0x517: {  	[hbm4b:s9+s6] =	stream.indirect_vreg.scatter [tilespmem:s22], [sflag:$0x4], $0x80, v3, vm0, $0xb8;
	[tilespmem:$0x18E00] =	vst v63  }
0x518: {  	s25 =	simm.s32 $0x18400;
	s15 =	simm.s32 $0x5  }
0x519: {  	[hbm4b:s10+s6] =	stream.indirect_vreg.scatter [tilespmem:s25], [sflag:$0x4], $0x80, v3, vm0, $0xb8;
	[tilespmem:$0x18E00] =	vst v63  }
0x51a: {  	_ =	swait.ge [sflag:s15], $0x80  }
0x51b: {  	[sflag:s15] =	ssyncset.done $0x0  }
0x51c: {  	[sflag:s15] =	ssyncadd.s32 $0xFFFFFF80  }
0x51d: {  	_ =	swait.ge [sflag:s15], $0x80  }
0x51e: {  	[sflag:s15] =	ssyncset.done $0x0  }
0x51f: {  	[sflag:s15] =	ssyncadd.s32 $0xFFFFFF80  }
0x520: {  	_ =	swait.ge [sflag:s15], $0x80  }
0x521: {  	[sflag:s15] =	ssyncset.done $0x0  }
0x522: {  	[sflag:s15] =	ssyncadd.s32 $0xFFFFFF80  }
0x523: {  	_ =	swait.ge [sflag:s15], $0x80  }
0x524: {  	[sflag:s15] =	ssyncset.done $0x0  }
0x525: {  	s19 =	simm.s32 $0x80;
	[sflag:s15] =	ssyncadd.s32 $0xFFFFFF80  }
0x526: {  	s18 =	simm.s32 $0x800;
	s20 =	simm.s32 $0x18C00;
	s17 =	rddreg [dreg:$0x5]  }
0x527: {  	[hbm4b:s17+s19] =	stream.indirect.scatter [tilespmem:s20], [sflag:$0x5], $0x1, s18, s19, $0xb8;
	[tilespmem:$0x18E00] =	vst v63  }
0x528: {  	s22 =	simm.s32 $0x18C80;
	s16 =	rddreg [dreg:$0xf]  }
0x529: {  	[hbm4b:s17+s19] =	stream.indirect.scatter [tilespmem:s22], [sflag:$0x5], $0x1, s16, s19, $0xb8;
	[tilespmem:$0x18E00] =	vst v63  }
0x52a: {  	s24 =	simm.s32 $0x18D00;
	s21 =	rddreg [dreg:$0x10]  }
0x52b: {  	[hbm4b:s17+s19] =	stream.indirect.scatter [tilespmem:s24], [sflag:$0x5], $0x1, s21, s19, $0xb8;
	[tilespmem:$0x18E00] =	vst v63  }
0x52c: {  	s26 =	simm.s32 $0x18D80;
	s25 =	simm.s32 $0x80;
	s23 =	rddreg [dreg:$0x11]  }
0x52d: {  	[hbm4b:s17+s25] =	stream.indirect.scatter [tilespmem:s26], [sflag:$0x5], $0x1, s23, s25, $0xb8;
	[tilespmem:$0x18E00] =	vst v63  }
0x52e: {  	s28 =	rddreg [dreg:$0x12];
	_ =	swait.ge [sflag:s15], $0x80  }
0x52f: {  	[sflag:s15] =	ssyncset.done $0x0  }
0x530: {  	[sflag:s15] =	ssyncadd.s32 $0xFFFFFF80  }
0x531: {  	_ =	swait.ge [sflag:s15], $0x80  }
0x532: {  	[sflag:s15] =	ssyncset.done $0x0  }
0x533: {  	[sflag:s15] =	ssyncadd.s32 $0xFFFFFF80  }
0x534: {  	_ =	swait.ge [sflag:s15], $0x80  }
0x535: {  	[sflag:s15] =	ssyncset.done $0x0  }
0x536: {  	[sflag:s15] =	ssyncadd.s32 $0xFFFFFF80  }
0x537: {  	_ =	swait.ge [sflag:s15], $0x80  }
0x538: {  	[sflag:s15] =	ssyncset.done $0x0  }
0x539: {  	s29 =	simm.s32 $0x4;
	[sflag:s15] =	ssyncadd.s32 $0xFFFFFF80  }
0x53a: {  	p0 =	sne.s32 s28, $0x1;
	_ =	swait.ge [sflag:s29], $0xC000  }
.Ltmp0:
0x53b: {  	[sflag:s29] =	ssyncset.done $0x0;
	(pc) =	sbr.rel @p0 .LBB2_1-.Ltmp0, $4  }
0x53c: {  	s30 =	simm.s32 $0x3;
	[sflag:s29] =	ssyncadd.s32 $0xFFFF4000  }
0x53d: {  	_ =	swait.ge [sflag:s30], $0xC000  }
0x53e: {  	s31 =	simm.s32 $0x3;
	[sflag:s30] =	ssyncset.done $0x0  }
0x53f: {  	s2 =	sadd.s32 $0xFFFFFFFF, s28;
	[sflag:s31] =	ssyncadd.s32 $0xFFFF4000  }
0x540: {  	_ =	sfence.sel $0x180000  }
0x541: {  	[bflag:$0x0] =	sbarrier.arrive $0xFFFF  }
0x542: {  	_ =	strace $0x9000004D  }
0x543: {  	s0 =	stileid.u32;
	[bflag:$0x2] =	sbarrier.arrive $0xFFFF  }
0x544: {  	p0 =	sne.s32 s0, $0x0;
	s0 =	rddreg [dreg:$0x6]  }
0x545: {  	s0 =	sadd.s32 @!p0 $0x100000, s0  }
0x546: {  	[sflag:s0] =	ssyncadd.tile.s32 @!p0 $0x1;
	_ =	shalt  }
.Lfunc_end2:
_tile_overlayer_lowered:
.L_overlay_start_2:
0x547: {  	(tag) =	ssettag $0x2  }
0x548: {  	s0 =	rddreg [dreg:$0x0];
	s2 =	stileid.u32  }
0x549: {  	s1 =	rddreg [dreg:$0x1];
	p0 =	sne.s32 s2, $0x0  }
0x54a: {  	s3 =	rddreg [dreg:$0x2];
	[bflag:$0x3] =	sbarrier.arrive $0xFFFF;
	s2 =	simm.s32 @!p0 $0x1C06  }
0x54b: {  	[timem:s3], [sflag:s2] =	dma.local @!p0 [hbm:s0], s1  }
0x54c: {  	s0 =	simm.s32 @!p0 $0x6  }
0x54d: {  	_ =	swait.ge @!p0 [sflag:s0], s1  }
0x54e: {  	s1 =	ssub.s32 @!p0 $0x0, s1;
	[sflag:s0] =	ssyncset.done @!p0 $0x0  }
0x54f: {  	[sflag:s0] =	ssyncadd.s32 @!p0 s1  }
0x550: {  	[bflag:$0x3] =	sbarrier.arrive $0xFFFF  }
0x551: {  	_ =	shalt  }

</sc_bundles>
